<compile_context>
chip_gen: v7x
topology: tpu7x:2x2x1
jax: 0.10.2.dev20260603
libtpu: 0.0.44.dev20260713+nightly
codegen_flags: <defaults>
</compile_context>

<pallas_src>
import math

import jax
import jax.numpy as jnp
from jax import lax
from jax.experimental import layout as jex_layout
from jax.experimental import pallas as pl
from jax.experimental.pallas import tpu as pltpu
from jax.experimental.pallas import tpu_sc as plsc

B = 4096
L = 200
D = 64
V = 1000000
N = B * L
NC = 2
NS = 16
NW = NC * NS
N_PER_W = N // NW
K = 256
NCHUNK = N_PER_W // K
NPAIR = NCHUNK // 2
SCALE = math.sqrt(D)

DC = 200
DNCHUNK = V // DC
DNK_MAX = (DNCHUNK + NW - 1) // NW


def _depad_body(table_hbm, s_hbm, r0_, r1_, p0_, p1_, rs0, rs1, ps0, ps1):
    wid = lax.axis_index("s") * NC + lax.axis_index("c")
    nk = jnp.where(wid < DNCHUNK - (DNK_MAX - 1) * NW, DNK_MAX, DNK_MAX - 1)
    rbuf, pbuf, rsem, psem = (r0_, r1_), (p0_, p1_), (rs0, rs1), (ps0, ps1)

    def cid_of(k):
        return wid + k * NW

    def r_dma(k, b):
        return pltpu.make_async_copy(
            table_hbm.at[pl.ds(cid_of(k) * (DC // 8), DC // 8)], rbuf[b],
            rsem[b])

    def w_dma(k, b):
        return pltpu.make_async_copy(
            pbuf[b], s_hbm.at[pl.ds(cid_of(k) * DC * D, DC * D)], psem[b])

    def step(k, b):
        @pl.when(k < nk)
        def _read():
            r_dma(k, b).start()

        c = k - 1
        bb = 1 - b

        @pl.when((c >= 0) & (c < nk))
        def _process():
            r_dma(c, bb).wait()

            @pl.when(c >= 2)
            def _wait_prev_write():
                w_dma(c - 2, bb).wait()

            src, dst = rbuf[bb], pbuf[bb]

            @plsc.parallel_loop(0, DC // 8, step=1)
            def _repack(r):
                for rr in range(8):
                    for j in range(D // 16):
                        dst[pl.ds((r * 8 + rr) * D + j * 16, 16)] = (
                            src[r, rr, pl.ds(j * 16, 16)]
                        )

            w_dma(c, bb).start()

    def pair(g, carry):
        step(2 * g, 0)
        step(2 * g + 1, 1)
        return carry

    lax.fori_loop(0, (DNK_MAX + 2) // 2 + 1, pair, 0)
    w_dma(nk - 2, 0).wait()
    w_dma(nk - 2, 1).wait()


def _gather_body(tokens_hbm, table_hbm, out_hbm,
                 idx_v, g0, g1, w0, w1, gs0, gs1, ws0, ws1):
    wid = lax.axis_index("s") * NC + lax.axis_index("c")
    base = wid * N_PER_W
    pltpu.sync_copy(tokens_hbm.at[pl.ds(base, N_PER_W)], idx_v)

    gbuf, wbuf, gsem, wsem = (g0, g1), (w0, w1), (gs0, gs1), (ws0, ws1)

    def g_dma(g, b):
        return pltpu.make_async_copy(
            table_hbm.at[idx_v.at[pl.ds(g * K, K)]], gbuf[b], gsem[b])

    def w_dma(g, b):
        return pltpu.make_async_copy(
            wbuf[b], out_hbm.at[pl.ds(base + g * K, K), pl.ds(0, D)], wsem[b])

    g_dma(0, 0).start()
    g_dma(1, 1).start()

    def pair(g2, carry):
        for b in range(2):
            g = 2 * g2 + b
            g_dma(g, b).wait()

            @pl.when(g2 > 0)
            def _wait_prev_write():
                w_dma(g - 2, b).wait()

            src, dst = gbuf[b], wbuf[b]

            @plsc.parallel_loop(0, K, step=8, unroll=2)
            def _scale(i):
                for r in range(8):
                    for j in range(D // 16):
                        sl = pl.ds(j * 16, 16)
                        dst[i + r, sl] = src[i + r, sl] * SCALE

            w_dma(g, b).start()

            @pl.when(g + 2 < NCHUNK)
            def _next_gather():
                g_dma(g + 2, b).start()

        return carry

    lax.fori_loop(0, NPAIR, pair, 0)
    w_dma(NCHUNK - 2, 0).wait()
    w_dma(NCHUNK - 1, 1).wait()


@jax.jit
def kernel(tokens, table):
    idx = tokens.reshape(-1).astype(jnp.int32)

    depad = pl.kernel(
        _depad_body,
        mesh=plsc.VectorSubcoreMesh(core_axis_name="c", subcore_axis_name="s"),
        out_type=jax.ShapeDtypeStruct((V * D,), jnp.float32),
        scratch_types=[
            pltpu.VMEM((DC // 8, 8, D), jnp.float32),
            pltpu.VMEM((DC // 8, 8, D), jnp.float32),
            pltpu.VMEM((DC * D,), jnp.float32),
            pltpu.VMEM((DC * D,), jnp.float32),
            pltpu.SemaphoreType.DMA,
            pltpu.SemaphoreType.DMA,
            pltpu.SemaphoreType.DMA,
            pltpu.SemaphoreType.DMA,
        ],
        compiler_params=pltpu.CompilerParams(use_tc_tiling_on_sc=True),
    )
    table_rm = jex_layout.with_layout_constraint(
        table,
        jex_layout.Layout(major_to_minor=(1, 0), tiling=((8, 128),)),
    )
    staged = depad(table_rm.reshape(V // 8, 8, D)).reshape(V, D)

    gather = pl.kernel(
        _gather_body,
        mesh=plsc.VectorSubcoreMesh(core_axis_name="c", subcore_axis_name="s"),
        out_type=jax.ShapeDtypeStruct((N, 2 * D), jnp.float32),
        scratch_types=[
            pltpu.VMEM((N_PER_W,), jnp.int32),
            pltpu.VMEM((K, D), jnp.float32),
            pltpu.VMEM((K, D), jnp.float32),
            pltpu.VMEM((K, D), jnp.float32),
            pltpu.VMEM((K, D), jnp.float32),
            pltpu.SemaphoreType.DMA,
            pltpu.SemaphoreType.DMA,
            pltpu.SemaphoreType.DMA,
            pltpu.SemaphoreType.DMA,
        ],
        compiler_params=pltpu.CompilerParams(use_tc_tiling_on_sc=False),
    )
    out = gather(idx, staged)
    return out[:, :D].reshape(B, L, D)

# --- scband reference (transcript-rebuilt; emitter-appended) ---
"""Pipeline reference for scband-token-embedding-2740189135206 (READ-ONLY COPY).

The authoritative reference and input builder live on the scoring server;
editing this copy changes nothing except your own understanding.
"""

import jax, jax.numpy as jnp
import numpy as np
import math

VOCAB = 1000000
EMB = 64
B = 4096
L = 200

def setup_inputs(seed: int = 0) -> dict:
    key = jax.random.key(seed)
    k_tok, k_w = jax.random.split(key)
    tokens = jax.random.randint(k_tok, (B, L), 0, VOCAB, dtype=jnp.int64 if jax.config.read('jax_enable_x64') else jnp.int32)
    table = jax.random.normal(k_w, (VOCAB, EMB), dtype=jnp.float32)
    return {"tokens": tokens, "table": table}

def reference(tokens, table):
    # TokenEmbedding.forward: embedding(tokens.long()) * sqrt(emb_size)
    emb = jnp.take(table, tokens.astype(jnp.int32), axis=0)
    return emb * math.sqrt(EMB)

if __name__ == "__main__":
    import jax
    _d = setup_inputs()
    print(jax.jit(kernel)(*tuple(_d.values())))

</pallas_src>

<mosaic_0001>
#map = affine_map<(d0, d1) -> (0, 0, 0)>
#map1 = affine_map<(d0, d1) -> (0)>
module attributes {stable_mosaic.version = 14 : i64} {
  func.func @_depad_body(%arg0: i32, %arg1: i32, %arg2: memref<125000x8x64xf32, #tpu.memory_space<hbm>>, %arg3: memref<64000000xf32, #tpu.memory_space<hbm>>, %arg4: memref<25x8x64xf32, #tpu.memory_space<vmem>>, %arg5: memref<25x8x64xf32, #tpu.memory_space<vmem>>, %arg6: memref<12800xf32, #tpu.memory_space<vmem>>, %arg7: memref<12800xf32, #tpu.memory_space<vmem>>, %arg8: memref<!tpu.dma_semaphore, #tpu.memory_space<semaphore_mem>>, %arg9: memref<!tpu.dma_semaphore, #tpu.memory_space<semaphore_mem>>, %arg10: memref<!tpu.dma_semaphore, #tpu.memory_space<semaphore_mem>>, %arg11: memref<!tpu.dma_semaphore, #tpu.memory_space<semaphore_mem>>) attributes {dimension_semantics = [#tpu.dimension_semantics<core_parallel>, #tpu.dimension_semantics<subcore_parallel>], iteration_bounds = array<i64: 2, 16>, scalar_prefetch = 0 : i64, scratch_operands = 8 : i64, tpu.core_type = #tpu.core_type<sc_vector_subcore>, window_params = [{transform_indices = #map}, {transform_indices = #map1}]} {
    %mul3A = arith.constant 2 : i32
    %mul3A_0 = arith.muli %arg1, %mul3A : i32
    %add3A = arith.addi %mul3A_0, %arg0 : i32
    %lt3A = arith.constant 8 : i32
    %lt3A_1 = arith.cmpi slt, %add3A, %lt3A : i32
    %jit3A = arith.constant 157 : i32
    %jit3A_2 = arith.constant 156 : i32
    %select_n3A = arith.select %lt3A_1, %jit3A, %jit3A_2 : i32
    %scan3A = arith.constant 0 : i32
    %scan3A_3 = arith.constant 0 : i32
    %scan3A_4 = arith.constant 80 : i32
    %scan3A_5 = arith.addi %scan3A_3, %scan3A_4 : i32
    %scan3A_6 = arith.constant 1 : i32
    scf.for %scan3A_28 = %scan3A_3 to %scan3A_5 step %scan3A_6  : i32 {
      %mul3A_29 = arith.constant 2 : i32
      %mul3A_30 = arith.muli %mul3A_29, %scan3A_28 : i32
      %lt3A_31 = arith.cmpi slt, %mul3A_30, %select_n3A : i32
      %convert_element_type3A = arith.extui %lt3A_31 : i1 to i32
      %cond3A = arith.constant 0 : i32
      %cond3A_32 = arith.cmpi ne, %convert_element_type3A, %cond3A : i32
      scf.if %cond3A_32 {
        %mul3A_57 = arith.constant 32 : i32
        %mul3A_58 = arith.muli %mul3A_30, %mul3A_57 : i32
        %add3A_59 = arith.addi %add3A, %mul3A_58 : i32
        %mul3A_60 = arith.constant 25 : i32
        %mul3A_61 = arith.muli %add3A_59, %mul3A_60 : i32
        %dma_start3A = arith.constant 0 : i32
        %dma_start3A_62 = arith.constant 0 : i32
        %dma_start3A_63 = tpu.memref_slice %arg2[%mul3A_61, %dma_start3A, %dma_start3A_62] : memref<125000x8x64xf32, #tpu.memory_space<hbm>> -> memref<25x8x64xf32, #tpu.memory_space<hbm>>
        %dma_start3A_64 = arith.constant 0 : i32
        %dma_start3A_65 = arith.constant 0 : i32
        %dma_start3A_66 = tpu.memref_slice %arg2[%mul3A_61, %dma_start3A_64, %dma_start3A_65] : memref<125000x8x64xf32, #tpu.memory_space<hbm>> -> memref<25x8x64xf32, #tpu.memory_space<hbm>>
        tpu.enqueue_dma source(%dma_start3A_66 : memref<25x8x64xf32, #tpu.memory_space<hbm>>) target(%arg4 : memref<25x8x64xf32, #tpu.memory_space<vmem>>) target_semaphore(%arg8 : memref<!tpu.dma_semaphore, #tpu.memory_space<semaphore_mem>>)
      } else {
      }
      %sub3A_33 = arith.constant 1 : i32
      %sub3A_34 = arith.subi %mul3A_30, %sub3A_33 : i32
      %ge3A = arith.constant 0 : i32
      %ge3A_35 = arith.cmpi sge, %sub3A_34, %ge3A : i32
      %lt3A_36 = arith.cmpi slt, %sub3A_34, %select_n3A : i32
      %and3A = arith.andi %ge3A_35, %lt3A_36 : i1
      %convert_element_type3A_37 = arith.extui %and3A : i1 to i32
      %cond3A_38 = arith.constant 0 : i32
      %cond3A_39 = arith.cmpi ne, %convert_element_type3A_37, %cond3A_38 : i32
      scf.if %cond3A_39 {
        %mul3A_57 = arith.constant 32 : i32
        %mul3A_58 = arith.muli %sub3A_34, %mul3A_57 : i32
        %add3A_59 = arith.addi %add3A, %mul3A_58 : i32
        %mul3A_60 = arith.constant 25 : i32
        %mul3A_61 = arith.muli %add3A_59, %mul3A_60 : i32
        %dma_wait3A_62 = arith.constant 0 : i32
        %dma_wait3A_63 = arith.constant 0 : i32
        %dma_wait3A_64 = tpu.memref_slice %arg2[%mul3A_61, %dma_wait3A_62, %dma_wait3A_63] : memref<125000x8x64xf32, #tpu.memory_space<hbm>> -> memref<25x8x64xf32, #tpu.memory_space<hbm>>
        %dma_wait3A_65 = arith.constant 0 : i32
        %dma_wait3A_66 = arith.constant 0 : i32
        %dma_wait3A_67 = tpu.memref_slice %arg2[%mul3A_61, %dma_wait3A_65, %dma_wait3A_66] : memref<125000x8x64xf32, #tpu.memory_space<hbm>> -> memref<25x8x64xf32, #tpu.memory_space<hbm>>
        tpu.wait_dma2 semaphore(%arg9 : memref<!tpu.dma_semaphore, #tpu.memory_space<semaphore_mem>>) src(%dma_wait3A_67 : memref<25x8x64xf32, #tpu.memory_space<hbm>>) dst(%arg5 : memref<25x8x64xf32, #tpu.memory_space<vmem>>)
        %ge3A_68 = arith.constant 2 : i32
        %ge3A_69 = arith.cmpi sge, %sub3A_34, %ge3A_68 : i32
        %convert_element_type3A_70 = arith.extui %ge3A_69 : i1 to i32
        %cond3A_71 = arith.constant 0 : i32
        %cond3A_72 = arith.cmpi ne, %convert_element_type3A_70, %cond3A_71 : i32
        scf.if %cond3A_72 {
          %sub3A_83 = arith.constant 2 : i32
          %sub3A_84 = arith.subi %sub3A_34, %sub3A_83 : i32
          %mul3A_85 = arith.constant 32 : i32
          %mul3A_86 = arith.muli %sub3A_84, %mul3A_85 : i32
          %add3A_87 = arith.addi %add3A, %mul3A_86 : i32
          %mul3A_88 = arith.constant 200 : i32
          %mul3A_89 = arith.muli %add3A_87, %mul3A_88 : i32
          %mul3A_90 = arith.constant 64 : i32
          %mul3A_91 = arith.muli %mul3A_89, %mul3A_90 : i32
          %dma_wait3A_92 = tpu.memref_slice %arg3[%mul3A_91] : memref<64000000xf32, #tpu.memory_space<hbm>> -> memref<12800xf32, #tpu.memory_space<hbm>>
          %dma_wait3A_93 = tpu.memref_slice %arg3[%mul3A_91] : memref<64000000xf32, #tpu.memory_space<hbm>> -> memref<12800xf32, #tpu.memory_space<hbm>>
          tpu.wait_dma2 semaphore(%arg11 : memref<!tpu.dma_semaphore, #tpu.memory_space<semaphore_mem>>) src(%arg7 : memref<12800xf32, #tpu.memory_space<vmem>>) dst(%dma_wait3A_93 : memref<12800xf32, #tpu.memory_space<hbm>>)
        } else {
        }
        %parallel_loop3A = arith.constant 0 : i32
        %parallel_loop3A_73 = arith.constant 25 : i32
        %parallel_loop3A_74 = arith.constant 1 : i32
        scf.for %parallel_loop3A_83 = %parallel_loop3A to %parallel_loop3A_73 step %parallel_loop3A_74  : i32 {
          %parallel_loop3A_84 = arith.constant 0 : i32
          %parallel_loop3A_85 = arith.index_cast %parallel_loop3A_83 : i32 to index
          %parallel_loop3A_86 = arith.index_cast %parallel_loop3A_84 : i32 to index
          %parallel_loop3A_87 = arith.constant 0 : index
          %parallel_loop3A_88 = tpu.vector_load %arg5[%parallel_loop3A_85, %parallel_loop3A_86, %parallel_loop3A_87] {strides = array<i32>} : memref<25x8x64xf32, #tpu.memory_space<vmem>>, vector<1x1x16xf32>,
          %parallel_loop3A_89 = vector.shape_cast %parallel_loop3A_88 : vector<1x1x16xf32> to vector<16xf32>
          %parallel_loop3A_90 = arith.constant 8 : i32
          %parallel_loop3A_91 = arith.muli %parallel_loop3A_83, %parallel_loop3A_90 : i32
          %parallel_loop3A_92 = arith.constant 0 : i32
          %parallel_loop3A_93 = arith.addi %parallel_loop3A_91, %parallel_loop3A_92 : i32
          %parallel_loop3A_94 = arith.constant 64 : i32
          %parallel_loop3A_95 = arith.muli %parallel_loop3A_93, %parallel_loop3A_94 : i32
          %parallel_loop3A_96 = arith.constant 0 : i32
          %parallel_loop3A_97 = arith.addi %parallel_loop3A_95, %parallel_loop3A_96 : i32
          %parallel_loop3A_98 = arith.index_cast %parallel_loop3A_97 : i32 to index
          %parallel_loop3A_99 = tpu.vector_load %arg7[%parallel_loop3A_98] {strides = array<i32>} : memref<12800xf32, #tpu.memory_space<vmem>>, vector<16xf32>,
          %parallel_loop3A_100 = vector.shape_cast %parallel_loop3A_99 : vector<16xf32> to vector<16xf32>
          %parallel_loop3A_101 = vector.shape_cast %parallel_loop3A_89 : vector<16xf32> to vector<16xf32>
          tpu.vector_store %arg7[%parallel_loop3A_98], %parallel_loop3A_101 {strides = array<i32>} : memref<12800xf32, #tpu.memory_space<vmem>>, vector<16xf32>,
          %parallel_loop3A_102 = arith.constant 0 : i32
          %parallel_loop3A_103 = arith.index_cast %parallel_loop3A_83 : i32 to index
          %parallel_loop3A_104 = arith.index_cast %parallel_loop3A_102 : i32 to index
          %parallel_loop3A_105 = arith.constant 16 : index
          %parallel_loop3A_106 = tpu.vector_load %arg5[%parallel_loop3A_103, %parallel_loop3A_104, %parallel_loop3A_105] {strides = array<i32>} : memref<25x8x64xf32, #tpu.memory_space<vmem>>, vector<1x1x16xf32>,
          %parallel_loop3A_107 = vector.shape_cast %parallel_loop3A_106 : vector<1x1x16xf32> to vector<16xf32>
          %parallel_loop3A_108 = arith.constant 8 : i32
          %parallel_loop3A_109 = arith.muli %parallel_loop3A_83, %parallel_loop3A_108 : i32
          %parallel_loop3A_110 = arith.constant 0 : i32
          %parallel_loop3A_111 = arith.addi %parallel_loop3A_109, %parallel_loop3A_110 : i32
          %parallel_loop3A_112 = arith.constant 64 : i32
          %parallel_loop3A_113 = arith.muli %parallel_loop3A_111, %parallel_loop3A_112 : i32
          %parallel_loop3A_114 = arith.constant 16 : i32
          %parallel_loop3A_115 = arith.addi %parallel_loop3A_113, %parallel_loop3A_114 : i32
          %parallel_loop3A_116 = arith.index_cast %parallel_loop3A_115 : i32 to index
          %parallel_loop3A_117 = tpu.vector_load %arg7[%parallel_loop3A_116] {strides = array<i32>} : memref<12800xf32, #tpu.memory_space<vmem>>, vector<16xf32>,
          %parallel_loop3A_118 = vector.shape_cast %parallel_loop3A_117 : vector<16xf32> to vector<16xf32>
          %parallel_loop3A_119 = vector.shape_cast %parallel_loop3A_107 : vector<16xf32> to vector<16xf32>
          tpu.vector_store %arg7[%parallel_loop3A_116], %parallel_loop3A_119 {strides = array<i32>} : memref<12800xf32, #tpu.memory_space<vmem>>, vector<16xf32>,
          %parallel_loop3A_120 = arith.constant 0 : i32
          %parallel_loop3A_121 = arith.index_cast %parallel_loop3A_83 : i32 to index
          %parallel_loop3A_122 = arith.index_cast %parallel_loop3A_120 : i32 to index
          %parallel_loop3A_123 = arith.constant 32 : index
          %parallel_loop3A_124 = tpu.vector_load %arg5[%parallel_loop3A_121, %parallel_loop3A_122, %parallel_loop3A_123] {strides = array<i32>} : memref<25x8x64xf32, #tpu.memory_space<vmem>>, vector<1x1x16xf32>,
          %parallel_loop3A_125 = vector.shape_cast %parallel_loop3A_124 : vector<1x1x16xf32> to vector<16xf32>
          %parallel_loop3A_126 = arith.constant 8 : i32
          %parallel_loop3A_127 = arith.muli %parallel_loop3A_83, %parallel_loop3A_126 : i32
          %parallel_loop3A_128 = arith.constant 0 : i32
          %parallel_loop3A_129 = arith.addi %parallel_loop3A_127, %parallel_loop3A_128 : i32
          %parallel_loop3A_130 = arith.constant 64 : i32
          %parallel_loop3A_131 = arith.muli %parallel_loop3A_129, %parallel_loop3A_130 : i32
          %parallel_loop3A_132 = arith.constant 32 : i32
          %parallel_loop3A_133 = arith.addi %parallel_loop3A_131, %parallel_loop3A_132 : i32
          %parallel_loop3A_134 = arith.index_cast %parallel_loop3A_133 : i32 to index
          %parallel_loop3A_135 = tpu.vector_load %arg7[%parallel_loop3A_134] {strides = array<i32>} : memref<12800xf32, #tpu.memory_space<vmem>>, vector<16xf32>,
          %parallel_loop3A_136 = vector.shape_cast %parallel_loop3A_135 : vector<16xf32> to vector<16xf32>
          %parallel_loop3A_137 = vector.shape_cast %parallel_loop3A_125 : vector<16xf32> to vector<16xf32>
          tpu.vector_store %arg7[%parallel_loop3A_134], %parallel_loop3A_137 {strides = array<i32>} : memref<12800xf32, #tpu.memory_space<vmem>>, vector<16xf32>,
          %parallel_loop3A_138 = arith.constant 0 : i32
          %parallel_loop3A_139 = arith.index_cast %parallel_loop3A_83 : i32 to index
          %parallel_loop3A_140 = arith.index_cast %parallel_loop3A_138 : i32 to index
          %parallel_loop3A_141 = arith.constant 48 : index
          %parallel_loop3A_142 = tpu.vector_load %arg5[%parallel_loop3A_139, %parallel_loop3A_140, %parallel_loop3A_141] {strides = array<i32>} : memref<25x8x64xf32, #tpu.memory_space<vmem>>, vector<1x1x16xf32>,
          %parallel_loop3A_143 = vector.shape_cast %parallel_loop3A_142 : vector<1x1x16xf32> to vector<16xf32>
          %parallel_loop3A_144 = arith.constant 8 : i32
          %parallel_loop3A_145 = arith.muli %parallel_loop3A_83, %parallel_loop3A_144 : i32
          %parallel_loop3A_146 = arith.constant 0 : i32
          %parallel_loop3A_147 = arith.addi %parallel_loop3A_145, %parallel_loop3A_146 : i32
          %parallel_loop3A_148 = arith.constant 64 : i32
          %parallel_loop3A_149 = arith.muli %parallel_loop3A_147, %parallel_loop3A_148 : i32
          %parallel_loop3A_150 = arith.constant 48 : i32
          %parallel_loop3A_151 = arith.addi %parallel_loop3A_149, %parallel_loop3A_150 : i32
          %parallel_loop3A_152 = arith.index_cast %parallel_loop3A_151 : i32 to index
          %parallel_loop3A_153 = tpu.vector_load %arg7[%parallel_loop3A_152] {strides = array<i32>} : memref<12800xf32, #tpu.memory_space<vmem>>, vector<16xf32>,
          %parallel_loop3A_154 = vector.shape_cast %parallel_loop3A_153 : vector<16xf32> to vector<16xf32>
          %parallel_loop3A_155 = vector.shape_cast %parallel_loop3A_143 : vector<16xf32> to vector<16xf32>
          tpu.vector_store %arg7[%parallel_loop3A_152], %parallel_loop3A_155 {strides = array<i32>} : memref<12800xf32, #tpu.memory_space<vmem>>, vector<16xf32>,
          %parallel_loop3A_156 = arith.constant 1 : i32
          %parallel_loop3A_157 = arith.index_cast %parallel_loop3A_83 : i32 to index
          %parallel_loop3A_158 = arith.index_cast %parallel_loop3A_156 : i32 to index
          %parallel_loop3A_159 = arith.constant 0 : index
          %parallel_loop3A_160 = tpu.vector_load %arg5[%parallel_loop3A_157, %parallel_loop3A_158, %parallel_loop3A_159] {strides = array<i32>} : memref<25x8x64xf32, #tpu.memory_space<vmem>>, vector<1x1x16xf32>,
          %parallel_loop3A_161 = vector.shape_cast %parallel_loop3A_160 : vector<1x1x16xf32> to vector<16xf32>
          %parallel_loop3A_162 = arith.constant 8 : i32
          %parallel_loop3A_163 = arith.muli %parallel_loop3A_83, %parallel_loop3A_162 : i32
          %parallel_loop3A_164 = arith.constant 1 : i32
          %parallel_loop3A_165 = arith.addi %parallel_loop3A_163, %parallel_loop3A_164 : i32
          %parallel_loop3A_166 = arith.constant 64 : i32
          %parallel_loop3A_167 = arith.muli %parallel_loop3A_165, %parallel_loop3A_166 : i32
          %parallel_loop3A_168 = arith.constant 0 : i32
          %parallel_loop3A_169 = arith.addi %parallel_loop3A_167, %parallel_loop3A_168 : i32
          %parallel_loop3A_170 = arith.index_cast %parallel_loop3A_169 : i32 to index
          %parallel_loop3A_171 = tpu.vector_load %arg7[%parallel_loop3A_170] {strides = array<i32>} : memref<12800xf32, #tpu.memory_space<vmem>>, vector<16xf32>,
          %parallel_loop3A_172 = vector.shape_cast %parallel_loop3A_171 : vector<16xf32> to vector<16xf32>
          %parallel_loop3A_173 = vector.shape_cast %parallel_loop3A_161 : vector<16xf32> to vector<16xf32>
          tpu.vector_store %arg7[%parallel_loop3A_170], %parallel_loop3A_173 {strides = array<i32>} : memref<12800xf32, #tpu.memory_space<vmem>>, vector<16xf32>,
          %parallel_loop3A_174 = arith.constant 1 : i32
          %parallel_loop3A_175 = arith.index_cast %parallel_loop3A_83 : i32 to index
          %parallel_loop3A_176 = arith.index_cast %parallel_loop3A_174 : i32 to index
          %parallel_loop3A_177 = arith.constant 16 : index
          %parallel_loop3A_178 = tpu.vector_load %arg5[%parallel_loop3A_175, %parallel_loop3A_176, %parallel_loop3A_177] {strides = array<i32>} : memref<25x8x64xf32, #tpu.memory_space<vmem>>, vector<1x1x16xf32>,
          %parallel_loop3A_179 = vector.shape_cast %parallel_loop3A_178 : vector<1x1x16xf32> to vector<16xf32>
          %parallel_loop3A_180 = arith.constant 8 : i32
          %parallel_loop3A_181 = arith.muli %parallel_loop3A_83, %parallel_loop3A_180 : i32
          %parallel_loop3A_182 = arith.constant 1 : i32
          %parallel_loop3A_183 = arith.addi %parallel_loop3A_181, %parallel_loop3A_182 : i32
          %parallel_loop3A_184 = arith.constant 64 : i32
          %parallel_loop3A_185 = arith.muli %parallel_loop3A_183, %parallel_loop3A_184 : i32
          %parallel_loop3A_186 = arith.constant 16 : i32
          %parallel_loop3A_187 = arith.addi %parallel_loop3A_185, %parallel_loop3A_186 : i32
          %parallel_loop3A_188 = arith.index_cast %parallel_loop3A_187 : i32 to index
          %parallel_loop3A_189 = tpu.vector_load %arg7[%parallel_loop3A_188] {strides = array<i32>} : memref<12800xf32, #tpu.memory_space<vmem>>, vector<16xf32>,
          %parallel_loop3A_190 = vector.shape_cast %parallel_loop3A_189 : vector<16xf32> to vector<16xf32>
          %parallel_loop3A_191 = vector.shape_cast %parallel_loop3A_179 : vector<16xf32> to vector<16xf32>
          tpu.vector_store %arg7[%parallel_loop3A_188], %parallel_loop3A_191 {strides = array<i32>} : memref<12800xf32, #tpu.memory_space<vmem>>, vector<16xf32>,
          %parallel_loop3A_192 = arith.constant 1 : i32
          %parallel_loop3A_193 = arith.index_cast %parallel_loop3A_83 : i32 to index
          %parallel_loop3A_194 = arith.index_cast %parallel_loop3A_192 : i32 to index
          %parallel_loop3A_195 = arith.constant 32 : index
          %parallel_loop3A_196 = tpu.vector_load %arg5[%parallel_loop3A_193, %parallel_loop3A_194, %parallel_loop3A_195] {strides = array<i32>} : memref<25x8x64xf32, #tpu.memory_space<vmem>>, vector<1x1x16xf32>,
          %parallel_loop3A_197 = vector.shape_cast %parallel_loop3A_196 : vector<1x1x16xf32> to vector<16xf32>
          %parallel_loop3A_198 = arith.constant 8 : i32
          %parallel_loop3A_199 = arith.muli %parallel_loop3A_83, %parallel_loop3A_198 : i32
          %parallel_loop3A_200 = arith.constant 1 : i32
          %parallel_loop3A_201 = arith.addi %parallel_loop3A_199, %parallel_loop3A_200 : i32
          %parallel_loop3A_202 = arith.constant 64 : i32
          %parallel_loop3A_203 = arith.muli %parallel_loop3A_201, %parallel_loop3A_202 : i32
          %parallel_loop3A_204 = arith.constant 32 : i32
          %parallel_loop3A_205 = arith.addi %parallel_loop3A_203, %parallel_loop3A_204 : i32
          %parallel_loop3A_206 = arith.index_cast %parallel_loop3A_205 : i32 to index
          %parallel_loop3A_207 = tpu.vector_load %arg7[%parallel_loop3A_206] {strides = array<i32>} : memref<12800xf32, #tpu.memory_space<vmem>>, vector<16xf32>,
          %parallel_loop3A_208 = vector.shape_cast %parallel_loop3A_207 : vector<16xf32> to vector<16xf32>
          %parallel_loop3A_209 = vector.shape_cast %parallel_loop3A_197 : vector<16xf32> to vector<16xf32>
          tpu.vector_store %arg7[%parallel_loop3A_206], %parallel_loop3A_209 {strides = array<i32>} : memref<12800xf32, #tpu.memory_space<vmem>>, vector<16xf32>,
          %parallel_loop3A_210 = arith.constant 1 : i32
          %parallel_loop3A_211 = arith.index_cast %parallel_loop3A_83 : i32 to index
          %parallel_loop3A_212 = arith.index_cast %parallel_loop3A_210 : i32 to index
          %parallel_loop3A_213 = arith.constant 48 : index
          %parallel_loop3A_214 = tpu.vector_load %arg5[%parallel_loop3A_211, %parallel_loop3A_212, %parallel_loop3A_213] {strides = array<i32>} : memref<25x8x64xf32, #tpu.memory_space<vmem>>, vector<1x1x16xf32>,
          %parallel_loop3A_215 = vector.shape_cast %parallel_loop3A_214 : vector<1x1x16xf32> to vector<16xf32>
          %parallel_loop3A_216 = arith.constant 8 : i32
          %parallel_loop3A_217 = arith.muli %parallel_loop3A_83, %parallel_loop3A_216 : i32
          %parallel_loop3A_218 = arith.constant 1 : i32
          %parallel_loop3A_219 = arith.addi %parallel_loop3A_217, %parallel_loop3A_218 : i32
          %parallel_loop3A_220 = arith.constant 64 : i32
          %parallel_loop3A_221 = arith.muli %parallel_loop3A_219, %parallel_loop3A_220 : i32
          %parallel_loop3A_222 = arith.constant 48 : i32
          %parallel_loop3A_223 = arith.addi %parallel_loop3A_221, %parallel_loop3A_222 : i32
          %parallel_loop3A_224 = arith.index_cast %parallel_loop3A_223 : i32 to index
          %parallel_loop3A_225 = tpu.vector_load %arg7[%parallel_loop3A_224] {strides = array<i32>} : memref<12800xf32, #tpu.memory_space<vmem>>, vector<16xf32>,
          %parallel_loop3A_226 = vector.shape_cast %parallel_loop3A_225 : vector<16xf32> to vector<16xf32>
          %parallel_loop3A_227 = vector.shape_cast %parallel_loop3A_215 : vector<16xf32> to vector<16xf32>
          tpu.vector_store %arg7[%parallel_loop3A_224], %parallel_loop3A_227 {strides = array<i32>} : memref<12800xf32, #tpu.memory_space<vmem>>, vector<16xf32>,
          %parallel_loop3A_228 = arith.constant 2 : i32
          %parallel_loop3A_229 = arith.index_cast %parallel_loop3A_83 : i32 to index
          %parallel_loop3A_230 = arith.index_cast %parallel_loop3A_228 : i32 to index
          %parallel_loop3A_231 = arith.constant 0 : index
          %parallel_loop3A_232 = tpu.vector_load %arg5[%parallel_loop3A_229, %parallel_loop3A_230, %parallel_loop3A_231] {strides = array<i32>} : memref<25x8x64xf32, #tpu.memory_space<vmem>>, vector<1x1x16xf32>,
          %parallel_loop3A_233 = vector.shape_cast %parallel_loop3A_232 : vector<1x1x16xf32> to vector<16xf32>
          %parallel_loop3A_234 = arith.constant 8 : i32
          %parallel_loop3A_235 = arith.muli %parallel_loop3A_83, %parallel_loop3A_234 : i32
          %parallel_loop3A_236 = arith.constant 2 : i32
          %parallel_loop3A_237 = arith.addi %parallel_loop3A_235, %parallel_loop3A_236 : i32
          %parallel_loop3A_238 = arith.constant 64 : i32
          %parallel_loop3A_239 = arith.muli %parallel_loop3A_237, %parallel_loop3A_238 : i32
          %parallel_loop3A_240 = arith.constant 0 : i32
          %parallel_loop3A_241 = arith.addi %parallel_loop3A_239, %parallel_loop3A_240 : i32
          %parallel_loop3A_242 = arith.index_cast %parallel_loop3A_241 : i32 to index
          %parallel_loop3A_243 = tpu.vector_load %arg7[%parallel_loop3A_242] {strides = array<i32>} : memref<12800xf32, #tpu.memory_space<vmem>>, vector<16xf32>,
          %parallel_loop3A_244 = vector.shape_cast %parallel_loop3A_243 : vector<16xf32> to vector<16xf32>
          %parallel_loop3A_245 = vector.shape_cast %parallel_loop3A_233 : vector<16xf32> to vector<16xf32>
          tpu.vector_store %arg7[%parallel_loop3A_242], %parallel_loop3A_245 {strides = array<i32>} : memref<12800xf32, #tpu.memory_space<vmem>>, vector<16xf32>,
          %parallel_loop3A_246 = arith.constant 2 : i32
          %parallel_loop3A_247 = arith.index_cast %parallel_loop3A_83 : i32 to index
          %parallel_loop3A_248 = arith.index_cast %parallel_loop3A_246 : i32 to index
          %parallel_loop3A_249 = arith.constant 16 : index
          %parallel_loop3A_250 = tpu.vector_load %arg5[%parallel_loop3A_247, %parallel_loop3A_248, %parallel_loop3A_249] {strides = array<i32>} : memref<25x8x64xf32, #tpu.memory_space<vmem>>, vector<1x1x16xf32>,
          %parallel_loop3A_251 = vector.shape_cast %parallel_loop3A_250 : vector<1x1x16xf32> to vector<16xf32>
          %parallel_loop3A_252 = arith.constant 8 : i32
          %parallel_loop3A_253 = arith.muli %parallel_loop3A_83, %parallel_loop3A_252 : i32
          %parallel_loop3A_254 = arith.constant 2 : i32
          %parallel_loop3A_255 = arith.addi %parallel_loop3A_253, %parallel_loop3A_254 : i32
          %parallel_loop3A_256 = arith.constant 64 : i32
          %parallel_loop3A_257 = arith.muli %parallel_loop3A_255, %parallel_loop3A_256 : i32
          %parallel_loop3A_258 = arith.constant 16 : i32
          %parallel_loop3A_259 = arith.addi %parallel_loop3A_257, %parallel_loop3A_258 : i32
          %parallel_loop3A_260 = arith.index_cast %parallel_loop3A_259 : i32 to index
          %parallel_loop3A_261 = tpu.vector_load %arg7[%parallel_loop3A_260] {strides = array<i32>} : memref<12800xf32, #tpu.memory_space<vmem>>, vector<16xf32>,
          %parallel_loop3A_262 = vector.shape_cast %parallel_loop3A_261 : vector<16xf32> to vector<16xf32>
          %parallel_loop3A_263 = vector.shape_cast %parallel_loop3A_251 : vector<16xf32> to vector<16xf32>
          tpu.vector_store %arg7[%parallel_loop3A_260], %parallel_loop3A_263 {strides = array<i32>} : memref<12800xf32, #tpu.memory_space<vmem>>, vector<16xf32>,
          %parallel_loop3A_264 = arith.constant 2 : i32
          %parallel_loop3A_265 = arith.index_cast %parallel_loop3A_83 : i32 to index
          %parallel_loop3A_266 = arith.index_cast %parallel_loop3A_264 : i32 to index
          %parallel_loop3A_267 = arith.constant 32 : index
          %parallel_loop3A_268 = tpu.vector_load %arg5[%parallel_loop3A_265, %parallel_loop3A_266, %parallel_loop3A_267] {strides = array<i32>} : memref<25x8x64xf32, #tpu.memory_space<vmem>>, vector<1x1x16xf32>,
          %parallel_loop3A_269 = vector.shape_cast %parallel_loop3A_268 : vector<1x1x16xf32> to vector<16xf32>
          %parallel_loop3A_270 = arith.constant 8 : i32
          %parallel_loop3A_271 = arith.muli %parallel_loop3A_83, %parallel_loop3A_270 : i32
          %parallel_loop3A_272 = arith.constant 2 : i32
          %parallel_loop3A_273 = arith.addi %parallel_loop3A_271, %parallel_loop3A_272 : i32
          %parallel_loop3A_274 = arith.constant 64 : i32
          %parallel_loop3A_275 = arith.muli %parallel_loop3A_273, %parallel_loop3A_274 : i32
          %parallel_loop3A_276 = arith.constant 32 : i32
          %parallel_loop3A_277 = arith.addi %parallel_loop3A_275, %parallel_loop3A_276 : i32
          %parallel_loop3A_278 = arith.index_cast %parallel_loop3A_277 : i32 to index
          %parallel_loop3A_279 = tpu.vector_load %arg7[%parallel_loop3A_278] {strides = array<i32>} : memref<12800xf32, #tpu.memory_space<vmem>>, vector<16xf32>,
          %parallel_loop3A_280 = vector.shape_cast %parallel_loop3A_279 : vector<16xf32> to vector<16xf32>
          %parallel_loop3A_281 = vector.shape_cast %parallel_loop3A_269 : vector<16xf32> to vector<16xf32>
          tpu.vector_store %arg7[%parallel_loop3A_278], %parallel_loop3A_281 {strides = array<i32>} : memref<12800xf32, #tpu.memory_space<vmem>>, vector<16xf32>,
          %parallel_loop3A_282 = arith.constant 2 : i32
          %parallel_loop3A_283 = arith.index_cast %parallel_loop3A_83 : i32 to index
          %parallel_loop3A_284 = arith.index_cast %parallel_loop3A_282 : i32 to index
          %parallel_loop3A_285 = arith.constant 48 : index
          %parallel_loop3A_286 = tpu.vector_load %arg5[%parallel_loop3A_283, %parallel_loop3A_284, %parallel_loop3A_285] {strides = array<i32>} : memref<25x8x64xf32, #tpu.memory_space<vmem>>, vector<1x1x16xf32>,
          %parallel_loop3A_287 = vector.shape_cast %parallel_loop3A_286 : vector<1x1x16xf32> to vector<16xf32>
          %parallel_loop3A_288 = arith.constant 8 : i32
          %parallel_loop3A_289 = arith.muli %parallel_loop3A_83, %parallel_loop3A_288 : i32
          %parallel_loop3A_290 = arith.constant 2 : i32
          %parallel_loop3A_291 = arith.addi %parallel_loop3A_289, %parallel_loop3A_290 : i32
          %parallel_loop3A_292 = arith.constant 64 : i32
          %parallel_loop3A_293 = arith.muli %parallel_loop3A_291, %parallel_loop3A_292 : i32
          %parallel_loop3A_294 = arith.constant 48 : i32
          %parallel_loop3A_295 = arith.addi %parallel_loop3A_293, %parallel_loop3A_294 : i32
          %parallel_loop3A_296 = arith.index_cast %parallel_loop3A_295 : i32 to index
          %parallel_loop3A_297 = tpu.vector_load %arg7[%parallel_loop3A_296] {strides = array<i32>} : memref<12800xf32, #tpu.memory_space<vmem>>, vector<16xf32>,
          %parallel_loop3A_298 = vector.shape_cast %parallel_loop3A_297 : vector<16xf32> to vector<16xf32>
          %parallel_loop3A_299 = vector.shape_cast %parallel_loop3A_287 : vector<16xf32> to vector<16xf32>
          tpu.vector_store %arg7[%parallel_loop3A_296], %parallel_loop3A_299 {strides = array<i32>} : memref<12800xf32, #tpu.memory_space<vmem>>, vector<16xf32>,
          %parallel_loop3A_300 = arith.constant 3 : i32
          %parallel_loop3A_301 = arith.index_cast %parallel_loop3A_83 : i32 to index
          %parallel_loop3A_302 = arith.index_cast %parallel_loop3A_300 : i32 to index
          %parallel_loop3A_303 = arith.constant 0 : index
          %parallel_loop3A_304 = tpu.vector_load %arg5[%parallel_loop3A_301, %parallel_loop3A_302, %parallel_loop3A_303] {strides = array<i32>} : memref<25x8x64xf32, #tpu.memory_space<vmem>>, vector<1x1x16xf32>,
          %parallel_loop3A_305 = vector.shape_cast %parallel_loop3A_304 : vector<1x1x16xf32> to vector<16xf32>
          %parallel_loop3A_306 = arith.constant 8 : i32
          %parallel_loop3A_307 = arith.muli %parallel_loop3A_83, %parallel_loop3A_306 : i32
          %parallel_loop3A_308 = arith.constant 3 : i32
          %parallel_loop3A_309 = arith.addi %parallel_loop3A_307, %parallel_loop3A_308 : i32
          %parallel_loop3A_310 = arith.constant 64 : i32
          %parallel_loop3A_311 = arith.muli %parallel_loop3A_309, %parallel_loop3A_310 : i32
          %parallel_loop3A_312 = arith.constant 0 : i32
          %parallel_loop3A_313 = arith.addi %parallel_loop3A_311, %parallel_loop3A_312 : i32
          %parallel_loop3A_314 = arith.index_cast %parallel_loop3A_313 : i32 to index
          %parallel_loop3A_315 = tpu.vector_load %arg7[%parallel_loop3A_314] {strides = array<i32>} : memref<12800xf32, #tpu.memory_space<vmem>>, vector<16xf32>,
          %parallel_loop3A_316 = vector.shape_cast %parallel_loop3A_315 : vector<16xf32> to vector<16xf32>
          %parallel_loop3A_317 = vector.shape_cast %parallel_loop3A_305 : vector<16xf32> to vector<16xf32>
          tpu.vector_store %arg7[%parallel_loop3A_314], %parallel_loop3A_317 {strides = array<i32>} : memref<12800xf32, #tpu.memory_space<vmem>>, vector<16xf32>,
          %parallel_loop3A_318 = arith.constant 3 : i32
          %parallel_loop3A_319 = arith.index_cast %parallel_loop3A_83 : i32 to index
          %parallel_loop3A_320 = arith.index_cast %parallel_loop3A_318 : i32 to index
          %parallel_loop3A_321 = arith.constant 16 : index
          %parallel_loop3A_322 = tpu.vector_load %arg5[%parallel_loop3A_319, %parallel_loop3A_320, %parallel_loop3A_321] {strides = array<i32>} : memref<25x8x64xf32, #tpu.memory_space<vmem>>, vector<1x1x16xf32>,
          %parallel_loop3A_323 = vector.shape_cast %parallel_loop3A_322 : vector<1x1x16xf32> to vector<16xf32>
          %parallel_loop3A_324 = arith.constant 8 : i32
          %parallel_loop3A_325 = arith.muli %parallel_loop3A_83, %parallel_loop3A_324 : i32
          %parallel_loop3A_326 = arith.constant 3 : i32
          %parallel_loop3A_327 = arith.addi %parallel_loop3A_325, %parallel_loop3A_326 : i32
          %parallel_loop3A_328 = arith.constant 64 : i32
          %parallel_loop3A_329 = arith.muli %parallel_loop3A_327, %parallel_loop3A_328 : i32
          %parallel_loop3A_330 = arith.constant 16 : i32
          %parallel_loop3A_331 = arith.addi %parallel_loop3A_329, %parallel_loop3A_330 : i32
          %parallel_loop3A_332 = arith.index_cast %parallel_loop3A_331 : i32 to index
          %parallel_loop3A_333 = tpu.vector_load %arg7[%parallel_loop3A_332] {strides = array<i32>} : memref<12800xf32, #tpu.memory_space<vmem>>, vector<16xf32>,
          %parallel_loop3A_334 = vector.shape_cast %parallel_loop3A_333 : vector<16xf32> to vector<16xf32>
          %parallel_loop3A_335 = vector.shape_cast %parallel_loop3A_323 : vector<16xf32> to vector<16xf32>
          tpu.vector_store %arg7[%parallel_loop3A_332], %parallel_loop3A_335 {strides = array<i32>} : memref<12800xf32, #tpu.memory_space<vmem>>, vector<16xf32>,
          %parallel_loop3A_336 = arith.constant 3 : i32
          %parallel_loop3A_337 = arith.index_cast %parallel_loop3A_83 : i32 to index
          %parallel_loop3A_338 = arith.index_cast %parallel_loop3A_336 : i32 to index
          %parallel_loop3A_339 = arith.constant 32 : index
          %parallel_loop3A_340 = tpu.vector_load %arg5[%parallel_loop3A_337, %parallel_loop3A_338, %parallel_loop3A_339] {strides = array<i32>} : memref<25x8x64xf32, #tpu.memory_space<vmem>>, vector<1x1x16xf32>,
          %parallel_loop3A_341 = vector.shape_cast %parallel_loop3A_340 : vector<1x1x16xf32> to vector<16xf32>
          %parallel_loop3A_342 = arith.constant 8 : i32
          %parallel_loop3A_343 = arith.muli %parallel_loop3A_83, %parallel_loop3A_342 : i32
          %parallel_loop3A_344 = arith.constant 3 : i32
          %parallel_loop3A_345 = arith.addi %parallel_loop3A_343, %parallel_loop3A_344 : i32
          %parallel_loop3A_346 = arith.constant 64 : i32
          %parallel_loop3A_347 = arith.muli %parallel_loop3A_345, %parallel_loop3A_346 : i32
          %parallel_loop3A_348 = arith.constant 32 : i32
          %parallel_loop3A_349 = arith.addi %parallel_loop3A_347, %parallel_loop3A_348 : i32
          %parallel_loop3A_350 = arith.index_cast %parallel_loop3A_349 : i32 to index
          %parallel_loop3A_351 = tpu.vector_load %arg7[%parallel_loop3A_350] {strides = array<i32>} : memref<12800xf32, #tpu.memory_space<vmem>>, vector<16xf32>,
          %parallel_loop3A_352 = vector.shape_cast %parallel_loop3A_351 : vector<16xf32> to vector<16xf32>
          %parallel_loop3A_353 = vector.shape_cast %parallel_loop3A_341 : vector<16xf32> to vector<16xf32>
          tpu.vector_store %arg7[%parallel_loop3A_350], %parallel_loop3A_353 {strides = array<i32>} : memref<12800xf32, #tpu.memory_space<vmem>>, vector<16xf32>,
          %parallel_loop3A_354 = arith.constant 3 : i32
          %parallel_loop3A_355 = arith.index_cast %parallel_loop3A_83 : i32 to index
          %parallel_loop3A_356 = arith.index_cast %parallel_loop3A_354 : i32 to index
          %parallel_loop3A_357 = arith.constant 48 : index
          %parallel_loop3A_358 = tpu.vector_load %arg5[%parallel_loop3A_355, %parallel_loop3A_356, %parallel_loop3A_357] {strides = array<i32>} : memref<25x8x64xf32, #tpu.memory_space<vmem>>, vector<1x1x16xf32>,
          %parallel_loop3A_359 = vector.shape_cast %parallel_loop3A_358 : vector<1x1x16xf32> to vector<16xf32>
          %parallel_loop3A_360 = arith.constant 8 : i32
          %parallel_loop3A_361 = arith.muli %parallel_loop3A_83, %parallel_loop3A_360 : i32
          %parallel_loop3A_362 = arith.constant 3 : i32
          %parallel_loop3A_363 = arith.addi %parallel_loop3A_361, %parallel_loop3A_362 : i32
          %parallel_loop3A_364 = arith.constant 64 : i32
          %parallel_loop3A_365 = arith.muli %parallel_loop3A_363, %parallel_loop3A_364 : i32
          %parallel_loop3A_366 = arith.constant 48 : i32
          %parallel_loop3A_367 = arith.addi %parallel_loop3A_365, %parallel_loop3A_366 : i32
          %parallel_loop3A_368 = arith.index_cast %parallel_loop3A_367 : i32 to index
          %parallel_loop3A_369 = tpu.vector_load %arg7[%parallel_loop3A_368] {strides = array<i32>} : memref<12800xf32, #tpu.memory_space<vmem>>, vector<16xf32>,
          %parallel_loop3A_370 = vector.shape_cast %parallel_loop3A_369 : vector<16xf32> to vector<16xf32>
          %parallel_loop3A_371 = vector.shape_cast %parallel_loop3A_359 : vector<16xf32> to vector<16xf32>
          tpu.vector_store %arg7[%parallel_loop3A_368], %parallel_loop3A_371 {strides = array<i32>} : memref<12800xf32, #tpu.memory_space<vmem>>, vector<16xf32>,
          %parallel_loop3A_372 = arith.constant 4 : i32
          %parallel_loop3A_373 = arith.index_cast %parallel_loop3A_83 : i32 to index
          %parallel_loop3A_374 = arith.index_cast %parallel_loop3A_372 : i32 to index
          %parallel_loop3A_375 = arith.constant 0 : index
          %parallel_loop3A_376 = tpu.vector_load %arg5[%parallel_loop3A_373, %parallel_loop3A_374, %parallel_loop3A_375] {strides = array<i32>} : memref<25x8x64xf32, #tpu.memory_space<vmem>>, vector<1x1x16xf32>,
          %parallel_loop3A_377 = vector.shape_cast %parallel_loop3A_376 : vector<1x1x16xf32> to vector<16xf32>
          %parallel_loop3A_378 = arith.constant 8 : i32
          %parallel_loop3A_379 = arith.muli %parallel_loop3A_83, %parallel_loop3A_378 : i32
          %parallel_loop3A_380 = arith.constant 4 : i32
          %parallel_loop3A_381 = arith.addi %parallel_loop3A_379, %parallel_loop3A_380 : i32
          %parallel_loop3A_382 = arith.constant 64 : i32
          %parallel_loop3A_383 = arith.muli %parallel_loop3A_381, %parallel_loop3A_382 : i32
          %parallel_loop3A_384 = arith.constant 0 : i32
          %parallel_loop3A_385 = arith.addi %parallel_loop3A_383, %parallel_loop3A_384 : i32
          %parallel_loop3A_386 = arith.index_cast %parallel_loop3A_385 : i32 to index
          %parallel_loop3A_387 = tpu.vector_load %arg7[%parallel_loop3A_386] {strides = array<i32>} : memref<12800xf32, #tpu.memory_space<vmem>>, vector<16xf32>,
          %parallel_loop3A_388 = vector.shape_cast %parallel_loop3A_387 : vector<16xf32> to vector<16xf32>
          %parallel_loop3A_389 = vector.shape_cast %parallel_loop3A_377 : vector<16xf32> to vector<16xf32>
          tpu.vector_store %arg7[%parallel_loop3A_386], %parallel_loop3A_389 {strides = array<i32>} : memref<12800xf32, #tpu.memory_space<vmem>>, vector<16xf32>,
          %parallel_loop3A_390 = arith.constant 4 : i32
          %parallel_loop3A_391 = arith.index_cast %parallel_loop3A_83 : i32 to index
          %parallel_loop3A_392 = arith.index_cast %parallel_loop3A_390 : i32 to index
          %parallel_loop3A_393 = arith.constant 16 : index
          %parallel_loop3A_394 = tpu.vector_load %arg5[%parallel_loop3A_391, %parallel_loop3A_392, %parallel_loop3A_393] {strides = array<i32>} : memref<25x8x64xf32, #tpu.memory_space<vmem>>, vector<1x1x16xf32>,
          %parallel_loop3A_395 = vector.shape_cast %parallel_loop3A_394 : vector<1x1x16xf32> to vector<16xf32>
          %parallel_loop3A_396 = arith.constant 8 : i32
          %parallel_loop3A_397 = arith.muli %parallel_loop3A_83, %parallel_loop3A_396 : i32
          %parallel_loop3A_398 = arith.constant 4 : i32
          %parallel_loop3A_399 = arith.addi %parallel_loop3A_397, %parallel_loop3A_398 : i32
          %parallel_loop3A_400 = arith.constant 64 : i32
          %parallel_loop3A_401 = arith.muli %parallel_loop3A_399, %parallel_loop3A_400 : i32
          %parallel_loop3A_402 = arith.constant 16 : i32
          %parallel_loop3A_403 = arith.addi %parallel_loop3A_401, %parallel_loop3A_402 : i32
          %parallel_loop3A_404 = arith.index_cast %parallel_loop3A_403 : i32 to index
          %parallel_loop3A_405 = tpu.vector_load %arg7[%parallel_loop3A_404] {strides = array<i32>} : memref<12800xf32, #tpu.memory_space<vmem>>, vector<16xf32>,
          %parallel_loop3A_406 = vector.shape_cast %parallel_loop3A_405 : vector<16xf32> to vector<16xf32>
          %parallel_loop3A_407 = vector.shape_cast %parallel_loop3A_395 : vector<16xf32> to vector<16xf32>
          tpu.vector_store %arg7[%parallel_loop3A_404], %parallel_loop3A_407 {strides = array<i32>} : memref<12800xf32, #tpu.memory_space<vmem>>, vector<16xf32>,
          %parallel_loop3A_408 = arith.constant 4 : i32
          %parallel_loop3A_409 = arith.index_cast %parallel_loop3A_83 : i32 to index
          %parallel_loop3A_410 = arith.index_cast %parallel_loop3A_408 : i32 to index
          %parallel_loop3A_411 = arith.constant 32 : index
          %parallel_loop3A_412 = tpu.vector_load %arg5[%parallel_loop3A_409, %parallel_loop3A_410, %parallel_loop3A_411] {strides = array<i32>} : memref<25x8x64xf32, #tpu.memory_space<vmem>>, vector<1x1x16xf32>,
          %parallel_loop3A_413 = vector.shape_cast %parallel_loop3A_412 : vector<1x1x16xf32> to vector<16xf32>
          %parallel_loop3A_414 = arith.constant 8 : i32
          %parallel_loop3A_415 = arith.muli %parallel_loop3A_83, %parallel_loop3A_414 : i32
          %parallel_loop3A_416 = arith.constant 4 : i32
          %parallel_loop3A_417 = arith.addi %parallel_loop3A_415, %parallel_loop3A_416 : i32
          %parallel_loop3A_418 = arith.constant 64 : i32
          %parallel_loop3A_419 = arith.muli %parallel_loop3A_417, %parallel_loop3A_418 : i32
          %parallel_loop3A_420 = arith.constant 32 : i32
          %parallel_loop3A_421 = arith.addi %parallel_loop3A_419, %parallel_loop3A_420 : i32
          %parallel_loop3A_422 = arith.index_cast %parallel_loop3A_421 : i32 to index
          %parallel_loop3A_423 = tpu.vector_load %arg7[%parallel_loop3A_422] {strides = array<i32>} : memref<12800xf32, #tpu.memory_space<vmem>>, vector<16xf32>,
          %parallel_loop3A_424 = vector.shape_cast %parallel_loop3A_423 : vector<16xf32> to vector<16xf32>
          %parallel_loop3A_425 = vector.shape_cast %parallel_loop3A_413 : vector<16xf32> to vector<16xf32>
          tpu.vector_store %arg7[%parallel_loop3A_422], %parallel_loop3A_425 {strides = array<i32>} : memref<12800xf32, #tpu.memory_space<vmem>>, vector<16xf32>,
          %parallel_loop3A_426 = arith.constant 4 : i32
          %parallel_loop3A_427 = arith.index_cast %parallel_loop3A_83 : i32 to index
          %parallel_loop3A_428 = arith.index_cast %parallel_loop3A_426 : i32 to index
          %parallel_loop3A_429 = arith.constant 48 : index
          %parallel_loop3A_430 = tpu.vector_load %arg5[%parallel_loop3A_427, %parallel_loop3A_428, %parallel_loop3A_429] {strides = array<i32>} : memref<25x8x64xf32, #tpu.memory_space<vmem>>, vector<1x1x16xf32>,
          %parallel_loop3A_431 = vector.shape_cast %parallel_loop3A_430 : vector<1x1x16xf32> to vector<16xf32>
          %parallel_loop3A_432 = arith.constant 8 : i32
          %parallel_loop3A_433 = arith.muli %parallel_loop3A_83, %parallel_loop3A_432 : i32
          %parallel_loop3A_434 = arith.constant 4 : i32
          %parallel_loop3A_435 = arith.addi %parallel_loop3A_433, %parallel_loop3A_434 : i32
          %parallel_loop3A_436 = arith.constant 64 : i32
          %parallel_loop3A_437 = arith.muli %parallel_loop3A_435, %parallel_loop3A_436 : i32
          %parallel_loop3A_438 = arith.constant 48 : i32
          %parallel_loop3A_439 = arith.addi %parallel_loop3A_437, %parallel_loop3A_438 : i32
          %parallel_loop3A_440 = arith.index_cast %parallel_loop3A_439 : i32 to index
          %parallel_loop3A_441 = tpu.vector_load %arg7[%parallel_loop3A_440] {strides = array<i32>} : memref<12800xf32, #tpu.memory_space<vmem>>, vector<16xf32>,
          %parallel_loop3A_442 = vector.shape_cast %parallel_loop3A_441 : vector<16xf32> to vector<16xf32>
          %parallel_loop3A_443 = vector.shape_cast %parallel_loop3A_431 : vector<16xf32> to vector<16xf32>
          tpu.vector_store %arg7[%parallel_loop3A_440], %parallel_loop3A_443 {strides = array<i32>} : memref<12800xf32, #tpu.memory_space<vmem>>, vector<16xf32>,
          %parallel_loop3A_444 = arith.constant 5 : i32
          %parallel_loop3A_445 = arith.index_cast %parallel_loop3A_83 : i32 to index
          %parallel_loop3A_446 = arith.index_cast %parallel_loop3A_444 : i32 to index
          %parallel_loop3A_447 = arith.constant 0 : index
          %parallel_loop3A_448 = tpu.vector_load %arg5[%parallel_loop3A_445, %parallel_loop3A_446, %parallel_loop3A_447] {strides = array<i32>} : memref<25x8x64xf32, #tpu.memory_space<vmem>>, vector<1x1x16xf32>,
          %parallel_loop3A_449 = vector.shape_cast %parallel_loop3A_448 : vector<1x1x16xf32> to vector<16xf32>
          %parallel_loop3A_450 = arith.constant 8 : i32
          %parallel_loop3A_451 = arith.muli %parallel_loop3A_83, %parallel_loop3A_450 : i32
          %parallel_loop3A_452 = arith.constant 5 : i32
          %parallel_loop3A_453 = arith.addi %parallel_loop3A_451, %parallel_loop3A_452 : i32
          %parallel_loop3A_454 = arith.constant 64 : i32
          %parallel_loop3A_455 = arith.muli %parallel_loop3A_453, %parallel_loop3A_454 : i32
          %parallel_loop3A_456 = arith.constant 0 : i32
          %parallel_loop3A_457 = arith.addi %parallel_loop3A_455, %parallel_loop3A_456 : i32
          %parallel_loop3A_458 = arith.index_cast %parallel_loop3A_457 : i32 to index
          %parallel_loop3A_459 = tpu.vector_load %arg7[%parallel_loop3A_458] {strides = array<i32>} : memref<12800xf32, #tpu.memory_space<vmem>>, vector<16xf32>,
          %parallel_loop3A_460 = vector.shape_cast %parallel_loop3A_459 : vector<16xf32> to vector<16xf32>
          %parallel_loop3A_461 = vector.shape_cast %parallel_loop3A_449 : vector<16xf32> to vector<16xf32>
          tpu.vector_store %arg7[%parallel_loop3A_458], %parallel_loop3A_461 {strides = array<i32>} : memref<12800xf32, #tpu.memory_space<vmem>>, vector<16xf32>,
          %parallel_loop3A_462 = arith.constant 5 : i32
          %parallel_loop3A_463 = arith.index_cast %parallel_loop3A_83 : i32 to index
          %parallel_loop3A_464 = arith.index_cast %parallel_loop3A_462 : i32 to index
          %parallel_loop3A_465 = arith.constant 16 : index
          %parallel_loop3A_466 = tpu.vector_load %arg5[%parallel_loop3A_463, %parallel_loop3A_464, %parallel_loop3A_465] {strides = array<i32>} : memref<25x8x64xf32, #tpu.memory_space<vmem>>, vector<1x1x16xf32>,
          %parallel_loop3A_467 = vector.shape_cast %parallel_loop3A_466 : vector<1x1x16xf32> to vector<16xf32>
          %parallel_loop3A_468 = arith.constant 8 : i32
          %parallel_loop3A_469 = arith.muli %parallel_loop3A_83, %parallel_loop3A_468 : i32
          %parallel_loop3A_470 = arith.constant 5 : i32
          %parallel_loop3A_471 = arith.addi %parallel_loop3A_469, %parallel_loop3A_470 : i32
          %parallel_loop3A_472 = arith.constant 64 : i32
          %parallel_loop3A_473 = arith.muli %parallel_loop3A_471, %parallel_loop3A_472 : i32
          %parallel_loop3A_474 = arith.constant 16 : i32
          %parallel_loop3A_475 = arith.addi %parallel_loop3A_473, %parallel_loop3A_474 : i32
          %parallel_loop3A_476 = arith.index_cast %parallel_loop3A_475 : i32 to index
          %parallel_loop3A_477 = tpu.vector_load %arg7[%parallel_loop3A_476] {strides = array<i32>} : memref<12800xf32, #tpu.memory_space<vmem>>, vector<16xf32>,
          %parallel_loop3A_478 = vector.shape_cast %parallel_loop3A_477 : vector<16xf32> to vector<16xf32>
          %parallel_loop3A_479 = vector.shape_cast %parallel_loop3A_467 : vector<16xf32> to vector<16xf32>
          tpu.vector_store %arg7[%parallel_loop3A_476], %parallel_loop3A_479 {strides = array<i32>} : memref<12800xf32, #tpu.memory_space<vmem>>, vector<16xf32>,
          %parallel_loop3A_480 = arith.constant 5 : i32
          %parallel_loop3A_481 = arith.index_cast %parallel_loop3A_83 : i32 to index
          %parallel_loop3A_482 = arith.index_cast %parallel_loop3A_480 : i32 to index
          %parallel_loop3A_483 = arith.constant 32 : index
          %parallel_loop3A_484 = tpu.vector_load %arg5[%parallel_loop3A_481, %parallel_loop3A_482, %parallel_loop3A_483] {strides = array<i32>} : memref<25x8x64xf32, #tpu.memory_space<vmem>>, vector<1x1x16xf32>,
          %parallel_loop3A_485 = vector.shape_cast %parallel_loop3A_484 : vector<1x1x16xf32> to vector<16xf32>
          %parallel_loop3A_486 = arith.constant 8 : i32
          %parallel_loop3A_487 = arith.muli %parallel_loop3A_83, %parallel_loop3A_486 : i32
          %parallel_loop3A_488 = arith.constant 5 : i32
          %parallel_loop3A_489 = arith.addi %parallel_loop3A_487, %parallel_loop3A_488 : i32
          %parallel_loop3A_490 = arith.constant 64 : i32
          %parallel_loop3A_491 = arith.muli %parallel_loop3A_489, %parallel_loop3A_490 : i32
          %parallel_loop3A_492 = arith.constant 32 : i32
          %parallel_loop3A_493 = arith.addi %parallel_loop3A_491, %parallel_loop3A_492 : i32
          %parallel_loop3A_494 = arith.index_cast %parallel_loop3A_493 : i32 to index
          %parallel_loop3A_495 = tpu.vector_load %arg7[%parallel_loop3A_494] {strides = array<i32>} : memref<12800xf32, #tpu.memory_space<vmem>>, vector<16xf32>,
          %parallel_loop3A_496 = vector.shape_cast %parallel_loop3A_495 : vector<16xf32> to vector<16xf32>
          %parallel_loop3A_497 = vector.shape_cast %parallel_loop3A_485 : vector<16xf32> to vector<16xf32>
          tpu.vector_store %arg7[%parallel_loop3A_494], %parallel_loop3A_497 {strides = array<i32>} : memref<12800xf32, #tpu.memory_space<vmem>>, vector<16xf32>,
          %parallel_loop3A_498 = arith.constant 5 : i32
          %parallel_loop3A_499 = arith.index_cast %parallel_loop3A_83 : i32 to index
          %parallel_loop3A_500 = arith.index_cast %parallel_loop3A_498 : i32 to index
          %parallel_loop3A_501 = arith.constant 48 : index
          %parallel_loop3A_502 = tpu.vector_load %arg5[%parallel_loop3A_499, %parallel_loop3A_500, %parallel_loop3A_501] {strides = array<i32>} : memref<25x8x64xf32, #tpu.memory_space<vmem>>, vector<1x1x16xf32>,
          %parallel_loop3A_503 = vector.shape_cast %parallel_loop3A_502 : vector<1x1x16xf32> to vector<16xf32>
          %parallel_loop3A_504 = arith.constant 8 : i32
          %parallel_loop3A_505 = arith.muli %parallel_loop3A_83, %parallel_loop3A_504 : i32
          %parallel_loop3A_506 = arith.constant 5 : i32
          %parallel_loop3A_507 = arith.addi %parallel_loop3A_505, %parallel_loop3A_506 : i32
          %parallel_loop3A_508 = arith.constant 64 : i32
          %parallel_loop3A_509 = arith.muli %parallel_loop3A_507, %parallel_loop3A_508 : i32
          %parallel_loop3A_510 = arith.constant 48 : i32
          %parallel_loop3A_511 = arith.addi %parallel_loop3A_509, %parallel_loop3A_510 : i32
          %parallel_loop3A_512 = arith.index_cast %parallel_loop3A_511 : i32 to index
          %parallel_loop3A_513 = tpu.vector_load %arg7[%parallel_loop3A_512] {strides = array<i32>} : memref<12800xf32, #tpu.memory_space<vmem>>, vector<16xf32>,
          %parallel_loop3A_514 = vector.shape_cast %parallel_loop3A_513 : vector<16xf32> to vector<16xf32>
          %parallel_loop3A_515 = vector.shape_cast %parallel_loop3A_503 : vector<16xf32> to vector<16xf32>
          tpu.vector_store %arg7[%parallel_loop3A_512], %parallel_loop3A_515 {strides = array<i32>} : memref<12800xf32, #tpu.memory_space<vmem>>, vector<16xf32>,
          %parallel_loop3A_516 = arith.constant 6 : i32
          %parallel_loop3A_517 = arith.index_cast %parallel_loop3A_83 : i32 to index
          %parallel_loop3A_518 = arith.index_cast %parallel_loop3A_516 : i32 to index
          %parallel_loop3A_519 = arith.constant 0 : index
          %parallel_loop3A_520 = tpu.vector_load %arg5[%parallel_loop3A_517, %parallel_loop3A_518, %parallel_loop3A_519] {strides = array<i32>} : memref<25x8x64xf32, #tpu.memory_space<vmem>>, vector<1x1x16xf32>,
          %parallel_loop3A_521 = vector.shape_cast %parallel_loop3A_520 : vector<1x1x16xf32> to vector<16xf32>
          %parallel_loop3A_522 = arith.constant 8 : i32
          %parallel_loop3A_523 = arith.muli %parallel_loop3A_83, %parallel_loop3A_522 : i32
          %parallel_loop3A_524 = arith.constant 6 : i32
          %parallel_loop3A_525 = arith.addi %parallel_loop3A_523, %parallel_loop3A_524 : i32
          %parallel_loop3A_526 = arith.constant 64 : i32
          %parallel_loop3A_527 = arith.muli %parallel_loop3A_525, %parallel_loop3A_526 : i32
          %parallel_loop3A_528 = arith.constant 0 : i32
          %parallel_loop3A_529 = arith.addi %parallel_loop3A_527, %parallel_loop3A_528 : i32
          %parallel_loop3A_530 = arith.index_cast %parallel_loop3A_529 : i32 to index
          %parallel_loop3A_531 = tpu.vector_load %arg7[%parallel_loop3A_530] {strides = array<i32>} : memref<12800xf32, #tpu.memory_space<vmem>>, vector<16xf32>,
          %parallel_loop3A_532 = vector.shape_cast %parallel_loop3A_531 : vector<16xf32> to vector<16xf32>
          %parallel_loop3A_533 = vector.shape_cast %parallel_loop3A_521 : vector<16xf32> to vector<16xf32>
          tpu.vector_store %arg7[%parallel_loop3A_530], %parallel_loop3A_533 {strides = array<i32>} : memref<12800xf32, #tpu.memory_space<vmem>>, vector<16xf32>,
          %parallel_loop3A_534 = arith.constant 6 : i32
          %parallel_loop3A_535 = arith.index_cast %parallel_loop3A_83 : i32 to index
          %parallel_loop3A_536 = arith.index_cast %parallel_loop3A_534 : i32 to index
          %parallel_loop3A_537 = arith.constant 16 : index
          %parallel_loop3A_538 = tpu.vector_load %arg5[%parallel_loop3A_535, %parallel_loop3A_536, %parallel_loop3A_537] {strides = array<i32>} : memref<25x8x64xf32, #tpu.memory_space<vmem>>, vector<1x1x16xf32>,
          %parallel_loop3A_539 = vector.shape_cast %parallel_loop3A_538 : vector<1x1x16xf32> to vector<16xf32>
          %parallel_loop3A_540 = arith.constant 8 : i32
          %parallel_loop3A_541 = arith.muli %parallel_loop3A_83, %parallel_loop3A_540 : i32
          %parallel_loop3A_542 = arith.constant 6 : i32
          %parallel_loop3A_543 = arith.addi %parallel_loop3A_541, %parallel_loop3A_542 : i32
          %parallel_loop3A_544 = arith.constant 64 : i32
          %parallel_loop3A_545 = arith.muli %parallel_loop3A_543, %parallel_loop3A_544 : i32
          %parallel_loop3A_546 = arith.constant 16 : i32
          %parallel_loop3A_547 = arith.addi %parallel_loop3A_545, %parallel_loop3A_546 : i32
          %parallel_loop3A_548 = arith.index_cast %parallel_loop3A_547 : i32 to index
          %parallel_loop3A_549 = tpu.vector_load %arg7[%parallel_loop3A_548] {strides = array<i32>} : memref<12800xf32, #tpu.memory_space<vmem>>, vector<16xf32>,
          %parallel_loop3A_550 = vector.shape_cast %parallel_loop3A_549 : vector<16xf32> to vector<16xf32>
          %parallel_loop3A_551 = vector.shape_cast %parallel_loop3A_539 : vector<16xf32> to vector<16xf32>
          tpu.vector_store %arg7[%parallel_loop3A_548], %parallel_loop3A_551 {strides = array<i32>} : memref<12800xf32, #tpu.memory_space<vmem>>, vector<16xf32>,
          %parallel_loop3A_552 = arith.constant 6 : i32
          %parallel_loop3A_553 = arith.index_cast %parallel_loop3A_83 : i32 to index
          %parallel_loop3A_554 = arith.index_cast %parallel_loop3A_552 : i32 to index
          %parallel_loop3A_555 = arith.constant 32 : index
          %parallel_loop3A_556 = tpu.vector_load %arg5[%parallel_loop3A_553, %parallel_loop3A_554, %parallel_loop3A_555] {strides = array<i32>} : memref<25x8x64xf32, #tpu.memory_space<vmem>>, vector<1x1x16xf32>,
          %parallel_loop3A_557 = vector.shape_cast %parallel_loop3A_556 : vector<1x1x16xf32> to vector<16xf32>
          %parallel_loop3A_558 = arith.constant 8 : i32
          %parallel_loop3A_559 = arith.muli %parallel_loop3A_83, %parallel_loop3A_558 : i32
          %parallel_loop3A_560 = arith.constant 6 : i32
          %parallel_loop3A_561 = arith.addi %parallel_loop3A_559, %parallel_loop3A_560 : i32
          %parallel_loop3A_562 = arith.constant 64 : i32
          %parallel_loop3A_563 = arith.muli %parallel_loop3A_561, %parallel_loop3A_562 : i32
          %parallel_loop3A_564 = arith.constant 32 : i32
          %parallel_loop3A_565 = arith.addi %parallel_loop3A_563, %parallel_loop3A_564 : i32
          %parallel_loop3A_566 = arith.index_cast %parallel_loop3A_565 : i32 to index
          %parallel_loop3A_567 = tpu.vector_load %arg7[%parallel_loop3A_566] {strides = array<i32>} : memref<12800xf32, #tpu.memory_space<vmem>>, vector<16xf32>,
          %parallel_loop3A_568 = vector.shape_cast %parallel_loop3A_567 : vector<16xf32> to vector<16xf32>
          %parallel_loop3A_569 = vector.shape_cast %parallel_loop3A_557 : vector<16xf32> to vector<16xf32>
          tpu.vector_store %arg7[%parallel_loop3A_566], %parallel_loop3A_569 {strides = array<i32>} : memref<12800xf32, #tpu.memory_space<vmem>>, vector<16xf32>,
          %parallel_loop3A_570 = arith.constant 6 : i32
          %parallel_loop3A_571 = arith.index_cast %parallel_loop3A_83 : i32 to index
          %parallel_loop3A_572 = arith.index_cast %parallel_loop3A_570 : i32 to index
          %parallel_loop3A_573 = arith.constant 48 : index
          %parallel_loop3A_574 = tpu.vector_load %arg5[%parallel_loop3A_571, %parallel_loop3A_572, %parallel_loop3A_573] {strides = array<i32>} : memref<25x8x64xf32, #tpu.memory_space<vmem>>, vector<1x1x16xf32>,
          %parallel_loop3A_575 = vector.shape_cast %parallel_loop3A_574 : vector<1x1x16xf32> to vector<16xf32>
          %parallel_loop3A_576 = arith.constant 8 : i32
          %parallel_loop3A_577 = arith.muli %parallel_loop3A_83, %parallel_loop3A_576 : i32
          %parallel_loop3A_578 = arith.constant 6 : i32
          %parallel_loop3A_579 = arith.addi %parallel_loop3A_577, %parallel_loop3A_578 : i32
          %parallel_loop3A_580 = arith.constant 64 : i32
          %parallel_loop3A_581 = arith.muli %parallel_loop3A_579, %parallel_loop3A_580 : i32
          %parallel_loop3A_582 = arith.constant 48 : i32
          %parallel_loop3A_583 = arith.addi %parallel_loop3A_581, %parallel_loop3A_582 : i32
          %parallel_loop3A_584 = arith.index_cast %parallel_loop3A_583 : i32 to index
          %parallel_loop3A_585 = tpu.vector_load %arg7[%parallel_loop3A_584] {strides = array<i32>} : memref<12800xf32, #tpu.memory_space<vmem>>, vector<16xf32>,
          %parallel_loop3A_586 = vector.shape_cast %parallel_loop3A_585 : vector<16xf32> to vector<16xf32>
          %parallel_loop3A_587 = vector.shape_cast %parallel_loop3A_575 : vector<16xf32> to vector<16xf32>
          tpu.vector_store %arg7[%parallel_loop3A_584], %parallel_loop3A_587 {strides = array<i32>} : memref<12800xf32, #tpu.memory_space<vmem>>, vector<16xf32>,
          %parallel_loop3A_588 = arith.constant 7 : i32
          %parallel_loop3A_589 = arith.index_cast %parallel_loop3A_83 : i32 to index
          %parallel_loop3A_590 = arith.index_cast %parallel_loop3A_588 : i32 to index
          %parallel_loop3A_591 = arith.constant 0 : index
          %parallel_loop3A_592 = tpu.vector_load %arg5[%parallel_loop3A_589, %parallel_loop3A_590, %parallel_loop3A_591] {strides = array<i32>} : memref<25x8x64xf32, #tpu.memory_space<vmem>>, vector<1x1x16xf32>,
          %parallel_loop3A_593 = vector.shape_cast %parallel_loop3A_592 : vector<1x1x16xf32> to vector<16xf32>
          %parallel_loop3A_594 = arith.constant 8 : i32
          %parallel_loop3A_595 = arith.muli %parallel_loop3A_83, %parallel_loop3A_594 : i32
          %parallel_loop3A_596 = arith.constant 7 : i32
          %parallel_loop3A_597 = arith.addi %parallel_loop3A_595, %parallel_loop3A_596 : i32
          %parallel_loop3A_598 = arith.constant 64 : i32
          %parallel_loop3A_599 = arith.muli %parallel_loop3A_597, %parallel_loop3A_598 : i32
          %parallel_loop3A_600 = arith.constant 0 : i32
          %parallel_loop3A_601 = arith.addi %parallel_loop3A_599, %parallel_loop3A_600 : i32
          %parallel_loop3A_602 = arith.index_cast %parallel_loop3A_601 : i32 to index
          %parallel_loop3A_603 = tpu.vector_load %arg7[%parallel_loop3A_602] {strides = array<i32>} : memref<12800xf32, #tpu.memory_space<vmem>>, vector<16xf32>,
          %parallel_loop3A_604 = vector.shape_cast %parallel_loop3A_603 : vector<16xf32> to vector<16xf32>
          %parallel_loop3A_605 = vector.shape_cast %parallel_loop3A_593 : vector<16xf32> to vector<16xf32>
          tpu.vector_store %arg7[%parallel_loop3A_602], %parallel_loop3A_605 {strides = array<i32>} : memref<12800xf32, #tpu.memory_space<vmem>>, vector<16xf32>,
          %parallel_loop3A_606 = arith.constant 7 : i32
          %parallel_loop3A_607 = arith.index_cast %parallel_loop3A_83 : i32 to index
          %parallel_loop3A_608 = arith.index_cast %parallel_loop3A_606 : i32 to index
          %parallel_loop3A_609 = arith.constant 16 : index
          %parallel_loop3A_610 = tpu.vector_load %arg5[%parallel_loop3A_607, %parallel_loop3A_608, %parallel_loop3A_609] {strides = array<i32>} : memref<25x8x64xf32, #tpu.memory_space<vmem>>, vector<1x1x16xf32>,
          %parallel_loop3A_611 = vector.shape_cast %parallel_loop3A_610 : vector<1x1x16xf32> to vector<16xf32>
          %parallel_loop3A_612 = arith.constant 8 : i32
          %parallel_loop3A_613 = arith.muli %parallel_loop3A_83, %parallel_loop3A_612 : i32
          %parallel_loop3A_614 = arith.constant 7 : i32
          %parallel_loop3A_615 = arith.addi %parallel_loop3A_613, %parallel_loop3A_614 : i32
          %parallel_loop3A_616 = arith.constant 64 : i32
          %parallel_loop3A_617 = arith.muli %parallel_loop3A_615, %parallel_loop3A_616 : i32
          %parallel_loop3A_618 = arith.constant 16 : i32
          %parallel_loop3A_619 = arith.addi %parallel_loop3A_617, %parallel_loop3A_618 : i32
          %parallel_loop3A_620 = arith.index_cast %parallel_loop3A_619 : i32 to index
          %parallel_loop3A_621 = tpu.vector_load %arg7[%parallel_loop3A_620] {strides = array<i32>} : memref<12800xf32, #tpu.memory_space<vmem>>, vector<16xf32>,
          %parallel_loop3A_622 = vector.shape_cast %parallel_loop3A_621 : vector<16xf32> to vector<16xf32>
          %parallel_loop3A_623 = vector.shape_cast %parallel_loop3A_611 : vector<16xf32> to vector<16xf32>
          tpu.vector_store %arg7[%parallel_loop3A_620], %parallel_loop3A_623 {strides = array<i32>} : memref<12800xf32, #tpu.memory_space<vmem>>, vector<16xf32>,
          %parallel_loop3A_624 = arith.constant 7 : i32
          %parallel_loop3A_625 = arith.index_cast %parallel_loop3A_83 : i32 to index
          %parallel_loop3A_626 = arith.index_cast %parallel_loop3A_624 : i32 to index
          %parallel_loop3A_627 = arith.constant 32 : index
          %parallel_loop3A_628 = tpu.vector_load %arg5[%parallel_loop3A_625, %parallel_loop3A_626, %parallel_loop3A_627] {strides = array<i32>} : memref<25x8x64xf32, #tpu.memory_space<vmem>>, vector<1x1x16xf32>,
          %parallel_loop3A_629 = vector.shape_cast %parallel_loop3A_628 : vector<1x1x16xf32> to vector<16xf32>
          %parallel_loop3A_630 = arith.constant 8 : i32
          %parallel_loop3A_631 = arith.muli %parallel_loop3A_83, %parallel_loop3A_630 : i32
          %parallel_loop3A_632 = arith.constant 7 : i32
          %parallel_loop3A_633 = arith.addi %parallel_loop3A_631, %parallel_loop3A_632 : i32
          %parallel_loop3A_634 = arith.constant 64 : i32
          %parallel_loop3A_635 = arith.muli %parallel_loop3A_633, %parallel_loop3A_634 : i32
          %parallel_loop3A_636 = arith.constant 32 : i32
          %parallel_loop3A_637 = arith.addi %parallel_loop3A_635, %parallel_loop3A_636 : i32
          %parallel_loop3A_638 = arith.index_cast %parallel_loop3A_637 : i32 to index
          %parallel_loop3A_639 = tpu.vector_load %arg7[%parallel_loop3A_638] {strides = array<i32>} : memref<12800xf32, #tpu.memory_space<vmem>>, vector<16xf32>,
          %parallel_loop3A_640 = vector.shape_cast %parallel_loop3A_639 : vector<16xf32> to vector<16xf32>
          %parallel_loop3A_641 = vector.shape_cast %parallel_loop3A_629 : vector<16xf32> to vector<16xf32>
          tpu.vector_store %arg7[%parallel_loop3A_638], %parallel_loop3A_641 {strides = array<i32>} : memref<12800xf32, #tpu.memory_space<vmem>>, vector<16xf32>,
          %parallel_loop3A_642 = arith.constant 7 : i32
          %parallel_loop3A_643 = arith.index_cast %parallel_loop3A_83 : i32 to index
          %parallel_loop3A_644 = arith.index_cast %parallel_loop3A_642 : i32 to index
          %parallel_loop3A_645 = arith.constant 48 : index
          %parallel_loop3A_646 = tpu.vector_load %arg5[%parallel_loop3A_643, %parallel_loop3A_644, %parallel_loop3A_645] {strides = array<i32>} : memref<25x8x64xf32, #tpu.memory_space<vmem>>, vector<1x1x16xf32>,
          %parallel_loop3A_647 = vector.shape_cast %parallel_loop3A_646 : vector<1x1x16xf32> to vector<16xf32>
          %parallel_loop3A_648 = arith.constant 8 : i32
          %parallel_loop3A_649 = arith.muli %parallel_loop3A_83, %parallel_loop3A_648 : i32
          %parallel_loop3A_650 = arith.constant 7 : i32
          %parallel_loop3A_651 = arith.addi %parallel_loop3A_649, %parallel_loop3A_650 : i32
          %parallel_loop3A_652 = arith.constant 64 : i32
          %parallel_loop3A_653 = arith.muli %parallel_loop3A_651, %parallel_loop3A_652 : i32
          %parallel_loop3A_654 = arith.constant 48 : i32
          %parallel_loop3A_655 = arith.addi %parallel_loop3A_653, %parallel_loop3A_654 : i32
          %parallel_loop3A_656 = arith.index_cast %parallel_loop3A_655 : i32 to index
          %parallel_loop3A_657 = tpu.vector_load %arg7[%parallel_loop3A_656] {strides = array<i32>} : memref<12800xf32, #tpu.memory_space<vmem>>, vector<16xf32>,
          %parallel_loop3A_658 = vector.shape_cast %parallel_loop3A_657 : vector<16xf32> to vector<16xf32>
          %parallel_loop3A_659 = vector.shape_cast %parallel_loop3A_647 : vector<16xf32> to vector<16xf32>
          tpu.vector_store %arg7[%parallel_loop3A_656], %parallel_loop3A_659 {strides = array<i32>} : memref<12800xf32, #tpu.memory_space<vmem>>, vector<16xf32>,
        } {sc.loop_unroll_factor = 1 : i64, sc.parallel_access}
        %mul3A_75 = arith.constant 32 : i32
        %mul3A_76 = arith.muli %sub3A_34, %mul3A_75 : i32
        %add3A_77 = arith.addi %add3A, %mul3A_76 : i32
        %mul3A_78 = arith.constant 200 : i32
        %mul3A_79 = arith.muli %add3A_77, %mul3A_78 : i32
        %mul3A_80 = arith.constant 64 : i32
        %mul3A_81 = arith.muli %mul3A_79, %mul3A_80 : i32
        %dma_start3A = tpu.memref_slice %arg3[%mul3A_81] : memref<64000000xf32, #tpu.memory_space<hbm>> -> memref<12800xf32, #tpu.memory_space<hbm>>
        %dma_start3A_82 = tpu.memref_slice %arg3[%mul3A_81] : memref<64000000xf32, #tpu.memory_space<hbm>> -> memref<12800xf32, #tpu.memory_space<hbm>>
        tpu.enqueue_dma source(%arg7 : memref<12800xf32, #tpu.memory_space<vmem>>) target(%dma_start3A_82 : memref<12800xf32, #tpu.memory_space<hbm>>) target_semaphore(%arg11 : memref<!tpu.dma_semaphore, #tpu.memory_space<semaphore_mem>>)
      } else {
      }
      %mul3A_40 = arith.constant 2 : i32
      %mul3A_41 = arith.muli %mul3A_40, %scan3A_28 : i32
      %add3A_42 = arith.constant 1 : i32
      %add3A_43 = arith.addi %mul3A_41, %add3A_42 : i32
      %lt3A_44 = arith.cmpi slt, %add3A_43, %select_n3A : i32
      %convert_element_type3A_45 = arith.extui %lt3A_44 : i1 to i32
      %cond3A_46 = arith.constant 0 : i32
      %cond3A_47 = arith.cmpi ne, %convert_element_type3A_45, %cond3A_46 : i32
      scf.if %cond3A_47 {
        %mul3A_57 = arith.constant 32 : i32
        %mul3A_58 = arith.muli %add3A_43, %mul3A_57 : i32
        %add3A_59 = arith.addi %add3A, %mul3A_58 : i32
        %mul3A_60 = arith.constant 25 : i32
        %mul3A_61 = arith.muli %add3A_59, %mul3A_60 : i32
        %dma_start3A = arith.constant 0 : i32
        %dma_start3A_62 = arith.constant 0 : i32
        %dma_start3A_63 = tpu.memref_slice %arg2[%mul3A_61, %dma_start3A, %dma_start3A_62] : memref<125000x8x64xf32, #tpu.memory_space<hbm>> -> memref<25x8x64xf32, #tpu.memory_space<hbm>>
        %dma_start3A_64 = arith.constant 0 : i32
        %dma_start3A_65 = arith.constant 0 : i32
        %dma_start3A_66 = tpu.memref_slice %arg2[%mul3A_61, %dma_start3A_64, %dma_start3A_65] : memref<125000x8x64xf32, #tpu.memory_space<hbm>> -> memref<25x8x64xf32, #tpu.memory_space<hbm>>
        tpu.enqueue_dma source(%dma_start3A_66 : memref<25x8x64xf32, #tpu.memory_space<hbm>>) target(%arg5 : memref<25x8x64xf32, #tpu.memory_space<vmem>>) target_semaphore(%arg9 : memref<!tpu.dma_semaphore, #tpu.memory_space<semaphore_mem>>)
      } else {
      }
      %sub3A_48 = arith.constant 1 : i32
      %sub3A_49 = arith.subi %add3A_43, %sub3A_48 : i32
      %ge3A_50 = arith.constant 0 : i32
      %ge3A_51 = arith.cmpi sge, %sub3A_49, %ge3A_50 : i32
      %lt3A_52 = arith.cmpi slt, %sub3A_49, %select_n3A : i32
      %and3A_53 = arith.andi %ge3A_51, %lt3A_52 : i1
      %convert_element_type3A_54 = arith.extui %and3A_53 : i1 to i32
      %cond3A_55 = arith.constant 0 : i32
      %cond3A_56 = arith.cmpi ne, %convert_element_type3A_54, %cond3A_55 : i32
      scf.if %cond3A_56 {
        %mul3A_57 = arith.constant 32 : i32
        %mul3A_58 = arith.muli %sub3A_49, %mul3A_57 : i32
        %add3A_59 = arith.addi %add3A, %mul3A_58 : i32
        %mul3A_60 = arith.constant 25 : i32
        %mul3A_61 = arith.muli %add3A_59, %mul3A_60 : i32
        %dma_wait3A_62 = arith.constant 0 : i32
        %dma_wait3A_63 = arith.constant 0 : i32
        %dma_wait3A_64 = tpu.memref_slice %arg2[%mul3A_61, %dma_wait3A_62, %dma_wait3A_63] : memref<125000x8x64xf32, #tpu.memory_space<hbm>> -> memref<25x8x64xf32, #tpu.memory_space<hbm>>
        %dma_wait3A_65 = arith.constant 0 : i32
        %dma_wait3A_66 = arith.constant 0 : i32
        %dma_wait3A_67 = tpu.memref_slice %arg2[%mul3A_61, %dma_wait3A_65, %dma_wait3A_66] : memref<125000x8x64xf32, #tpu.memory_space<hbm>> -> memref<25x8x64xf32, #tpu.memory_space<hbm>>
        tpu.wait_dma2 semaphore(%arg8 : memref<!tpu.dma_semaphore, #tpu.memory_space<semaphore_mem>>) src(%dma_wait3A_67 : memref<25x8x64xf32, #tpu.memory_space<hbm>>) dst(%arg4 : memref<25x8x64xf32, #tpu.memory_space<vmem>>)
        %ge3A_68 = arith.constant 2 : i32
        %ge3A_69 = arith.cmpi sge, %sub3A_49, %ge3A_68 : i32
        %convert_element_type3A_70 = arith.extui %ge3A_69 : i1 to i32
        %cond3A_71 = arith.constant 0 : i32
        %cond3A_72 = arith.cmpi ne, %convert_element_type3A_70, %cond3A_71 : i32
        scf.if %cond3A_72 {
          %sub3A_83 = arith.constant 2 : i32
          %sub3A_84 = arith.subi %sub3A_49, %sub3A_83 : i32
          %mul3A_85 = arith.constant 32 : i32
          %mul3A_86 = arith.muli %sub3A_84, %mul3A_85 : i32
          %add3A_87 = arith.addi %add3A, %mul3A_86 : i32
          %mul3A_88 = arith.constant 200 : i32
          %mul3A_89 = arith.muli %add3A_87, %mul3A_88 : i32
          %mul3A_90 = arith.constant 64 : i32
          %mul3A_91 = arith.muli %mul3A_89, %mul3A_90 : i32
          %dma_wait3A_92 = tpu.memref_slice %arg3[%mul3A_91] : memref<64000000xf32, #tpu.memory_space<hbm>> -> memref<12800xf32, #tpu.memory_space<hbm>>
          %dma_wait3A_93 = tpu.memref_slice %arg3[%mul3A_91] : memref<64000000xf32, #tpu.memory_space<hbm>> -> memref<12800xf32, #tpu.memory_space<hbm>>
          tpu.wait_dma2 semaphore(%arg10 : memref<!tpu.dma_semaphore, #tpu.memory_space<semaphore_mem>>) src(%arg6 : memref<12800xf32, #tpu.memory_space<vmem>>) dst(%dma_wait3A_93 : memref<12800xf32, #tpu.memory_space<hbm>>)
        } else {
        }
        %parallel_loop3A = arith.constant 0 : i32
        %parallel_loop3A_73 = arith.constant 25 : i32
        %parallel_loop3A_74 = arith.constant 1 : i32
        scf.for %parallel_loop3A_83 = %parallel_loop3A to %parallel_loop3A_73 step %parallel_loop3A_74  : i32 {
          %parallel_loop3A_84 = arith.constant 0 : i32
          %parallel_loop3A_85 = arith.index_cast %parallel_loop3A_83 : i32 to index
          %parallel_loop3A_86 = arith.index_cast %parallel_loop3A_84 : i32 to index
          %parallel_loop3A_87 = arith.constant 0 : index
          %parallel_loop3A_88 = tpu.vector_load %arg4[%parallel_loop3A_85, %parallel_loop3A_86, %parallel_loop3A_87] {strides = array<i32>} : memref<25x8x64xf32, #tpu.memory_space<vmem>>, vector<1x1x16xf32>,
          %parallel_loop3A_89 = vector.shape_cast %parallel_loop3A_88 : vector<1x1x16xf32> to vector<16xf32>
          %parallel_loop3A_90 = arith.constant 8 : i32
          %parallel_loop3A_91 = arith.muli %parallel_loop3A_83, %parallel_loop3A_90 : i32
          %parallel_loop3A_92 = arith.constant 0 : i32
          %parallel_loop3A_93 = arith.addi %parallel_loop3A_91, %parallel_loop3A_92 : i32
          %parallel_loop3A_94 = arith.constant 64 : i32
          %parallel_loop3A_95 = arith.muli %parallel_loop3A_93, %parallel_loop3A_94 : i32
          %parallel_loop3A_96 = arith.constant 0 : i32
          %parallel_loop3A_97 = arith.addi %parallel_loop3A_95, %parallel_loop3A_96 : i32
          %parallel_loop3A_98 = arith.index_cast %parallel_loop3A_97 : i32 to index
          %parallel_loop3A_99 = tpu.vector_load %arg6[%parallel_loop3A_98] {strides = array<i32>} : memref<12800xf32, #tpu.memory_space<vmem>>, vector<16xf32>,
          %parallel_loop3A_100 = vector.shape_cast %parallel_loop3A_99 : vector<16xf32> to vector<16xf32>
          %parallel_loop3A_101 = vector.shape_cast %parallel_loop3A_89 : vector<16xf32> to vector<16xf32>
          tpu.vector_store %arg6[%parallel_loop3A_98], %parallel_loop3A_101 {strides = array<i32>} : memref<12800xf32, #tpu.memory_space<vmem>>, vector<16xf32>,
          %parallel_loop3A_102 = arith.constant 0 : i32
          %parallel_loop3A_103 = arith.index_cast %parallel_loop3A_83 : i32 to index
          %parallel_loop3A_104 = arith.index_cast %parallel_loop3A_102 : i32 to index
          %parallel_loop3A_105 = arith.constant 16 : index
          %parallel_loop3A_106 = tpu.vector_load %arg4[%parallel_loop3A_103, %parallel_loop3A_104, %parallel_loop3A_105] {strides = array<i32>} : memref<25x8x64xf32, #tpu.memory_space<vmem>>, vector<1x1x16xf32>,
          %parallel_loop3A_107 = vector.shape_cast %parallel_loop3A_106 : vector<1x1x16xf32> to vector<16xf32>
          %parallel_loop3A_108 = arith.constant 8 : i32
          %parallel_loop3A_109 = arith.muli %parallel_loop3A_83, %parallel_loop3A_108 : i32
          %parallel_loop3A_110 = arith.constant 0 : i32
          %parallel_loop3A_111 = arith.addi %parallel_loop3A_109, %parallel_loop3A_110 : i32
          %parallel_loop3A_112 = arith.constant 64 : i32
          %parallel_loop3A_113 = arith.muli %parallel_loop3A_111, %parallel_loop3A_112 : i32
          %parallel_loop3A_114 = arith.constant 16 : i32
          %parallel_loop3A_115 = arith.addi %parallel_loop3A_113, %parallel_loop3A_114 : i32
          %parallel_loop3A_116 = arith.index_cast %parallel_loop3A_115 : i32 to index
          %parallel_loop3A_117 = tpu.vector_load %arg6[%parallel_loop3A_116] {strides = array<i32>} : memref<12800xf32, #tpu.memory_space<vmem>>, vector<16xf32>,
          %parallel_loop3A_118 = vector.shape_cast %parallel_loop3A_117 : vector<16xf32> to vector<16xf32>
          %parallel_loop3A_119 = vector.shape_cast %parallel_loop3A_107 : vector<16xf32> to vector<16xf32>
          tpu.vector_store %arg6[%parallel_loop3A_116], %parallel_loop3A_119 {strides = array<i32>} : memref<12800xf32, #tpu.memory_space<vmem>>, vector<16xf32>,
          %parallel_loop3A_120 = arith.constant 0 : i32
          %parallel_loop3A_121 = arith.index_cast %parallel_loop3A_83 : i32 to index
          %parallel_loop3A_122 = arith.index_cast %parallel_loop3A_120 : i32 to index
          %parallel_loop3A_123 = arith.constant 32 : index
          %parallel_loop3A_124 = tpu.vector_load %arg4[%parallel_loop3A_121, %parallel_loop3A_122, %parallel_loop3A_123] {strides = array<i32>} : memref<25x8x64xf32, #tpu.memory_space<vmem>>, vector<1x1x16xf32>,
          %parallel_loop3A_125 = vector.shape_cast %parallel_loop3A_124 : vector<1x1x16xf32> to vector<16xf32>
          %parallel_loop3A_126 = arith.constant 8 : i32
          %parallel_loop3A_127 = arith.muli %parallel_loop3A_83, %parallel_loop3A_126 : i32
          %parallel_loop3A_128 = arith.constant 0 : i32
          %parallel_loop3A_129 = arith.addi %parallel_loop3A_127, %parallel_loop3A_128 : i32
          %parallel_loop3A_130 = arith.constant 64 : i32
          %parallel_loop3A_131 = arith.muli %parallel_loop3A_129, %parallel_loop3A_130 : i32
          %parallel_loop3A_132 = arith.constant 32 : i32
          %parallel_loop3A_133 = arith.addi %parallel_loop3A_131, %parallel_loop3A_132 : i32
          %parallel_loop3A_134 = arith.index_cast %parallel_loop3A_133 : i32 to index
          %parallel_loop3A_135 = tpu.vector_load %arg6[%parallel_loop3A_134] {strides = array<i32>} : memref<12800xf32, #tpu.memory_space<vmem>>, vector<16xf32>,
          %parallel_loop3A_136 = vector.shape_cast %parallel_loop3A_135 : vector<16xf32> to vector<16xf32>
          %parallel_loop3A_137 = vector.shape_cast %parallel_loop3A_125 : vector<16xf32> to vector<16xf32>
          tpu.vector_store %arg6[%parallel_loop3A_134], %parallel_loop3A_137 {strides = array<i32>} : memref<12800xf32, #tpu.memory_space<vmem>>, vector<16xf32>,
          %parallel_loop3A_138 = arith.constant 0 : i32
          %parallel_loop3A_139 = arith.index_cast %parallel_loop3A_83 : i32 to index
          %parallel_loop3A_140 = arith.index_cast %parallel_loop3A_138 : i32 to index
          %parallel_loop3A_141 = arith.constant 48 : index
          %parallel_loop3A_142 = tpu.vector_load %arg4[%parallel_loop3A_139, %parallel_loop3A_140, %parallel_loop3A_141] {strides = array<i32>} : memref<25x8x64xf32, #tpu.memory_space<vmem>>, vector<1x1x16xf32>,
          %parallel_loop3A_143 = vector.shape_cast %parallel_loop3A_142 : vector<1x1x16xf32> to vector<16xf32>
          %parallel_loop3A_144 = arith.constant 8 : i32
          %parallel_loop3A_145 = arith.muli %parallel_loop3A_83, %parallel_loop3A_144 : i32
          %parallel_loop3A_146 = arith.constant 0 : i32
          %parallel_loop3A_147 = arith.addi %parallel_loop3A_145, %parallel_loop3A_146 : i32
          %parallel_loop3A_148 = arith.constant 64 : i32
          %parallel_loop3A_149 = arith.muli %parallel_loop3A_147, %parallel_loop3A_148 : i32
          %parallel_loop3A_150 = arith.constant 48 : i32
          %parallel_loop3A_151 = arith.addi %parallel_loop3A_149, %parallel_loop3A_150 : i32
          %parallel_loop3A_152 = arith.index_cast %parallel_loop3A_151 : i32 to index
          %parallel_loop3A_153 = tpu.vector_load %arg6[%parallel_loop3A_152] {strides = array<i32>} : memref<12800xf32, #tpu.memory_space<vmem>>, vector<16xf32>,
          %parallel_loop3A_154 = vector.shape_cast %parallel_loop3A_153 : vector<16xf32> to vector<16xf32>
          %parallel_loop3A_155 = vector.shape_cast %parallel_loop3A_143 : vector<16xf32> to vector<16xf32>
          tpu.vector_store %arg6[%parallel_loop3A_152], %parallel_loop3A_155 {strides = array<i32>} : memref<12800xf32, #tpu.memory_space<vmem>>, vector<16xf32>,
          %parallel_loop3A_156 = arith.constant 1 : i32
          %parallel_loop3A_157 = arith.index_cast %parallel_loop3A_83 : i32 to index
          %parallel_loop3A_158 = arith.index_cast %parallel_loop3A_156 : i32 to index
          %parallel_loop3A_159 = arith.constant 0 : index
          %parallel_loop3A_160 = tpu.vector_load %arg4[%parallel_loop3A_157, %parallel_loop3A_158, %parallel_loop3A_159] {strides = array<i32>} : memref<25x8x64xf32, #tpu.memory_space<vmem>>, vector<1x1x16xf32>,
          %parallel_loop3A_161 = vector.shape_cast %parallel_loop3A_160 : vector<1x1x16xf32> to vector<16xf32>
          %parallel_loop3A_162 = arith.constant 8 : i32
          %parallel_loop3A_163 = arith.muli %parallel_loop3A_83, %parallel_loop3A_162 : i32
          %parallel_loop3A_164 = arith.constant 1 : i32
          %parallel_loop3A_165 = arith.addi %parallel_loop3A_163, %parallel_loop3A_164 : i32
          %parallel_loop3A_166 = arith.constant 64 : i32
          %parallel_loop3A_167 = arith.muli %parallel_loop3A_165, %parallel_loop3A_166 : i32
          %parallel_loop3A_168 = arith.constant 0 : i32
          %parallel_loop3A_169 = arith.addi %parallel_loop3A_167, %parallel_loop3A_168 : i32
          %parallel_loop3A_170 = arith.index_cast %parallel_loop3A_169 : i32 to index
          %parallel_loop3A_171 = tpu.vector_load %arg6[%parallel_loop3A_170] {strides = array<i32>} : memref<12800xf32, #tpu.memory_space<vmem>>, vector<16xf32>,
          %parallel_loop3A_172 = vector.shape_cast %parallel_loop3A_171 : vector<16xf32> to vector<16xf32>
          %parallel_loop3A_173 = vector.shape_cast %parallel_loop3A_161 : vector<16xf32> to vector<16xf32>
          tpu.vector_store %arg6[%parallel_loop3A_170], %parallel_loop3A_173 {strides = array<i32>} : memref<12800xf32, #tpu.memory_space<vmem>>, vector<16xf32>,
          %parallel_loop3A_174 = arith.constant 1 : i32
          %parallel_loop3A_175 = arith.index_cast %parallel_loop3A_83 : i32 to index
          %parallel_loop3A_176 = arith.index_cast %parallel_loop3A_174 : i32 to index
          %parallel_loop3A_177 = arith.constant 16 : index
          %parallel_loop3A_178 = tpu.vector_load %arg4[%parallel_loop3A_175, %parallel_loop3A_176, %parallel_loop3A_177] {strides = array<i32>} : memref<25x8x64xf32, #tpu.memory_space<vmem>>, vector<1x1x16xf32>,
          %parallel_loop3A_179 = vector.shape_cast %parallel_loop3A_178 : vector<1x1x16xf32> to vector<16xf32>
          %parallel_loop3A_180 = arith.constant 8 : i32
          %parallel_loop3A_181 = arith.muli %parallel_loop3A_83, %parallel_loop3A_180 : i32
          %parallel_loop3A_182 = arith.constant 1 : i32
          %parallel_loop3A_183 = arith.addi %parallel_loop3A_181, %parallel_loop3A_182 : i32
          %parallel_loop3A_184 = arith.constant 64 : i32
          %parallel_loop3A_185 = arith.muli %parallel_loop3A_183, %parallel_loop3A_184 : i32
          %parallel_loop3A_186 = arith.constant 16 : i32
          %parallel_loop3A_187 = arith.addi %parallel_loop3A_185, %parallel_loop3A_186 : i32
          %parallel_loop3A_188 = arith.index_cast %parallel_loop3A_187 : i32 to index
          %parallel_loop3A_189 = tpu.vector_load %arg6[%parallel_loop3A_188] {strides = array<i32>} : memref<12800xf32, #tpu.memory_space<vmem>>, vector<16xf32>,
          %parallel_loop3A_190 = vector.shape_cast %parallel_loop3A_189 : vector<16xf32> to vector<16xf32>
          %parallel_loop3A_191 = vector.shape_cast %parallel_loop3A_179 : vector<16xf32> to vector<16xf32>
          tpu.vector_store %arg6[%parallel_loop3A_188], %parallel_loop3A_191 {strides = array<i32>} : memref<12800xf32, #tpu.memory_space<vmem>>, vector<16xf32>,
          %parallel_loop3A_192 = arith.constant 1 : i32
          %parallel_loop3A_193 = arith.index_cast %parallel_loop3A_83 : i32 to index
          %parallel_loop3A_194 = arith.index_cast %parallel_loop3A_192 : i32 to index
          %parallel_loop3A_195 = arith.constant 32 : index
          %parallel_loop3A_196 = tpu.vector_load %arg4[%parallel_loop3A_193, %parallel_loop3A_194, %parallel_loop3A_195] {strides = array<i32>} : memref<25x8x64xf32, #tpu.memory_space<vmem>>, vector<1x1x16xf32>,
          %parallel_loop3A_197 = vector.shape_cast %parallel_loop3A_196 : vector<1x1x16xf32> to vector<16xf32>
          %parallel_loop3A_198 = arith.constant 8 : i32
          %parallel_loop3A_199 = arith.muli %parallel_loop3A_83, %parallel_loop3A_198 : i32
          %parallel_loop3A_200 = arith.constant 1 : i32
          %parallel_loop3A_201 = arith.addi %parallel_loop3A_199, %parallel_loop3A_200 : i32
          %parallel_loop3A_202 = arith.constant 64 : i32
          %parallel_loop3A_203 = arith.muli %parallel_loop3A_201, %parallel_loop3A_202 : i32
          %parallel_loop3A_204 = arith.constant 32 : i32
          %parallel_loop3A_205 = arith.addi %parallel_loop3A_203, %parallel_loop3A_204 : i32
          %parallel_loop3A_206 = arith.index_cast %parallel_loop3A_205 : i32 to index
          %parallel_loop3A_207 = tpu.vector_load %arg6[%parallel_loop3A_206] {strides = array<i32>} : memref<12800xf32, #tpu.memory_space<vmem>>, vector<16xf32>,
          %parallel_loop3A_208 = vector.shape_cast %parallel_loop3A_207 : vector<16xf32> to vector<16xf32>
          %parallel_loop3A_209 = vector.shape_cast %parallel_loop3A_197 : vector<16xf32> to vector<16xf32>
          tpu.vector_store %arg6[%parallel_loop3A_206], %parallel_loop3A_209 {strides = array<i32>} : memref<12800xf32, #tpu.memory_space<vmem>>, vector<16xf32>,
          %parallel_loop3A_210 = arith.constant 1 : i32
          %parallel_loop3A_211 = arith.index_cast %parallel_loop3A_83 : i32 to index
          %parallel_loop3A_212 = arith.index_cast %parallel_loop3A_210 : i32 to index
          %parallel_loop3A_213 = arith.constant 48 : index
          %parallel_loop3A_214 = tpu.vector_load %arg4[%parallel_loop3A_211, %parallel_loop3A_212, %parallel_loop3A_213] {strides = array<i32>} : memref<25x8x64xf32, #tpu.memory_space<vmem>>, vector<1x1x16xf32>,
          %parallel_loop3A_215 = vector.shape_cast %parallel_loop3A_214 : vector<1x1x16xf32> to vector<16xf32>
          %parallel_loop3A_216 = arith.constant 8 : i32
          %parallel_loop3A_217 = arith.muli %parallel_loop3A_83, %parallel_loop3A_216 : i32
          %parallel_loop3A_218 = arith.constant 1 : i32
          %parallel_loop3A_219 = arith.addi %parallel_loop3A_217, %parallel_loop3A_218 : i32
          %parallel_loop3A_220 = arith.constant 64 : i32
          %parallel_loop3A_221 = arith.muli %parallel_loop3A_219, %parallel_loop3A_220 : i32
          %parallel_loop3A_222 = arith.constant 48 : i32
          %parallel_loop3A_223 = arith.addi %parallel_loop3A_221, %parallel_loop3A_222 : i32
          %parallel_loop3A_224 = arith.index_cast %parallel_loop3A_223 : i32 to index
          %parallel_loop3A_225 = tpu.vector_load %arg6[%parallel_loop3A_224] {strides = array<i32>} : memref<12800xf32, #tpu.memory_space<vmem>>, vector<16xf32>,
          %parallel_loop3A_226 = vector.shape_cast %parallel_loop3A_225 : vector<16xf32> to vector<16xf32>
          %parallel_loop3A_227 = vector.shape_cast %parallel_loop3A_215 : vector<16xf32> to vector<16xf32>
          tpu.vector_store %arg6[%parallel_loop3A_224], %parallel_loop3A_227 {strides = array<i32>} : memref<12800xf32, #tpu.memory_space<vmem>>, vector<16xf32>,
          %parallel_loop3A_228 = arith.constant 2 : i32
          %parallel_loop3A_229 = arith.index_cast %parallel_loop3A_83 : i32 to index
          %parallel_loop3A_230 = arith.index_cast %parallel_loop3A_228 : i32 to index
          %parallel_loop3A_231 = arith.constant 0 : index
          %parallel_loop3A_232 = tpu.vector_load %arg4[%parallel_loop3A_229, %parallel_loop3A_230, %parallel_loop3A_231] {strides = array<i32>} : memref<25x8x64xf32, #tpu.memory_space<vmem>>, vector<1x1x16xf32>,
          %parallel_loop3A_233 = vector.shape_cast %parallel_loop3A_232 : vector<1x1x16xf32> to vector<16xf32>
          %parallel_loop3A_234 = arith.constant 8 : i32
          %parallel_loop3A_235 = arith.muli %parallel_loop3A_83, %parallel_loop3A_234 : i32
          %parallel_loop3A_236 = arith.constant 2 : i32
          %parallel_loop3A_237 = arith.addi %parallel_loop3A_235, %parallel_loop3A_236 : i32
          %parallel_loop3A_238 = arith.constant 64 : i32
          %parallel_loop3A_239 = arith.muli %parallel_loop3A_237, %parallel_loop3A_238 : i32
          %parallel_loop3A_240 = arith.constant 0 : i32
          %parallel_loop3A_241 = arith.addi %parallel_loop3A_239, %parallel_loop3A_240 : i32
          %parallel_loop3A_242 = arith.index_cast %parallel_loop3A_241 : i32 to index
          %parallel_loop3A_243 = tpu.vector_load %arg6[%parallel_loop3A_242] {strides = array<i32>} : memref<12800xf32, #tpu.memory_space<vmem>>, vector<16xf32>,
          %parallel_loop3A_244 = vector.shape_cast %parallel_loop3A_243 : vector<16xf32> to vector<16xf32>
          %parallel_loop3A_245 = vector.shape_cast %parallel_loop3A_233 : vector<16xf32> to vector<16xf32>
          tpu.vector_store %arg6[%parallel_loop3A_242], %parallel_loop3A_245 {strides = array<i32>} : memref<12800xf32, #tpu.memory_space<vmem>>, vector<16xf32>,
          %parallel_loop3A_246 = arith.constant 2 : i32
          %parallel_loop3A_247 = arith.index_cast %parallel_loop3A_83 : i32 to index
          %parallel_loop3A_248 = arith.index_cast %parallel_loop3A_246 : i32 to index
          %parallel_loop3A_249 = arith.constant 16 : index
          %parallel_loop3A_250 = tpu.vector_load %arg4[%parallel_loop3A_247, %parallel_loop3A_248, %parallel_loop3A_249] {strides = array<i32>} : memref<25x8x64xf32, #tpu.memory_space<vmem>>, vector<1x1x16xf32>,
          %parallel_loop3A_251 = vector.shape_cast %parallel_loop3A_250 : vector<1x1x16xf32> to vector<16xf32>
          %parallel_loop3A_252 = arith.constant 8 : i32
          %parallel_loop3A_253 = arith.muli %parallel_loop3A_83, %parallel_loop3A_252 : i32
          %parallel_loop3A_254 = arith.constant 2 : i32
          %parallel_loop3A_255 = arith.addi %parallel_loop3A_253, %parallel_loop3A_254 : i32
          %parallel_loop3A_256 = arith.constant 64 : i32
          %parallel_loop3A_257 = arith.muli %parallel_loop3A_255, %parallel_loop3A_256 : i32
          %parallel_loop3A_258 = arith.constant 16 : i32
          %parallel_loop3A_259 = arith.addi %parallel_loop3A_257, %parallel_loop3A_258 : i32
          %parallel_loop3A_260 = arith.index_cast %parallel_loop3A_259 : i32 to index
          %parallel_loop3A_261 = tpu.vector_load %arg6[%parallel_loop3A_260] {strides = array<i32>} : memref<12800xf32, #tpu.memory_space<vmem>>, vector<16xf32>,
          %parallel_loop3A_262 = vector.shape_cast %parallel_loop3A_261 : vector<16xf32> to vector<16xf32>
          %parallel_loop3A_263 = vector.shape_cast %parallel_loop3A_251 : vector<16xf32> to vector<16xf32>
          tpu.vector_store %arg6[%parallel_loop3A_260], %parallel_loop3A_263 {strides = array<i32>} : memref<12800xf32, #tpu.memory_space<vmem>>, vector<16xf32>,
          %parallel_loop3A_264 = arith.constant 2 : i32
          %parallel_loop3A_265 = arith.index_cast %parallel_loop3A_83 : i32 to index
          %parallel_loop3A_266 = arith.index_cast %parallel_loop3A_264 : i32 to index
          %parallel_loop3A_267 = arith.constant 32 : index
          %parallel_loop3A_268 = tpu.vector_load %arg4[%parallel_loop3A_265, %parallel_loop3A_266, %parallel_loop3A_267] {strides = array<i32>} : memref<25x8x64xf32, #tpu.memory_space<vmem>>, vector<1x1x16xf32>,
          %parallel_loop3A_269 = vector.shape_cast %parallel_loop3A_268 : vector<1x1x16xf32> to vector<16xf32>
          %parallel_loop3A_270 = arith.constant 8 : i32
          %parallel_loop3A_271 = arith.muli %parallel_loop3A_83, %parallel_loop3A_270 : i32
          %parallel_loop3A_272 = arith.constant 2 : i32
          %parallel_loop3A_273 = arith.addi %parallel_loop3A_271, %parallel_loop3A_272 : i32
          %parallel_loop3A_274 = arith.constant 64 : i32
          %parallel_loop3A_275 = arith.muli %parallel_loop3A_273, %parallel_loop3A_274 : i32
          %parallel_loop3A_276 = arith.constant 32 : i32
          %parallel_loop3A_277 = arith.addi %parallel_loop3A_275, %parallel_loop3A_276 : i32
          %parallel_loop3A_278 = arith.index_cast %parallel_loop3A_277 : i32 to index
          %parallel_loop3A_279 = tpu.vector_load %arg6[%parallel_loop3A_278] {strides = array<i32>} : memref<12800xf32, #tpu.memory_space<vmem>>, vector<16xf32>,
          %parallel_loop3A_280 = vector.shape_cast %parallel_loop3A_279 : vector<16xf32> to vector<16xf32>
          %parallel_loop3A_281 = vector.shape_cast %parallel_loop3A_269 : vector<16xf32> to vector<16xf32>
          tpu.vector_store %arg6[%parallel_loop3A_278], %parallel_loop3A_281 {strides = array<i32>} : memref<12800xf32, #tpu.memory_space<vmem>>, vector<16xf32>,
          %parallel_loop3A_282 = arith.constant 2 : i32
          %parallel_loop3A_283 = arith.index_cast %parallel_loop3A_83 : i32 to index
          %parallel_loop3A_284 = arith.index_cast %parallel_loop3A_282 : i32 to index
          %parallel_loop3A_285 = arith.constant 48 : index
          %parallel_loop3A_286 = tpu.vector_load %arg4[%parallel_loop3A_283, %parallel_loop3A_284, %parallel_loop3A_285] {strides = array<i32>} : memref<25x8x64xf32, #tpu.memory_space<vmem>>, vector<1x1x16xf32>,
          %parallel_loop3A_287 = vector.shape_cast %parallel_loop3A_286 : vector<1x1x16xf32> to vector<16xf32>
          %parallel_loop3A_288 = arith.constant 8 : i32
          %parallel_loop3A_289 = arith.muli %parallel_loop3A_83, %parallel_loop3A_288 : i32
          %parallel_loop3A_290 = arith.constant 2 : i32
          %parallel_loop3A_291 = arith.addi %parallel_loop3A_289, %parallel_loop3A_290 : i32
          %parallel_loop3A_292 = arith.constant 64 : i32
          %parallel_loop3A_293 = arith.muli %parallel_loop3A_291, %parallel_loop3A_292 : i32
          %parallel_loop3A_294 = arith.constant 48 : i32
          %parallel_loop3A_295 = arith.addi %parallel_loop3A_293, %parallel_loop3A_294 : i32
          %parallel_loop3A_296 = arith.index_cast %parallel_loop3A_295 : i32 to index
          %parallel_loop3A_297 = tpu.vector_load %arg6[%parallel_loop3A_296] {strides = array<i32>} : memref<12800xf32, #tpu.memory_space<vmem>>, vector<16xf32>,
          %parallel_loop3A_298 = vector.shape_cast %parallel_loop3A_297 : vector<16xf32> to vector<16xf32>
          %parallel_loop3A_299 = vector.shape_cast %parallel_loop3A_287 : vector<16xf32> to vector<16xf32>
          tpu.vector_store %arg6[%parallel_loop3A_296], %parallel_loop3A_299 {strides = array<i32>} : memref<12800xf32, #tpu.memory_space<vmem>>, vector<16xf32>,
          %parallel_loop3A_300 = arith.constant 3 : i32
          %parallel_loop3A_301 = arith.index_cast %parallel_loop3A_83 : i32 to index
          %parallel_loop3A_302 = arith.index_cast %parallel_loop3A_300 : i32 to index
          %parallel_loop3A_303 = arith.constant 0 : index
          %parallel_loop3A_304 = tpu.vector_load %arg4[%parallel_loop3A_301, %parallel_loop3A_302, %parallel_loop3A_303] {strides = array<i32>} : memref<25x8x64xf32, #tpu.memory_space<vmem>>, vector<1x1x16xf32>,
          %parallel_loop3A_305 = vector.shape_cast %parallel_loop3A_304 : vector<1x1x16xf32> to vector<16xf32>
          %parallel_loop3A_306 = arith.constant 8 : i32
          %parallel_loop3A_307 = arith.muli %parallel_loop3A_83, %parallel_loop3A_306 : i32
          %parallel_loop3A_308 = arith.constant 3 : i32
          %parallel_loop3A_309 = arith.addi %parallel_loop3A_307, %parallel_loop3A_308 : i32
          %parallel_loop3A_310 = arith.constant 64 : i32
          %parallel_loop3A_311 = arith.muli %parallel_loop3A_309, %parallel_loop3A_310 : i32
          %parallel_loop3A_312 = arith.constant 0 : i32
          %parallel_loop3A_313 = arith.addi %parallel_loop3A_311, %parallel_loop3A_312 : i32
          %parallel_loop3A_314 = arith.index_cast %parallel_loop3A_313 : i32 to index
          %parallel_loop3A_315 = tpu.vector_load %arg6[%parallel_loop3A_314] {strides = array<i32>} : memref<12800xf32, #tpu.memory_space<vmem>>, vector<16xf32>,
          %parallel_loop3A_316 = vector.shape_cast %parallel_loop3A_315 : vector<16xf32> to vector<16xf32>
          %parallel_loop3A_317 = vector.shape_cast %parallel_loop3A_305 : vector<16xf32> to vector<16xf32>
          tpu.vector_store %arg6[%parallel_loop3A_314], %parallel_loop3A_317 {strides = array<i32>} : memref<12800xf32, #tpu.memory_space<vmem>>, vector<16xf32>,
          %parallel_loop3A_318 = arith.constant 3 : i32
          %parallel_loop3A_319 = arith.index_cast %parallel_loop3A_83 : i32 to index
          %parallel_loop3A_320 = arith.index_cast %parallel_loop3A_318 : i32 to index
          %parallel_loop3A_321 = arith.constant 16 : index
          %parallel_loop3A_322 = tpu.vector_load %arg4[%parallel_loop3A_319, %parallel_loop3A_320, %parallel_loop3A_321] {strides = array<i32>} : memref<25x8x64xf32, #tpu.memory_space<vmem>>, vector<1x1x16xf32>,
          %parallel_loop3A_323 = vector.shape_cast %parallel_loop3A_322 : vector<1x1x16xf32> to vector<16xf32>
          %parallel_loop3A_324 = arith.constant 8 : i32
          %parallel_loop3A_325 = arith.muli %parallel_loop3A_83, %parallel_loop3A_324 : i32
          %parallel_loop3A_326 = arith.constant 3 : i32
          %parallel_loop3A_327 = arith.addi %parallel_loop3A_325, %parallel_loop3A_326 : i32
          %parallel_loop3A_328 = arith.constant 64 : i32
          %parallel_loop3A_329 = arith.muli %parallel_loop3A_327, %parallel_loop3A_328 : i32
          %parallel_loop3A_330 = arith.constant 16 : i32
          %parallel_loop3A_331 = arith.addi %parallel_loop3A_329, %parallel_loop3A_330 : i32
          %parallel_loop3A_332 = arith.index_cast %parallel_loop3A_331 : i32 to index
          %parallel_loop3A_333 = tpu.vector_load %arg6[%parallel_loop3A_332] {strides = array<i32>} : memref<12800xf32, #tpu.memory_space<vmem>>, vector<16xf32>,
          %parallel_loop3A_334 = vector.shape_cast %parallel_loop3A_333 : vector<16xf32> to vector<16xf32>
          %parallel_loop3A_335 = vector.shape_cast %parallel_loop3A_323 : vector<16xf32> to vector<16xf32>
          tpu.vector_store %arg6[%parallel_loop3A_332], %parallel_loop3A_335 {strides = array<i32>} : memref<12800xf32, #tpu.memory_space<vmem>>, vector<16xf32>,
          %parallel_loop3A_336 = arith.constant 3 : i32
          %parallel_loop3A_337 = arith.index_cast %parallel_loop3A_83 : i32 to index
          %parallel_loop3A_338 = arith.index_cast %parallel_loop3A_336 : i32 to index
          %parallel_loop3A_339 = arith.constant 32 : index
          %parallel_loop3A_340 = tpu.vector_load %arg4[%parallel_loop3A_337, %parallel_loop3A_338, %parallel_loop3A_339] {strides = array<i32>} : memref<25x8x64xf32, #tpu.memory_space<vmem>>, vector<1x1x16xf32>,
          %parallel_loop3A_341 = vector.shape_cast %parallel_loop3A_340 : vector<1x1x16xf32> to vector<16xf32>
          %parallel_loop3A_342 = arith.constant 8 : i32
          %parallel_loop3A_343 = arith.muli %parallel_loop3A_83, %parallel_loop3A_342 : i32
          %parallel_loop3A_344 = arith.constant 3 : i32
          %parallel_loop3A_345 = arith.addi %parallel_loop3A_343, %parallel_loop3A_344 : i32
          %parallel_loop3A_346 = arith.constant 64 : i32
          %parallel_loop3A_347 = arith.muli %parallel_loop3A_345, %parallel_loop3A_346 : i32
          %parallel_loop3A_348 = arith.constant 32 : i32
          %parallel_loop3A_349 = arith.addi %parallel_loop3A_347, %parallel_loop3A_348 : i32
          %parallel_loop3A_350 = arith.index_cast %parallel_loop3A_349 : i32 to index
          %parallel_loop3A_351 = tpu.vector_load %arg6[%parallel_loop3A_350] {strides = array<i32>} : memref<12800xf32, #tpu.memory_space<vmem>>, vector<16xf32>,
          %parallel_loop3A_352 = vector.shape_cast %parallel_loop3A_351 : vector<16xf32> to vector<16xf32>
          %parallel_loop3A_353 = vector.shape_cast %parallel_loop3A_341 : vector<16xf32> to vector<16xf32>
          tpu.vector_store %arg6[%parallel_loop3A_350], %parallel_loop3A_353 {strides = array<i32>} : memref<12800xf32, #tpu.memory_space<vmem>>, vector<16xf32>,
          %parallel_loop3A_354 = arith.constant 3 : i32
          %parallel_loop3A_355 = arith.index_cast %parallel_loop3A_83 : i32 to index
          %parallel_loop3A_356 = arith.index_cast %parallel_loop3A_354 : i32 to index
          %parallel_loop3A_357 = arith.constant 48 : index
          %parallel_loop3A_358 = tpu.vector_load %arg4[%parallel_loop3A_355, %parallel_loop3A_356, %parallel_loop3A_357] {strides = array<i32>} : memref<25x8x64xf32, #tpu.memory_space<vmem>>, vector<1x1x16xf32>,
          %parallel_loop3A_359 = vector.shape_cast %parallel_loop3A_358 : vector<1x1x16xf32> to vector<16xf32>
          %parallel_loop3A_360 = arith.constant 8 : i32
          %parallel_loop3A_361 = arith.muli %parallel_loop3A_83, %parallel_loop3A_360 : i32
          %parallel_loop3A_362 = arith.constant 3 : i32
          %parallel_loop3A_363 = arith.addi %parallel_loop3A_361, %parallel_loop3A_362 : i32
          %parallel_loop3A_364 = arith.constant 64 : i32
          %parallel_loop3A_365 = arith.muli %parallel_loop3A_363, %parallel_loop3A_364 : i32
          %parallel_loop3A_366 = arith.constant 48 : i32
          %parallel_loop3A_367 = arith.addi %parallel_loop3A_365, %parallel_loop3A_366 : i32
          %parallel_loop3A_368 = arith.index_cast %parallel_loop3A_367 : i32 to index
          %parallel_loop3A_369 = tpu.vector_load %arg6[%parallel_loop3A_368] {strides = array<i32>} : memref<12800xf32, #tpu.memory_space<vmem>>, vector<16xf32>,
          %parallel_loop3A_370 = vector.shape_cast %parallel_loop3A_369 : vector<16xf32> to vector<16xf32>
          %parallel_loop3A_371 = vector.shape_cast %parallel_loop3A_359 : vector<16xf32> to vector<16xf32>
          tpu.vector_store %arg6[%parallel_loop3A_368], %parallel_loop3A_371 {strides = array<i32>} : memref<12800xf32, #tpu.memory_space<vmem>>, vector<16xf32>,
          %parallel_loop3A_372 = arith.constant 4 : i32
          %parallel_loop3A_373 = arith.index_cast %parallel_loop3A_83 : i32 to index
          %parallel_loop3A_374 = arith.index_cast %parallel_loop3A_372 : i32 to index
          %parallel_loop3A_375 = arith.constant 0 : index
          %parallel_loop3A_376 = tpu.vector_load %arg4[%parallel_loop3A_373, %parallel_loop3A_374, %parallel_loop3A_375] {strides = array<i32>} : memref<25x8x64xf32, #tpu.memory_space<vmem>>, vector<1x1x16xf32>,
          %parallel_loop3A_377 = vector.shape_cast %parallel_loop3A_376 : vector<1x1x16xf32> to vector<16xf32>
          %parallel_loop3A_378 = arith.constant 8 : i32
          %parallel_loop3A_379 = arith.muli %parallel_loop3A_83, %parallel_loop3A_378 : i32
          %parallel_loop3A_380 = arith.constant 4 : i32
          %parallel_loop3A_381 = arith.addi %parallel_loop3A_379, %parallel_loop3A_380 : i32
          %parallel_loop3A_382 = arith.constant 64 : i32
          %parallel_loop3A_383 = arith.muli %parallel_loop3A_381, %parallel_loop3A_382 : i32
          %parallel_loop3A_384 = arith.constant 0 : i32
          %parallel_loop3A_385 = arith.addi %parallel_loop3A_383, %parallel_loop3A_384 : i32
          %parallel_loop3A_386 = arith.index_cast %parallel_loop3A_385 : i32 to index
          %parallel_loop3A_387 = tpu.vector_load %arg6[%parallel_loop3A_386] {strides = array<i32>} : memref<12800xf32, #tpu.memory_space<vmem>>, vector<16xf32>,
          %parallel_loop3A_388 = vector.shape_cast %parallel_loop3A_387 : vector<16xf32> to vector<16xf32>
          %parallel_loop3A_389 = vector.shape_cast %parallel_loop3A_377 : vector<16xf32> to vector<16xf32>
          tpu.vector_store %arg6[%parallel_loop3A_386], %parallel_loop3A_389 {strides = array<i32>} : memref<12800xf32, #tpu.memory_space<vmem>>, vector<16xf32>,
          %parallel_loop3A_390 = arith.constant 4 : i32
          %parallel_loop3A_391 = arith.index_cast %parallel_loop3A_83 : i32 to index
          %parallel_loop3A_392 = arith.index_cast %parallel_loop3A_390 : i32 to index
          %parallel_loop3A_393 = arith.constant 16 : index
          %parallel_loop3A_394 = tpu.vector_load %arg4[%parallel_loop3A_391, %parallel_loop3A_392, %parallel_loop3A_393] {strides = array<i32>} : memref<25x8x64xf32, #tpu.memory_space<vmem>>, vector<1x1x16xf32>,
          %parallel_loop3A_395 = vector.shape_cast %parallel_loop3A_394 : vector<1x1x16xf32> to vector<16xf32>
          %parallel_loop3A_396 = arith.constant 8 : i32
          %parallel_loop3A_397 = arith.muli %parallel_loop3A_83, %parallel_loop3A_396 : i32
          %parallel_loop3A_398 = arith.constant 4 : i32
          %parallel_loop3A_399 = arith.addi %parallel_loop3A_397, %parallel_loop3A_398 : i32
          %parallel_loop3A_400 = arith.constant 64 : i32
          %parallel_loop3A_401 = arith.muli %parallel_loop3A_399, %parallel_loop3A_400 : i32
          %parallel_loop3A_402 = arith.constant 16 : i32
          %parallel_loop3A_403 = arith.addi %parallel_loop3A_401, %parallel_loop3A_402 : i32
          %parallel_loop3A_404 = arith.index_cast %parallel_loop3A_403 : i32 to index
          %parallel_loop3A_405 = tpu.vector_load %arg6[%parallel_loop3A_404] {strides = array<i32>} : memref<12800xf32, #tpu.memory_space<vmem>>, vector<16xf32>,
          %parallel_loop3A_406 = vector.shape_cast %parallel_loop3A_405 : vector<16xf32> to vector<16xf32>
          %parallel_loop3A_407 = vector.shape_cast %parallel_loop3A_395 : vector<16xf32> to vector<16xf32>
          tpu.vector_store %arg6[%parallel_loop3A_404], %parallel_loop3A_407 {strides = array<i32>} : memref<12800xf32, #tpu.memory_space<vmem>>, vector<16xf32>,
          %parallel_loop3A_408 = arith.constant 4 : i32
          %parallel_loop3A_409 = arith.index_cast %parallel_loop3A_83 : i32 to index
          %parallel_loop3A_410 = arith.index_cast %parallel_loop3A_408 : i32 to index
          %parallel_loop3A_411 = arith.constant 32 : index
          %parallel_loop3A_412 = tpu.vector_load %arg4[%parallel_loop3A_409, %parallel_loop3A_410, %parallel_loop3A_411] {strides = array<i32>} : memref<25x8x64xf32, #tpu.memory_space<vmem>>, vector<1x1x16xf32>,
          %parallel_loop3A_413 = vector.shape_cast %parallel_loop3A_412 : vector<1x1x16xf32> to vector<16xf32>
          %parallel_loop3A_414 = arith.constant 8 : i32
          %parallel_loop3A_415 = arith.muli %parallel_loop3A_83, %parallel_loop3A_414 : i32
          %parallel_loop3A_416 = arith.constant 4 : i32
          %parallel_loop3A_417 = arith.addi %parallel_loop3A_415, %parallel_loop3A_416 : i32
          %parallel_loop3A_418 = arith.constant 64 : i32
          %parallel_loop3A_419 = arith.muli %parallel_loop3A_417, %parallel_loop3A_418 : i32
          %parallel_loop3A_420 = arith.constant 32 : i32
          %parallel_loop3A_421 = arith.addi %parallel_loop3A_419, %parallel_loop3A_420 : i32
          %parallel_loop3A_422 = arith.index_cast %parallel_loop3A_421 : i32 to index
          %parallel_loop3A_423 = tpu.vector_load %arg6[%parallel_loop3A_422] {strides = array<i32>} : memref<12800xf32, #tpu.memory_space<vmem>>, vector<16xf32>,
          %parallel_loop3A_424 = vector.shape_cast %parallel_loop3A_423 : vector<16xf32> to vector<16xf32>
          %parallel_loop3A_425 = vector.shape_cast %parallel_loop3A_413 : vector<16xf32> to vector<16xf32>
          tpu.vector_store %arg6[%parallel_loop3A_422], %parallel_loop3A_425 {strides = array<i32>} : memref<12800xf32, #tpu.memory_space<vmem>>, vector<16xf32>,
          %parallel_loop3A_426 = arith.constant 4 : i32
          %parallel_loop3A_427 = arith.index_cast %parallel_loop3A_83 : i32 to index
          %parallel_loop3A_428 = arith.index_cast %parallel_loop3A_426 : i32 to index
          %parallel_loop3A_429 = arith.constant 48 : index
          %parallel_loop3A_430 = tpu.vector_load %arg4[%parallel_loop3A_427, %parallel_loop3A_428, %parallel_loop3A_429] {strides = array<i32>} : memref<25x8x64xf32, #tpu.memory_space<vmem>>, vector<1x1x16xf32>,
          %parallel_loop3A_431 = vector.shape_cast %parallel_loop3A_430 : vector<1x1x16xf32> to vector<16xf32>
          %parallel_loop3A_432 = arith.constant 8 : i32
          %parallel_loop3A_433 = arith.muli %parallel_loop3A_83, %parallel_loop3A_432 : i32
          %parallel_loop3A_434 = arith.constant 4 : i32
          %parallel_loop3A_435 = arith.addi %parallel_loop3A_433, %parallel_loop3A_434 : i32
          %parallel_loop3A_436 = arith.constant 64 : i32
          %parallel_loop3A_437 = arith.muli %parallel_loop3A_435, %parallel_loop3A_436 : i32
          %parallel_loop3A_438 = arith.constant 48 : i32
          %parallel_loop3A_439 = arith.addi %parallel_loop3A_437, %parallel_loop3A_438 : i32
          %parallel_loop3A_440 = arith.index_cast %parallel_loop3A_439 : i32 to index
          %parallel_loop3A_441 = tpu.vector_load %arg6[%parallel_loop3A_440] {strides = array<i32>} : memref<12800xf32, #tpu.memory_space<vmem>>, vector<16xf32>,
          %parallel_loop3A_442 = vector.shape_cast %parallel_loop3A_441 : vector<16xf32> to vector<16xf32>
          %parallel_loop3A_443 = vector.shape_cast %parallel_loop3A_431 : vector<16xf32> to vector<16xf32>
          tpu.vector_store %arg6[%parallel_loop3A_440], %parallel_loop3A_443 {strides = array<i32>} : memref<12800xf32, #tpu.memory_space<vmem>>, vector<16xf32>,
          %parallel_loop3A_444 = arith.constant 5 : i32
          %parallel_loop3A_445 = arith.index_cast %parallel_loop3A_83 : i32 to index
          %parallel_loop3A_446 = arith.index_cast %parallel_loop3A_444 : i32 to index
          %parallel_loop3A_447 = arith.constant 0 : index
          %parallel_loop3A_448 = tpu.vector_load %arg4[%parallel_loop3A_445, %parallel_loop3A_446, %parallel_loop3A_447] {strides = array<i32>} : memref<25x8x64xf32, #tpu.memory_space<vmem>>, vector<1x1x16xf32>,
          %parallel_loop3A_449 = vector.shape_cast %parallel_loop3A_448 : vector<1x1x16xf32> to vector<16xf32>
          %parallel_loop3A_450 = arith.constant 8 : i32
          %parallel_loop3A_451 = arith.muli %parallel_loop3A_83, %parallel_loop3A_450 : i32
          %parallel_loop3A_452 = arith.constant 5 : i32
          %parallel_loop3A_453 = arith.addi %parallel_loop3A_451, %parallel_loop3A_452 : i32
          %parallel_loop3A_454 = arith.constant 64 : i32
          %parallel_loop3A_455 = arith.muli %parallel_loop3A_453, %parallel_loop3A_454 : i32
          %parallel_loop3A_456 = arith.constant 0 : i32
          %parallel_loop3A_457 = arith.addi %parallel_loop3A_455, %parallel_loop3A_456 : i32
          %parallel_loop3A_458 = arith.index_cast %parallel_loop3A_457 : i32 to index
          %parallel_loop3A_459 = tpu.vector_load %arg6[%parallel_loop3A_458] {strides = array<i32>} : memref<12800xf32, #tpu.memory_space<vmem>>, vector<16xf32>,
          %parallel_loop3A_460 = vector.shape_cast %parallel_loop3A_459 : vector<16xf32> to vector<16xf32>
          %parallel_loop3A_461 = vector.shape_cast %parallel_loop3A_449 : vector<16xf32> to vector<16xf32>
          tpu.vector_store %arg6[%parallel_loop3A_458], %parallel_loop3A_461 {strides = array<i32>} : memref<12800xf32, #tpu.memory_space<vmem>>, vector<16xf32>,
          %parallel_loop3A_462 = arith.constant 5 : i32
          %parallel_loop3A_463 = arith.index_cast %parallel_loop3A_83 : i32 to index
          %parallel_loop3A_464 = arith.index_cast %parallel_loop3A_462 : i32 to index
          %parallel_loop3A_465 = arith.constant 16 : index
          %parallel_loop3A_466 = tpu.vector_load %arg4[%parallel_loop3A_463, %parallel_loop3A_464, %parallel_loop3A_465] {strides = array<i32>} : memref<25x8x64xf32, #tpu.memory_space<vmem>>, vector<1x1x16xf32>,
          %parallel_loop3A_467 = vector.shape_cast %parallel_loop3A_466 : vector<1x1x16xf32> to vector<16xf32>
          %parallel_loop3A_468 = arith.constant 8 : i32
          %parallel_loop3A_469 = arith.muli %parallel_loop3A_83, %parallel_loop3A_468 : i32
          %parallel_loop3A_470 = arith.constant 5 : i32
          %parallel_loop3A_471 = arith.addi %parallel_loop3A_469, %parallel_loop3A_470 : i32
          %parallel_loop3A_472 = arith.constant 64 : i32
          %parallel_loop3A_473 = arith.muli %parallel_loop3A_471, %parallel_loop3A_472 : i32
          %parallel_loop3A_474 = arith.constant 16 : i32
          %parallel_loop3A_475 = arith.addi %parallel_loop3A_473, %parallel_loop3A_474 : i32
          %parallel_loop3A_476 = arith.index_cast %parallel_loop3A_475 : i32 to index
          %parallel_loop3A_477 = tpu.vector_load %arg6[%parallel_loop3A_476] {strides = array<i32>} : memref<12800xf32, #tpu.memory_space<vmem>>, vector<16xf32>,
          %parallel_loop3A_478 = vector.shape_cast %parallel_loop3A_477 : vector<16xf32> to vector<16xf32>
          %parallel_loop3A_479 = vector.shape_cast %parallel_loop3A_467 : vector<16xf32> to vector<16xf32>
          tpu.vector_store %arg6[%parallel_loop3A_476], %parallel_loop3A_479 {strides = array<i32>} : memref<12800xf32, #tpu.memory_space<vmem>>, vector<16xf32>,
          %parallel_loop3A_480 = arith.constant 5 : i32
          %parallel_loop3A_481 = arith.index_cast %parallel_loop3A_83 : i32 to index
          %parallel_loop3A_482 = arith.index_cast %parallel_loop3A_480 : i32 to index
          %parallel_loop3A_483 = arith.constant 32 : index
          %parallel_loop3A_484 = tpu.vector_load %arg4[%parallel_loop3A_481, %parallel_loop3A_482, %parallel_loop3A_483] {strides = array<i32>} : memref<25x8x64xf32, #tpu.memory_space<vmem>>, vector<1x1x16xf32>,
          %parallel_loop3A_485 = vector.shape_cast %parallel_loop3A_484 : vector<1x1x16xf32> to vector<16xf32>
          %parallel_loop3A_486 = arith.constant 8 : i32
          %parallel_loop3A_487 = arith.muli %parallel_loop3A_83, %parallel_loop3A_486 : i32
          %parallel_loop3A_488 = arith.constant 5 : i32
          %parallel_loop3A_489 = arith.addi %parallel_loop3A_487, %parallel_loop3A_488 : i32
          %parallel_loop3A_490 = arith.constant 64 : i32
          %parallel_loop3A_491 = arith.muli %parallel_loop3A_489, %parallel_loop3A_490 : i32
          %parallel_loop3A_492 = arith.constant 32 : i32
          %parallel_loop3A_493 = arith.addi %parallel_loop3A_491, %parallel_loop3A_492 : i32
          %parallel_loop3A_494 = arith.index_cast %parallel_loop3A_493 : i32 to index
          %parallel_loop3A_495 = tpu.vector_load %arg6[%parallel_loop3A_494] {strides = array<i32>} : memref<12800xf32, #tpu.memory_space<vmem>>, vector<16xf32>,
          %parallel_loop3A_496 = vector.shape_cast %parallel_loop3A_495 : vector<16xf32> to vector<16xf32>
          %parallel_loop3A_497 = vector.shape_cast %parallel_loop3A_485 : vector<16xf32> to vector<16xf32>
          tpu.vector_store %arg6[%parallel_loop3A_494], %parallel_loop3A_497 {strides = array<i32>} : memref<12800xf32, #tpu.memory_space<vmem>>, vector<16xf32>,
          %parallel_loop3A_498 = arith.constant 5 : i32
          %parallel_loop3A_499 = arith.index_cast %parallel_loop3A_83 : i32 to index
          %parallel_loop3A_500 = arith.index_cast %parallel_loop3A_498 : i32 to index
          %parallel_loop3A_501 = arith.constant 48 : index
          %parallel_loop3A_502 = tpu.vector_load %arg4[%parallel_loop3A_499, %parallel_loop3A_500, %parallel_loop3A_501] {strides = array<i32>} : memref<25x8x64xf32, #tpu.memory_space<vmem>>, vector<1x1x16xf32>,
          %parallel_loop3A_503 = vector.shape_cast %parallel_loop3A_502 : vector<1x1x16xf32> to vector<16xf32>
          %parallel_loop3A_504 = arith.constant 8 : i32
          %parallel_loop3A_505 = arith.muli %parallel_loop3A_83, %parallel_loop3A_504 : i32
          %parallel_loop3A_506 = arith.constant 5 : i32
          %parallel_loop3A_507 = arith.addi %parallel_loop3A_505, %parallel_loop3A_506 : i32
          %parallel_loop3A_508 = arith.constant 64 : i32
          %parallel_loop3A_509 = arith.muli %parallel_loop3A_507, %parallel_loop3A_508 : i32
          %parallel_loop3A_510 = arith.constant 48 : i32
          %parallel_loop3A_511 = arith.addi %parallel_loop3A_509, %parallel_loop3A_510 : i32
          %parallel_loop3A_512 = arith.index_cast %parallel_loop3A_511 : i32 to index
          %parallel_loop3A_513 = tpu.vector_load %arg6[%parallel_loop3A_512] {strides = array<i32>} : memref<12800xf32, #tpu.memory_space<vmem>>, vector<16xf32>,
          %parallel_loop3A_514 = vector.shape_cast %parallel_loop3A_513 : vector<16xf32> to vector<16xf32>
          %parallel_loop3A_515 = vector.shape_cast %parallel_loop3A_503 : vector<16xf32> to vector<16xf32>
          tpu.vector_store %arg6[%parallel_loop3A_512], %parallel_loop3A_515 {strides = array<i32>} : memref<12800xf32, #tpu.memory_space<vmem>>, vector<16xf32>,
          %parallel_loop3A_516 = arith.constant 6 : i32
          %parallel_loop3A_517 = arith.index_cast %parallel_loop3A_83 : i32 to index
          %parallel_loop3A_518 = arith.index_cast %parallel_loop3A_516 : i32 to index
          %parallel_loop3A_519 = arith.constant 0 : index
          %parallel_loop3A_520 = tpu.vector_load %arg4[%parallel_loop3A_517, %parallel_loop3A_518, %parallel_loop3A_519] {strides = array<i32>} : memref<25x8x64xf32, #tpu.memory_space<vmem>>, vector<1x1x16xf32>,
          %parallel_loop3A_521 = vector.shape_cast %parallel_loop3A_520 : vector<1x1x16xf32> to vector<16xf32>
          %parallel_loop3A_522 = arith.constant 8 : i32
          %parallel_loop3A_523 = arith.muli %parallel_loop3A_83, %parallel_loop3A_522 : i32
          %parallel_loop3A_524 = arith.constant 6 : i32
          %parallel_loop3A_525 = arith.addi %parallel_loop3A_523, %parallel_loop3A_524 : i32
          %parallel_loop3A_526 = arith.constant 64 : i32
          %parallel_loop3A_527 = arith.muli %parallel_loop3A_525, %parallel_loop3A_526 : i32
          %parallel_loop3A_528 = arith.constant 0 : i32
          %parallel_loop3A_529 = arith.addi %parallel_loop3A_527, %parallel_loop3A_528 : i32
          %parallel_loop3A_530 = arith.index_cast %parallel_loop3A_529 : i32 to index
          %parallel_loop3A_531 = tpu.vector_load %arg6[%parallel_loop3A_530] {strides = array<i32>} : memref<12800xf32, #tpu.memory_space<vmem>>, vector<16xf32>,
          %parallel_loop3A_532 = vector.shape_cast %parallel_loop3A_531 : vector<16xf32> to vector<16xf32>
          %parallel_loop3A_533 = vector.shape_cast %parallel_loop3A_521 : vector<16xf32> to vector<16xf32>
          tpu.vector_store %arg6[%parallel_loop3A_530], %parallel_loop3A_533 {strides = array<i32>} : memref<12800xf32, #tpu.memory_space<vmem>>, vector<16xf32>,
          %parallel_loop3A_534 = arith.constant 6 : i32
          %parallel_loop3A_535 = arith.index_cast %parallel_loop3A_83 : i32 to index
          %parallel_loop3A_536 = arith.index_cast %parallel_loop3A_534 : i32 to index
          %parallel_loop3A_537 = arith.constant 16 : index
          %parallel_loop3A_538 = tpu.vector_load %arg4[%parallel_loop3A_535, %parallel_loop3A_536, %parallel_loop3A_537] {strides = array<i32>} : memref<25x8x64xf32, #tpu.memory_space<vmem>>, vector<1x1x16xf32>,
          %parallel_loop3A_539 = vector.shape_cast %parallel_loop3A_538 : vector<1x1x16xf32> to vector<16xf32>
          %parallel_loop3A_540 = arith.constant 8 : i32
          %parallel_loop3A_541 = arith.muli %parallel_loop3A_83, %parallel_loop3A_540 : i32
          %parallel_loop3A_542 = arith.constant 6 : i32
          %parallel_loop3A_543 = arith.addi %parallel_loop3A_541, %parallel_loop3A_542 : i32
          %parallel_loop3A_544 = arith.constant 64 : i32
          %parallel_loop3A_545 = arith.muli %parallel_loop3A_543, %parallel_loop3A_544 : i32
          %parallel_loop3A_546 = arith.constant 16 : i32
          %parallel_loop3A_547 = arith.addi %parallel_loop3A_545, %parallel_loop3A_546 : i32
          %parallel_loop3A_548 = arith.index_cast %parallel_loop3A_547 : i32 to index
          %parallel_loop3A_549 = tpu.vector_load %arg6[%parallel_loop3A_548] {strides = array<i32>} : memref<12800xf32, #tpu.memory_space<vmem>>, vector<16xf32>,
          %parallel_loop3A_550 = vector.shape_cast %parallel_loop3A_549 : vector<16xf32> to vector<16xf32>
          %parallel_loop3A_551 = vector.shape_cast %parallel_loop3A_539 : vector<16xf32> to vector<16xf32>
          tpu.vector_store %arg6[%parallel_loop3A_548], %parallel_loop3A_551 {strides = array<i32>} : memref<12800xf32, #tpu.memory_space<vmem>>, vector<16xf32>,
          %parallel_loop3A_552 = arith.constant 6 : i32
          %parallel_loop3A_553 = arith.index_cast %parallel_loop3A_83 : i32 to index
          %parallel_loop3A_554 = arith.index_cast %parallel_loop3A_552 : i32 to index
          %parallel_loop3A_555 = arith.constant 32 : index
          %parallel_loop3A_556 = tpu.vector_load %arg4[%parallel_loop3A_553, %parallel_loop3A_554, %parallel_loop3A_555] {strides = array<i32>} : memref<25x8x64xf32, #tpu.memory_space<vmem>>, vector<1x1x16xf32>,
          %parallel_loop3A_557 = vector.shape_cast %parallel_loop3A_556 : vector<1x1x16xf32> to vector<16xf32>
          %parallel_loop3A_558 = arith.constant 8 : i32
          %parallel_loop3A_559 = arith.muli %parallel_loop3A_83, %parallel_loop3A_558 : i32
          %parallel_loop3A_560 = arith.constant 6 : i32
          %parallel_loop3A_561 = arith.addi %parallel_loop3A_559, %parallel_loop3A_560 : i32
          %parallel_loop3A_562 = arith.constant 64 : i32
          %parallel_loop3A_563 = arith.muli %parallel_loop3A_561, %parallel_loop3A_562 : i32
          %parallel_loop3A_564 = arith.constant 32 : i32
          %parallel_loop3A_565 = arith.addi %parallel_loop3A_563, %parallel_loop3A_564 : i32
          %parallel_loop3A_566 = arith.index_cast %parallel_loop3A_565 : i32 to index
          %parallel_loop3A_567 = tpu.vector_load %arg6[%parallel_loop3A_566] {strides = array<i32>} : memref<12800xf32, #tpu.memory_space<vmem>>, vector<16xf32>,
          %parallel_loop3A_568 = vector.shape_cast %parallel_loop3A_567 : vector<16xf32> to vector<16xf32>
          %parallel_loop3A_569 = vector.shape_cast %parallel_loop3A_557 : vector<16xf32> to vector<16xf32>
          tpu.vector_store %arg6[%parallel_loop3A_566], %parallel_loop3A_569 {strides = array<i32>} : memref<12800xf32, #tpu.memory_space<vmem>>, vector<16xf32>,
          %parallel_loop3A_570 = arith.constant 6 : i32
          %parallel_loop3A_571 = arith.index_cast %parallel_loop3A_83 : i32 to index
          %parallel_loop3A_572 = arith.index_cast %parallel_loop3A_570 : i32 to index
          %parallel_loop3A_573 = arith.constant 48 : index
          %parallel_loop3A_574 = tpu.vector_load %arg4[%parallel_loop3A_571, %parallel_loop3A_572, %parallel_loop3A_573] {strides = array<i32>} : memref<25x8x64xf32, #tpu.memory_space<vmem>>, vector<1x1x16xf32>,
          %parallel_loop3A_575 = vector.shape_cast %parallel_loop3A_574 : vector<1x1x16xf32> to vector<16xf32>
          %parallel_loop3A_576 = arith.constant 8 : i32
          %parallel_loop3A_577 = arith.muli %parallel_loop3A_83, %parallel_loop3A_576 : i32
          %parallel_loop3A_578 = arith.constant 6 : i32
          %parallel_loop3A_579 = arith.addi %parallel_loop3A_577, %parallel_loop3A_578 : i32
          %parallel_loop3A_580 = arith.constant 64 : i32
          %parallel_loop3A_581 = arith.muli %parallel_loop3A_579, %parallel_loop3A_580 : i32
          %parallel_loop3A_582 = arith.constant 48 : i32
          %parallel_loop3A_583 = arith.addi %parallel_loop3A_581, %parallel_loop3A_582 : i32
          %parallel_loop3A_584 = arith.index_cast %parallel_loop3A_583 : i32 to index
          %parallel_loop3A_585 = tpu.vector_load %arg6[%parallel_loop3A_584] {strides = array<i32>} : memref<12800xf32, #tpu.memory_space<vmem>>, vector<16xf32>,
          %parallel_loop3A_586 = vector.shape_cast %parallel_loop3A_585 : vector<16xf32> to vector<16xf32>
          %parallel_loop3A_587 = vector.shape_cast %parallel_loop3A_575 : vector<16xf32> to vector<16xf32>
          tpu.vector_store %arg6[%parallel_loop3A_584], %parallel_loop3A_587 {strides = array<i32>} : memref<12800xf32, #tpu.memory_space<vmem>>, vector<16xf32>,
          %parallel_loop3A_588 = arith.constant 7 : i32
          %parallel_loop3A_589 = arith.index_cast %parallel_loop3A_83 : i32 to index
          %parallel_loop3A_590 = arith.index_cast %parallel_loop3A_588 : i32 to index
          %parallel_loop3A_591 = arith.constant 0 : index
          %parallel_loop3A_592 = tpu.vector_load %arg4[%parallel_loop3A_589, %parallel_loop3A_590, %parallel_loop3A_591] {strides = array<i32>} : memref<25x8x64xf32, #tpu.memory_space<vmem>>, vector<1x1x16xf32>,
          %parallel_loop3A_593 = vector.shape_cast %parallel_loop3A_592 : vector<1x1x16xf32> to vector<16xf32>
          %parallel_loop3A_594 = arith.constant 8 : i32
          %parallel_loop3A_595 = arith.muli %parallel_loop3A_83, %parallel_loop3A_594 : i32
          %parallel_loop3A_596 = arith.constant 7 : i32
          %parallel_loop3A_597 = arith.addi %parallel_loop3A_595, %parallel_loop3A_596 : i32
          %parallel_loop3A_598 = arith.constant 64 : i32
          %parallel_loop3A_599 = arith.muli %parallel_loop3A_597, %parallel_loop3A_598 : i32
          %parallel_loop3A_600 = arith.constant 0 : i32
          %parallel_loop3A_601 = arith.addi %parallel_loop3A_599, %parallel_loop3A_600 : i32
          %parallel_loop3A_602 = arith.index_cast %parallel_loop3A_601 : i32 to index
          %parallel_loop3A_603 = tpu.vector_load %arg6[%parallel_loop3A_602] {strides = array<i32>} : memref<12800xf32, #tpu.memory_space<vmem>>, vector<16xf32>,
          %parallel_loop3A_604 = vector.shape_cast %parallel_loop3A_603 : vector<16xf32> to vector<16xf32>
          %parallel_loop3A_605 = vector.shape_cast %parallel_loop3A_593 : vector<16xf32> to vector<16xf32>
          tpu.vector_store %arg6[%parallel_loop3A_602], %parallel_loop3A_605 {strides = array<i32>} : memref<12800xf32, #tpu.memory_space<vmem>>, vector<16xf32>,
          %parallel_loop3A_606 = arith.constant 7 : i32
          %parallel_loop3A_607 = arith.index_cast %parallel_loop3A_83 : i32 to index
          %parallel_loop3A_608 = arith.index_cast %parallel_loop3A_606 : i32 to index
          %parallel_loop3A_609 = arith.constant 16 : index
          %parallel_loop3A_610 = tpu.vector_load %arg4[%parallel_loop3A_607, %parallel_loop3A_608, %parallel_loop3A_609] {strides = array<i32>} : memref<25x8x64xf32, #tpu.memory_space<vmem>>, vector<1x1x16xf32>,
          %parallel_loop3A_611 = vector.shape_cast %parallel_loop3A_610 : vector<1x1x16xf32> to vector<16xf32>
          %parallel_loop3A_612 = arith.constant 8 : i32
          %parallel_loop3A_613 = arith.muli %parallel_loop3A_83, %parallel_loop3A_612 : i32
          %parallel_loop3A_614 = arith.constant 7 : i32
          %parallel_loop3A_615 = arith.addi %parallel_loop3A_613, %parallel_loop3A_614 : i32
          %parallel_loop3A_616 = arith.constant 64 : i32
          %parallel_loop3A_617 = arith.muli %parallel_loop3A_615, %parallel_loop3A_616 : i32
          %parallel_loop3A_618 = arith.constant 16 : i32
          %parallel_loop3A_619 = arith.addi %parallel_loop3A_617, %parallel_loop3A_618 : i32
          %parallel_loop3A_620 = arith.index_cast %parallel_loop3A_619 : i32 to index
          %parallel_loop3A_621 = tpu.vector_load %arg6[%parallel_loop3A_620] {strides = array<i32>} : memref<12800xf32, #tpu.memory_space<vmem>>, vector<16xf32>,
          %parallel_loop3A_622 = vector.shape_cast %parallel_loop3A_621 : vector<16xf32> to vector<16xf32>
          %parallel_loop3A_623 = vector.shape_cast %parallel_loop3A_611 : vector<16xf32> to vector<16xf32>
          tpu.vector_store %arg6[%parallel_loop3A_620], %parallel_loop3A_623 {strides = array<i32>} : memref<12800xf32, #tpu.memory_space<vmem>>, vector<16xf32>,
          %parallel_loop3A_624 = arith.constant 7 : i32
          %parallel_loop3A_625 = arith.index_cast %parallel_loop3A_83 : i32 to index
          %parallel_loop3A_626 = arith.index_cast %parallel_loop3A_624 : i32 to index
          %parallel_loop3A_627 = arith.constant 32 : index
          %parallel_loop3A_628 = tpu.vector_load %arg4[%parallel_loop3A_625, %parallel_loop3A_626, %parallel_loop3A_627] {strides = array<i32>} : memref<25x8x64xf32, #tpu.memory_space<vmem>>, vector<1x1x16xf32>,
          %parallel_loop3A_629 = vector.shape_cast %parallel_loop3A_628 : vector<1x1x16xf32> to vector<16xf32>
          %parallel_loop3A_630 = arith.constant 8 : i32
          %parallel_loop3A_631 = arith.muli %parallel_loop3A_83, %parallel_loop3A_630 : i32
          %parallel_loop3A_632 = arith.constant 7 : i32
          %parallel_loop3A_633 = arith.addi %parallel_loop3A_631, %parallel_loop3A_632 : i32
          %parallel_loop3A_634 = arith.constant 64 : i32
          %parallel_loop3A_635 = arith.muli %parallel_loop3A_633, %parallel_loop3A_634 : i32
          %parallel_loop3A_636 = arith.constant 32 : i32
          %parallel_loop3A_637 = arith.addi %parallel_loop3A_635, %parallel_loop3A_636 : i32
          %parallel_loop3A_638 = arith.index_cast %parallel_loop3A_637 : i32 to index
          %parallel_loop3A_639 = tpu.vector_load %arg6[%parallel_loop3A_638] {strides = array<i32>} : memref<12800xf32, #tpu.memory_space<vmem>>, vector<16xf32>,
          %parallel_loop3A_640 = vector.shape_cast %parallel_loop3A_639 : vector<16xf32> to vector<16xf32>
          %parallel_loop3A_641 = vector.shape_cast %parallel_loop3A_629 : vector<16xf32> to vector<16xf32>
          tpu.vector_store %arg6[%parallel_loop3A_638], %parallel_loop3A_641 {strides = array<i32>} : memref<12800xf32, #tpu.memory_space<vmem>>, vector<16xf32>,
          %parallel_loop3A_642 = arith.constant 7 : i32
          %parallel_loop3A_643 = arith.index_cast %parallel_loop3A_83 : i32 to index
          %parallel_loop3A_644 = arith.index_cast %parallel_loop3A_642 : i32 to index
          %parallel_loop3A_645 = arith.constant 48 : index
          %parallel_loop3A_646 = tpu.vector_load %arg4[%parallel_loop3A_643, %parallel_loop3A_644, %parallel_loop3A_645] {strides = array<i32>} : memref<25x8x64xf32, #tpu.memory_space<vmem>>, vector<1x1x16xf32>,
          %parallel_loop3A_647 = vector.shape_cast %parallel_loop3A_646 : vector<1x1x16xf32> to vector<16xf32>
          %parallel_loop3A_648 = arith.constant 8 : i32
          %parallel_loop3A_649 = arith.muli %parallel_loop3A_83, %parallel_loop3A_648 : i32
          %parallel_loop3A_650 = arith.constant 7 : i32
          %parallel_loop3A_651 = arith.addi %parallel_loop3A_649, %parallel_loop3A_650 : i32
          %parallel_loop3A_652 = arith.constant 64 : i32
          %parallel_loop3A_653 = arith.muli %parallel_loop3A_651, %parallel_loop3A_652 : i32
          %parallel_loop3A_654 = arith.constant 48 : i32
          %parallel_loop3A_655 = arith.addi %parallel_loop3A_653, %parallel_loop3A_654 : i32
          %parallel_loop3A_656 = arith.index_cast %parallel_loop3A_655 : i32 to index
          %parallel_loop3A_657 = tpu.vector_load %arg6[%parallel_loop3A_656] {strides = array<i32>} : memref<12800xf32, #tpu.memory_space<vmem>>, vector<16xf32>,
          %parallel_loop3A_658 = vector.shape_cast %parallel_loop3A_657 : vector<16xf32> to vector<16xf32>
          %parallel_loop3A_659 = vector.shape_cast %parallel_loop3A_647 : vector<16xf32> to vector<16xf32>
          tpu.vector_store %arg6[%parallel_loop3A_656], %parallel_loop3A_659 {strides = array<i32>} : memref<12800xf32, #tpu.memory_space<vmem>>, vector<16xf32>,
        } {sc.loop_unroll_factor = 1 : i64, sc.parallel_access}
        %mul3A_75 = arith.constant 32 : i32
        %mul3A_76 = arith.muli %sub3A_49, %mul3A_75 : i32
        %add3A_77 = arith.addi %add3A, %mul3A_76 : i32
        %mul3A_78 = arith.constant 200 : i32
        %mul3A_79 = arith.muli %add3A_77, %mul3A_78 : i32
        %mul3A_80 = arith.constant 64 : i32
        %mul3A_81 = arith.muli %mul3A_79, %mul3A_80 : i32
        %dma_start3A = tpu.memref_slice %arg3[%mul3A_81] : memref<64000000xf32, #tpu.memory_space<hbm>> -> memref<12800xf32, #tpu.memory_space<hbm>>
        %dma_start3A_82 = tpu.memref_slice %arg3[%mul3A_81] : memref<64000000xf32, #tpu.memory_space<hbm>> -> memref<12800xf32, #tpu.memory_space<hbm>>
        tpu.enqueue_dma source(%arg6 : memref<12800xf32, #tpu.memory_space<vmem>>) target(%dma_start3A_82 : memref<12800xf32, #tpu.memory_space<hbm>>) target_semaphore(%arg10 : memref<!tpu.dma_semaphore, #tpu.memory_space<semaphore_mem>>)
      } else {
      }
    }
    %scan3A_7 = arith.constant 80 : i32
    %sub3A = arith.constant 2 : i32
    %sub3A_8 = arith.subi %select_n3A, %sub3A : i32
    %mul3A_9 = arith.constant 32 : i32
    %mul3A_10 = arith.muli %sub3A_8, %mul3A_9 : i32
    %add3A_11 = arith.addi %add3A, %mul3A_10 : i32
    %mul3A_12 = arith.constant 200 : i32
    %mul3A_13 = arith.muli %add3A_11, %mul3A_12 : i32
    %mul3A_14 = arith.constant 64 : i32
    %mul3A_15 = arith.muli %mul3A_13, %mul3A_14 : i32
    %dma_wait3A = tpu.memref_slice %arg3[%mul3A_15] : memref<64000000xf32, #tpu.memory_space<hbm>> -> memref<12800xf32, #tpu.memory_space<hbm>>
    %dma_wait3A_16 = tpu.memref_slice %arg3[%mul3A_15] : memref<64000000xf32, #tpu.memory_space<hbm>> -> memref<12800xf32, #tpu.memory_space<hbm>>
    tpu.wait_dma2 semaphore(%arg10 : memref<!tpu.dma_semaphore, #tpu.memory_space<semaphore_mem>>) src(%arg6 : memref<12800xf32, #tpu.memory_space<vmem>>) dst(%dma_wait3A_16 : memref<12800xf32, #tpu.memory_space<hbm>>)
    %sub3A_17 = arith.constant 2 : i32
    %sub3A_18 = arith.subi %select_n3A, %sub3A_17 : i32
    %mul3A_19 = arith.constant 32 : i32
    %mul3A_20 = arith.muli %sub3A_18, %mul3A_19 : i32
    %add3A_21 = arith.addi %add3A, %mul3A_20 : i32
    %mul3A_22 = arith.constant 200 : i32
    %mul3A_23 = arith.muli %add3A_21, %mul3A_22 : i32
    %mul3A_24 = arith.constant 64 : i32
    %mul3A_25 = arith.muli %mul3A_23, %mul3A_24 : i32
    %dma_wait3A_26 = tpu.memref_slice %arg3[%mul3A_25] : memref<64000000xf32, #tpu.memory_space<hbm>> -> memref<12800xf32, #tpu.memory_space<hbm>>
    %dma_wait3A_27 = tpu.memref_slice %arg3[%mul3A_25] : memref<64000000xf32, #tpu.memory_space<hbm>> -> memref<12800xf32, #tpu.memory_space<hbm>>
    tpu.wait_dma2 semaphore(%arg11 : memref<!tpu.dma_semaphore, #tpu.memory_space<semaphore_mem>>) src(%arg7 : memref<12800xf32, #tpu.memory_space<vmem>>) dst(%dma_wait3A_27 : memref<12800xf32, #tpu.memory_space<hbm>>)
    return
  }
}

#map = affine_map<(d0, d1) -> (0)>
#map1 = affine_map<(d0, d1) -> (0, 0)>
module attributes {stable_mosaic.version = 14 : i64} {
  func.func @_gather_body(%arg0: i32, %arg1: i32, %arg2: memref<819200xi32, #tpu.memory_space<hbm>>, %arg3: memref<1000000x64xf32, #tpu.memory_space<hbm>>, %arg4: memref<819200x128xf32, #tpu.memory_space<hbm>>, %arg5: memref<25600xi32, #tpu.memory_space<vmem>>, %arg6: memref<256x64xf32, #tpu.memory_space<vmem>>, %arg7: memref<256x64xf32, #tpu.memory_space<vmem>>, %arg8: memref<256x64xf32, #tpu.memory_space<vmem>>, %arg9: memref<256x64xf32, #tpu.memory_space<vmem>>, %arg10: memref<!tpu.dma_semaphore, #tpu.memory_space<semaphore_mem>>, %arg11: memref<!tpu.dma_semaphore, #tpu.memory_space<semaphore_mem>>, %arg12: memref<!tpu.dma_semaphore, #tpu.memory_space<semaphore_mem>>, %arg13: memref<!tpu.dma_semaphore, #tpu.memory_space<semaphore_mem>>) attributes {dimension_semantics = [#tpu.dimension_semantics<core_parallel>, #tpu.dimension_semantics<subcore_parallel>], iteration_bounds = array<i64: 2, 16>, scalar_prefetch = 0 : i64, scratch_operands = 9 : i64, tpu.core_type = #tpu.core_type<sc_vector_subcore>, window_params = [{transform_indices = #map}, {transform_indices = #map1}, {transform_indices = #map1}]} {
    %mul3A = arith.constant 2 : i32
    %mul3A_0 = arith.muli %arg1, %mul3A : i32
    %add3A = arith.addi %mul3A_0, %arg0 : i32
    %mul3A_1 = arith.constant 25600 : i32
    %mul3A_2 = arith.muli %add3A, %mul3A_1 : i32
    "tpu.region"() ({
      %run_scoped3A = tpu.sem_alloc : memref<!tpu.dma_semaphore, #tpu.memory_space<semaphore_mem>>
      %dma_start3A_28 = tpu.memref_slice %arg2[%mul3A_2] : memref<819200xi32, #tpu.memory_space<hbm>> -> memref<25600xi32, #tpu.memory_space<hbm>>
      %dma_start3A_29 = tpu.memref_slice %arg2[%mul3A_2] : memref<819200xi32, #tpu.memory_space<hbm>> -> memref<25600xi32, #tpu.memory_space<hbm>>
      tpu.enqueue_dma source(%dma_start3A_29 : memref<25600xi32, #tpu.memory_space<hbm>>) target(%arg5 : memref<25600xi32, #tpu.memory_space<vmem>>) target_semaphore(%run_scoped3A : memref<!tpu.dma_semaphore, #tpu.memory_space<semaphore_mem>>)
      %dma_wait3A_30 = tpu.memref_slice %arg2[%mul3A_2] : memref<819200xi32, #tpu.memory_space<hbm>> -> memref<25600xi32, #tpu.memory_space<hbm>>
      %dma_wait3A_31 = tpu.memref_slice %arg2[%mul3A_2] : memref<819200xi32, #tpu.memory_space<hbm>> -> memref<25600xi32, #tpu.memory_space<hbm>>
      tpu.wait_dma2 semaphore(%run_scoped3A : memref<!tpu.dma_semaphore, #tpu.memory_space<semaphore_mem>>) src(%dma_wait3A_31 : memref<25600xi32, #tpu.memory_space<hbm>>) dst(%arg5 : memref<25600xi32, #tpu.memory_space<vmem>>)
      tpu.yield
    }) : () -> ()
    %dma_start3A = arith.constant 0 : i32
    %dma_start3A_3 = tpu.memref_slice %arg5[%dma_start3A] : memref<25600xi32, #tpu.memory_space<vmem>> -> memref<256xi32, #tpu.memory_space<vmem>>
    %dma_start3A_4 = arith.constant 0 : i32
    %dma_start3A_5 = arith.constant 0 : i32
    %dma_start3A_6 = tpu.memref_slice %arg3[%dma_start3A_4, %dma_start3A_5] : memref<1000000x64xf32, #tpu.memory_space<hbm>> -> memref<1000000x64xf32, #tpu.memory_space<hbm>>
    tpu.enqueue_indirect_dma source(%dma_start3A_6 : memref<1000000x64xf32, #tpu.memory_space<hbm>>) target(%arg6 : memref<256x64xf32, #tpu.memory_space<vmem>>) offsets(%dma_start3A_3 : memref<256xi32, #tpu.memory_space<vmem>>) semaphore(%arg10 : memref<!tpu.dma_semaphore, #tpu.memory_space<semaphore_mem>>)
    %dma_start3A_7 = arith.constant 256 : i32
    %dma_start3A_8 = tpu.memref_slice %arg5[%dma_start3A_7] : memref<25600xi32, #tpu.memory_space<vmem>> -> memref<256xi32, #tpu.memory_space<vmem>>
    %dma_start3A_9 = arith.constant 0 : i32
    %dma_start3A_10 = arith.constant 0 : i32
    %dma_start3A_11 = tpu.memref_slice %arg3[%dma_start3A_9, %dma_start3A_10] : memref<1000000x64xf32, #tpu.memory_space<hbm>> -> memref<1000000x64xf32, #tpu.memory_space<hbm>>
    tpu.enqueue_indirect_dma source(%dma_start3A_11 : memref<1000000x64xf32, #tpu.memory_space<hbm>>) target(%arg7 : memref<256x64xf32, #tpu.memory_space<vmem>>) offsets(%dma_start3A_8 : memref<256xi32, #tpu.memory_space<vmem>>) semaphore(%arg11 : memref<!tpu.dma_semaphore, #tpu.memory_space<semaphore_mem>>)
    %scan3A = arith.constant 0 : i32
    %scan3A_12 = arith.constant 0 : i32
    %scan3A_13 = arith.constant 50 : i32
    %scan3A_14 = arith.addi %scan3A_12, %scan3A_13 : i32
    %scan3A_15 = arith.constant 1 : i32
    scf.for %scan3A_28 = %scan3A_12 to %scan3A_14 step %scan3A_15  : i32 {
      %mul3A_29 = arith.constant 2 : i32
      %mul3A_30 = arith.muli %mul3A_29, %scan3A_28 : i32
      %add3A_31 = arith.constant 0 : i32
      %add3A_32 = arith.addi %mul3A_30, %add3A_31 : i32
      %mul3A_33 = arith.constant 256 : i32
      %mul3A_34 = arith.muli %add3A_32, %mul3A_33 : i32
      %dma_wait3A_35 = tpu.memref_slice %arg5[%mul3A_34] : memref<25600xi32, #tpu.memory_space<vmem>> -> memref<256xi32, #tpu.memory_space<vmem>>
      %dma_wait3A_36 = arith.constant 0 : i32
      %dma_wait3A_37 = arith.constant 0 : i32
      %dma_wait3A_38 = tpu.memref_slice %arg3[%dma_wait3A_36, %dma_wait3A_37] : memref<1000000x64xf32, #tpu.memory_space<hbm>> -> memref<1000000x64xf32, #tpu.memory_space<hbm>>
      tpu.wait_indirect_dma semaphore(%arg10 : memref<!tpu.dma_semaphore, #tpu.memory_space<semaphore_mem>>) src(%dma_wait3A_38 : memref<1000000x64xf32, #tpu.memory_space<hbm>>) dst(%arg6 : memref<256x64xf32, #tpu.memory_space<vmem>>)
      %gt3A = arith.constant 0 : i32
      %gt3A_39 = arith.cmpi sgt, %scan3A_28, %gt3A : i32
      %convert_element_type3A = arith.extui %gt3A_39 : i1 to i32
      %cond3A = arith.constant 0 : i32
      %cond3A_40 = arith.cmpi ne, %convert_element_type3A, %cond3A : i32
      scf.if %cond3A_40 {
        %sub3A = arith.constant 2 : i32
        %sub3A_88 = arith.subi %add3A_32, %sub3A : i32
        %mul3A_89 = arith.constant 256 : i32
        %mul3A_90 = arith.muli %sub3A_88, %mul3A_89 : i32
        %add3A_91 = arith.addi %mul3A_2, %mul3A_90 : i32
        %dma_wait3A_92 = arith.constant 0 : i32
        %dma_wait3A_93 = tpu.memref_slice %arg4[%add3A_91, %dma_wait3A_92] : memref<819200x128xf32, #tpu.memory_space<hbm>> -> memref<256x64xf32, #tpu.memory_space<hbm>>
        %dma_wait3A_94 = arith.constant 0 : i32
        %dma_wait3A_95 = tpu.memref_slice %arg4[%add3A_91, %dma_wait3A_94] : memref<819200x128xf32, #tpu.memory_space<hbm>> -> memref<256x64xf32, #tpu.memory_space<hbm>>
        tpu.wait_dma2 semaphore(%arg12 : memref<!tpu.dma_semaphore, #tpu.memory_space<semaphore_mem>>) src(%arg8 : memref<256x64xf32, #tpu.memory_space<vmem>>) dst(%dma_wait3A_95 : memref<256x64xf32, #tpu.memory_space<hbm>>)
      } else {
      }
      %parallel_loop3A = arith.constant 0 : i32
      %parallel_loop3A_41 = arith.constant 256 : i32
      %parallel_loop3A_42 = arith.constant 8 : i32
      scf.for %parallel_loop3A_88 = %parallel_loop3A to %parallel_loop3A_41 step %parallel_loop3A_42  : i32 {
        %parallel_loop3A_89 = arith.constant 0 : i32
        %parallel_loop3A_90 = arith.addi %parallel_loop3A_88, %parallel_loop3A_89 : i32
        %parallel_loop3A_91 = arith.index_cast %parallel_loop3A_90 : i32 to index
        %parallel_loop3A_92 = arith.constant 0 : index
        %parallel_loop3A_93 = tpu.vector_load %arg6[%parallel_loop3A_91, %parallel_loop3A_92] {strides = array<i32>} : memref<256x64xf32, #tpu.memory_space<vmem>>, vector<1x16xf32>,
        %parallel_loop3A_94 = vector.shape_cast %parallel_loop3A_93 : vector<1x16xf32> to vector<16xf32>
        %parallel_loop3A_95 = arith.constant 8.000000e+00 : f32
        %parallel_loop3A_96 = vector.broadcast %parallel_loop3A_95 : f32 to vector<16xf32>
        %parallel_loop3A_97 = arith.mulf %parallel_loop3A_94, %parallel_loop3A_96 : vector<16xf32>
        %parallel_loop3A_98 = arith.constant 0 : i32
        %parallel_loop3A_99 = arith.addi %parallel_loop3A_88, %parallel_loop3A_98 : i32
        %parallel_loop3A_100 = arith.index_cast %parallel_loop3A_99 : i32 to index
        %parallel_loop3A_101 = arith.constant 0 : index
        %parallel_loop3A_102 = tpu.vector_load %arg8[%parallel_loop3A_100, %parallel_loop3A_101] {strides = array<i32>} : memref<256x64xf32, #tpu.memory_space<vmem>>, vector<1x16xf32>,
        %parallel_loop3A_103 = vector.shape_cast %parallel_loop3A_102 : vector<1x16xf32> to vector<16xf32>
        %parallel_loop3A_104 = vector.shape_cast %parallel_loop3A_97 : vector<16xf32> to vector<1x16xf32>
        tpu.vector_store %arg8[%parallel_loop3A_100, %parallel_loop3A_101], %parallel_loop3A_104 {strides = array<i32>} : memref<256x64xf32, #tpu.memory_space<vmem>>, vector<1x16xf32>,
        %parallel_loop3A_105 = arith.constant 0 : i32
        %parallel_loop3A_106 = arith.addi %parallel_loop3A_88, %parallel_loop3A_105 : i32
        %parallel_loop3A_107 = arith.index_cast %parallel_loop3A_106 : i32 to index
        %parallel_loop3A_108 = arith.constant 16 : index
        %parallel_loop3A_109 = tpu.vector_load %arg6[%parallel_loop3A_107, %parallel_loop3A_108] {strides = array<i32>} : memref<256x64xf32, #tpu.memory_space<vmem>>, vector<1x16xf32>,
        %parallel_loop3A_110 = vector.shape_cast %parallel_loop3A_109 : vector<1x16xf32> to vector<16xf32>
        %parallel_loop3A_111 = arith.constant 8.000000e+00 : f32
        %parallel_loop3A_112 = vector.broadcast %parallel_loop3A_111 : f32 to vector<16xf32>
        %parallel_loop3A_113 = arith.mulf %parallel_loop3A_110, %parallel_loop3A_112 : vector<16xf32>
        %parallel_loop3A_114 = arith.constant 0 : i32
        %parallel_loop3A_115 = arith.addi %parallel_loop3A_88, %parallel_loop3A_114 : i32
        %parallel_loop3A_116 = arith.index_cast %parallel_loop3A_115 : i32 to index
        %parallel_loop3A_117 = arith.constant 16 : index
        %parallel_loop3A_118 = tpu.vector_load %arg8[%parallel_loop3A_116, %parallel_loop3A_117] {strides = array<i32>} : memref<256x64xf32, #tpu.memory_space<vmem>>, vector<1x16xf32>,
        %parallel_loop3A_119 = vector.shape_cast %parallel_loop3A_118 : vector<1x16xf32> to vector<16xf32>
        %parallel_loop3A_120 = vector.shape_cast %parallel_loop3A_113 : vector<16xf32> to vector<1x16xf32>
        tpu.vector_store %arg8[%parallel_loop3A_116, %parallel_loop3A_117], %parallel_loop3A_120 {strides = array<i32>} : memref<256x64xf32, #tpu.memory_space<vmem>>, vector<1x16xf32>,
        %parallel_loop3A_121 = arith.constant 0 : i32
        %parallel_loop3A_122 = arith.addi %parallel_loop3A_88, %parallel_loop3A_121 : i32
        %parallel_loop3A_123 = arith.index_cast %parallel_loop3A_122 : i32 to index
        %parallel_loop3A_124 = arith.constant 32 : index
        %parallel_loop3A_125 = tpu.vector_load %arg6[%parallel_loop3A_123, %parallel_loop3A_124] {strides = array<i32>} : memref<256x64xf32, #tpu.memory_space<vmem>>, vector<1x16xf32>,
        %parallel_loop3A_126 = vector.shape_cast %parallel_loop3A_125 : vector<1x16xf32> to vector<16xf32>
        %parallel_loop3A_127 = arith.constant 8.000000e+00 : f32
        %parallel_loop3A_128 = vector.broadcast %parallel_loop3A_127 : f32 to vector<16xf32>
        %parallel_loop3A_129 = arith.mulf %parallel_loop3A_126, %parallel_loop3A_128 : vector<16xf32>
        %parallel_loop3A_130 = arith.constant 0 : i32
        %parallel_loop3A_131 = arith.addi %parallel_loop3A_88, %parallel_loop3A_130 : i32
        %parallel_loop3A_132 = arith.index_cast %parallel_loop3A_131 : i32 to index
        %parallel_loop3A_133 = arith.constant 32 : index
        %parallel_loop3A_134 = tpu.vector_load %arg8[%parallel_loop3A_132, %parallel_loop3A_133] {strides = array<i32>} : memref<256x64xf32, #tpu.memory_space<vmem>>, vector<1x16xf32>,
        %parallel_loop3A_135 = vector.shape_cast %parallel_loop3A_134 : vector<1x16xf32> to vector<16xf32>
        %parallel_loop3A_136 = vector.shape_cast %parallel_loop3A_129 : vector<16xf32> to vector<1x16xf32>
        tpu.vector_store %arg8[%parallel_loop3A_132, %parallel_loop3A_133], %parallel_loop3A_136 {strides = array<i32>} : memref<256x64xf32, #tpu.memory_space<vmem>>, vector<1x16xf32>,
        %parallel_loop3A_137 = arith.constant 0 : i32
        %parallel_loop3A_138 = arith.addi %parallel_loop3A_88, %parallel_loop3A_137 : i32
        %parallel_loop3A_139 = arith.index_cast %parallel_loop3A_138 : i32 to index
        %parallel_loop3A_140 = arith.constant 48 : index
        %parallel_loop3A_141 = tpu.vector_load %arg6[%parallel_loop3A_139, %parallel_loop3A_140] {strides = array<i32>} : memref<256x64xf32, #tpu.memory_space<vmem>>, vector<1x16xf32>,
        %parallel_loop3A_142 = vector.shape_cast %parallel_loop3A_141 : vector<1x16xf32> to vector<16xf32>
        %parallel_loop3A_143 = arith.constant 8.000000e+00 : f32
        %parallel_loop3A_144 = vector.broadcast %parallel_loop3A_143 : f32 to vector<16xf32>
        %parallel_loop3A_145 = arith.mulf %parallel_loop3A_142, %parallel_loop3A_144 : vector<16xf32>
        %parallel_loop3A_146 = arith.constant 0 : i32
        %parallel_loop3A_147 = arith.addi %parallel_loop3A_88, %parallel_loop3A_146 : i32
        %parallel_loop3A_148 = arith.index_cast %parallel_loop3A_147 : i32 to index
        %parallel_loop3A_149 = arith.constant 48 : index
        %parallel_loop3A_150 = tpu.vector_load %arg8[%parallel_loop3A_148, %parallel_loop3A_149] {strides = array<i32>} : memref<256x64xf32, #tpu.memory_space<vmem>>, vector<1x16xf32>,
        %parallel_loop3A_151 = vector.shape_cast %parallel_loop3A_150 : vector<1x16xf32> to vector<16xf32>
        %parallel_loop3A_152 = vector.shape_cast %parallel_loop3A_145 : vector<16xf32> to vector<1x16xf32>
        tpu.vector_store %arg8[%parallel_loop3A_148, %parallel_loop3A_149], %parallel_loop3A_152 {strides = array<i32>} : memref<256x64xf32, #tpu.memory_space<vmem>>, vector<1x16xf32>,
        %parallel_loop3A_153 = arith.constant 1 : i32
        %parallel_loop3A_154 = arith.addi %parallel_loop3A_88, %parallel_loop3A_153 : i32
        %parallel_loop3A_155 = arith.index_cast %parallel_loop3A_154 : i32 to index
        %parallel_loop3A_156 = arith.constant 0 : index
        %parallel_loop3A_157 = tpu.vector_load %arg6[%parallel_loop3A_155, %parallel_loop3A_156] {strides = array<i32>} : memref<256x64xf32, #tpu.memory_space<vmem>>, vector<1x16xf32>,
        %parallel_loop3A_158 = vector.shape_cast %parallel_loop3A_157 : vector<1x16xf32> to vector<16xf32>
        %parallel_loop3A_159 = arith.constant 8.000000e+00 : f32
        %parallel_loop3A_160 = vector.broadcast %parallel_loop3A_159 : f32 to vector<16xf32>
        %parallel_loop3A_161 = arith.mulf %parallel_loop3A_158, %parallel_loop3A_160 : vector<16xf32>
        %parallel_loop3A_162 = arith.constant 1 : i32
        %parallel_loop3A_163 = arith.addi %parallel_loop3A_88, %parallel_loop3A_162 : i32
        %parallel_loop3A_164 = arith.index_cast %parallel_loop3A_163 : i32 to index
        %parallel_loop3A_165 = arith.constant 0 : index
        %parallel_loop3A_166 = tpu.vector_load %arg8[%parallel_loop3A_164, %parallel_loop3A_165] {strides = array<i32>} : memref<256x64xf32, #tpu.memory_space<vmem>>, vector<1x16xf32>,
        %parallel_loop3A_167 = vector.shape_cast %parallel_loop3A_166 : vector<1x16xf32> to vector<16xf32>
        %parallel_loop3A_168 = vector.shape_cast %parallel_loop3A_161 : vector<16xf32> to vector<1x16xf32>
        tpu.vector_store %arg8[%parallel_loop3A_164, %parallel_loop3A_165], %parallel_loop3A_168 {strides = array<i32>} : memref<256x64xf32, #tpu.memory_space<vmem>>, vector<1x16xf32>,
        %parallel_loop3A_169 = arith.constant 1 : i32
        %parallel_loop3A_170 = arith.addi %parallel_loop3A_88, %parallel_loop3A_169 : i32
        %parallel_loop3A_171 = arith.index_cast %parallel_loop3A_170 : i32 to index
        %parallel_loop3A_172 = arith.constant 16 : index
        %parallel_loop3A_173 = tpu.vector_load %arg6[%parallel_loop3A_171, %parallel_loop3A_172] {strides = array<i32>} : memref<256x64xf32, #tpu.memory_space<vmem>>, vector<1x16xf32>,
        %parallel_loop3A_174 = vector.shape_cast %parallel_loop3A_173 : vector<1x16xf32> to vector<16xf32>
        %parallel_loop3A_175 = arith.constant 8.000000e+00 : f32
        %parallel_loop3A_176 = vector.broadcast %parallel_loop3A_175 : f32 to vector<16xf32>
        %parallel_loop3A_177 = arith.mulf %parallel_loop3A_174, %parallel_loop3A_176 : vector<16xf32>
        %parallel_loop3A_178 = arith.constant 1 : i32
        %parallel_loop3A_179 = arith.addi %parallel_loop3A_88, %parallel_loop3A_178 : i32
        %parallel_loop3A_180 = arith.index_cast %parallel_loop3A_179 : i32 to index
        %parallel_loop3A_181 = arith.constant 16 : index
        %parallel_loop3A_182 = tpu.vector_load %arg8[%parallel_loop3A_180, %parallel_loop3A_181] {strides = array<i32>} : memref<256x64xf32, #tpu.memory_space<vmem>>, vector<1x16xf32>,
        %parallel_loop3A_183 = vector.shape_cast %parallel_loop3A_182 : vector<1x16xf32> to vector<16xf32>
        %parallel_loop3A_184 = vector.shape_cast %parallel_loop3A_177 : vector<16xf32> to vector<1x16xf32>
        tpu.vector_store %arg8[%parallel_loop3A_180, %parallel_loop3A_181], %parallel_loop3A_184 {strides = array<i32>} : memref<256x64xf32, #tpu.memory_space<vmem>>, vector<1x16xf32>,
        %parallel_loop3A_185 = arith.constant 1 : i32
        %parallel_loop3A_186 = arith.addi %parallel_loop3A_88, %parallel_loop3A_185 : i32
        %parallel_loop3A_187 = arith.index_cast %parallel_loop3A_186 : i32 to index
        %parallel_loop3A_188 = arith.constant 32 : index
        %parallel_loop3A_189 = tpu.vector_load %arg6[%parallel_loop3A_187, %parallel_loop3A_188] {strides = array<i32>} : memref<256x64xf32, #tpu.memory_space<vmem>>, vector<1x16xf32>,
        %parallel_loop3A_190 = vector.shape_cast %parallel_loop3A_189 : vector<1x16xf32> to vector<16xf32>
        %parallel_loop3A_191 = arith.constant 8.000000e+00 : f32
        %parallel_loop3A_192 = vector.broadcast %parallel_loop3A_191 : f32 to vector<16xf32>
        %parallel_loop3A_193 = arith.mulf %parallel_loop3A_190, %parallel_loop3A_192 : vector<16xf32>
        %parallel_loop3A_194 = arith.constant 1 : i32
        %parallel_loop3A_195 = arith.addi %parallel_loop3A_88, %parallel_loop3A_194 : i32
        %parallel_loop3A_196 = arith.index_cast %parallel_loop3A_195 : i32 to index
        %parallel_loop3A_197 = arith.constant 32 : index
        %parallel_loop3A_198 = tpu.vector_load %arg8[%parallel_loop3A_196, %parallel_loop3A_197] {strides = array<i32>} : memref<256x64xf32, #tpu.memory_space<vmem>>, vector<1x16xf32>,
        %parallel_loop3A_199 = vector.shape_cast %parallel_loop3A_198 : vector<1x16xf32> to vector<16xf32>
        %parallel_loop3A_200 = vector.shape_cast %parallel_loop3A_193 : vector<16xf32> to vector<1x16xf32>
        tpu.vector_store %arg8[%parallel_loop3A_196, %parallel_loop3A_197], %parallel_loop3A_200 {strides = array<i32>} : memref<256x64xf32, #tpu.memory_space<vmem>>, vector<1x16xf32>,
        %parallel_loop3A_201 = arith.constant 1 : i32
        %parallel_loop3A_202 = arith.addi %parallel_loop3A_88, %parallel_loop3A_201 : i32
        %parallel_loop3A_203 = arith.index_cast %parallel_loop3A_202 : i32 to index
        %parallel_loop3A_204 = arith.constant 48 : index
        %parallel_loop3A_205 = tpu.vector_load %arg6[%parallel_loop3A_203, %parallel_loop3A_204] {strides = array<i32>} : memref<256x64xf32, #tpu.memory_space<vmem>>, vector<1x16xf32>,
        %parallel_loop3A_206 = vector.shape_cast %parallel_loop3A_205 : vector<1x16xf32> to vector<16xf32>
        %parallel_loop3A_207 = arith.constant 8.000000e+00 : f32
        %parallel_loop3A_208 = vector.broadcast %parallel_loop3A_207 : f32 to vector<16xf32>
        %parallel_loop3A_209 = arith.mulf %parallel_loop3A_206, %parallel_loop3A_208 : vector<16xf32>
        %parallel_loop3A_210 = arith.constant 1 : i32
        %parallel_loop3A_211 = arith.addi %parallel_loop3A_88, %parallel_loop3A_210 : i32
        %parallel_loop3A_212 = arith.index_cast %parallel_loop3A_211 : i32 to index
        %parallel_loop3A_213 = arith.constant 48 : index
        %parallel_loop3A_214 = tpu.vector_load %arg8[%parallel_loop3A_212, %parallel_loop3A_213] {strides = array<i32>} : memref<256x64xf32, #tpu.memory_space<vmem>>, vector<1x16xf32>,
        %parallel_loop3A_215 = vector.shape_cast %parallel_loop3A_214 : vector<1x16xf32> to vector<16xf32>
        %parallel_loop3A_216 = vector.shape_cast %parallel_loop3A_209 : vector<16xf32> to vector<1x16xf32>
        tpu.vector_store %arg8[%parallel_loop3A_212, %parallel_loop3A_213], %parallel_loop3A_216 {strides = array<i32>} : memref<256x64xf32, #tpu.memory_space<vmem>>, vector<1x16xf32>,
        %parallel_loop3A_217 = arith.constant 2 : i32
        %parallel_loop3A_218 = arith.addi %parallel_loop3A_88, %parallel_loop3A_217 : i32
        %parallel_loop3A_219 = arith.index_cast %parallel_loop3A_218 : i32 to index
        %parallel_loop3A_220 = arith.constant 0 : index
        %parallel_loop3A_221 = tpu.vector_load %arg6[%parallel_loop3A_219, %parallel_loop3A_220] {strides = array<i32>} : memref<256x64xf32, #tpu.memory_space<vmem>>, vector<1x16xf32>,
        %parallel_loop3A_222 = vector.shape_cast %parallel_loop3A_221 : vector<1x16xf32> to vector<16xf32>
        %parallel_loop3A_223 = arith.constant 8.000000e+00 : f32
        %parallel_loop3A_224 = vector.broadcast %parallel_loop3A_223 : f32 to vector<16xf32>
        %parallel_loop3A_225 = arith.mulf %parallel_loop3A_222, %parallel_loop3A_224 : vector<16xf32>
        %parallel_loop3A_226 = arith.constant 2 : i32
        %parallel_loop3A_227 = arith.addi %parallel_loop3A_88, %parallel_loop3A_226 : i32
        %parallel_loop3A_228 = arith.index_cast %parallel_loop3A_227 : i32 to index
        %parallel_loop3A_229 = arith.constant 0 : index
        %parallel_loop3A_230 = tpu.vector_load %arg8[%parallel_loop3A_228, %parallel_loop3A_229] {strides = array<i32>} : memref<256x64xf32, #tpu.memory_space<vmem>>, vector<1x16xf32>,
        %parallel_loop3A_231 = vector.shape_cast %parallel_loop3A_230 : vector<1x16xf32> to vector<16xf32>
        %parallel_loop3A_232 = vector.shape_cast %parallel_loop3A_225 : vector<16xf32> to vector<1x16xf32>
        tpu.vector_store %arg8[%parallel_loop3A_228, %parallel_loop3A_229], %parallel_loop3A_232 {strides = array<i32>} : memref<256x64xf32, #tpu.memory_space<vmem>>, vector<1x16xf32>,
        %parallel_loop3A_233 = arith.constant 2 : i32
        %parallel_loop3A_234 = arith.addi %parallel_loop3A_88, %parallel_loop3A_233 : i32
        %parallel_loop3A_235 = arith.index_cast %parallel_loop3A_234 : i32 to index
        %parallel_loop3A_236 = arith.constant 16 : index
        %parallel_loop3A_237 = tpu.vector_load %arg6[%parallel_loop3A_235, %parallel_loop3A_236] {strides = array<i32>} : memref<256x64xf32, #tpu.memory_space<vmem>>, vector<1x16xf32>,
        %parallel_loop3A_238 = vector.shape_cast %parallel_loop3A_237 : vector<1x16xf32> to vector<16xf32>
        %parallel_loop3A_239 = arith.constant 8.000000e+00 : f32
        %parallel_loop3A_240 = vector.broadcast %parallel_loop3A_239 : f32 to vector<16xf32>
        %parallel_loop3A_241 = arith.mulf %parallel_loop3A_238, %parallel_loop3A_240 : vector<16xf32>
        %parallel_loop3A_242 = arith.constant 2 : i32
        %parallel_loop3A_243 = arith.addi %parallel_loop3A_88, %parallel_loop3A_242 : i32
        %parallel_loop3A_244 = arith.index_cast %parallel_loop3A_243 : i32 to index
        %parallel_loop3A_245 = arith.constant 16 : index
        %parallel_loop3A_246 = tpu.vector_load %arg8[%parallel_loop3A_244, %parallel_loop3A_245] {strides = array<i32>} : memref<256x64xf32, #tpu.memory_space<vmem>>, vector<1x16xf32>,
        %parallel_loop3A_247 = vector.shape_cast %parallel_loop3A_246 : vector<1x16xf32> to vector<16xf32>
        %parallel_loop3A_248 = vector.shape_cast %parallel_loop3A_241 : vector<16xf32> to vector<1x16xf32>
        tpu.vector_store %arg8[%parallel_loop3A_244, %parallel_loop3A_245], %parallel_loop3A_248 {strides = array<i32>} : memref<256x64xf32, #tpu.memory_space<vmem>>, vector<1x16xf32>,
        %parallel_loop3A_249 = arith.constant 2 : i32
        %parallel_loop3A_250 = arith.addi %parallel_loop3A_88, %parallel_loop3A_249 : i32
        %parallel_loop3A_251 = arith.index_cast %parallel_loop3A_250 : i32 to index
        %parallel_loop3A_252 = arith.constant 32 : index
        %parallel_loop3A_253 = tpu.vector_load %arg6[%parallel_loop3A_251, %parallel_loop3A_252] {strides = array<i32>} : memref<256x64xf32, #tpu.memory_space<vmem>>, vector<1x16xf32>,
        %parallel_loop3A_254 = vector.shape_cast %parallel_loop3A_253 : vector<1x16xf32> to vector<16xf32>
        %parallel_loop3A_255 = arith.constant 8.000000e+00 : f32
        %parallel_loop3A_256 = vector.broadcast %parallel_loop3A_255 : f32 to vector<16xf32>
        %parallel_loop3A_257 = arith.mulf %parallel_loop3A_254, %parallel_loop3A_256 : vector<16xf32>
        %parallel_loop3A_258 = arith.constant 2 : i32
        %parallel_loop3A_259 = arith.addi %parallel_loop3A_88, %parallel_loop3A_258 : i32
        %parallel_loop3A_260 = arith.index_cast %parallel_loop3A_259 : i32 to index
        %parallel_loop3A_261 = arith.constant 32 : index
        %parallel_loop3A_262 = tpu.vector_load %arg8[%parallel_loop3A_260, %parallel_loop3A_261] {strides = array<i32>} : memref<256x64xf32, #tpu.memory_space<vmem>>, vector<1x16xf32>,
        %parallel_loop3A_263 = vector.shape_cast %parallel_loop3A_262 : vector<1x16xf32> to vector<16xf32>
        %parallel_loop3A_264 = vector.shape_cast %parallel_loop3A_257 : vector<16xf32> to vector<1x16xf32>
        tpu.vector_store %arg8[%parallel_loop3A_260, %parallel_loop3A_261], %parallel_loop3A_264 {strides = array<i32>} : memref<256x64xf32, #tpu.memory_space<vmem>>, vector<1x16xf32>,
        %parallel_loop3A_265 = arith.constant 2 : i32
        %parallel_loop3A_266 = arith.addi %parallel_loop3A_88, %parallel_loop3A_265 : i32
        %parallel_loop3A_267 = arith.index_cast %parallel_loop3A_266 : i32 to index
        %parallel_loop3A_268 = arith.constant 48 : index
        %parallel_loop3A_269 = tpu.vector_load %arg6[%parallel_loop3A_267, %parallel_loop3A_268] {strides = array<i32>} : memref<256x64xf32, #tpu.memory_space<vmem>>, vector<1x16xf32>,
        %parallel_loop3A_270 = vector.shape_cast %parallel_loop3A_269 : vector<1x16xf32> to vector<16xf32>
        %parallel_loop3A_271 = arith.constant 8.000000e+00 : f32
        %parallel_loop3A_272 = vector.broadcast %parallel_loop3A_271 : f32 to vector<16xf32>
        %parallel_loop3A_273 = arith.mulf %parallel_loop3A_270, %parallel_loop3A_272 : vector<16xf32>
        %parallel_loop3A_274 = arith.constant 2 : i32
        %parallel_loop3A_275 = arith.addi %parallel_loop3A_88, %parallel_loop3A_274 : i32
        %parallel_loop3A_276 = arith.index_cast %parallel_loop3A_275 : i32 to index
        %parallel_loop3A_277 = arith.constant 48 : index
        %parallel_loop3A_278 = tpu.vector_load %arg8[%parallel_loop3A_276, %parallel_loop3A_277] {strides = array<i32>} : memref<256x64xf32, #tpu.memory_space<vmem>>, vector<1x16xf32>,
        %parallel_loop3A_279 = vector.shape_cast %parallel_loop3A_278 : vector<1x16xf32> to vector<16xf32>
        %parallel_loop3A_280 = vector.shape_cast %parallel_loop3A_273 : vector<16xf32> to vector<1x16xf32>
        tpu.vector_store %arg8[%parallel_loop3A_276, %parallel_loop3A_277], %parallel_loop3A_280 {strides = array<i32>} : memref<256x64xf32, #tpu.memory_space<vmem>>, vector<1x16xf32>,
        %parallel_loop3A_281 = arith.constant 3 : i32
        %parallel_loop3A_282 = arith.addi %parallel_loop3A_88, %parallel_loop3A_281 : i32
        %parallel_loop3A_283 = arith.index_cast %parallel_loop3A_282 : i32 to index
        %parallel_loop3A_284 = arith.constant 0 : index
        %parallel_loop3A_285 = tpu.vector_load %arg6[%parallel_loop3A_283, %parallel_loop3A_284] {strides = array<i32>} : memref<256x64xf32, #tpu.memory_space<vmem>>, vector<1x16xf32>,
        %parallel_loop3A_286 = vector.shape_cast %parallel_loop3A_285 : vector<1x16xf32> to vector<16xf32>
        %parallel_loop3A_287 = arith.constant 8.000000e+00 : f32
        %parallel_loop3A_288 = vector.broadcast %parallel_loop3A_287 : f32 to vector<16xf32>
        %parallel_loop3A_289 = arith.mulf %parallel_loop3A_286, %parallel_loop3A_288 : vector<16xf32>
        %parallel_loop3A_290 = arith.constant 3 : i32
        %parallel_loop3A_291 = arith.addi %parallel_loop3A_88, %parallel_loop3A_290 : i32
        %parallel_loop3A_292 = arith.index_cast %parallel_loop3A_291 : i32 to index
        %parallel_loop3A_293 = arith.constant 0 : index
        %parallel_loop3A_294 = tpu.vector_load %arg8[%parallel_loop3A_292, %parallel_loop3A_293] {strides = array<i32>} : memref<256x64xf32, #tpu.memory_space<vmem>>, vector<1x16xf32>,
        %parallel_loop3A_295 = vector.shape_cast %parallel_loop3A_294 : vector<1x16xf32> to vector<16xf32>
        %parallel_loop3A_296 = vector.shape_cast %parallel_loop3A_289 : vector<16xf32> to vector<1x16xf32>
        tpu.vector_store %arg8[%parallel_loop3A_292, %parallel_loop3A_293], %parallel_loop3A_296 {strides = array<i32>} : memref<256x64xf32, #tpu.memory_space<vmem>>, vector<1x16xf32>,
        %parallel_loop3A_297 = arith.constant 3 : i32
        %parallel_loop3A_298 = arith.addi %parallel_loop3A_88, %parallel_loop3A_297 : i32
        %parallel_loop3A_299 = arith.index_cast %parallel_loop3A_298 : i32 to index
        %parallel_loop3A_300 = arith.constant 16 : index
        %parallel_loop3A_301 = tpu.vector_load %arg6[%parallel_loop3A_299, %parallel_loop3A_300] {strides = array<i32>} : memref<256x64xf32, #tpu.memory_space<vmem>>, vector<1x16xf32>,
        %parallel_loop3A_302 = vector.shape_cast %parallel_loop3A_301 : vector<1x16xf32> to vector<16xf32>
        %parallel_loop3A_303 = arith.constant 8.000000e+00 : f32
        %parallel_loop3A_304 = vector.broadcast %parallel_loop3A_303 : f32 to vector<16xf32>
        %parallel_loop3A_305 = arith.mulf %parallel_loop3A_302, %parallel_loop3A_304 : vector<16xf32>
        %parallel_loop3A_306 = arith.constant 3 : i32
        %parallel_loop3A_307 = arith.addi %parallel_loop3A_88, %parallel_loop3A_306 : i32
        %parallel_loop3A_308 = arith.index_cast %parallel_loop3A_307 : i32 to index
        %parallel_loop3A_309 = arith.constant 16 : index
        %parallel_loop3A_310 = tpu.vector_load %arg8[%parallel_loop3A_308, %parallel_loop3A_309] {strides = array<i32>} : memref<256x64xf32, #tpu.memory_space<vmem>>, vector<1x16xf32>,
        %parallel_loop3A_311 = vector.shape_cast %parallel_loop3A_310 : vector<1x16xf32> to vector<16xf32>
        %parallel_loop3A_312 = vector.shape_cast %parallel_loop3A_305 : vector<16xf32> to vector<1x16xf32>
        tpu.vector_store %arg8[%parallel_loop3A_308, %parallel_loop3A_309], %parallel_loop3A_312 {strides = array<i32>} : memref<256x64xf32, #tpu.memory_space<vmem>>, vector<1x16xf32>,
        %parallel_loop3A_313 = arith.constant 3 : i32
        %parallel_loop3A_314 = arith.addi %parallel_loop3A_88, %parallel_loop3A_313 : i32
        %parallel_loop3A_315 = arith.index_cast %parallel_loop3A_314 : i32 to index
        %parallel_loop3A_316 = arith.constant 32 : index
        %parallel_loop3A_317 = tpu.vector_load %arg6[%parallel_loop3A_315, %parallel_loop3A_316] {strides = array<i32>} : memref<256x64xf32, #tpu.memory_space<vmem>>, vector<1x16xf32>,
        %parallel_loop3A_318 = vector.shape_cast %parallel_loop3A_317 : vector<1x16xf32> to vector<16xf32>
        %parallel_loop3A_319 = arith.constant 8.000000e+00 : f32
        %parallel_loop3A_320 = vector.broadcast %parallel_loop3A_319 : f32 to vector<16xf32>
        %parallel_loop3A_321 = arith.mulf %parallel_loop3A_318, %parallel_loop3A_320 : vector<16xf32>
        %parallel_loop3A_322 = arith.constant 3 : i32
        %parallel_loop3A_323 = arith.addi %parallel_loop3A_88, %parallel_loop3A_322 : i32
        %parallel_loop3A_324 = arith.index_cast %parallel_loop3A_323 : i32 to index
        %parallel_loop3A_325 = arith.constant 32 : index
        %parallel_loop3A_326 = tpu.vector_load %arg8[%parallel_loop3A_324, %parallel_loop3A_325] {strides = array<i32>} : memref<256x64xf32, #tpu.memory_space<vmem>>, vector<1x16xf32>,
        %parallel_loop3A_327 = vector.shape_cast %parallel_loop3A_326 : vector<1x16xf32> to vector<16xf32>
        %parallel_loop3A_328 = vector.shape_cast %parallel_loop3A_321 : vector<16xf32> to vector<1x16xf32>
        tpu.vector_store %arg8[%parallel_loop3A_324, %parallel_loop3A_325], %parallel_loop3A_328 {strides = array<i32>} : memref<256x64xf32, #tpu.memory_space<vmem>>, vector<1x16xf32>,
        %parallel_loop3A_329 = arith.constant 3 : i32
        %parallel_loop3A_330 = arith.addi %parallel_loop3A_88, %parallel_loop3A_329 : i32
        %parallel_loop3A_331 = arith.index_cast %parallel_loop3A_330 : i32 to index
        %parallel_loop3A_332 = arith.constant 48 : index
        %parallel_loop3A_333 = tpu.vector_load %arg6[%parallel_loop3A_331, %parallel_loop3A_332] {strides = array<i32>} : memref<256x64xf32, #tpu.memory_space<vmem>>, vector<1x16xf32>,
        %parallel_loop3A_334 = vector.shape_cast %parallel_loop3A_333 : vector<1x16xf32> to vector<16xf32>
        %parallel_loop3A_335 = arith.constant 8.000000e+00 : f32
        %parallel_loop3A_336 = vector.broadcast %parallel_loop3A_335 : f32 to vector<16xf32>
        %parallel_loop3A_337 = arith.mulf %parallel_loop3A_334, %parallel_loop3A_336 : vector<16xf32>
        %parallel_loop3A_338 = arith.constant 3 : i32
        %parallel_loop3A_339 = arith.addi %parallel_loop3A_88, %parallel_loop3A_338 : i32
        %parallel_loop3A_340 = arith.index_cast %parallel_loop3A_339 : i32 to index
        %parallel_loop3A_341 = arith.constant 48 : index
        %parallel_loop3A_342 = tpu.vector_load %arg8[%parallel_loop3A_340, %parallel_loop3A_341] {strides = array<i32>} : memref<256x64xf32, #tpu.memory_space<vmem>>, vector<1x16xf32>,
        %parallel_loop3A_343 = vector.shape_cast %parallel_loop3A_342 : vector<1x16xf32> to vector<16xf32>
        %parallel_loop3A_344 = vector.shape_cast %parallel_loop3A_337 : vector<16xf32> to vector<1x16xf32>
        tpu.vector_store %arg8[%parallel_loop3A_340, %parallel_loop3A_341], %parallel_loop3A_344 {strides = array<i32>} : memref<256x64xf32, #tpu.memory_space<vmem>>, vector<1x16xf32>,
        %parallel_loop3A_345 = arith.constant 4 : i32
        %parallel_loop3A_346 = arith.addi %parallel_loop3A_88, %parallel_loop3A_345 : i32
        %parallel_loop3A_347 = arith.index_cast %parallel_loop3A_346 : i32 to index
        %parallel_loop3A_348 = arith.constant 0 : index
        %parallel_loop3A_349 = tpu.vector_load %arg6[%parallel_loop3A_347, %parallel_loop3A_348] {strides = array<i32>} : memref<256x64xf32, #tpu.memory_space<vmem>>, vector<1x16xf32>,
        %parallel_loop3A_350 = vector.shape_cast %parallel_loop3A_349 : vector<1x16xf32> to vector<16xf32>
        %parallel_loop3A_351 = arith.constant 8.000000e+00 : f32
        %parallel_loop3A_352 = vector.broadcast %parallel_loop3A_351 : f32 to vector<16xf32>
        %parallel_loop3A_353 = arith.mulf %parallel_loop3A_350, %parallel_loop3A_352 : vector<16xf32>
        %parallel_loop3A_354 = arith.constant 4 : i32
        %parallel_loop3A_355 = arith.addi %parallel_loop3A_88, %parallel_loop3A_354 : i32
        %parallel_loop3A_356 = arith.index_cast %parallel_loop3A_355 : i32 to index
        %parallel_loop3A_357 = arith.constant 0 : index
        %parallel_loop3A_358 = tpu.vector_load %arg8[%parallel_loop3A_356, %parallel_loop3A_357] {strides = array<i32>} : memref<256x64xf32, #tpu.memory_space<vmem>>, vector<1x16xf32>,
        %parallel_loop3A_359 = vector.shape_cast %parallel_loop3A_358 : vector<1x16xf32> to vector<16xf32>
        %parallel_loop3A_360 = vector.shape_cast %parallel_loop3A_353 : vector<16xf32> to vector<1x16xf32>
        tpu.vector_store %arg8[%parallel_loop3A_356, %parallel_loop3A_357], %parallel_loop3A_360 {strides = array<i32>} : memref<256x64xf32, #tpu.memory_space<vmem>>, vector<1x16xf32>,
        %parallel_loop3A_361 = arith.constant 4 : i32
        %parallel_loop3A_362 = arith.addi %parallel_loop3A_88, %parallel_loop3A_361 : i32
        %parallel_loop3A_363 = arith.index_cast %parallel_loop3A_362 : i32 to index
        %parallel_loop3A_364 = arith.constant 16 : index
        %parallel_loop3A_365 = tpu.vector_load %arg6[%parallel_loop3A_363, %parallel_loop3A_364] {strides = array<i32>} : memref<256x64xf32, #tpu.memory_space<vmem>>, vector<1x16xf32>,
        %parallel_loop3A_366 = vector.shape_cast %parallel_loop3A_365 : vector<1x16xf32> to vector<16xf32>
        %parallel_loop3A_367 = arith.constant 8.000000e+00 : f32
        %parallel_loop3A_368 = vector.broadcast %parallel_loop3A_367 : f32 to vector<16xf32>
        %parallel_loop3A_369 = arith.mulf %parallel_loop3A_366, %parallel_loop3A_368 : vector<16xf32>
        %parallel_loop3A_370 = arith.constant 4 : i32
        %parallel_loop3A_371 = arith.addi %parallel_loop3A_88, %parallel_loop3A_370 : i32
        %parallel_loop3A_372 = arith.index_cast %parallel_loop3A_371 : i32 to index
        %parallel_loop3A_373 = arith.constant 16 : index
        %parallel_loop3A_374 = tpu.vector_load %arg8[%parallel_loop3A_372, %parallel_loop3A_373] {strides = array<i32>} : memref<256x64xf32, #tpu.memory_space<vmem>>, vector<1x16xf32>,
        %parallel_loop3A_375 = vector.shape_cast %parallel_loop3A_374 : vector<1x16xf32> to vector<16xf32>
        %parallel_loop3A_376 = vector.shape_cast %parallel_loop3A_369 : vector<16xf32> to vector<1x16xf32>
        tpu.vector_store %arg8[%parallel_loop3A_372, %parallel_loop3A_373], %parallel_loop3A_376 {strides = array<i32>} : memref<256x64xf32, #tpu.memory_space<vmem>>, vector<1x16xf32>,
        %parallel_loop3A_377 = arith.constant 4 : i32
        %parallel_loop3A_378 = arith.addi %parallel_loop3A_88, %parallel_loop3A_377 : i32
        %parallel_loop3A_379 = arith.index_cast %parallel_loop3A_378 : i32 to index
        %parallel_loop3A_380 = arith.constant 32 : index
        %parallel_loop3A_381 = tpu.vector_load %arg6[%parallel_loop3A_379, %parallel_loop3A_380] {strides = array<i32>} : memref<256x64xf32, #tpu.memory_space<vmem>>, vector<1x16xf32>,
        %parallel_loop3A_382 = vector.shape_cast %parallel_loop3A_381 : vector<1x16xf32> to vector<16xf32>
        %parallel_loop3A_383 = arith.constant 8.000000e+00 : f32
        %parallel_loop3A_384 = vector.broadcast %parallel_loop3A_383 : f32 to vector<16xf32>
        %parallel_loop3A_385 = arith.mulf %parallel_loop3A_382, %parallel_loop3A_384 : vector<16xf32>
        %parallel_loop3A_386 = arith.constant 4 : i32
        %parallel_loop3A_387 = arith.addi %parallel_loop3A_88, %parallel_loop3A_386 : i32
        %parallel_loop3A_388 = arith.index_cast %parallel_loop3A_387 : i32 to index
        %parallel_loop3A_389 = arith.constant 32 : index
        %parallel_loop3A_390 = tpu.vector_load %arg8[%parallel_loop3A_388, %parallel_loop3A_389] {strides = array<i32>} : memref<256x64xf32, #tpu.memory_space<vmem>>, vector<1x16xf32>,
        %parallel_loop3A_391 = vector.shape_cast %parallel_loop3A_390 : vector<1x16xf32> to vector<16xf32>
        %parallel_loop3A_392 = vector.shape_cast %parallel_loop3A_385 : vector<16xf32> to vector<1x16xf32>
        tpu.vector_store %arg8[%parallel_loop3A_388, %parallel_loop3A_389], %parallel_loop3A_392 {strides = array<i32>} : memref<256x64xf32, #tpu.memory_space<vmem>>, vector<1x16xf32>,
        %parallel_loop3A_393 = arith.constant 4 : i32
        %parallel_loop3A_394 = arith.addi %parallel_loop3A_88, %parallel_loop3A_393 : i32
        %parallel_loop3A_395 = arith.index_cast %parallel_loop3A_394 : i32 to index
        %parallel_loop3A_396 = arith.constant 48 : index
        %parallel_loop3A_397 = tpu.vector_load %arg6[%parallel_loop3A_395, %parallel_loop3A_396] {strides = array<i32>} : memref<256x64xf32, #tpu.memory_space<vmem>>, vector<1x16xf32>,
        %parallel_loop3A_398 = vector.shape_cast %parallel_loop3A_397 : vector<1x16xf32> to vector<16xf32>
        %parallel_loop3A_399 = arith.constant 8.000000e+00 : f32
        %parallel_loop3A_400 = vector.broadcast %parallel_loop3A_399 : f32 to vector<16xf32>
        %parallel_loop3A_401 = arith.mulf %parallel_loop3A_398, %parallel_loop3A_400 : vector<16xf32>
        %parallel_loop3A_402 = arith.constant 4 : i32
        %parallel_loop3A_403 = arith.addi %parallel_loop3A_88, %parallel_loop3A_402 : i32
        %parallel_loop3A_404 = arith.index_cast %parallel_loop3A_403 : i32 to index
        %parallel_loop3A_405 = arith.constant 48 : index
        %parallel_loop3A_406 = tpu.vector_load %arg8[%parallel_loop3A_404, %parallel_loop3A_405] {strides = array<i32>} : memref<256x64xf32, #tpu.memory_space<vmem>>, vector<1x16xf32>,
        %parallel_loop3A_407 = vector.shape_cast %parallel_loop3A_406 : vector<1x16xf32> to vector<16xf32>
        %parallel_loop3A_408 = vector.shape_cast %parallel_loop3A_401 : vector<16xf32> to vector<1x16xf32>
        tpu.vector_store %arg8[%parallel_loop3A_404, %parallel_loop3A_405], %parallel_loop3A_408 {strides = array<i32>} : memref<256x64xf32, #tpu.memory_space<vmem>>, vector<1x16xf32>,
        %parallel_loop3A_409 = arith.constant 5 : i32
        %parallel_loop3A_410 = arith.addi %parallel_loop3A_88, %parallel_loop3A_409 : i32
        %parallel_loop3A_411 = arith.index_cast %parallel_loop3A_410 : i32 to index
        %parallel_loop3A_412 = arith.constant 0 : index
        %parallel_loop3A_413 = tpu.vector_load %arg6[%parallel_loop3A_411, %parallel_loop3A_412] {strides = array<i32>} : memref<256x64xf32, #tpu.memory_space<vmem>>, vector<1x16xf32>,
        %parallel_loop3A_414 = vector.shape_cast %parallel_loop3A_413 : vector<1x16xf32> to vector<16xf32>
        %parallel_loop3A_415 = arith.constant 8.000000e+00 : f32
        %parallel_loop3A_416 = vector.broadcast %parallel_loop3A_415 : f32 to vector<16xf32>
        %parallel_loop3A_417 = arith.mulf %parallel_loop3A_414, %parallel_loop3A_416 : vector<16xf32>
        %parallel_loop3A_418 = arith.constant 5 : i32
        %parallel_loop3A_419 = arith.addi %parallel_loop3A_88, %parallel_loop3A_418 : i32
        %parallel_loop3A_420 = arith.index_cast %parallel_loop3A_419 : i32 to index
        %parallel_loop3A_421 = arith.constant 0 : index
        %parallel_loop3A_422 = tpu.vector_load %arg8[%parallel_loop3A_420, %parallel_loop3A_421] {strides = array<i32>} : memref<256x64xf32, #tpu.memory_space<vmem>>, vector<1x16xf32>,
        %parallel_loop3A_423 = vector.shape_cast %parallel_loop3A_422 : vector<1x16xf32> to vector<16xf32>
        %parallel_loop3A_424 = vector.shape_cast %parallel_loop3A_417 : vector<16xf32> to vector<1x16xf32>
        tpu.vector_store %arg8[%parallel_loop3A_420, %parallel_loop3A_421], %parallel_loop3A_424 {strides = array<i32>} : memref<256x64xf32, #tpu.memory_space<vmem>>, vector<1x16xf32>,
        %parallel_loop3A_425 = arith.constant 5 : i32
        %parallel_loop3A_426 = arith.addi %parallel_loop3A_88, %parallel_loop3A_425 : i32
        %parallel_loop3A_427 = arith.index_cast %parallel_loop3A_426 : i32 to index
        %parallel_loop3A_428 = arith.constant 16 : index
        %parallel_loop3A_429 = tpu.vector_load %arg6[%parallel_loop3A_427, %parallel_loop3A_428] {strides = array<i32>} : memref<256x64xf32, #tpu.memory_space<vmem>>, vector<1x16xf32>,
        %parallel_loop3A_430 = vector.shape_cast %parallel_loop3A_429 : vector<1x16xf32> to vector<16xf32>
        %parallel_loop3A_431 = arith.constant 8.000000e+00 : f32
        %parallel_loop3A_432 = vector.broadcast %parallel_loop3A_431 : f32 to vector<16xf32>
        %parallel_loop3A_433 = arith.mulf %parallel_loop3A_430, %parallel_loop3A_432 : vector<16xf32>
        %parallel_loop3A_434 = arith.constant 5 : i32
        %parallel_loop3A_435 = arith.addi %parallel_loop3A_88, %parallel_loop3A_434 : i32
        %parallel_loop3A_436 = arith.index_cast %parallel_loop3A_435 : i32 to index
        %parallel_loop3A_437 = arith.constant 16 : index
        %parallel_loop3A_438 = tpu.vector_load %arg8[%parallel_loop3A_436, %parallel_loop3A_437] {strides = array<i32>} : memref<256x64xf32, #tpu.memory_space<vmem>>, vector<1x16xf32>,
        %parallel_loop3A_439 = vector.shape_cast %parallel_loop3A_438 : vector<1x16xf32> to vector<16xf32>
        %parallel_loop3A_440 = vector.shape_cast %parallel_loop3A_433 : vector<16xf32> to vector<1x16xf32>
        tpu.vector_store %arg8[%parallel_loop3A_436, %parallel_loop3A_437], %parallel_loop3A_440 {strides = array<i32>} : memref<256x64xf32, #tpu.memory_space<vmem>>, vector<1x16xf32>,
        %parallel_loop3A_441 = arith.constant 5 : i32
        %parallel_loop3A_442 = arith.addi %parallel_loop3A_88, %parallel_loop3A_441 : i32
        %parallel_loop3A_443 = arith.index_cast %parallel_loop3A_442 : i32 to index
        %parallel_loop3A_444 = arith.constant 32 : index
        %parallel_loop3A_445 = tpu.vector_load %arg6[%parallel_loop3A_443, %parallel_loop3A_444] {strides = array<i32>} : memref<256x64xf32, #tpu.memory_space<vmem>>, vector<1x16xf32>,
        %parallel_loop3A_446 = vector.shape_cast %parallel_loop3A_445 : vector<1x16xf32> to vector<16xf32>
        %parallel_loop3A_447 = arith.constant 8.000000e+00 : f32
        %parallel_loop3A_448 = vector.broadcast %parallel_loop3A_447 : f32 to vector<16xf32>
        %parallel_loop3A_449 = arith.mulf %parallel_loop3A_446, %parallel_loop3A_448 : vector<16xf32>
        %parallel_loop3A_450 = arith.constant 5 : i32
        %parallel_loop3A_451 = arith.addi %parallel_loop3A_88, %parallel_loop3A_450 : i32
        %parallel_loop3A_452 = arith.index_cast %parallel_loop3A_451 : i32 to index
        %parallel_loop3A_453 = arith.constant 32 : index
        %parallel_loop3A_454 = tpu.vector_load %arg8[%parallel_loop3A_452, %parallel_loop3A_453] {strides = array<i32>} : memref<256x64xf32, #tpu.memory_space<vmem>>, vector<1x16xf32>,
        %parallel_loop3A_455 = vector.shape_cast %parallel_loop3A_454 : vector<1x16xf32> to vector<16xf32>
        %parallel_loop3A_456 = vector.shape_cast %parallel_loop3A_449 : vector<16xf32> to vector<1x16xf32>
        tpu.vector_store %arg8[%parallel_loop3A_452, %parallel_loop3A_453], %parallel_loop3A_456 {strides = array<i32>} : memref<256x64xf32, #tpu.memory_space<vmem>>, vector<1x16xf32>,
        %parallel_loop3A_457 = arith.constant 5 : i32
        %parallel_loop3A_458 = arith.addi %parallel_loop3A_88, %parallel_loop3A_457 : i32
        %parallel_loop3A_459 = arith.index_cast %parallel_loop3A_458 : i32 to index
        %parallel_loop3A_460 = arith.constant 48 : index
        %parallel_loop3A_461 = tpu.vector_load %arg6[%parallel_loop3A_459, %parallel_loop3A_460] {strides = array<i32>} : memref<256x64xf32, #tpu.memory_space<vmem>>, vector<1x16xf32>,
        %parallel_loop3A_462 = vector.shape_cast %parallel_loop3A_461 : vector<1x16xf32> to vector<16xf32>
        %parallel_loop3A_463 = arith.constant 8.000000e+00 : f32
        %parallel_loop3A_464 = vector.broadcast %parallel_loop3A_463 : f32 to vector<16xf32>
        %parallel_loop3A_465 = arith.mulf %parallel_loop3A_462, %parallel_loop3A_464 : vector<16xf32>
        %parallel_loop3A_466 = arith.constant 5 : i32
        %parallel_loop3A_467 = arith.addi %parallel_loop3A_88, %parallel_loop3A_466 : i32
        %parallel_loop3A_468 = arith.index_cast %parallel_loop3A_467 : i32 to index
        %parallel_loop3A_469 = arith.constant 48 : index
        %parallel_loop3A_470 = tpu.vector_load %arg8[%parallel_loop3A_468, %parallel_loop3A_469] {strides = array<i32>} : memref<256x64xf32, #tpu.memory_space<vmem>>, vector<1x16xf32>,
        %parallel_loop3A_471 = vector.shape_cast %parallel_loop3A_470 : vector<1x16xf32> to vector<16xf32>
        %parallel_loop3A_472 = vector.shape_cast %parallel_loop3A_465 : vector<16xf32> to vector<1x16xf32>
        tpu.vector_store %arg8[%parallel_loop3A_468, %parallel_loop3A_469], %parallel_loop3A_472 {strides = array<i32>} : memref<256x64xf32, #tpu.memory_space<vmem>>, vector<1x16xf32>,
        %parallel_loop3A_473 = arith.constant 6 : i32
        %parallel_loop3A_474 = arith.addi %parallel_loop3A_88, %parallel_loop3A_473 : i32
        %parallel_loop3A_475 = arith.index_cast %parallel_loop3A_474 : i32 to index
        %parallel_loop3A_476 = arith.constant 0 : index
        %parallel_loop3A_477 = tpu.vector_load %arg6[%parallel_loop3A_475, %parallel_loop3A_476] {strides = array<i32>} : memref<256x64xf32, #tpu.memory_space<vmem>>, vector<1x16xf32>,
        %parallel_loop3A_478 = vector.shape_cast %parallel_loop3A_477 : vector<1x16xf32> to vector<16xf32>
        %parallel_loop3A_479 = arith.constant 8.000000e+00 : f32
        %parallel_loop3A_480 = vector.broadcast %parallel_loop3A_479 : f32 to vector<16xf32>
        %parallel_loop3A_481 = arith.mulf %parallel_loop3A_478, %parallel_loop3A_480 : vector<16xf32>
        %parallel_loop3A_482 = arith.constant 6 : i32
        %parallel_loop3A_483 = arith.addi %parallel_loop3A_88, %parallel_loop3A_482 : i32
        %parallel_loop3A_484 = arith.index_cast %parallel_loop3A_483 : i32 to index
        %parallel_loop3A_485 = arith.constant 0 : index
        %parallel_loop3A_486 = tpu.vector_load %arg8[%parallel_loop3A_484, %parallel_loop3A_485] {strides = array<i32>} : memref<256x64xf32, #tpu.memory_space<vmem>>, vector<1x16xf32>,
        %parallel_loop3A_487 = vector.shape_cast %parallel_loop3A_486 : vector<1x16xf32> to vector<16xf32>
        %parallel_loop3A_488 = vector.shape_cast %parallel_loop3A_481 : vector<16xf32> to vector<1x16xf32>
        tpu.vector_store %arg8[%parallel_loop3A_484, %parallel_loop3A_485], %parallel_loop3A_488 {strides = array<i32>} : memref<256x64xf32, #tpu.memory_space<vmem>>, vector<1x16xf32>,
        %parallel_loop3A_489 = arith.constant 6 : i32
        %parallel_loop3A_490 = arith.addi %parallel_loop3A_88, %parallel_loop3A_489 : i32
        %parallel_loop3A_491 = arith.index_cast %parallel_loop3A_490 : i32 to index
        %parallel_loop3A_492 = arith.constant 16 : index
        %parallel_loop3A_493 = tpu.vector_load %arg6[%parallel_loop3A_491, %parallel_loop3A_492] {strides = array<i32>} : memref<256x64xf32, #tpu.memory_space<vmem>>, vector<1x16xf32>,
        %parallel_loop3A_494 = vector.shape_cast %parallel_loop3A_493 : vector<1x16xf32> to vector<16xf32>
        %parallel_loop3A_495 = arith.constant 8.000000e+00 : f32
        %parallel_loop3A_496 = vector.broadcast %parallel_loop3A_495 : f32 to vector<16xf32>
        %parallel_loop3A_497 = arith.mulf %parallel_loop3A_494, %parallel_loop3A_496 : vector<16xf32>
        %parallel_loop3A_498 = arith.constant 6 : i32
        %parallel_loop3A_499 = arith.addi %parallel_loop3A_88, %parallel_loop3A_498 : i32
        %parallel_loop3A_500 = arith.index_cast %parallel_loop3A_499 : i32 to index
        %parallel_loop3A_501 = arith.constant 16 : index
        %parallel_loop3A_502 = tpu.vector_load %arg8[%parallel_loop3A_500, %parallel_loop3A_501] {strides = array<i32>} : memref<256x64xf32, #tpu.memory_space<vmem>>, vector<1x16xf32>,
        %parallel_loop3A_503 = vector.shape_cast %parallel_loop3A_502 : vector<1x16xf32> to vector<16xf32>
        %parallel_loop3A_504 = vector.shape_cast %parallel_loop3A_497 : vector<16xf32> to vector<1x16xf32>
        tpu.vector_store %arg8[%parallel_loop3A_500, %parallel_loop3A_501], %parallel_loop3A_504 {strides = array<i32>} : memref<256x64xf32, #tpu.memory_space<vmem>>, vector<1x16xf32>,
        %parallel_loop3A_505 = arith.constant 6 : i32
        %parallel_loop3A_506 = arith.addi %parallel_loop3A_88, %parallel_loop3A_505 : i32
        %parallel_loop3A_507 = arith.index_cast %parallel_loop3A_506 : i32 to index
        %parallel_loop3A_508 = arith.constant 32 : index
        %parallel_loop3A_509 = tpu.vector_load %arg6[%parallel_loop3A_507, %parallel_loop3A_508] {strides = array<i32>} : memref<256x64xf32, #tpu.memory_space<vmem>>, vector<1x16xf32>,
        %parallel_loop3A_510 = vector.shape_cast %parallel_loop3A_509 : vector<1x16xf32> to vector<16xf32>
        %parallel_loop3A_511 = arith.constant 8.000000e+00 : f32
        %parallel_loop3A_512 = vector.broadcast %parallel_loop3A_511 : f32 to vector<16xf32>
        %parallel_loop3A_513 = arith.mulf %parallel_loop3A_510, %parallel_loop3A_512 : vector<16xf32>
        %parallel_loop3A_514 = arith.constant 6 : i32
        %parallel_loop3A_515 = arith.addi %parallel_loop3A_88, %parallel_loop3A_514 : i32
        %parallel_loop3A_516 = arith.index_cast %parallel_loop3A_515 : i32 to index
        %parallel_loop3A_517 = arith.constant 32 : index
        %parallel_loop3A_518 = tpu.vector_load %arg8[%parallel_loop3A_516, %parallel_loop3A_517] {strides = array<i32>} : memref<256x64xf32, #tpu.memory_space<vmem>>, vector<1x16xf32>,
        %parallel_loop3A_519 = vector.shape_cast %parallel_loop3A_518 : vector<1x16xf32> to vector<16xf32>
        %parallel_loop3A_520 = vector.shape_cast %parallel_loop3A_513 : vector<16xf32> to vector<1x16xf32>
        tpu.vector_store %arg8[%parallel_loop3A_516, %parallel_loop3A_517], %parallel_loop3A_520 {strides = array<i32>} : memref<256x64xf32, #tpu.memory_space<vmem>>, vector<1x16xf32>,
        %parallel_loop3A_521 = arith.constant 6 : i32
        %parallel_loop3A_522 = arith.addi %parallel_loop3A_88, %parallel_loop3A_521 : i32
        %parallel_loop3A_523 = arith.index_cast %parallel_loop3A_522 : i32 to index
        %parallel_loop3A_524 = arith.constant 48 : index
        %parallel_loop3A_525 = tpu.vector_load %arg6[%parallel_loop3A_523, %parallel_loop3A_524] {strides = array<i32>} : memref<256x64xf32, #tpu.memory_space<vmem>>, vector<1x16xf32>,
        %parallel_loop3A_526 = vector.shape_cast %parallel_loop3A_525 : vector<1x16xf32> to vector<16xf32>
        %parallel_loop3A_527 = arith.constant 8.000000e+00 : f32
        %parallel_loop3A_528 = vector.broadcast %parallel_loop3A_527 : f32 to vector<16xf32>
        %parallel_loop3A_529 = arith.mulf %parallel_loop3A_526, %parallel_loop3A_528 : vector<16xf32>
        %parallel_loop3A_530 = arith.constant 6 : i32
        %parallel_loop3A_531 = arith.addi %parallel_loop3A_88, %parallel_loop3A_530 : i32
        %parallel_loop3A_532 = arith.index_cast %parallel_loop3A_531 : i32 to index
        %parallel_loop3A_533 = arith.constant 48 : index
        %parallel_loop3A_534 = tpu.vector_load %arg8[%parallel_loop3A_532, %parallel_loop3A_533] {strides = array<i32>} : memref<256x64xf32, #tpu.memory_space<vmem>>, vector<1x16xf32>,
        %parallel_loop3A_535 = vector.shape_cast %parallel_loop3A_534 : vector<1x16xf32> to vector<16xf32>
        %parallel_loop3A_536 = vector.shape_cast %parallel_loop3A_529 : vector<16xf32> to vector<1x16xf32>
        tpu.vector_store %arg8[%parallel_loop3A_532, %parallel_loop3A_533], %parallel_loop3A_536 {strides = array<i32>} : memref<256x64xf32, #tpu.memory_space<vmem>>, vector<1x16xf32>,
        %parallel_loop3A_537 = arith.constant 7 : i32
        %parallel_loop3A_538 = arith.addi %parallel_loop3A_88, %parallel_loop3A_537 : i32
        %parallel_loop3A_539 = arith.index_cast %parallel_loop3A_538 : i32 to index
        %parallel_loop3A_540 = arith.constant 0 : index
        %parallel_loop3A_541 = tpu.vector_load %arg6[%parallel_loop3A_539, %parallel_loop3A_540] {strides = array<i32>} : memref<256x64xf32, #tpu.memory_space<vmem>>, vector<1x16xf32>,
        %parallel_loop3A_542 = vector.shape_cast %parallel_loop3A_541 : vector<1x16xf32> to vector<16xf32>
        %parallel_loop3A_543 = arith.constant 8.000000e+00 : f32
        %parallel_loop3A_544 = vector.broadcast %parallel_loop3A_543 : f32 to vector<16xf32>
        %parallel_loop3A_545 = arith.mulf %parallel_loop3A_542, %parallel_loop3A_544 : vector<16xf32>
        %parallel_loop3A_546 = arith.constant 7 : i32
        %parallel_loop3A_547 = arith.addi %parallel_loop3A_88, %parallel_loop3A_546 : i32
        %parallel_loop3A_548 = arith.index_cast %parallel_loop3A_547 : i32 to index
        %parallel_loop3A_549 = arith.constant 0 : index
        %parallel_loop3A_550 = tpu.vector_load %arg8[%parallel_loop3A_548, %parallel_loop3A_549] {strides = array<i32>} : memref<256x64xf32, #tpu.memory_space<vmem>>, vector<1x16xf32>,
        %parallel_loop3A_551 = vector.shape_cast %parallel_loop3A_550 : vector<1x16xf32> to vector<16xf32>
        %parallel_loop3A_552 = vector.shape_cast %parallel_loop3A_545 : vector<16xf32> to vector<1x16xf32>
        tpu.vector_store %arg8[%parallel_loop3A_548, %parallel_loop3A_549], %parallel_loop3A_552 {strides = array<i32>} : memref<256x64xf32, #tpu.memory_space<vmem>>, vector<1x16xf32>,
        %parallel_loop3A_553 = arith.constant 7 : i32
        %parallel_loop3A_554 = arith.addi %parallel_loop3A_88, %parallel_loop3A_553 : i32
        %parallel_loop3A_555 = arith.index_cast %parallel_loop3A_554 : i32 to index
        %parallel_loop3A_556 = arith.constant 16 : index
        %parallel_loop3A_557 = tpu.vector_load %arg6[%parallel_loop3A_555, %parallel_loop3A_556] {strides = array<i32>} : memref<256x64xf32, #tpu.memory_space<vmem>>, vector<1x16xf32>,
        %parallel_loop3A_558 = vector.shape_cast %parallel_loop3A_557 : vector<1x16xf32> to vector<16xf32>
        %parallel_loop3A_559 = arith.constant 8.000000e+00 : f32
        %parallel_loop3A_560 = vector.broadcast %parallel_loop3A_559 : f32 to vector<16xf32>
        %parallel_loop3A_561 = arith.mulf %parallel_loop3A_558, %parallel_loop3A_560 : vector<16xf32>
        %parallel_loop3A_562 = arith.constant 7 : i32
        %parallel_loop3A_563 = arith.addi %parallel_loop3A_88, %parallel_loop3A_562 : i32
        %parallel_loop3A_564 = arith.index_cast %parallel_loop3A_563 : i32 to index
        %parallel_loop3A_565 = arith.constant 16 : index
        %parallel_loop3A_566 = tpu.vector_load %arg8[%parallel_loop3A_564, %parallel_loop3A_565] {strides = array<i32>} : memref<256x64xf32, #tpu.memory_space<vmem>>, vector<1x16xf32>,
        %parallel_loop3A_567 = vector.shape_cast %parallel_loop3A_566 : vector<1x16xf32> to vector<16xf32>
        %parallel_loop3A_568 = vector.shape_cast %parallel_loop3A_561 : vector<16xf32> to vector<1x16xf32>
        tpu.vector_store %arg8[%parallel_loop3A_564, %parallel_loop3A_565], %parallel_loop3A_568 {strides = array<i32>} : memref<256x64xf32, #tpu.memory_space<vmem>>, vector<1x16xf32>,
        %parallel_loop3A_569 = arith.constant 7 : i32
        %parallel_loop3A_570 = arith.addi %parallel_loop3A_88, %parallel_loop3A_569 : i32
        %parallel_loop3A_571 = arith.index_cast %parallel_loop3A_570 : i32 to index
        %parallel_loop3A_572 = arith.constant 32 : index
        %parallel_loop3A_573 = tpu.vector_load %arg6[%parallel_loop3A_571, %parallel_loop3A_572] {strides = array<i32>} : memref<256x64xf32, #tpu.memory_space<vmem>>, vector<1x16xf32>,
        %parallel_loop3A_574 = vector.shape_cast %parallel_loop3A_573 : vector<1x16xf32> to vector<16xf32>
        %parallel_loop3A_575 = arith.constant 8.000000e+00 : f32
        %parallel_loop3A_576 = vector.broadcast %parallel_loop3A_575 : f32 to vector<16xf32>
        %parallel_loop3A_577 = arith.mulf %parallel_loop3A_574, %parallel_loop3A_576 : vector<16xf32>
        %parallel_loop3A_578 = arith.constant 7 : i32
        %parallel_loop3A_579 = arith.addi %parallel_loop3A_88, %parallel_loop3A_578 : i32
        %parallel_loop3A_580 = arith.index_cast %parallel_loop3A_579 : i32 to index
        %parallel_loop3A_581 = arith.constant 32 : index
        %parallel_loop3A_582 = tpu.vector_load %arg8[%parallel_loop3A_580, %parallel_loop3A_581] {strides = array<i32>} : memref<256x64xf32, #tpu.memory_space<vmem>>, vector<1x16xf32>,
        %parallel_loop3A_583 = vector.shape_cast %parallel_loop3A_582 : vector<1x16xf32> to vector<16xf32>
        %parallel_loop3A_584 = vector.shape_cast %parallel_loop3A_577 : vector<16xf32> to vector<1x16xf32>
        tpu.vector_store %arg8[%parallel_loop3A_580, %parallel_loop3A_581], %parallel_loop3A_584 {strides = array<i32>} : memref<256x64xf32, #tpu.memory_space<vmem>>, vector<1x16xf32>,
        %parallel_loop3A_585 = arith.constant 7 : i32
        %parallel_loop3A_586 = arith.addi %parallel_loop3A_88, %parallel_loop3A_585 : i32
        %parallel_loop3A_587 = arith.index_cast %parallel_loop3A_586 : i32 to index
        %parallel_loop3A_588 = arith.constant 48 : index
        %parallel_loop3A_589 = tpu.vector_load %arg6[%parallel_loop3A_587, %parallel_loop3A_588] {strides = array<i32>} : memref<256x64xf32, #tpu.memory_space<vmem>>, vector<1x16xf32>,
        %parallel_loop3A_590 = vector.shape_cast %parallel_loop3A_589 : vector<1x16xf32> to vector<16xf32>
        %parallel_loop3A_591 = arith.constant 8.000000e+00 : f32
        %parallel_loop3A_592 = vector.broadcast %parallel_loop3A_591 : f32 to vector<16xf32>
        %parallel_loop3A_593 = arith.mulf %parallel_loop3A_590, %parallel_loop3A_592 : vector<16xf32>
        %parallel_loop3A_594 = arith.constant 7 : i32
        %parallel_loop3A_595 = arith.addi %parallel_loop3A_88, %parallel_loop3A_594 : i32
        %parallel_loop3A_596 = arith.index_cast %parallel_loop3A_595 : i32 to index
        %parallel_loop3A_597 = arith.constant 48 : index
        %parallel_loop3A_598 = tpu.vector_load %arg8[%parallel_loop3A_596, %parallel_loop3A_597] {strides = array<i32>} : memref<256x64xf32, #tpu.memory_space<vmem>>, vector<1x16xf32>,
        %parallel_loop3A_599 = vector.shape_cast %parallel_loop3A_598 : vector<1x16xf32> to vector<16xf32>
        %parallel_loop3A_600 = vector.shape_cast %parallel_loop3A_593 : vector<16xf32> to vector<1x16xf32>
        tpu.vector_store %arg8[%parallel_loop3A_596, %parallel_loop3A_597], %parallel_loop3A_600 {strides = array<i32>} : memref<256x64xf32, #tpu.memory_space<vmem>>, vector<1x16xf32>,
      } {sc.loop_unroll_factor = 2 : i64, sc.parallel_access}
      %mul3A_43 = arith.constant 256 : i32
      %mul3A_44 = arith.muli %add3A_32, %mul3A_43 : i32
      %add3A_45 = arith.addi %mul3A_2, %mul3A_44 : i32
      %dma_start3A_46 = arith.constant 0 : i32
      %dma_start3A_47 = tpu.memref_slice %arg4[%add3A_45, %dma_start3A_46] : memref<819200x128xf32, #tpu.memory_space<hbm>> -> memref<256x64xf32, #tpu.memory_space<hbm>>
      %dma_start3A_48 = arith.constant 0 : i32
      %dma_start3A_49 = tpu.memref_slice %arg4[%add3A_45, %dma_start3A_48] : memref<819200x128xf32, #tpu.memory_space<hbm>> -> memref<256x64xf32, #tpu.memory_space<hbm>>
      tpu.enqueue_dma source(%arg8 : memref<256x64xf32, #tpu.memory_space<vmem>>) target(%dma_start3A_49 : memref<256x64xf32, #tpu.memory_space<hbm>>) target_semaphore(%arg12 : memref<!tpu.dma_semaphore, #tpu.memory_space<semaphore_mem>>)
      %add3A_50 = arith.constant 2 : i32
      %add3A_51 = arith.addi %add3A_32, %add3A_50 : i32
      %lt3A = arith.constant 100 : i32
      %lt3A_52 = arith.cmpi slt, %add3A_51, %lt3A : i32
      %convert_element_type3A_53 = arith.extui %lt3A_52 : i1 to i32
      %cond3A_54 = arith.constant 0 : i32
      %cond3A_55 = arith.cmpi ne, %convert_element_type3A_53, %cond3A_54 : i32
      scf.if %cond3A_55 {
        %add3A_88 = arith.constant 2 : i32
        %add3A_89 = arith.addi %add3A_32, %add3A_88 : i32
        %mul3A_90 = arith.constant 256 : i32
        %mul3A_91 = arith.muli %add3A_89, %mul3A_90 : i32
        %dma_start3A_92 = tpu.memref_slice %arg5[%mul3A_91] : memref<25600xi32, #tpu.memory_space<vmem>> -> memref<256xi32, #tpu.memory_space<vmem>>
        %dma_start3A_93 = arith.constant 0 : i32
        %dma_start3A_94 = arith.constant 0 : i32
        %dma_start3A_95 = tpu.memref_slice %arg3[%dma_start3A_93, %dma_start3A_94] : memref<1000000x64xf32, #tpu.memory_space<hbm>> -> memref<1000000x64xf32, #tpu.memory_space<hbm>>
        tpu.enqueue_indirect_dma source(%dma_start3A_95 : memref<1000000x64xf32, #tpu.memory_space<hbm>>) target(%arg6 : memref<256x64xf32, #tpu.memory_space<vmem>>) offsets(%dma_start3A_92 : memref<256xi32, #tpu.memory_space<vmem>>) semaphore(%arg10 : memref<!tpu.dma_semaphore, #tpu.memory_space<semaphore_mem>>)
      } else {
      }
      %mul3A_56 = arith.constant 2 : i32
      %mul3A_57 = arith.muli %mul3A_56, %scan3A_28 : i32
      %add3A_58 = arith.constant 1 : i32
      %add3A_59 = arith.addi %mul3A_57, %add3A_58 : i32
      %mul3A_60 = arith.constant 256 : i32
      %mul3A_61 = arith.muli %add3A_59, %mul3A_60 : i32
      %dma_wait3A_62 = tpu.memref_slice %arg5[%mul3A_61] : memref<25600xi32, #tpu.memory_space<vmem>> -> memref<256xi32, #tpu.memory_space<vmem>>
      %dma_wait3A_63 = arith.constant 0 : i32
      %dma_wait3A_64 = arith.constant 0 : i32
      %dma_wait3A_65 = tpu.memref_slice %arg3[%dma_wait3A_63, %dma_wait3A_64] : memref<1000000x64xf32, #tpu.memory_space<hbm>> -> memref<1000000x64xf32, #tpu.memory_space<hbm>>
      tpu.wait_indirect_dma semaphore(%arg11 : memref<!tpu.dma_semaphore, #tpu.memory_space<semaphore_mem>>) src(%dma_wait3A_65 : memref<1000000x64xf32, #tpu.memory_space<hbm>>) dst(%arg7 : memref<256x64xf32, #tpu.memory_space<vmem>>)
      %gt3A_66 = arith.constant 0 : i32
      %gt3A_67 = arith.cmpi sgt, %scan3A_28, %gt3A_66 : i32
      %convert_element_type3A_68 = arith.extui %gt3A_67 : i1 to i32
      %cond3A_69 = arith.constant 0 : i32
      %cond3A_70 = arith.cmpi ne, %convert_element_type3A_68, %cond3A_69 : i32
      scf.if %cond3A_70 {
        %sub3A = arith.constant 2 : i32
        %sub3A_88 = arith.subi %add3A_59, %sub3A : i32
        %mul3A_89 = arith.constant 256 : i32
        %mul3A_90 = arith.muli %sub3A_88, %mul3A_89 : i32
        %add3A_91 = arith.addi %mul3A_2, %mul3A_90 : i32
        %dma_wait3A_92 = arith.constant 0 : i32
        %dma_wait3A_93 = tpu.memref_slice %arg4[%add3A_91, %dma_wait3A_92] : memref<819200x128xf32, #tpu.memory_space<hbm>> -> memref<256x64xf32, #tpu.memory_space<hbm>>
        %dma_wait3A_94 = arith.constant 0 : i32
        %dma_wait3A_95 = tpu.memref_slice %arg4[%add3A_91, %dma_wait3A_94] : memref<819200x128xf32, #tpu.memory_space<hbm>> -> memref<256x64xf32, #tpu.memory_space<hbm>>
        tpu.wait_dma2 semaphore(%arg13 : memref<!tpu.dma_semaphore, #tpu.memory_space<semaphore_mem>>) src(%arg9 : memref<256x64xf32, #tpu.memory_space<vmem>>) dst(%dma_wait3A_95 : memref<256x64xf32, #tpu.memory_space<hbm>>)
      } else {
      }
      %parallel_loop3A_71 = arith.constant 0 : i32
      %parallel_loop3A_72 = arith.constant 256 : i32
      %parallel_loop3A_73 = arith.constant 8 : i32
      scf.for %parallel_loop3A_88 = %parallel_loop3A_71 to %parallel_loop3A_72 step %parallel_loop3A_73  : i32 {
        %parallel_loop3A_89 = arith.constant 0 : i32
        %parallel_loop3A_90 = arith.addi %parallel_loop3A_88, %parallel_loop3A_89 : i32
        %parallel_loop3A_91 = arith.index_cast %parallel_loop3A_90 : i32 to index
        %parallel_loop3A_92 = arith.constant 0 : index
        %parallel_loop3A_93 = tpu.vector_load %arg7[%parallel_loop3A_91, %parallel_loop3A_92] {strides = array<i32>} : memref<256x64xf32, #tpu.memory_space<vmem>>, vector<1x16xf32>,
        %parallel_loop3A_94 = vector.shape_cast %parallel_loop3A_93 : vector<1x16xf32> to vector<16xf32>
        %parallel_loop3A_95 = arith.constant 8.000000e+00 : f32
        %parallel_loop3A_96 = vector.broadcast %parallel_loop3A_95 : f32 to vector<16xf32>
        %parallel_loop3A_97 = arith.mulf %parallel_loop3A_94, %parallel_loop3A_96 : vector<16xf32>
        %parallel_loop3A_98 = arith.constant 0 : i32
        %parallel_loop3A_99 = arith.addi %parallel_loop3A_88, %parallel_loop3A_98 : i32
        %parallel_loop3A_100 = arith.index_cast %parallel_loop3A_99 : i32 to index
        %parallel_loop3A_101 = arith.constant 0 : index
        %parallel_loop3A_102 = tpu.vector_load %arg9[%parallel_loop3A_100, %parallel_loop3A_101] {strides = array<i32>} : memref<256x64xf32, #tpu.memory_space<vmem>>, vector<1x16xf32>,
        %parallel_loop3A_103 = vector.shape_cast %parallel_loop3A_102 : vector<1x16xf32> to vector<16xf32>
        %parallel_loop3A_104 = vector.shape_cast %parallel_loop3A_97 : vector<16xf32> to vector<1x16xf32>
        tpu.vector_store %arg9[%parallel_loop3A_100, %parallel_loop3A_101], %parallel_loop3A_104 {strides = array<i32>} : memref<256x64xf32, #tpu.memory_space<vmem>>, vector<1x16xf32>,
        %parallel_loop3A_105 = arith.constant 0 : i32
        %parallel_loop3A_106 = arith.addi %parallel_loop3A_88, %parallel_loop3A_105 : i32
        %parallel_loop3A_107 = arith.index_cast %parallel_loop3A_106 : i32 to index
        %parallel_loop3A_108 = arith.constant 16 : index
        %parallel_loop3A_109 = tpu.vector_load %arg7[%parallel_loop3A_107, %parallel_loop3A_108] {strides = array<i32>} : memref<256x64xf32, #tpu.memory_space<vmem>>, vector<1x16xf32>,
        %parallel_loop3A_110 = vector.shape_cast %parallel_loop3A_109 : vector<1x16xf32> to vector<16xf32>
        %parallel_loop3A_111 = arith.constant 8.000000e+00 : f32
        %parallel_loop3A_112 = vector.broadcast %parallel_loop3A_111 : f32 to vector<16xf32>
        %parallel_loop3A_113 = arith.mulf %parallel_loop3A_110, %parallel_loop3A_112 : vector<16xf32>
        %parallel_loop3A_114 = arith.constant 0 : i32
        %parallel_loop3A_115 = arith.addi %parallel_loop3A_88, %parallel_loop3A_114 : i32
        %parallel_loop3A_116 = arith.index_cast %parallel_loop3A_115 : i32 to index
        %parallel_loop3A_117 = arith.constant 16 : index
        %parallel_loop3A_118 = tpu.vector_load %arg9[%parallel_loop3A_116, %parallel_loop3A_117] {strides = array<i32>} : memref<256x64xf32, #tpu.memory_space<vmem>>, vector<1x16xf32>,
        %parallel_loop3A_119 = vector.shape_cast %parallel_loop3A_118 : vector<1x16xf32> to vector<16xf32>
        %parallel_loop3A_120 = vector.shape_cast %parallel_loop3A_113 : vector<16xf32> to vector<1x16xf32>
        tpu.vector_store %arg9[%parallel_loop3A_116, %parallel_loop3A_117], %parallel_loop3A_120 {strides = array<i32>} : memref<256x64xf32, #tpu.memory_space<vmem>>, vector<1x16xf32>,
        %parallel_loop3A_121 = arith.constant 0 : i32
        %parallel_loop3A_122 = arith.addi %parallel_loop3A_88, %parallel_loop3A_121 : i32
        %parallel_loop3A_123 = arith.index_cast %parallel_loop3A_122 : i32 to index
        %parallel_loop3A_124 = arith.constant 32 : index
        %parallel_loop3A_125 = tpu.vector_load %arg7[%parallel_loop3A_123, %parallel_loop3A_124] {strides = array<i32>} : memref<256x64xf32, #tpu.memory_space<vmem>>, vector<1x16xf32>,
        %parallel_loop3A_126 = vector.shape_cast %parallel_loop3A_125 : vector<1x16xf32> to vector<16xf32>
        %parallel_loop3A_127 = arith.constant 8.000000e+00 : f32
        %parallel_loop3A_128 = vector.broadcast %parallel_loop3A_127 : f32 to vector<16xf32>
        %parallel_loop3A_129 = arith.mulf %parallel_loop3A_126, %parallel_loop3A_128 : vector<16xf32>
        %parallel_loop3A_130 = arith.constant 0 : i32
        %parallel_loop3A_131 = arith.addi %parallel_loop3A_88, %parallel_loop3A_130 : i32
        %parallel_loop3A_132 = arith.index_cast %parallel_loop3A_131 : i32 to index
        %parallel_loop3A_133 = arith.constant 32 : index
        %parallel_loop3A_134 = tpu.vector_load %arg9[%parallel_loop3A_132, %parallel_loop3A_133] {strides = array<i32>} : memref<256x64xf32, #tpu.memory_space<vmem>>, vector<1x16xf32>,
        %parallel_loop3A_135 = vector.shape_cast %parallel_loop3A_134 : vector<1x16xf32> to vector<16xf32>
        %parallel_loop3A_136 = vector.shape_cast %parallel_loop3A_129 : vector<16xf32> to vector<1x16xf32>
        tpu.vector_store %arg9[%parallel_loop3A_132, %parallel_loop3A_133], %parallel_loop3A_136 {strides = array<i32>} : memref<256x64xf32, #tpu.memory_space<vmem>>, vector<1x16xf32>,
        %parallel_loop3A_137 = arith.constant 0 : i32
        %parallel_loop3A_138 = arith.addi %parallel_loop3A_88, %parallel_loop3A_137 : i32
        %parallel_loop3A_139 = arith.index_cast %parallel_loop3A_138 : i32 to index
        %parallel_loop3A_140 = arith.constant 48 : index
        %parallel_loop3A_141 = tpu.vector_load %arg7[%parallel_loop3A_139, %parallel_loop3A_140] {strides = array<i32>} : memref<256x64xf32, #tpu.memory_space<vmem>>, vector<1x16xf32>,
        %parallel_loop3A_142 = vector.shape_cast %parallel_loop3A_141 : vector<1x16xf32> to vector<16xf32>
        %parallel_loop3A_143 = arith.constant 8.000000e+00 : f32
        %parallel_loop3A_144 = vector.broadcast %parallel_loop3A_143 : f32 to vector<16xf32>
        %parallel_loop3A_145 = arith.mulf %parallel_loop3A_142, %parallel_loop3A_144 : vector<16xf32>
        %parallel_loop3A_146 = arith.constant 0 : i32
        %parallel_loop3A_147 = arith.addi %parallel_loop3A_88, %parallel_loop3A_146 : i32
        %parallel_loop3A_148 = arith.index_cast %parallel_loop3A_147 : i32 to index
        %parallel_loop3A_149 = arith.constant 48 : index
        %parallel_loop3A_150 = tpu.vector_load %arg9[%parallel_loop3A_148, %parallel_loop3A_149] {strides = array<i32>} : memref<256x64xf32, #tpu.memory_space<vmem>>, vector<1x16xf32>,
        %parallel_loop3A_151 = vector.shape_cast %parallel_loop3A_150 : vector<1x16xf32> to vector<16xf32>
        %parallel_loop3A_152 = vector.shape_cast %parallel_loop3A_145 : vector<16xf32> to vector<1x16xf32>
        tpu.vector_store %arg9[%parallel_loop3A_148, %parallel_loop3A_149], %parallel_loop3A_152 {strides = array<i32>} : memref<256x64xf32, #tpu.memory_space<vmem>>, vector<1x16xf32>,
        %parallel_loop3A_153 = arith.constant 1 : i32
        %parallel_loop3A_154 = arith.addi %parallel_loop3A_88, %parallel_loop3A_153 : i32
        %parallel_loop3A_155 = arith.index_cast %parallel_loop3A_154 : i32 to index
        %parallel_loop3A_156 = arith.constant 0 : index
        %parallel_loop3A_157 = tpu.vector_load %arg7[%parallel_loop3A_155, %parallel_loop3A_156] {strides = array<i32>} : memref<256x64xf32, #tpu.memory_space<vmem>>, vector<1x16xf32>,
        %parallel_loop3A_158 = vector.shape_cast %parallel_loop3A_157 : vector<1x16xf32> to vector<16xf32>
        %parallel_loop3A_159 = arith.constant 8.000000e+00 : f32
        %parallel_loop3A_160 = vector.broadcast %parallel_loop3A_159 : f32 to vector<16xf32>
        %parallel_loop3A_161 = arith.mulf %parallel_loop3A_158, %parallel_loop3A_160 : vector<16xf32>
        %parallel_loop3A_162 = arith.constant 1 : i32
        %parallel_loop3A_163 = arith.addi %parallel_loop3A_88, %parallel_loop3A_162 : i32
        %parallel_loop3A_164 = arith.index_cast %parallel_loop3A_163 : i32 to index
        %parallel_loop3A_165 = arith.constant 0 : index
        %parallel_loop3A_166 = tpu.vector_load %arg9[%parallel_loop3A_164, %parallel_loop3A_165] {strides = array<i32>} : memref<256x64xf32, #tpu.memory_space<vmem>>, vector<1x16xf32>,
        %parallel_loop3A_167 = vector.shape_cast %parallel_loop3A_166 : vector<1x16xf32> to vector<16xf32>
        %parallel_loop3A_168 = vector.shape_cast %parallel_loop3A_161 : vector<16xf32> to vector<1x16xf32>
        tpu.vector_store %arg9[%parallel_loop3A_164, %parallel_loop3A_165], %parallel_loop3A_168 {strides = array<i32>} : memref<256x64xf32, #tpu.memory_space<vmem>>, vector<1x16xf32>,
        %parallel_loop3A_169 = arith.constant 1 : i32
        %parallel_loop3A_170 = arith.addi %parallel_loop3A_88, %parallel_loop3A_169 : i32
        %parallel_loop3A_171 = arith.index_cast %parallel_loop3A_170 : i32 to index
        %parallel_loop3A_172 = arith.constant 16 : index
        %parallel_loop3A_173 = tpu.vector_load %arg7[%parallel_loop3A_171, %parallel_loop3A_172] {strides = array<i32>} : memref<256x64xf32, #tpu.memory_space<vmem>>, vector<1x16xf32>,
        %parallel_loop3A_174 = vector.shape_cast %parallel_loop3A_173 : vector<1x16xf32> to vector<16xf32>
        %parallel_loop3A_175 = arith.constant 8.000000e+00 : f32
        %parallel_loop3A_176 = vector.broadcast %parallel_loop3A_175 : f32 to vector<16xf32>
        %parallel_loop3A_177 = arith.mulf %parallel_loop3A_174, %parallel_loop3A_176 : vector<16xf32>
        %parallel_loop3A_178 = arith.constant 1 : i32
        %parallel_loop3A_179 = arith.addi %parallel_loop3A_88, %parallel_loop3A_178 : i32
        %parallel_loop3A_180 = arith.index_cast %parallel_loop3A_179 : i32 to index
        %parallel_loop3A_181 = arith.constant 16 : index
        %parallel_loop3A_182 = tpu.vector_load %arg9[%parallel_loop3A_180, %parallel_loop3A_181] {strides = array<i32>} : memref<256x64xf32, #tpu.memory_space<vmem>>, vector<1x16xf32>,
        %parallel_loop3A_183 = vector.shape_cast %parallel_loop3A_182 : vector<1x16xf32> to vector<16xf32>
        %parallel_loop3A_184 = vector.shape_cast %parallel_loop3A_177 : vector<16xf32> to vector<1x16xf32>
        tpu.vector_store %arg9[%parallel_loop3A_180, %parallel_loop3A_181], %parallel_loop3A_184 {strides = array<i32>} : memref<256x64xf32, #tpu.memory_space<vmem>>, vector<1x16xf32>,
        %parallel_loop3A_185 = arith.constant 1 : i32
        %parallel_loop3A_186 = arith.addi %parallel_loop3A_88, %parallel_loop3A_185 : i32
        %parallel_loop3A_187 = arith.index_cast %parallel_loop3A_186 : i32 to index
        %parallel_loop3A_188 = arith.constant 32 : index
        %parallel_loop3A_189 = tpu.vector_load %arg7[%parallel_loop3A_187, %parallel_loop3A_188] {strides = array<i32>} : memref<256x64xf32, #tpu.memory_space<vmem>>, vector<1x16xf32>,
        %parallel_loop3A_190 = vector.shape_cast %parallel_loop3A_189 : vector<1x16xf32> to vector<16xf32>
        %parallel_loop3A_191 = arith.constant 8.000000e+00 : f32
        %parallel_loop3A_192 = vector.broadcast %parallel_loop3A_191 : f32 to vector<16xf32>
        %parallel_loop3A_193 = arith.mulf %parallel_loop3A_190, %parallel_loop3A_192 : vector<16xf32>
        %parallel_loop3A_194 = arith.constant 1 : i32
        %parallel_loop3A_195 = arith.addi %parallel_loop3A_88, %parallel_loop3A_194 : i32
        %parallel_loop3A_196 = arith.index_cast %parallel_loop3A_195 : i32 to index
        %parallel_loop3A_197 = arith.constant 32 : index
        %parallel_loop3A_198 = tpu.vector_load %arg9[%parallel_loop3A_196, %parallel_loop3A_197] {strides = array<i32>} : memref<256x64xf32, #tpu.memory_space<vmem>>, vector<1x16xf32>,
        %parallel_loop3A_199 = vector.shape_cast %parallel_loop3A_198 : vector<1x16xf32> to vector<16xf32>
        %parallel_loop3A_200 = vector.shape_cast %parallel_loop3A_193 : vector<16xf32> to vector<1x16xf32>
        tpu.vector_store %arg9[%parallel_loop3A_196, %parallel_loop3A_197], %parallel_loop3A_200 {strides = array<i32>} : memref<256x64xf32, #tpu.memory_space<vmem>>, vector<1x16xf32>,
        %parallel_loop3A_201 = arith.constant 1 : i32
        %parallel_loop3A_202 = arith.addi %parallel_loop3A_88, %parallel_loop3A_201 : i32
        %parallel_loop3A_203 = arith.index_cast %parallel_loop3A_202 : i32 to index
        %parallel_loop3A_204 = arith.constant 48 : index
        %parallel_loop3A_205 = tpu.vector_load %arg7[%parallel_loop3A_203, %parallel_loop3A_204] {strides = array<i32>} : memref<256x64xf32, #tpu.memory_space<vmem>>, vector<1x16xf32>,
        %parallel_loop3A_206 = vector.shape_cast %parallel_loop3A_205 : vector<1x16xf32> to vector<16xf32>
        %parallel_loop3A_207 = arith.constant 8.000000e+00 : f32
        %parallel_loop3A_208 = vector.broadcast %parallel_loop3A_207 : f32 to vector<16xf32>
        %parallel_loop3A_209 = arith.mulf %parallel_loop3A_206, %parallel_loop3A_208 : vector<16xf32>
        %parallel_loop3A_210 = arith.constant 1 : i32
        %parallel_loop3A_211 = arith.addi %parallel_loop3A_88, %parallel_loop3A_210 : i32
        %parallel_loop3A_212 = arith.index_cast %parallel_loop3A_211 : i32 to index
        %parallel_loop3A_213 = arith.constant 48 : index
        %parallel_loop3A_214 = tpu.vector_load %arg9[%parallel_loop3A_212, %parallel_loop3A_213] {strides = array<i32>} : memref<256x64xf32, #tpu.memory_space<vmem>>, vector<1x16xf32>,
        %parallel_loop3A_215 = vector.shape_cast %parallel_loop3A_214 : vector<1x16xf32> to vector<16xf32>
        %parallel_loop3A_216 = vector.shape_cast %parallel_loop3A_209 : vector<16xf32> to vector<1x16xf32>
        tpu.vector_store %arg9[%parallel_loop3A_212, %parallel_loop3A_213], %parallel_loop3A_216 {strides = array<i32>} : memref<256x64xf32, #tpu.memory_space<vmem>>, vector<1x16xf32>,
        %parallel_loop3A_217 = arith.constant 2 : i32
        %parallel_loop3A_218 = arith.addi %parallel_loop3A_88, %parallel_loop3A_217 : i32
        %parallel_loop3A_219 = arith.index_cast %parallel_loop3A_218 : i32 to index
        %parallel_loop3A_220 = arith.constant 0 : index
        %parallel_loop3A_221 = tpu.vector_load %arg7[%parallel_loop3A_219, %parallel_loop3A_220] {strides = array<i32>} : memref<256x64xf32, #tpu.memory_space<vmem>>, vector<1x16xf32>,
        %parallel_loop3A_222 = vector.shape_cast %parallel_loop3A_221 : vector<1x16xf32> to vector<16xf32>
        %parallel_loop3A_223 = arith.constant 8.000000e+00 : f32
        %parallel_loop3A_224 = vector.broadcast %parallel_loop3A_223 : f32 to vector<16xf32>
        %parallel_loop3A_225 = arith.mulf %parallel_loop3A_222, %parallel_loop3A_224 : vector<16xf32>
        %parallel_loop3A_226 = arith.constant 2 : i32
        %parallel_loop3A_227 = arith.addi %parallel_loop3A_88, %parallel_loop3A_226 : i32
        %parallel_loop3A_228 = arith.index_cast %parallel_loop3A_227 : i32 to index
        %parallel_loop3A_229 = arith.constant 0 : index
        %parallel_loop3A_230 = tpu.vector_load %arg9[%parallel_loop3A_228, %parallel_loop3A_229] {strides = array<i32>} : memref<256x64xf32, #tpu.memory_space<vmem>>, vector<1x16xf32>,
        %parallel_loop3A_231 = vector.shape_cast %parallel_loop3A_230 : vector<1x16xf32> to vector<16xf32>
        %parallel_loop3A_232 = vector.shape_cast %parallel_loop3A_225 : vector<16xf32> to vector<1x16xf32>
        tpu.vector_store %arg9[%parallel_loop3A_228, %parallel_loop3A_229], %parallel_loop3A_232 {strides = array<i32>} : memref<256x64xf32, #tpu.memory_space<vmem>>, vector<1x16xf32>,
        %parallel_loop3A_233 = arith.constant 2 : i32
        %parallel_loop3A_234 = arith.addi %parallel_loop3A_88, %parallel_loop3A_233 : i32
        %parallel_loop3A_235 = arith.index_cast %parallel_loop3A_234 : i32 to index
        %parallel_loop3A_236 = arith.constant 16 : index
        %parallel_loop3A_237 = tpu.vector_load %arg7[%parallel_loop3A_235, %parallel_loop3A_236] {strides = array<i32>} : memref<256x64xf32, #tpu.memory_space<vmem>>, vector<1x16xf32>,
        %parallel_loop3A_238 = vector.shape_cast %parallel_loop3A_237 : vector<1x16xf32> to vector<16xf32>
        %parallel_loop3A_239 = arith.constant 8.000000e+00 : f32
        %parallel_loop3A_240 = vector.broadcast %parallel_loop3A_239 : f32 to vector<16xf32>
        %parallel_loop3A_241 = arith.mulf %parallel_loop3A_238, %parallel_loop3A_240 : vector<16xf32>
        %parallel_loop3A_242 = arith.constant 2 : i32
        %parallel_loop3A_243 = arith.addi %parallel_loop3A_88, %parallel_loop3A_242 : i32
        %parallel_loop3A_244 = arith.index_cast %parallel_loop3A_243 : i32 to index
        %parallel_loop3A_245 = arith.constant 16 : index
        %parallel_loop3A_246 = tpu.vector_load %arg9[%parallel_loop3A_244, %parallel_loop3A_245] {strides = array<i32>} : memref<256x64xf32, #tpu.memory_space<vmem>>, vector<1x16xf32>,
        %parallel_loop3A_247 = vector.shape_cast %parallel_loop3A_246 : vector<1x16xf32> to vector<16xf32>
        %parallel_loop3A_248 = vector.shape_cast %parallel_loop3A_241 : vector<16xf32> to vector<1x16xf32>
        tpu.vector_store %arg9[%parallel_loop3A_244, %parallel_loop3A_245], %parallel_loop3A_248 {strides = array<i32>} : memref<256x64xf32, #tpu.memory_space<vmem>>, vector<1x16xf32>,
        %parallel_loop3A_249 = arith.constant 2 : i32
        %parallel_loop3A_250 = arith.addi %parallel_loop3A_88, %parallel_loop3A_249 : i32
        %parallel_loop3A_251 = arith.index_cast %parallel_loop3A_250 : i32 to index
        %parallel_loop3A_252 = arith.constant 32 : index
        %parallel_loop3A_253 = tpu.vector_load %arg7[%parallel_loop3A_251, %parallel_loop3A_252] {strides = array<i32>} : memref<256x64xf32, #tpu.memory_space<vmem>>, vector<1x16xf32>,
        %parallel_loop3A_254 = vector.shape_cast %parallel_loop3A_253 : vector<1x16xf32> to vector<16xf32>
        %parallel_loop3A_255 = arith.constant 8.000000e+00 : f32
        %parallel_loop3A_256 = vector.broadcast %parallel_loop3A_255 : f32 to vector<16xf32>
        %parallel_loop3A_257 = arith.mulf %parallel_loop3A_254, %parallel_loop3A_256 : vector<16xf32>
        %parallel_loop3A_258 = arith.constant 2 : i32
        %parallel_loop3A_259 = arith.addi %parallel_loop3A_88, %parallel_loop3A_258 : i32
        %parallel_loop3A_260 = arith.index_cast %parallel_loop3A_259 : i32 to index
        %parallel_loop3A_261 = arith.constant 32 : index
        %parallel_loop3A_262 = tpu.vector_load %arg9[%parallel_loop3A_260, %parallel_loop3A_261] {strides = array<i32>} : memref<256x64xf32, #tpu.memory_space<vmem>>, vector<1x16xf32>,
        %parallel_loop3A_263 = vector.shape_cast %parallel_loop3A_262 : vector<1x16xf32> to vector<16xf32>
        %parallel_loop3A_264 = vector.shape_cast %parallel_loop3A_257 : vector<16xf32> to vector<1x16xf32>
        tpu.vector_store %arg9[%parallel_loop3A_260, %parallel_loop3A_261], %parallel_loop3A_264 {strides = array<i32>} : memref<256x64xf32, #tpu.memory_space<vmem>>, vector<1x16xf32>,
        %parallel_loop3A_265 = arith.constant 2 : i32
        %parallel_loop3A_266 = arith.addi %parallel_loop3A_88, %parallel_loop3A_265 : i32
        %parallel_loop3A_267 = arith.index_cast %parallel_loop3A_266 : i32 to index
        %parallel_loop3A_268 = arith.constant 48 : index
        %parallel_loop3A_269 = tpu.vector_load %arg7[%parallel_loop3A_267, %parallel_loop3A_268] {strides = array<i32>} : memref<256x64xf32, #tpu.memory_space<vmem>>, vector<1x16xf32>,
        %parallel_loop3A_270 = vector.shape_cast %parallel_loop3A_269 : vector<1x16xf32> to vector<16xf32>
        %parallel_loop3A_271 = arith.constant 8.000000e+00 : f32
        %parallel_loop3A_272 = vector.broadcast %parallel_loop3A_271 : f32 to vector<16xf32>
        %parallel_loop3A_273 = arith.mulf %parallel_loop3A_270, %parallel_loop3A_272 : vector<16xf32>
        %parallel_loop3A_274 = arith.constant 2 : i32
        %parallel_loop3A_275 = arith.addi %parallel_loop3A_88, %parallel_loop3A_274 : i32
        %parallel_loop3A_276 = arith.index_cast %parallel_loop3A_275 : i32 to index
        %parallel_loop3A_277 = arith.constant 48 : index
        %parallel_loop3A_278 = tpu.vector_load %arg9[%parallel_loop3A_276, %parallel_loop3A_277] {strides = array<i32>} : memref<256x64xf32, #tpu.memory_space<vmem>>, vector<1x16xf32>,
        %parallel_loop3A_279 = vector.shape_cast %parallel_loop3A_278 : vector<1x16xf32> to vector<16xf32>
        %parallel_loop3A_280 = vector.shape_cast %parallel_loop3A_273 : vector<16xf32> to vector<1x16xf32>
        tpu.vector_store %arg9[%parallel_loop3A_276, %parallel_loop3A_277], %parallel_loop3A_280 {strides = array<i32>} : memref<256x64xf32, #tpu.memory_space<vmem>>, vector<1x16xf32>,
        %parallel_loop3A_281 = arith.constant 3 : i32
        %parallel_loop3A_282 = arith.addi %parallel_loop3A_88, %parallel_loop3A_281 : i32
        %parallel_loop3A_283 = arith.index_cast %parallel_loop3A_282 : i32 to index
        %parallel_loop3A_284 = arith.constant 0 : index
        %parallel_loop3A_285 = tpu.vector_load %arg7[%parallel_loop3A_283, %parallel_loop3A_284] {strides = array<i32>} : memref<256x64xf32, #tpu.memory_space<vmem>>, vector<1x16xf32>,
        %parallel_loop3A_286 = vector.shape_cast %parallel_loop3A_285 : vector<1x16xf32> to vector<16xf32>
        %parallel_loop3A_287 = arith.constant 8.000000e+00 : f32
        %parallel_loop3A_288 = vector.broadcast %parallel_loop3A_287 : f32 to vector<16xf32>
        %parallel_loop3A_289 = arith.mulf %parallel_loop3A_286, %parallel_loop3A_288 : vector<16xf32>
        %parallel_loop3A_290 = arith.constant 3 : i32
        %parallel_loop3A_291 = arith.addi %parallel_loop3A_88, %parallel_loop3A_290 : i32
        %parallel_loop3A_292 = arith.index_cast %parallel_loop3A_291 : i32 to index
        %parallel_loop3A_293 = arith.constant 0 : index
        %parallel_loop3A_294 = tpu.vector_load %arg9[%parallel_loop3A_292, %parallel_loop3A_293] {strides = array<i32>} : memref<256x64xf32, #tpu.memory_space<vmem>>, vector<1x16xf32>,
        %parallel_loop3A_295 = vector.shape_cast %parallel_loop3A_294 : vector<1x16xf32> to vector<16xf32>
        %parallel_loop3A_296 = vector.shape_cast %parallel_loop3A_289 : vector<16xf32> to vector<1x16xf32>
        tpu.vector_store %arg9[%parallel_loop3A_292, %parallel_loop3A_293], %parallel_loop3A_296 {strides = array<i32>} : memref<256x64xf32, #tpu.memory_space<vmem>>, vector<1x16xf32>,
        %parallel_loop3A_297 = arith.constant 3 : i32
        %parallel_loop3A_298 = arith.addi %parallel_loop3A_88, %parallel_loop3A_297 : i32
        %parallel_loop3A_299 = arith.index_cast %parallel_loop3A_298 : i32 to index
        %parallel_loop3A_300 = arith.constant 16 : index
        %parallel_loop3A_301 = tpu.vector_load %arg7[%parallel_loop3A_299, %parallel_loop3A_300] {strides = array<i32>} : memref<256x64xf32, #tpu.memory_space<vmem>>, vector<1x16xf32>,
        %parallel_loop3A_302 = vector.shape_cast %parallel_loop3A_301 : vector<1x16xf32> to vector<16xf32>
        %parallel_loop3A_303 = arith.constant 8.000000e+00 : f32
        %parallel_loop3A_304 = vector.broadcast %parallel_loop3A_303 : f32 to vector<16xf32>
        %parallel_loop3A_305 = arith.mulf %parallel_loop3A_302, %parallel_loop3A_304 : vector<16xf32>
        %parallel_loop3A_306 = arith.constant 3 : i32
        %parallel_loop3A_307 = arith.addi %parallel_loop3A_88, %parallel_loop3A_306 : i32
        %parallel_loop3A_308 = arith.index_cast %parallel_loop3A_307 : i32 to index
        %parallel_loop3A_309 = arith.constant 16 : index
        %parallel_loop3A_310 = tpu.vector_load %arg9[%parallel_loop3A_308, %parallel_loop3A_309] {strides = array<i32>} : memref<256x64xf32, #tpu.memory_space<vmem>>, vector<1x16xf32>,
        %parallel_loop3A_311 = vector.shape_cast %parallel_loop3A_310 : vector<1x16xf32> to vector<16xf32>
        %parallel_loop3A_312 = vector.shape_cast %parallel_loop3A_305 : vector<16xf32> to vector<1x16xf32>
        tpu.vector_store %arg9[%parallel_loop3A_308, %parallel_loop3A_309], %parallel_loop3A_312 {strides = array<i32>} : memref<256x64xf32, #tpu.memory_space<vmem>>, vector<1x16xf32>,
        %parallel_loop3A_313 = arith.constant 3 : i32
        %parallel_loop3A_314 = arith.addi %parallel_loop3A_88, %parallel_loop3A_313 : i32
        %parallel_loop3A_315 = arith.index_cast %parallel_loop3A_314 : i32 to index
        %parallel_loop3A_316 = arith.constant 32 : index
        %parallel_loop3A_317 = tpu.vector_load %arg7[%parallel_loop3A_315, %parallel_loop3A_316] {strides = array<i32>} : memref<256x64xf32, #tpu.memory_space<vmem>>, vector<1x16xf32>,
        %parallel_loop3A_318 = vector.shape_cast %parallel_loop3A_317 : vector<1x16xf32> to vector<16xf32>
        %parallel_loop3A_319 = arith.constant 8.000000e+00 : f32
        %parallel_loop3A_320 = vector.broadcast %parallel_loop3A_319 : f32 to vector<16xf32>
        %parallel_loop3A_321 = arith.mulf %parallel_loop3A_318, %parallel_loop3A_320 : vector<16xf32>
        %parallel_loop3A_322 = arith.constant 3 : i32
        %parallel_loop3A_323 = arith.addi %parallel_loop3A_88, %parallel_loop3A_322 : i32
        %parallel_loop3A_324 = arith.index_cast %parallel_loop3A_323 : i32 to index
        %parallel_loop3A_325 = arith.constant 32 : index
        %parallel_loop3A_326 = tpu.vector_load %arg9[%parallel_loop3A_324, %parallel_loop3A_325] {strides = array<i32>} : memref<256x64xf32, #tpu.memory_space<vmem>>, vector<1x16xf32>,
        %parallel_loop3A_327 = vector.shape_cast %parallel_loop3A_326 : vector<1x16xf32> to vector<16xf32>
        %parallel_loop3A_328 = vector.shape_cast %parallel_loop3A_321 : vector<16xf32> to vector<1x16xf32>
        tpu.vector_store %arg9[%parallel_loop3A_324, %parallel_loop3A_325], %parallel_loop3A_328 {strides = array<i32>} : memref<256x64xf32, #tpu.memory_space<vmem>>, vector<1x16xf32>,
        %parallel_loop3A_329 = arith.constant 3 : i32
        %parallel_loop3A_330 = arith.addi %parallel_loop3A_88, %parallel_loop3A_329 : i32
        %parallel_loop3A_331 = arith.index_cast %parallel_loop3A_330 : i32 to index
        %parallel_loop3A_332 = arith.constant 48 : index
        %parallel_loop3A_333 = tpu.vector_load %arg7[%parallel_loop3A_331, %parallel_loop3A_332] {strides = array<i32>} : memref<256x64xf32, #tpu.memory_space<vmem>>, vector<1x16xf32>,
        %parallel_loop3A_334 = vector.shape_cast %parallel_loop3A_333 : vector<1x16xf32> to vector<16xf32>
        %parallel_loop3A_335 = arith.constant 8.000000e+00 : f32
        %parallel_loop3A_336 = vector.broadcast %parallel_loop3A_335 : f32 to vector<16xf32>
        %parallel_loop3A_337 = arith.mulf %parallel_loop3A_334, %parallel_loop3A_336 : vector<16xf32>
        %parallel_loop3A_338 = arith.constant 3 : i32
        %parallel_loop3A_339 = arith.addi %parallel_loop3A_88, %parallel_loop3A_338 : i32
        %parallel_loop3A_340 = arith.index_cast %parallel_loop3A_339 : i32 to index
        %parallel_loop3A_341 = arith.constant 48 : index
        %parallel_loop3A_342 = tpu.vector_load %arg9[%parallel_loop3A_340, %parallel_loop3A_341] {strides = array<i32>} : memref<256x64xf32, #tpu.memory_space<vmem>>, vector<1x16xf32>,
        %parallel_loop3A_343 = vector.shape_cast %parallel_loop3A_342 : vector<1x16xf32> to vector<16xf32>
        %parallel_loop3A_344 = vector.shape_cast %parallel_loop3A_337 : vector<16xf32> to vector<1x16xf32>
        tpu.vector_store %arg9[%parallel_loop3A_340, %parallel_loop3A_341], %parallel_loop3A_344 {strides = array<i32>} : memref<256x64xf32, #tpu.memory_space<vmem>>, vector<1x16xf32>,
        %parallel_loop3A_345 = arith.constant 4 : i32
        %parallel_loop3A_346 = arith.addi %parallel_loop3A_88, %parallel_loop3A_345 : i32
        %parallel_loop3A_347 = arith.index_cast %parallel_loop3A_346 : i32 to index
        %parallel_loop3A_348 = arith.constant 0 : index
        %parallel_loop3A_349 = tpu.vector_load %arg7[%parallel_loop3A_347, %parallel_loop3A_348] {strides = array<i32>} : memref<256x64xf32, #tpu.memory_space<vmem>>, vector<1x16xf32>,
        %parallel_loop3A_350 = vector.shape_cast %parallel_loop3A_349 : vector<1x16xf32> to vector<16xf32>
        %parallel_loop3A_351 = arith.constant 8.000000e+00 : f32
        %parallel_loop3A_352 = vector.broadcast %parallel_loop3A_351 : f32 to vector<16xf32>
        %parallel_loop3A_353 = arith.mulf %parallel_loop3A_350, %parallel_loop3A_352 : vector<16xf32>
        %parallel_loop3A_354 = arith.constant 4 : i32
        %parallel_loop3A_355 = arith.addi %parallel_loop3A_88, %parallel_loop3A_354 : i32
        %parallel_loop3A_356 = arith.index_cast %parallel_loop3A_355 : i32 to index
        %parallel_loop3A_357 = arith.constant 0 : index
        %parallel_loop3A_358 = tpu.vector_load %arg9[%parallel_loop3A_356, %parallel_loop3A_357] {strides = array<i32>} : memref<256x64xf32, #tpu.memory_space<vmem>>, vector<1x16xf32>,
        %parallel_loop3A_359 = vector.shape_cast %parallel_loop3A_358 : vector<1x16xf32> to vector<16xf32>
        %parallel_loop3A_360 = vector.shape_cast %parallel_loop3A_353 : vector<16xf32> to vector<1x16xf32>
        tpu.vector_store %arg9[%parallel_loop3A_356, %parallel_loop3A_357], %parallel_loop3A_360 {strides = array<i32>} : memref<256x64xf32, #tpu.memory_space<vmem>>, vector<1x16xf32>,
        %parallel_loop3A_361 = arith.constant 4 : i32
        %parallel_loop3A_362 = arith.addi %parallel_loop3A_88, %parallel_loop3A_361 : i32
        %parallel_loop3A_363 = arith.index_cast %parallel_loop3A_362 : i32 to index
        %parallel_loop3A_364 = arith.constant 16 : index
        %parallel_loop3A_365 = tpu.vector_load %arg7[%parallel_loop3A_363, %parallel_loop3A_364] {strides = array<i32>} : memref<256x64xf32, #tpu.memory_space<vmem>>, vector<1x16xf32>,
        %parallel_loop3A_366 = vector.shape_cast %parallel_loop3A_365 : vector<1x16xf32> to vector<16xf32>
        %parallel_loop3A_367 = arith.constant 8.000000e+00 : f32
        %parallel_loop3A_368 = vector.broadcast %parallel_loop3A_367 : f32 to vector<16xf32>
        %parallel_loop3A_369 = arith.mulf %parallel_loop3A_366, %parallel_loop3A_368 : vector<16xf32>
        %parallel_loop3A_370 = arith.constant 4 : i32
        %parallel_loop3A_371 = arith.addi %parallel_loop3A_88, %parallel_loop3A_370 : i32
        %parallel_loop3A_372 = arith.index_cast %parallel_loop3A_371 : i32 to index
        %parallel_loop3A_373 = arith.constant 16 : index
        %parallel_loop3A_374 = tpu.vector_load %arg9[%parallel_loop3A_372, %parallel_loop3A_373] {strides = array<i32>} : memref<256x64xf32, #tpu.memory_space<vmem>>, vector<1x16xf32>,
        %parallel_loop3A_375 = vector.shape_cast %parallel_loop3A_374 : vector<1x16xf32> to vector<16xf32>
        %parallel_loop3A_376 = vector.shape_cast %parallel_loop3A_369 : vector<16xf32> to vector<1x16xf32>
        tpu.vector_store %arg9[%parallel_loop3A_372, %parallel_loop3A_373], %parallel_loop3A_376 {strides = array<i32>} : memref<256x64xf32, #tpu.memory_space<vmem>>, vector<1x16xf32>,
        %parallel_loop3A_377 = arith.constant 4 : i32
        %parallel_loop3A_378 = arith.addi %parallel_loop3A_88, %parallel_loop3A_377 : i32
        %parallel_loop3A_379 = arith.index_cast %parallel_loop3A_378 : i32 to index
        %parallel_loop3A_380 = arith.constant 32 : index
        %parallel_loop3A_381 = tpu.vector_load %arg7[%parallel_loop3A_379, %parallel_loop3A_380] {strides = array<i32>} : memref<256x64xf32, #tpu.memory_space<vmem>>, vector<1x16xf32>,
        %parallel_loop3A_382 = vector.shape_cast %parallel_loop3A_381 : vector<1x16xf32> to vector<16xf32>
        %parallel_loop3A_383 = arith.constant 8.000000e+00 : f32
        %parallel_loop3A_384 = vector.broadcast %parallel_loop3A_383 : f32 to vector<16xf32>
        %parallel_loop3A_385 = arith.mulf %parallel_loop3A_382, %parallel_loop3A_384 : vector<16xf32>
        %parallel_loop3A_386 = arith.constant 4 : i32
        %parallel_loop3A_387 = arith.addi %parallel_loop3A_88, %parallel_loop3A_386 : i32
        %parallel_loop3A_388 = arith.index_cast %parallel_loop3A_387 : i32 to index
        %parallel_loop3A_389 = arith.constant 32 : index
        %parallel_loop3A_390 = tpu.vector_load %arg9[%parallel_loop3A_388, %parallel_loop3A_389] {strides = array<i32>} : memref<256x64xf32, #tpu.memory_space<vmem>>, vector<1x16xf32>,
        %parallel_loop3A_391 = vector.shape_cast %parallel_loop3A_390 : vector<1x16xf32> to vector<16xf32>
        %parallel_loop3A_392 = vector.shape_cast %parallel_loop3A_385 : vector<16xf32> to vector<1x16xf32>
        tpu.vector_store %arg9[%parallel_loop3A_388, %parallel_loop3A_389], %parallel_loop3A_392 {strides = array<i32>} : memref<256x64xf32, #tpu.memory_space<vmem>>, vector<1x16xf32>,
        %parallel_loop3A_393 = arith.constant 4 : i32
        %parallel_loop3A_394 = arith.addi %parallel_loop3A_88, %parallel_loop3A_393 : i32
        %parallel_loop3A_395 = arith.index_cast %parallel_loop3A_394 : i32 to index
        %parallel_loop3A_396 = arith.constant 48 : index
        %parallel_loop3A_397 = tpu.vector_load %arg7[%parallel_loop3A_395, %parallel_loop3A_396] {strides = array<i32>} : memref<256x64xf32, #tpu.memory_space<vmem>>, vector<1x16xf32>,
        %parallel_loop3A_398 = vector.shape_cast %parallel_loop3A_397 : vector<1x16xf32> to vector<16xf32>
        %parallel_loop3A_399 = arith.constant 8.000000e+00 : f32
        %parallel_loop3A_400 = vector.broadcast %parallel_loop3A_399 : f32 to vector<16xf32>
        %parallel_loop3A_401 = arith.mulf %parallel_loop3A_398, %parallel_loop3A_400 : vector<16xf32>
        %parallel_loop3A_402 = arith.constant 4 : i32
        %parallel_loop3A_403 = arith.addi %parallel_loop3A_88, %parallel_loop3A_402 : i32
        %parallel_loop3A_404 = arith.index_cast %parallel_loop3A_403 : i32 to index
        %parallel_loop3A_405 = arith.constant 48 : index
        %parallel_loop3A_406 = tpu.vector_load %arg9[%parallel_loop3A_404, %parallel_loop3A_405] {strides = array<i32>} : memref<256x64xf32, #tpu.memory_space<vmem>>, vector<1x16xf32>,
        %parallel_loop3A_407 = vector.shape_cast %parallel_loop3A_406 : vector<1x16xf32> to vector<16xf32>
        %parallel_loop3A_408 = vector.shape_cast %parallel_loop3A_401 : vector<16xf32> to vector<1x16xf32>
        tpu.vector_store %arg9[%parallel_loop3A_404, %parallel_loop3A_405], %parallel_loop3A_408 {strides = array<i32>} : memref<256x64xf32, #tpu.memory_space<vmem>>, vector<1x16xf32>,
        %parallel_loop3A_409 = arith.constant 5 : i32
        %parallel_loop3A_410 = arith.addi %parallel_loop3A_88, %parallel_loop3A_409 : i32
        %parallel_loop3A_411 = arith.index_cast %parallel_loop3A_410 : i32 to index
        %parallel_loop3A_412 = arith.constant 0 : index
        %parallel_loop3A_413 = tpu.vector_load %arg7[%parallel_loop3A_411, %parallel_loop3A_412] {strides = array<i32>} : memref<256x64xf32, #tpu.memory_space<vmem>>, vector<1x16xf32>,
        %parallel_loop3A_414 = vector.shape_cast %parallel_loop3A_413 : vector<1x16xf32> to vector<16xf32>
        %parallel_loop3A_415 = arith.constant 8.000000e+00 : f32
        %parallel_loop3A_416 = vector.broadcast %parallel_loop3A_415 : f32 to vector<16xf32>
        %parallel_loop3A_417 = arith.mulf %parallel_loop3A_414, %parallel_loop3A_416 : vector<16xf32>
        %parallel_loop3A_418 = arith.constant 5 : i32
        %parallel_loop3A_419 = arith.addi %parallel_loop3A_88, %parallel_loop3A_418 : i32
        %parallel_loop3A_420 = arith.index_cast %parallel_loop3A_419 : i32 to index
        %parallel_loop3A_421 = arith.constant 0 : index
        %parallel_loop3A_422 = tpu.vector_load %arg9[%parallel_loop3A_420, %parallel_loop3A_421] {strides = array<i32>} : memref<256x64xf32, #tpu.memory_space<vmem>>, vector<1x16xf32>,
        %parallel_loop3A_423 = vector.shape_cast %parallel_loop3A_422 : vector<1x16xf32> to vector<16xf32>
        %parallel_loop3A_424 = vector.shape_cast %parallel_loop3A_417 : vector<16xf32> to vector<1x16xf32>
        tpu.vector_store %arg9[%parallel_loop3A_420, %parallel_loop3A_421], %parallel_loop3A_424 {strides = array<i32>} : memref<256x64xf32, #tpu.memory_space<vmem>>, vector<1x16xf32>,
        %parallel_loop3A_425 = arith.constant 5 : i32
        %parallel_loop3A_426 = arith.addi %parallel_loop3A_88, %parallel_loop3A_425 : i32
        %parallel_loop3A_427 = arith.index_cast %parallel_loop3A_426 : i32 to index
        %parallel_loop3A_428 = arith.constant 16 : index
        %parallel_loop3A_429 = tpu.vector_load %arg7[%parallel_loop3A_427, %parallel_loop3A_428] {strides = array<i32>} : memref<256x64xf32, #tpu.memory_space<vmem>>, vector<1x16xf32>,
        %parallel_loop3A_430 = vector.shape_cast %parallel_loop3A_429 : vector<1x16xf32> to vector<16xf32>
        %parallel_loop3A_431 = arith.constant 8.000000e+00 : f32
        %parallel_loop3A_432 = vector.broadcast %parallel_loop3A_431 : f32 to vector<16xf32>
        %parallel_loop3A_433 = arith.mulf %parallel_loop3A_430, %parallel_loop3A_432 : vector<16xf32>
        %parallel_loop3A_434 = arith.constant 5 : i32
        %parallel_loop3A_435 = arith.addi %parallel_loop3A_88, %parallel_loop3A_434 : i32
        %parallel_loop3A_436 = arith.index_cast %parallel_loop3A_435 : i32 to index
        %parallel_loop3A_437 = arith.constant 16 : index
        %parallel_loop3A_438 = tpu.vector_load %arg9[%parallel_loop3A_436, %parallel_loop3A_437] {strides = array<i32>} : memref<256x64xf32, #tpu.memory_space<vmem>>, vector<1x16xf32>,
        %parallel_loop3A_439 = vector.shape_cast %parallel_loop3A_438 : vector<1x16xf32> to vector<16xf32>
        %parallel_loop3A_440 = vector.shape_cast %parallel_loop3A_433 : vector<16xf32> to vector<1x16xf32>
        tpu.vector_store %arg9[%parallel_loop3A_436, %parallel_loop3A_437], %parallel_loop3A_440 {strides = array<i32>} : memref<256x64xf32, #tpu.memory_space<vmem>>, vector<1x16xf32>,
        %parallel_loop3A_441 = arith.constant 5 : i32
        %parallel_loop3A_442 = arith.addi %parallel_loop3A_88, %parallel_loop3A_441 : i32
        %parallel_loop3A_443 = arith.index_cast %parallel_loop3A_442 : i32 to index
        %parallel_loop3A_444 = arith.constant 32 : index
        %parallel_loop3A_445 = tpu.vector_load %arg7[%parallel_loop3A_443, %parallel_loop3A_444] {strides = array<i32>} : memref<256x64xf32, #tpu.memory_space<vmem>>, vector<1x16xf32>,
        %parallel_loop3A_446 = vector.shape_cast %parallel_loop3A_445 : vector<1x16xf32> to vector<16xf32>
        %parallel_loop3A_447 = arith.constant 8.000000e+00 : f32
        %parallel_loop3A_448 = vector.broadcast %parallel_loop3A_447 : f32 to vector<16xf32>
        %parallel_loop3A_449 = arith.mulf %parallel_loop3A_446, %parallel_loop3A_448 : vector<16xf32>
        %parallel_loop3A_450 = arith.constant 5 : i32
        %parallel_loop3A_451 = arith.addi %parallel_loop3A_88, %parallel_loop3A_450 : i32
        %parallel_loop3A_452 = arith.index_cast %parallel_loop3A_451 : i32 to index
        %parallel_loop3A_453 = arith.constant 32 : index
        %parallel_loop3A_454 = tpu.vector_load %arg9[%parallel_loop3A_452, %parallel_loop3A_453] {strides = array<i32>} : memref<256x64xf32, #tpu.memory_space<vmem>>, vector<1x16xf32>,
        %parallel_loop3A_455 = vector.shape_cast %parallel_loop3A_454 : vector<1x16xf32> to vector<16xf32>
        %parallel_loop3A_456 = vector.shape_cast %parallel_loop3A_449 : vector<16xf32> to vector<1x16xf32>
        tpu.vector_store %arg9[%parallel_loop3A_452, %parallel_loop3A_453], %parallel_loop3A_456 {strides = array<i32>} : memref<256x64xf32, #tpu.memory_space<vmem>>, vector<1x16xf32>,
        %parallel_loop3A_457 = arith.constant 5 : i32
        %parallel_loop3A_458 = arith.addi %parallel_loop3A_88, %parallel_loop3A_457 : i32
        %parallel_loop3A_459 = arith.index_cast %parallel_loop3A_458 : i32 to index
        %parallel_loop3A_460 = arith.constant 48 : index
        %parallel_loop3A_461 = tpu.vector_load %arg7[%parallel_loop3A_459, %parallel_loop3A_460] {strides = array<i32>} : memref<256x64xf32, #tpu.memory_space<vmem>>, vector<1x16xf32>,
        %parallel_loop3A_462 = vector.shape_cast %parallel_loop3A_461 : vector<1x16xf32> to vector<16xf32>
        %parallel_loop3A_463 = arith.constant 8.000000e+00 : f32
        %parallel_loop3A_464 = vector.broadcast %parallel_loop3A_463 : f32 to vector<16xf32>
        %parallel_loop3A_465 = arith.mulf %parallel_loop3A_462, %parallel_loop3A_464 : vector<16xf32>
        %parallel_loop3A_466 = arith.constant 5 : i32
        %parallel_loop3A_467 = arith.addi %parallel_loop3A_88, %parallel_loop3A_466 : i32
        %parallel_loop3A_468 = arith.index_cast %parallel_loop3A_467 : i32 to index
        %parallel_loop3A_469 = arith.constant 48 : index
        %parallel_loop3A_470 = tpu.vector_load %arg9[%parallel_loop3A_468, %parallel_loop3A_469] {strides = array<i32>} : memref<256x64xf32, #tpu.memory_space<vmem>>, vector<1x16xf32>,
        %parallel_loop3A_471 = vector.shape_cast %parallel_loop3A_470 : vector<1x16xf32> to vector<16xf32>
        %parallel_loop3A_472 = vector.shape_cast %parallel_loop3A_465 : vector<16xf32> to vector<1x16xf32>
        tpu.vector_store %arg9[%parallel_loop3A_468, %parallel_loop3A_469], %parallel_loop3A_472 {strides = array<i32>} : memref<256x64xf32, #tpu.memory_space<vmem>>, vector<1x16xf32>,
        %parallel_loop3A_473 = arith.constant 6 : i32
        %parallel_loop3A_474 = arith.addi %parallel_loop3A_88, %parallel_loop3A_473 : i32
        %parallel_loop3A_475 = arith.index_cast %parallel_loop3A_474 : i32 to index
        %parallel_loop3A_476 = arith.constant 0 : index
        %parallel_loop3A_477 = tpu.vector_load %arg7[%parallel_loop3A_475, %parallel_loop3A_476] {strides = array<i32>} : memref<256x64xf32, #tpu.memory_space<vmem>>, vector<1x16xf32>,
        %parallel_loop3A_478 = vector.shape_cast %parallel_loop3A_477 : vector<1x16xf32> to vector<16xf32>
        %parallel_loop3A_479 = arith.constant 8.000000e+00 : f32
        %parallel_loop3A_480 = vector.broadcast %parallel_loop3A_479 : f32 to vector<16xf32>
        %parallel_loop3A_481 = arith.mulf %parallel_loop3A_478, %parallel_loop3A_480 : vector<16xf32>
        %parallel_loop3A_482 = arith.constant 6 : i32
        %parallel_loop3A_483 = arith.addi %parallel_loop3A_88, %parallel_loop3A_482 : i32
        %parallel_loop3A_484 = arith.index_cast %parallel_loop3A_483 : i32 to index
        %parallel_loop3A_485 = arith.constant 0 : index
        %parallel_loop3A_486 = tpu.vector_load %arg9[%parallel_loop3A_484, %parallel_loop3A_485] {strides = array<i32>} : memref<256x64xf32, #tpu.memory_space<vmem>>, vector<1x16xf32>,
        %parallel_loop3A_487 = vector.shape_cast %parallel_loop3A_486 : vector<1x16xf32> to vector<16xf32>
        %parallel_loop3A_488 = vector.shape_cast %parallel_loop3A_481 : vector<16xf32> to vector<1x16xf32>
        tpu.vector_store %arg9[%parallel_loop3A_484, %parallel_loop3A_485], %parallel_loop3A_488 {strides = array<i32>} : memref<256x64xf32, #tpu.memory_space<vmem>>, vector<1x16xf32>,
        %parallel_loop3A_489 = arith.constant 6 : i32
        %parallel_loop3A_490 = arith.addi %parallel_loop3A_88, %parallel_loop3A_489 : i32
        %parallel_loop3A_491 = arith.index_cast %parallel_loop3A_490 : i32 to index
        %parallel_loop3A_492 = arith.constant 16 : index
        %parallel_loop3A_493 = tpu.vector_load %arg7[%parallel_loop3A_491, %parallel_loop3A_492] {strides = array<i32>} : memref<256x64xf32, #tpu.memory_space<vmem>>, vector<1x16xf32>,
        %parallel_loop3A_494 = vector.shape_cast %parallel_loop3A_493 : vector<1x16xf32> to vector<16xf32>
        %parallel_loop3A_495 = arith.constant 8.000000e+00 : f32
        %parallel_loop3A_496 = vector.broadcast %parallel_loop3A_495 : f32 to vector<16xf32>
        %parallel_loop3A_497 = arith.mulf %parallel_loop3A_494, %parallel_loop3A_496 : vector<16xf32>
        %parallel_loop3A_498 = arith.constant 6 : i32
        %parallel_loop3A_499 = arith.addi %parallel_loop3A_88, %parallel_loop3A_498 : i32
        %parallel_loop3A_500 = arith.index_cast %parallel_loop3A_499 : i32 to index
        %parallel_loop3A_501 = arith.constant 16 : index
        %parallel_loop3A_502 = tpu.vector_load %arg9[%parallel_loop3A_500, %parallel_loop3A_501] {strides = array<i32>} : memref<256x64xf32, #tpu.memory_space<vmem>>, vector<1x16xf32>,
        %parallel_loop3A_503 = vector.shape_cast %parallel_loop3A_502 : vector<1x16xf32> to vector<16xf32>
        %parallel_loop3A_504 = vector.shape_cast %parallel_loop3A_497 : vector<16xf32> to vector<1x16xf32>
        tpu.vector_store %arg9[%parallel_loop3A_500, %parallel_loop3A_501], %parallel_loop3A_504 {strides = array<i32>} : memref<256x64xf32, #tpu.memory_space<vmem>>, vector<1x16xf32>,
        %parallel_loop3A_505 = arith.constant 6 : i32
        %parallel_loop3A_506 = arith.addi %parallel_loop3A_88, %parallel_loop3A_505 : i32
        %parallel_loop3A_507 = arith.index_cast %parallel_loop3A_506 : i32 to index
        %parallel_loop3A_508 = arith.constant 32 : index
        %parallel_loop3A_509 = tpu.vector_load %arg7[%parallel_loop3A_507, %parallel_loop3A_508] {strides = array<i32>} : memref<256x64xf32, #tpu.memory_space<vmem>>, vector<1x16xf32>,
        %parallel_loop3A_510 = vector.shape_cast %parallel_loop3A_509 : vector<1x16xf32> to vector<16xf32>
        %parallel_loop3A_511 = arith.constant 8.000000e+00 : f32
        %parallel_loop3A_512 = vector.broadcast %parallel_loop3A_511 : f32 to vector<16xf32>
        %parallel_loop3A_513 = arith.mulf %parallel_loop3A_510, %parallel_loop3A_512 : vector<16xf32>
        %parallel_loop3A_514 = arith.constant 6 : i32
        %parallel_loop3A_515 = arith.addi %parallel_loop3A_88, %parallel_loop3A_514 : i32
        %parallel_loop3A_516 = arith.index_cast %parallel_loop3A_515 : i32 to index
        %parallel_loop3A_517 = arith.constant 32 : index
        %parallel_loop3A_518 = tpu.vector_load %arg9[%parallel_loop3A_516, %parallel_loop3A_517] {strides = array<i32>} : memref<256x64xf32, #tpu.memory_space<vmem>>, vector<1x16xf32>,
        %parallel_loop3A_519 = vector.shape_cast %parallel_loop3A_518 : vector<1x16xf32> to vector<16xf32>
        %parallel_loop3A_520 = vector.shape_cast %parallel_loop3A_513 : vector<16xf32> to vector<1x16xf32>
        tpu.vector_store %arg9[%parallel_loop3A_516, %parallel_loop3A_517], %parallel_loop3A_520 {strides = array<i32>} : memref<256x64xf32, #tpu.memory_space<vmem>>, vector<1x16xf32>,
        %parallel_loop3A_521 = arith.constant 6 : i32
        %parallel_loop3A_522 = arith.addi %parallel_loop3A_88, %parallel_loop3A_521 : i32
        %parallel_loop3A_523 = arith.index_cast %parallel_loop3A_522 : i32 to index
        %parallel_loop3A_524 = arith.constant 48 : index
        %parallel_loop3A_525 = tpu.vector_load %arg7[%parallel_loop3A_523, %parallel_loop3A_524] {strides = array<i32>} : memref<256x64xf32, #tpu.memory_space<vmem>>, vector<1x16xf32>,
        %parallel_loop3A_526 = vector.shape_cast %parallel_loop3A_525 : vector<1x16xf32> to vector<16xf32>
        %parallel_loop3A_527 = arith.constant 8.000000e+00 : f32
        %parallel_loop3A_528 = vector.broadcast %parallel_loop3A_527 : f32 to vector<16xf32>
        %parallel_loop3A_529 = arith.mulf %parallel_loop3A_526, %parallel_loop3A_528 : vector<16xf32>
        %parallel_loop3A_530 = arith.constant 6 : i32
        %parallel_loop3A_531 = arith.addi %parallel_loop3A_88, %parallel_loop3A_530 : i32
        %parallel_loop3A_532 = arith.index_cast %parallel_loop3A_531 : i32 to index
        %parallel_loop3A_533 = arith.constant 48 : index
        %parallel_loop3A_534 = tpu.vector_load %arg9[%parallel_loop3A_532, %parallel_loop3A_533] {strides = array<i32>} : memref<256x64xf32, #tpu.memory_space<vmem>>, vector<1x16xf32>,
        %parallel_loop3A_535 = vector.shape_cast %parallel_loop3A_534 : vector<1x16xf32> to vector<16xf32>
        %parallel_loop3A_536 = vector.shape_cast %parallel_loop3A_529 : vector<16xf32> to vector<1x16xf32>
        tpu.vector_store %arg9[%parallel_loop3A_532, %parallel_loop3A_533], %parallel_loop3A_536 {strides = array<i32>} : memref<256x64xf32, #tpu.memory_space<vmem>>, vector<1x16xf32>,
        %parallel_loop3A_537 = arith.constant 7 : i32
        %parallel_loop3A_538 = arith.addi %parallel_loop3A_88, %parallel_loop3A_537 : i32
        %parallel_loop3A_539 = arith.index_cast %parallel_loop3A_538 : i32 to index
        %parallel_loop3A_540 = arith.constant 0 : index
        %parallel_loop3A_541 = tpu.vector_load %arg7[%parallel_loop3A_539, %parallel_loop3A_540] {strides = array<i32>} : memref<256x64xf32, #tpu.memory_space<vmem>>, vector<1x16xf32>,
        %parallel_loop3A_542 = vector.shape_cast %parallel_loop3A_541 : vector<1x16xf32> to vector<16xf32>
        %parallel_loop3A_543 = arith.constant 8.000000e+00 : f32
        %parallel_loop3A_544 = vector.broadcast %parallel_loop3A_543 : f32 to vector<16xf32>
        %parallel_loop3A_545 = arith.mulf %parallel_loop3A_542, %parallel_loop3A_544 : vector<16xf32>
        %parallel_loop3A_546 = arith.constant 7 : i32
        %parallel_loop3A_547 = arith.addi %parallel_loop3A_88, %parallel_loop3A_546 : i32
        %parallel_loop3A_548 = arith.index_cast %parallel_loop3A_547 : i32 to index
        %parallel_loop3A_549 = arith.constant 0 : index
        %parallel_loop3A_550 = tpu.vector_load %arg9[%parallel_loop3A_548, %parallel_loop3A_549] {strides = array<i32>} : memref<256x64xf32, #tpu.memory_space<vmem>>, vector<1x16xf32>,
        %parallel_loop3A_551 = vector.shape_cast %parallel_loop3A_550 : vector<1x16xf32> to vector<16xf32>
        %parallel_loop3A_552 = vector.shape_cast %parallel_loop3A_545 : vector<16xf32> to vector<1x16xf32>
        tpu.vector_store %arg9[%parallel_loop3A_548, %parallel_loop3A_549], %parallel_loop3A_552 {strides = array<i32>} : memref<256x64xf32, #tpu.memory_space<vmem>>, vector<1x16xf32>,
        %parallel_loop3A_553 = arith.constant 7 : i32
        %parallel_loop3A_554 = arith.addi %parallel_loop3A_88, %parallel_loop3A_553 : i32
        %parallel_loop3A_555 = arith.index_cast %parallel_loop3A_554 : i32 to index
        %parallel_loop3A_556 = arith.constant 16 : index
        %parallel_loop3A_557 = tpu.vector_load %arg7[%parallel_loop3A_555, %parallel_loop3A_556] {strides = array<i32>} : memref<256x64xf32, #tpu.memory_space<vmem>>, vector<1x16xf32>,
        %parallel_loop3A_558 = vector.shape_cast %parallel_loop3A_557 : vector<1x16xf32> to vector<16xf32>
        %parallel_loop3A_559 = arith.constant 8.000000e+00 : f32
        %parallel_loop3A_560 = vector.broadcast %parallel_loop3A_559 : f32 to vector<16xf32>
        %parallel_loop3A_561 = arith.mulf %parallel_loop3A_558, %parallel_loop3A_560 : vector<16xf32>
        %parallel_loop3A_562 = arith.constant 7 : i32
        %parallel_loop3A_563 = arith.addi %parallel_loop3A_88, %parallel_loop3A_562 : i32
        %parallel_loop3A_564 = arith.index_cast %parallel_loop3A_563 : i32 to index
        %parallel_loop3A_565 = arith.constant 16 : index
        %parallel_loop3A_566 = tpu.vector_load %arg9[%parallel_loop3A_564, %parallel_loop3A_565] {strides = array<i32>} : memref<256x64xf32, #tpu.memory_space<vmem>>, vector<1x16xf32>,
        %parallel_loop3A_567 = vector.shape_cast %parallel_loop3A_566 : vector<1x16xf32> to vector<16xf32>
        %parallel_loop3A_568 = vector.shape_cast %parallel_loop3A_561 : vector<16xf32> to vector<1x16xf32>
        tpu.vector_store %arg9[%parallel_loop3A_564, %parallel_loop3A_565], %parallel_loop3A_568 {strides = array<i32>} : memref<256x64xf32, #tpu.memory_space<vmem>>, vector<1x16xf32>,
        %parallel_loop3A_569 = arith.constant 7 : i32
        %parallel_loop3A_570 = arith.addi %parallel_loop3A_88, %parallel_loop3A_569 : i32
        %parallel_loop3A_571 = arith.index_cast %parallel_loop3A_570 : i32 to index
        %parallel_loop3A_572 = arith.constant 32 : index
        %parallel_loop3A_573 = tpu.vector_load %arg7[%parallel_loop3A_571, %parallel_loop3A_572] {strides = array<i32>} : memref<256x64xf32, #tpu.memory_space<vmem>>, vector<1x16xf32>,
        %parallel_loop3A_574 = vector.shape_cast %parallel_loop3A_573 : vector<1x16xf32> to vector<16xf32>
        %parallel_loop3A_575 = arith.constant 8.000000e+00 : f32
        %parallel_loop3A_576 = vector.broadcast %parallel_loop3A_575 : f32 to vector<16xf32>
        %parallel_loop3A_577 = arith.mulf %parallel_loop3A_574, %parallel_loop3A_576 : vector<16xf32>
        %parallel_loop3A_578 = arith.constant 7 : i32
        %parallel_loop3A_579 = arith.addi %parallel_loop3A_88, %parallel_loop3A_578 : i32
        %parallel_loop3A_580 = arith.index_cast %parallel_loop3A_579 : i32 to index
        %parallel_loop3A_581 = arith.constant 32 : index
        %parallel_loop3A_582 = tpu.vector_load %arg9[%parallel_loop3A_580, %parallel_loop3A_581] {strides = array<i32>} : memref<256x64xf32, #tpu.memory_space<vmem>>, vector<1x16xf32>,
        %parallel_loop3A_583 = vector.shape_cast %parallel_loop3A_582 : vector<1x16xf32> to vector<16xf32>
        %parallel_loop3A_584 = vector.shape_cast %parallel_loop3A_577 : vector<16xf32> to vector<1x16xf32>
        tpu.vector_store %arg9[%parallel_loop3A_580, %parallel_loop3A_581], %parallel_loop3A_584 {strides = array<i32>} : memref<256x64xf32, #tpu.memory_space<vmem>>, vector<1x16xf32>,
        %parallel_loop3A_585 = arith.constant 7 : i32
        %parallel_loop3A_586 = arith.addi %parallel_loop3A_88, %parallel_loop3A_585 : i32
        %parallel_loop3A_587 = arith.index_cast %parallel_loop3A_586 : i32 to index
        %parallel_loop3A_588 = arith.constant 48 : index
        %parallel_loop3A_589 = tpu.vector_load %arg7[%parallel_loop3A_587, %parallel_loop3A_588] {strides = array<i32>} : memref<256x64xf32, #tpu.memory_space<vmem>>, vector<1x16xf32>,
        %parallel_loop3A_590 = vector.shape_cast %parallel_loop3A_589 : vector<1x16xf32> to vector<16xf32>
        %parallel_loop3A_591 = arith.constant 8.000000e+00 : f32
        %parallel_loop3A_592 = vector.broadcast %parallel_loop3A_591 : f32 to vector<16xf32>
        %parallel_loop3A_593 = arith.mulf %parallel_loop3A_590, %parallel_loop3A_592 : vector<16xf32>
        %parallel_loop3A_594 = arith.constant 7 : i32
        %parallel_loop3A_595 = arith.addi %parallel_loop3A_88, %parallel_loop3A_594 : i32
        %parallel_loop3A_596 = arith.index_cast %parallel_loop3A_595 : i32 to index
        %parallel_loop3A_597 = arith.constant 48 : index
        %parallel_loop3A_598 = tpu.vector_load %arg9[%parallel_loop3A_596, %parallel_loop3A_597] {strides = array<i32>} : memref<256x64xf32, #tpu.memory_space<vmem>>, vector<1x16xf32>,
        %parallel_loop3A_599 = vector.shape_cast %parallel_loop3A_598 : vector<1x16xf32> to vector<16xf32>
        %parallel_loop3A_600 = vector.shape_cast %parallel_loop3A_593 : vector<16xf32> to vector<1x16xf32>
        tpu.vector_store %arg9[%parallel_loop3A_596, %parallel_loop3A_597], %parallel_loop3A_600 {strides = array<i32>} : memref<256x64xf32, #tpu.memory_space<vmem>>, vector<1x16xf32>,
      } {sc.loop_unroll_factor = 2 : i64, sc.parallel_access}
      %mul3A_74 = arith.constant 256 : i32
      %mul3A_75 = arith.muli %add3A_59, %mul3A_74 : i32
      %add3A_76 = arith.addi %mul3A_2, %mul3A_75 : i32
      %dma_start3A_77 = arith.constant 0 : i32
      %dma_start3A_78 = tpu.memref_slice %arg4[%add3A_76, %dma_start3A_77] : memref<819200x128xf32, #tpu.memory_space<hbm>> -> memref<256x64xf32, #tpu.memory_space<hbm>>
      %dma_start3A_79 = arith.constant 0 : i32
      %dma_start3A_80 = tpu.memref_slice %arg4[%add3A_76, %dma_start3A_79] : memref<819200x128xf32, #tpu.memory_space<hbm>> -> memref<256x64xf32, #tpu.memory_space<hbm>>
      tpu.enqueue_dma source(%arg9 : memref<256x64xf32, #tpu.memory_space<vmem>>) target(%dma_start3A_80 : memref<256x64xf32, #tpu.memory_space<hbm>>) target_semaphore(%arg13 : memref<!tpu.dma_semaphore, #tpu.memory_space<semaphore_mem>>)
      %add3A_81 = arith.constant 2 : i32
      %add3A_82 = arith.addi %add3A_59, %add3A_81 : i32
      %lt3A_83 = arith.constant 100 : i32
      %lt3A_84 = arith.cmpi slt, %add3A_82, %lt3A_83 : i32
      %convert_element_type3A_85 = arith.extui %lt3A_84 : i1 to i32
      %cond3A_86 = arith.constant 0 : i32
      %cond3A_87 = arith.cmpi ne, %convert_element_type3A_85, %cond3A_86 : i32
      scf.if %cond3A_87 {
        %add3A_88 = arith.constant 2 : i32
        %add3A_89 = arith.addi %add3A_59, %add3A_88 : i32
        %mul3A_90 = arith.constant 256 : i32
        %mul3A_91 = arith.muli %add3A_89, %mul3A_90 : i32
        %dma_start3A_92 = tpu.memref_slice %arg5[%mul3A_91] : memref<25600xi32, #tpu.memory_space<vmem>> -> memref<256xi32, #tpu.memory_space<vmem>>
        %dma_start3A_93 = arith.constant 0 : i32
        %dma_start3A_94 = arith.constant 0 : i32
        %dma_start3A_95 = tpu.memref_slice %arg3[%dma_start3A_93, %dma_start3A_94] : memref<1000000x64xf32, #tpu.memory_space<hbm>> -> memref<1000000x64xf32, #tpu.memory_space<hbm>>
        tpu.enqueue_indirect_dma source(%dma_start3A_95 : memref<1000000x64xf32, #tpu.memory_space<hbm>>) target(%arg7 : memref<256x64xf32, #tpu.memory_space<vmem>>) offsets(%dma_start3A_92 : memref<256xi32, #tpu.memory_space<vmem>>) semaphore(%arg11 : memref<!tpu.dma_semaphore, #tpu.memory_space<semaphore_mem>>)
      } else {
      }
    }
    %scan3A_16 = arith.constant 50 : i32
    %add3A_17 = arith.constant 25088 : i32
    %add3A_18 = arith.addi %mul3A_2, %add3A_17 : i32
    %dma_wait3A = arith.constant 0 : i32
    %dma_wait3A_19 = tpu.memref_slice %arg4[%add3A_18, %dma_wait3A] : memref<819200x128xf32, #tpu.memory_space<hbm>> -> memref<256x64xf32, #tpu.memory_space<hbm>>
    %dma_wait3A_20 = arith.constant 0 : i32
    %dma_wait3A_21 = tpu.memref_slice %arg4[%add3A_18, %dma_wait3A_20] : memref<819200x128xf32, #tpu.memory_space<hbm>> -> memref<256x64xf32, #tpu.memory_space<hbm>>
    tpu.wait_dma2 semaphore(%arg12 : memref<!tpu.dma_semaphore, #tpu.memory_space<semaphore_mem>>) src(%arg8 : memref<256x64xf32, #tpu.memory_space<vmem>>) dst(%dma_wait3A_21 : memref<256x64xf32, #tpu.memory_space<hbm>>)
    %add3A_22 = arith.constant 25344 : i32
    %add3A_23 = arith.addi %mul3A_2, %add3A_22 : i32
    %dma_wait3A_24 = arith.constant 0 : i32
    %dma_wait3A_25 = tpu.memref_slice %arg4[%add3A_23, %dma_wait3A_24] : memref<819200x128xf32, #tpu.memory_space<hbm>> -> memref<256x64xf32, #tpu.memory_space<hbm>>
    %dma_wait3A_26 = arith.constant 0 : i32
    %dma_wait3A_27 = tpu.memref_slice %arg4[%add3A_23, %dma_wait3A_26] : memref<819200x128xf32, #tpu.memory_space<hbm>> -> memref<256x64xf32, #tpu.memory_space<hbm>>
    tpu.wait_dma2 semaphore(%arg13 : memref<!tpu.dma_semaphore, #tpu.memory_space<semaphore_mem>>) src(%arg9 : memref<256x64xf32, #tpu.memory_space<vmem>>) dst(%dma_wait3A_27 : memref<256x64xf32, #tpu.memory_space<hbm>>)
    return
  }
}

</mosaic_0001>

<sc_bundles>
// kernel: kernel.4.cloned.1.call-start
scs
__scs_entry_jumppad:
0x0: {  	(pc) =	sbr.rel $0x88, $3  }
0x1: {  	(tag) =	ssettag $0x0;
	lr =	simm.s32 $0x1  }
0x2: {  	[smem:$0x3F9F] =	sst lr;
	_ =	strace $0xD0000000  }
0x3: {  	_ = 	snop  }
0x4: {  	_ = 	snop  }
0x5: {  	_ = 	snop  }
0x6: {  	_ = 	snop  }
0x7: {  	_ = 	snop  }
__scs_overlays_trampoline_lowered:
0x8: {  	[smem:$0x3FAE] =	sst s0  }
0x9: {  	[smem:$0x3FAF] =	sst s1  }
0xa: {  	[smem:$0x3FB0] =	sst s2  }
0xb: {  	[smem:$0x3FB1] =	sst s3  }
0xc: {  	[smem:$0x3FB2] =	sst s4  }
0xd: {  	[smem:$0x3FB3] =	sst s5  }
0xe: {  	[smem:$0x3FB4] =	sst s6  }
0xf: {  	[smem:$0x3FB5] =	sst s7  }
0x10: {  	[smem:$0x3FB6] =	sst s8  }
0x11: {  	[smem:$0x3FB7] =	sst s9;
	s0 =	simm.s32 @!p0 $0x0  }
0x12: {  	s1 =	sld [smem:$0x3F9D];
	s0 =	simm.s32 @p0 $0x1  }
0x13: {  	[smem:$0x3FB8] =	sst s0;
	s0 =	simm.s32 @!p1 $0x0  }
0x14: {  	s2 =	sld [smem:$0x3F9C];
	s0 =	simm.s32 @p1 $0x1  }
0x15: {  	[smem:$0x3FB9] =	sst s0;
	s0 =	simm.s32 @!p2 $0x0  }
0x16: {  	s3 =	sld [smem:$0x3FDB];
	s0 =	simm.s32 @p2 $0x1  }
0x17: {  	s4 =	simm.s32 $0x1BF5;
	[smem:$0x3FBB] =	sst s0  }
0x18: {  	s0 =	sld [smem:$0x3F9E];
	_ =	swait.ge [sflag:s4], $0x0  }
0x19: {  	s7 =	sld [smem:$0x3F9F]  }
0x1a: {  	s8 =	sadd.s32 $0xFFFFE003, lr  }
0x1b: {  	s9 =	sadd.s32 $0xFFFFFEF7, lr;
	s5 =	simm.s32 $0xFFFFFFFF;
	p2 =	slt.u32 s8, $0xFFFFF086  }
0x1c: {  	p1 =	slt.u32 s9, $0xF7A;
	s5 =	simm.s32 @!p2 $0x0  }
0x1d: {  	s5 =	simm.s32 @p1 $0x1;
	p0 =	seq.s32 s7, s2  }
0x1e: {  	s7 =	smul.u32 @!p0 $0xF7A, s2;
	p2 =	seq.s32 @!p0 s5, $0x0  }
0x1f: {  	s9 =	smul.u32 $0xF7A, s1;
	s8 =	simm.s32 @!p0 $0x1BF5;
	p2 =	por !p2, p0  }
0x20: {  	[sflag:s8] =	ssyncset.s32 @!p0 $0xFFFFF086;
	s6 =	sadd.s32 @!p0 s3, s7;
	s7 =	simm.s32 @!p0 $0x108  }
0x21: {  	s3 =	sadd.s32 s3, s9;
	s6 =	sadd.s32 @!p0 $0x88, s6;
	s7 =	simm.s32 @p2 $0x1082  }
0x22: {  	[simem:s7], [sflag:s8] =	dma.local @!p0 [hbm:s6], $0xF7A  }
0x23: {  	s9 =	sor.u32 $0xD0000000, s2;
	s6 =	simm.s32 $0x108;
	_ =	swait.ge @!p0 [sflag:s8], $0x0  }
0x24: {  	s3 =	sadd.s32 $0x88, s3;
	s6 =	simm.s32 @!p1 $0x1082;
	[sflag:s4] =	ssyncset.s32 $0xFFFFF086  }
0x25: {  	[simem:s6], [sflag:s4] =	dma.local [hbm:s3], $0xF7A  }
0x26: {  	[smem:$0x3F9F] =	sst s1;
	(tag) =	ssettag s2;
	_ =	strace s9  }
0x27: {  	s1 =	sld [smem:$0x3FAF]  }
0x28: {  	s2 =	sld [smem:$0x3FB0]  }
0x29: {  	s4 =	sld [smem:$0x3FB2]  }
0x2a: {  	p0 =	seq.s32 s5, $0x0;
	s5 =	sld [smem:$0x3FB3]  }
0x2b: {  	s6 =	sld [smem:$0x3FB4]  }
0x2c: {  	s7 =	sld [smem:$0x3FB5]  }
0x2d: {  	s3 =	simm.s32 $0x108;
	s8 =	sld [smem:$0x3FB6]  }
0x2e: {  	s3 =	simm.s32 @!p0 $0x1082;
	s9 =	sld [smem:$0x3FB7]  }
0x2f: {  	lr =	sadd.s32 s0, s3;
	s0 =	sld [smem:$0x3FAE]  }
0x30: {  	s3 =	sld [smem:$0x3FB1]  }
0x31: {  	[smem:$0x3FBA] =	sst s10  }
0x32: {  	s10 =	sld [smem:$0x3FB8];
	_ =	sdelay $0x3  }
0x33: {  	p0 =	seq.s32 s10, $0x1;
	s10 =	sld [smem:$0x3FBA];
	_ =	sdelay $0x3  }
0x34: {  	[smem:$0x3FBA] =	sst s10  }
0x35: {  	s10 =	sld [smem:$0x3FB9];
	_ =	sdelay $0x3  }
0x36: {  	p1 =	seq.s32 s10, $0x1;
	s10 =	sld [smem:$0x3FBA];
	_ =	sdelay $0x3  }
0x37: {  	[smem:$0x3FBA] =	sst s10  }
0x38: {  	s10 =	sld [smem:$0x3FBB]  }
0x39: {  	_ = 	snop;
	(pc) =	sbr.ind lr, $3  }
0x3a: {  	_ = 	snop  }
0x3b: {  	_ = 	snop  }
0x3c: {  	p2 =	seq.s32 s10, $0x1;
	s10 =	sld [smem:$0x3FBA]  }
0x3d: {  	_ =	shalt  }
0x3e: {  	_ =	shalt  }
0x3f: {  	_ =	shalt  }
0x40: {  	_ =	shalt  }
0x41: {  	_ =	shalt  }
0x42: {  	_ =	shalt  }
0x43: {  	_ =	shalt  }
0x44: {  	_ =	shalt  }
0x45: {  	_ =	shalt  }
0x46: {  	_ =	shalt  }
0x47: {  	_ =	shalt  }
0x48: {  	_ =	shalt  }
0x49: {  	_ =	shalt  }
0x4a: {  	_ =	shalt  }
0x4b: {  	_ =	shalt  }
0x4c: {  	_ =	shalt  }
0x4d: {  	_ =	shalt  }
0x4e: {  	_ =	shalt  }
0x4f: {  	_ =	shalt  }
0x50: {  	_ =	shalt  }
0x51: {  	_ =	shalt  }
0x52: {  	_ =	shalt  }
0x53: {  	_ =	shalt  }
0x54: {  	_ =	shalt  }
0x55: {  	_ =	shalt  }
0x56: {  	_ =	shalt  }
0x57: {  	_ =	shalt  }
0x58: {  	_ =	shalt  }
0x59: {  	_ =	shalt  }
0x5a: {  	_ =	shalt  }
0x5b: {  	_ =	shalt  }
0x5c: {  	_ =	shalt  }
0x5d: {  	_ =	shalt  }
0x5e: {  	_ =	shalt  }
0x5f: {  	_ =	shalt  }
0x60: {  	_ =	shalt  }
0x61: {  	_ =	shalt  }
0x62: {  	_ =	shalt  }
0x63: {  	_ =	shalt  }
0x64: {  	_ =	shalt  }
0x65: {  	_ =	shalt  }
0x66: {  	_ =	shalt  }
0x67: {  	_ =	shalt  }
0x68: {  	_ =	shalt  }
0x69: {  	_ =	shalt  }
0x6a: {  	_ =	shalt  }
0x6b: {  	_ =	shalt  }
0x6c: {  	_ =	shalt  }
0x6d: {  	_ =	shalt  }
0x6e: {  	_ =	shalt  }
0x6f: {  	_ =	shalt  }
0x70: {  	_ =	shalt  }
0x71: {  	_ =	shalt  }
0x72: {  	_ =	shalt  }
0x73: {  	_ =	shalt  }
0x74: {  	_ =	shalt  }
0x75: {  	_ =	shalt  }
0x76: {  	_ =	shalt  }
0x77: {  	_ =	shalt  }
0x78: {  	_ =	shalt  }
0x79: {  	_ =	shalt  }
0x7a: {  	_ =	shalt  }
0x7b: {  	_ =	shalt  }
0x7c: {  	_ =	shalt  }
0x7d: {  	_ =	shalt  }
0x7e: {  	_ =	shalt  }
0x7f: {  	_ =	shalt  }
0x80: {  	_ =	shalt  }
0x81: {  	_ =	shalt  }
0x82: {  	_ =	shalt  }
0x83: {  	_ =	shalt  }
0x84: {  	_ =	shalt  }
0x85: {  	_ =	shalt  }
0x86: {  	_ =	shalt  }
0x87: {  	_ =	shalt  }
.Lfunc_end0:
.L_simem_size_0:
called_computation.2_lowered:
.L_overlay_start_0:
0x88: {  	s2 =	sld [smem:$0x3FD9]  }
0x89: {  	s3 =	sld [smem:$0x3FFE];
	_ =	sdelay $0x1  }
0x8a: {  	s1 =	srdreg.scid  }
0x8b: {  	s0 =	sand.u32 $0x1, s1  }
0x8c: {  	s16 =	sshll.u32 s0, $0xA;
	s2 =	sadd.s32 s3, s2  }
0x8d: {  	s2 =	sadd.s32 s2, s16  }
0x8e: {  	[smem:$0x3FC6] =	sst s2  }
0x8f: {  	_ = 	snop  }
0x90: {  	(tm) =	ssettm $0x1  }
0x91: {  	s17 =	sld [smem:$0x3FFB];
	_ =	sdelay $0x3  }
0x92: {  	_ =	strace s17  }
0x93: {  	s2 =	sld [smem:$0x3FFC];
	_ =	sdelay $0x3  }
0x94: {  	_ =	strace s2  }
0x95: {  	s2 =	sld [smem:$0x3FFD];
	_ =	sdelay $0x3  }
0x96: {  	_ =	strace s2  }
0x97: {  	_ =	strace $0x8FFFFFFF  }
0x98: {  	s18 =	sld [smem:$0x3FDB];
	_ =	sdelay $0x1  }
0x99: {  	s19 =	simm.s32 $_scs_section_size  }
0x9a: {  	s4 =	simm.s32 $_size__tile_overlayer_lowered;
	s5 =	simm.s32 $_tile_overlayer_lowered  }
0x9b: {  	s22 =	simm.s32 $0x1BFF;
	s21 =	sshll.u32 s5, $0x1;
	s2 =	sadd.s32 s19, s18  }
0x9c: {  	s6 =	simm.s32 $0x0;
	s20 =	sshll.u32 s4, $0x1;
	s4 =	sadd.s32 s21, s2  }
0x9d: {  	[timem:s6], [sflag:s22] =	dma.local [hbm:s4], s20  }
0x9e: {  	_ =	swait.ge [sflag:s22], s20  }
0x9f: {  	s3 =	ssub.s32 $0x0, s20;
	[sflag:s22] =	ssyncset.done $0x0  }
0xa0: {  	[sflag:s22] =	ssyncadd.s32 s3;
	_ =	sdelay $0x1  }
0xa1: {  	s23 =	simm.s32 $0x1B8B  }
0xa2: {  	_ =	swait.ge [sflag:s23], $0x1  }
0xa3: {  	[sflag:s23] =	ssyncset.done $0x0  }
0xa4: {  	s25 =	simm.s32 $0x1B8E;
	s24 =	sld [smem:$0x3FFE];
	[sflag:s23] =	ssyncadd.s32 $0xFFFFFFFF  }
0xa5: {  	s26 =	simm.s32 $execute0_lowered;
	[smem:$0x3FD2] =	sst s25  }
0xa6: {  	s4 =	sshll.u32 s26, $0x1;
	_ =	strace $0x80000049;
	[dreg:$0x1] =	wrdreg $0xFFFFFFFF  }
0xa7: {  	s28 =	simm.s32 $_size_execute0_lowered;
	s2 =	sadd.s32 s2, s4;
	[dreg:$0x0] =	wrdreg $0x0  }
0xa8: {  	s4 =	sshll.u32 s28, $0x1;
	[dreg:$0x2] =	wrdreg s2  }
0xa9: {  	[dreg:$0x3] =	wrdreg s4  }
0xaa: {  	[dreg:$0x4] =	wrdreg $0xC0  }
0xab: {  	_ =	task [dreg:s6], $0x5FFFF  }
0xac: {  	[dreg:$0x1] =	wrdreg $0xFFFFFFFF  }
0xad: {  	[dreg:$0x0] =	wrdreg $0x60  }
0xae: {  	[dreg:$0x2] =	wrdreg s24  }
0xaf: {  	[dreg:$0x3] =	wrdreg $0x9  }
0xb0: {  	_ =	task.clear_ibuf [dreg:s6], $0x4FFFF;
	_ =	strace $0x90000049  }
0xb1: {  	s29 =	simm.s32 $0x9;
	_ =	strace $0x8000004B  }
0xb2: {  	_ =	swait.ge [sflag:s29], $0x1  }
0xb3: {  	[sflag:s29] =	ssyncadd.s32 $0xFFFFFFFF  }
0xb4: {  	_ =	strace $0x9000004B  }
0xb5: {  	_ =	sfence  }
0xb6: {  	s30 =	sld [smem:$0x0];
	_ =	sdelay $0x2  }
0xb7: {  	s31 =	sshll.u32 s1, $0xD;
	s1 =	sshrl.u32 s1, $0x2  }
0xb8: {  	s3 =	sand.u32 $0x4000, s31;
	s1 =	sadd.s32 s1, s30  }
0xb9: {  	s0 =	sor.u32 s3, s0;
	s1 =	sshll.u32 s1, $0x11  }
0xba: {  	s0 =	sor.u32 s1, s0  }
0xbb: {  	s0 =	sadd.s32 $0x8F2B, s0  }
0xbc: {  	[sflag:s0] =	ssyncadd.remote.s32 $0x1  }
0xbd: {  	_ =	sfence.sel $0xFFFF  }
0xbe: {  	[dreg:$0x0] =	wrdreg $0xFFFFFFFF;
	(pc) =	sbr.abs _section_cstart, $3  }
0xbf: {  	[dreg:$0x1] =	wrdreg $0xFFFFFFFF  }
0xc0: {  	_ =	task.clear_ibuf [dreg:s6], $0x2FFFF;
	_ =	strace $0x9FFFFFFF  }
0xc1: {  	(tm) =	ssettm $0x7FFFFFFF  }
tec
execute0_lowered:
.L_overlay_start_1:
0x0: {  	(tag) =	ssettag $0x1  }
0x1: {  	s4 =	rddreg [dreg:$0x0]  }
0x2: {  	s0 =	rddreg [dreg:$0x1];
	s1 =	simm.s32 $0x0  }
0x3: {  	s2 =	srdreg.scid;
	s8 =	simm.s32 $0x2;
	s9 =	simm.s32 $0xFA00  }
0x4: {  	s10 =	simm.s32 $0x1;
	s11 =	simm.s32 $0xC800;
	s12 =	simm.s32 $0x3  }
0x5: {  	s13 =	simm.s32 $0x4;
	s14 =	simm.s32 $0x0;
	[smem:$0x7FF] =	sst s1  }
.Ltmp0:
0x6: {  	s5 =	sand.u32 $0x1, s2;
	s3 =	sadd.s32 $0x1200, s4;
	(pc) =	sbr.rel .LBB2_1-.Ltmp0, $4  }
0x7: {  	s2 =	stileid.u32;
	s4 =	sadd.s32 $0xF43600, s4;
	s6 =	ssub.s32 $0x2, s5  }
0x8: {  	_ =	strace $0x8000004A;
	s31 =	sshll.u32 s2, $0x1;
	s7 =	sshrl.u32 s6, $0x1  }
0x9: {  	p0 =	slt.u32 s2, $0x4;
	s7 =	ssub.s32 s6, s7;
	s6 =	simm.s32 $0x9D  }
0xa: {  	s5 =	sor.u32 s5, s31;
	s6 =	simm.s32 @!p0 $0x9C;
	s7 =	smax.u32 s7, $0x1  }
.LBB2_11:
0xb: {  	s14 =	sadd.s32 $0x1, s14  }
0xc: {  	_ =	swait.ge [sflag:s12], $0x3200;
	p0 =	sne.s32 s14, s7  }
.Ltmp1:
0xd: {  	[sflag:s12] =	ssyncset.done $0x0;
	(pc) =	sbr.rel @!p0 .LBB2_12-.Ltmp1, $4  }
0xe: {  	[sflag:s12] =	ssyncadd.s32 $0xFFFFCE00  }
0xf: {  	_ =	swait.ge [sflag:s13], $0x3200  }
0x10: {  	[sflag:s13] =	ssyncset.done $0x0  }
0x11: {  	[sflag:s13] =	ssyncadd.s32 $0xFFFFCE00  }
.LBB2_1:
.Ltmp2:
0x12: {  	(pc) =	sbr.rel .LBB2_2-.Ltmp2, $2  }
0x13: {  	_ =	sdelay $0x2  }
0x14: {  	s15 =	simm.s32 $0x0  }
.LBB2_10:
0x15: {  	s15 =	sadd.s32 $0x1, s15  }
0x16: {  	p0 =	sne.s32 s15, $0x50  }
.Ltmp3:
0x17: {  	_ = 	snop;
	(pc) =	sbr.rel @!p0 .LBB2_11-.Ltmp3, $1  }
0x18: {  	_ =	sdelay $0x3  }
.LBB2_2:
0x19: {  	s16 =	sshll.u32 s15, $0x1  }
0x1a: {  	p0 =	sge.u32 s16, s6;
	s28 =	sadd.s32 $0xFFFFFFFF, s16  }
0x1b: {  	s17 =	sshll.u32 @!p0 s15, $0x6;
	p1 =	sge.u32 s28, s6  }
.Ltmp4:
0x1c: {  	s17 =	sor.u32 @!p0 s5, s17;
	(pc) =	sbr.rel @p1 .LBB2_6-.Ltmp4, $3  }
0x1d: {  	s17 =	smul.u32 @!p0 $0xC80, s17;
	_ =	sdelay $0x1  }
0x1e: {  	s18 =	simm.s32 @!p0 $0x0;
	s17 =	sadd.s32 @!p0 s3, s17  }
0x1f: {  	[tilespmem:s18], [sflag:$0x1] =	stream.linear.gather @!p0 [hbm4b:s17+s18], $0x6400, $0x38;
	[tilespmem:$0x12C00] =	vst v63  }
0x20: {  	_ =	swait.ge [sflag:s8], $0x6400  }
0x21: {  	p1 =	slt.u32 s15, $0x2;
	[sflag:s8] =	ssyncset.done $0x0  }
0x22: {  	s17 =	simm.s32 @!p1 $0x4;
	[sflag:s8] =	ssyncadd.s32 $0xFFFF9C00  }
0x23: {  	_ =	swait.ge @!p1 [sflag:s17], $0x3200  }
0x24: {  	[sflag:s17] =	ssyncset.done @!p1 $0x0  }
0x25: {  	s18 =	simm.s32 $0x0;
	[sflag:s17] =	ssyncadd.s32 @!p1 $0xFFFFCE00  }
0x26: {  	v0 =	vld [tilespmem:s18+$0x6400];
	_ =	sdelay $0x3  }
0x27: {  	s17 =	simm.s32 $0xFB00  }
0x28: {  	[tilespmem:s17+$0xFFFFFF00] =	vst v0  }
0x29: {  	v0 =	vld [tilespmem:s18+$0x6410];
	_ =	sdelay $0x4  }
0x2a: {  	[tilespmem:s17+$0xFFFFFF10] =	vst v0  }
0x2b: {  	v0 =	vld [tilespmem:s18+$0x6420];
	_ =	sdelay $0x4  }
0x2c: {  	[tilespmem:s17+$0xFFFFFF20] =	vst v0  }
0x2d: {  	v0 =	vld [tilespmem:s18+$0x6430];
	_ =	sdelay $0x4  }
0x2e: {  	[tilespmem:s17+$0xFFFFFF30] =	vst v0  }
0x2f: {  	v0 =	vld [tilespmem:s18+$0x6480];
	_ =	sdelay $0x4  }
0x30: {  	[tilespmem:s17+$0xFFFFFF40] =	vst v0  }
0x31: {  	v0 =	vld [tilespmem:s18+$0x6490]  }
0x32: {  	s20 =	simm.s32 $0x400  }
0x33: {  	v1 =	vld [tilespmem:s20+$0x6400];
	_ =	sdelay $0x2  }
0x34: {  	[tilespmem:s17+$0xFFFFFF50] =	vst v0  }
0x35: {  	s19 =	simm.s32 $0xFD00;
	v0 =	vld [tilespmem:s18+$0x64A0]  }
0x36: {  	[tilespmem:s19+$0xFFFFFF00] =	vst v1  }
0x37: {  	v1 =	vld [tilespmem:s20+$0x6410];
	_ =	sdelay $0x2  }
0x38: {  	[tilespmem:s17+$0xFFFFFF60] =	vst v0  }
0x39: {  	v0 =	vld [tilespmem:s18+$0x64B0]  }
0x3a: {  	[tilespmem:s19+$0xFFFFFF10] =	vst v1  }
0x3b: {  	v1 =	vld [tilespmem:s20+$0x6420];
	_ =	sdelay $0x2  }
0x3c: {  	[tilespmem:s17+$0xFFFFFF70] =	vst v0  }
0x3d: {  	v0 =	vld [tilespmem:s18+$0x6500]  }
0x3e: {  	[tilespmem:s19+$0xFFFFFF20] =	vst v1  }
0x3f: {  	v1 =	vld [tilespmem:s20+$0x6430];
	_ =	sdelay $0x2  }
0x40: {  	[tilespmem:s17+$0xFFFFFF80] =	vst v0  }
0x41: {  	v0 =	vld [tilespmem:s18+$0x6510]  }
0x42: {  	[tilespmem:s19+$0xFFFFFF30] =	vst v1  }
0x43: {  	v1 =	vld [tilespmem:s20+$0x6480];
	_ =	sdelay $0x2  }
0x44: {  	[tilespmem:s17+$0xFFFFFF90] =	vst v0  }
0x45: {  	v0 =	vld [tilespmem:s18+$0x6520]  }
0x46: {  	[tilespmem:s19+$0xFFFFFF40] =	vst v1  }
0x47: {  	v1 =	vld [tilespmem:s20+$0x6490]  }
0x48: {  	s22 =	simm.s32 $0x800  }
0x49: {  	v2 =	vld [tilespmem:s22+$0x6400]  }
0x4a: {  	[tilespmem:s17+$0xFFFFFFA0] =	vst v0  }
0x4b: {  	v0 =	vld [tilespmem:s18+$0x6530]  }
0x4c: {  	[tilespmem:s19+$0xFFFFFF50] =	vst v1  }
0x4d: {  	s21 =	simm.s32 $0xFF00;
	v1 =	vld [tilespmem:s20+$0x64A0]  }
0x4e: {  	[tilespmem:s21+$0xFFFFFF00] =	vst v2  }
0x4f: {  	v2 =	vld [tilespmem:s22+$0x6410]  }
0x50: {  	[tilespmem:s17+$0xFFFFFFB0] =	vst v0  }
0x51: {  	v0 =	vld [tilespmem:s18+$0x6580]  }
0x52: {  	[tilespmem:s19+$0xFFFFFF60] =	vst v1  }
0x53: {  	v1 =	vld [tilespmem:s20+$0x64B0]  }
0x54: {  	[tilespmem:s21+$0xFFFFFF10] =	vst v2  }
0x55: {  	v2 =	vld [tilespmem:s22+$0x6420]  }
0x56: {  	[tilespmem:s17+$0xFFFFFFC0] =	vst v0  }
0x57: {  	v0 =	vld [tilespmem:s18+$0x6590]  }
0x58: {  	[tilespmem:s19+$0xFFFFFF70] =	vst v1  }
0x59: {  	v1 =	vld [tilespmem:s20+$0x6500]  }
0x5a: {  	[tilespmem:s21+$0xFFFFFF20] =	vst v2  }
0x5b: {  	v2 =	vld [tilespmem:s22+$0x6430]  }
0x5c: {  	[tilespmem:s17+$0xFFFFFFD0] =	vst v0  }
0x5d: {  	v0 =	vld [tilespmem:s18+$0x65A0]  }
0x5e: {  	[tilespmem:s19+$0xFFFFFF80] =	vst v1  }
0x5f: {  	v1 =	vld [tilespmem:s20+$0x6510]  }
0x60: {  	[tilespmem:s21+$0xFFFFFF30] =	vst v2  }
0x61: {  	v2 =	vld [tilespmem:s22+$0x6480]  }
0x62: {  	[tilespmem:s17+$0xFFFFFFE0] =	vst v0  }
0x63: {  	v0 =	vld [tilespmem:s18+$0x65B0]  }
0x64: {  	[tilespmem:s19+$0xFFFFFF90] =	vst v1  }
0x65: {  	v1 =	vld [tilespmem:s20+$0x6520]  }
0x66: {  	[tilespmem:s21+$0xFFFFFF40] =	vst v2  }
0x67: {  	s24 =	simm.s32 $0xC00;
	v2 =	vld [tilespmem:s22+$0x6490]  }
0x68: {  	[tilespmem:s17+$0xFFFFFFF0] =	vst v0;
	v0 =	vld [tilespmem:s24+$0x6400]  }
0x69: {  	v3 =	vld [tilespmem:s18+$0x6600]  }
0x6a: {  	[tilespmem:s19+$0xFFFFFFA0] =	vst v1  }
0x6b: {  	v1 =	vld [tilespmem:s20+$0x6530]  }
0x6c: {  	s23 =	simm.s32 $0x10100;
	[tilespmem:s21+$0xFFFFFF50] =	vst v2  }
0x6d: {  	v2 =	vld [tilespmem:s22+$0x64A0];
	[tilespmem:s23+$0xFFFFFF00] =	vst v0  }
0x6e: {  	v0 =	vld [tilespmem:s24+$0x6410];
	[tilespmem:s17+$0x0] =	vst v3  }
0x6f: {  	v3 =	vld [tilespmem:s18+$0x6610]  }
0x70: {  	[tilespmem:s19+$0xFFFFFFB0] =	vst v1  }
0x71: {  	v1 =	vld [tilespmem:s20+$0x6580]  }
0x72: {  	[tilespmem:s21+$0xFFFFFF60] =	vst v2  }
0x73: {  	v2 =	vld [tilespmem:s22+$0x64B0];
	[tilespmem:s23+$0xFFFFFF10] =	vst v0  }
0x74: {  	v0 =	vld [tilespmem:s24+$0x6420];
	[tilespmem:s17+$0x10] =	vst v3  }
0x75: {  	v3 =	vld [tilespmem:s18+$0x6620]  }
0x76: {  	[tilespmem:s19+$0xFFFFFFC0] =	vst v1  }
0x77: {  	v1 =	vld [tilespmem:s20+$0x6590]  }
0x78: {  	[tilespmem:s21+$0xFFFFFF70] =	vst v2  }
0x79: {  	v2 =	vld [tilespmem:s22+$0x6500];
	[tilespmem:s23+$0xFFFFFF20] =	vst v0  }
0x7a: {  	v0 =	vld [tilespmem:s24+$0x6430];
	[tilespmem:s17+$0x20] =	vst v3  }
0x7b: {  	v3 =	vld [tilespmem:s18+$0x6630]  }
0x7c: {  	[tilespmem:s19+$0xFFFFFFD0] =	vst v1  }
0x7d: {  	v1 =	vld [tilespmem:s20+$0x65A0]  }
0x7e: {  	[tilespmem:s21+$0xFFFFFF80] =	vst v2  }
0x7f: {  	v2 =	vld [tilespmem:s22+$0x6510];
	[tilespmem:s23+$0xFFFFFF30] =	vst v0  }
0x80: {  	v0 =	vld [tilespmem:s24+$0x6480];
	[tilespmem:s17+$0x30] =	vst v3  }
0x81: {  	v3 =	vld [tilespmem:s18+$0x6680]  }
0x82: {  	[tilespmem:s19+$0xFFFFFFE0] =	vst v1  }
0x83: {  	v1 =	vld [tilespmem:s20+$0x65B0]  }
0x84: {  	[tilespmem:s21+$0xFFFFFF90] =	vst v2  }
0x85: {  	v2 =	vld [tilespmem:s22+$0x6520];
	[tilespmem:s23+$0xFFFFFF40] =	vst v0  }
0x86: {  	v0 =	vld [tilespmem:s24+$0x6490];
	[tilespmem:s17+$0x40] =	vst v3  }
0x87: {  	s25 =	simm.s32 $0x1000;
	v3 =	vld [tilespmem:s18+$0x6690]  }
0x88: {  	[tilespmem:s19+$0xFFFFFFF0] =	vst v1;
	v1 =	vld [tilespmem:s25+$0x6400]  }
0x89: {  	v4 =	vld [tilespmem:s20+$0x6600]  }
0x8a: {  	[tilespmem:s21+$0xFFFFFFA0] =	vst v2  }
0x8b: {  	v2 =	vld [tilespmem:s22+$0x6530];
	[tilespmem:s23+$0xFFFFFF50] =	vst v0  }
0x8c: {  	s26 =	simm.s32 $0x10300;
	v0 =	vld [tilespmem:s24+$0x64A0];
	[tilespmem:s17+$0x50] =	vst v3  }
0x8d: {  	[tilespmem:s26+$0xFFFFFF00] =	vst v1;
	v1 =	vld [tilespmem:s18+$0x66A0]  }
0x8e: {  	[tilespmem:s19+$0x0] =	vst v4;
	v3 =	vld [tilespmem:s25+$0x6410]  }
0x8f: {  	v4 =	vld [tilespmem:s20+$0x6610]  }
0x90: {  	[tilespmem:s21+$0xFFFFFFB0] =	vst v2  }
0x91: {  	v2 =	vld [tilespmem:s22+$0x6580];
	[tilespmem:s23+$0xFFFFFF60] =	vst v0  }
0x92: {  	v0 =	vld [tilespmem:s24+$0x64B0];
	[tilespmem:s17+$0x60] =	vst v1  }
0x93: {  	[tilespmem:s26+$0xFFFFFF10] =	vst v3;
	v1 =	vld [tilespmem:s18+$0x66B0]  }
0x94: {  	[tilespmem:s19+$0x10] =	vst v4;
	v3 =	vld [tilespmem:s25+$0x6420]  }
0x95: {  	v4 =	vld [tilespmem:s20+$0x6620]  }
0x96: {  	[tilespmem:s21+$0xFFFFFFC0] =	vst v2  }
0x97: {  	v2 =	vld [tilespmem:s22+$0x6590];
	[tilespmem:s23+$0xFFFFFF70] =	vst v0  }
0x98: {  	v0 =	vld [tilespmem:s24+$0x6500];
	[tilespmem:s17+$0x70] =	vst v1  }
0x99: {  	[tilespmem:s26+$0xFFFFFF20] =	vst v3;
	v1 =	vld [tilespmem:s18+$0x6700]  }
0x9a: {  	[tilespmem:s19+$0x20] =	vst v4;
	v3 =	vld [tilespmem:s25+$0x6430]  }
0x9b: {  	v4 =	vld [tilespmem:s20+$0x6630]  }
0x9c: {  	[tilespmem:s21+$0xFFFFFFD0] =	vst v2  }
0x9d: {  	v2 =	vld [tilespmem:s22+$0x65A0];
	[tilespmem:s23+$0xFFFFFF80] =	vst v0  }
0x9e: {  	v0 =	vld [tilespmem:s24+$0x6510];
	[tilespmem:s17+$0x80] =	vst v1  }
0x9f: {  	[tilespmem:s26+$0xFFFFFF30] =	vst v3;
	v1 =	vld [tilespmem:s18+$0x6710]  }
0xa0: {  	[tilespmem:s19+$0x30] =	vst v4;
	v3 =	vld [tilespmem:s25+$0x6480]  }
0xa1: {  	v4 =	vld [tilespmem:s20+$0x6680]  }
0xa2: {  	[tilespmem:s21+$0xFFFFFFE0] =	vst v2  }
0xa3: {  	v5 =	vld [tilespmem:s22+$0x65B0];
	[tilespmem:s23+$0xFFFFFF90] =	vst v0  }
0xa4: {  	v2 =	vld [tilespmem:s24+$0x6520];
	[tilespmem:s17+$0x90] =	vst v1  }
0xa5: {  	[tilespmem:s26+$0xFFFFFF40] =	vst v3;
	v0 =	vld [tilespmem:s18+$0x6720]  }
0xa6: {  	[tilespmem:s19+$0x40] =	vst v4;
	v3 =	vld [tilespmem:s25+$0x6490]  }
0xa7: {  	s28 =	sshll.u32 s28, $0x5;
	s29 =	simm.s32 $0x1400;
	v1 =	vld [tilespmem:s20+$0x6690]  }
0xa8: {  	s30 =	simm.s32 $0x6000;
	s28 =	sor.u32 s5, s28;
	[tilespmem:s21+$0xFFFFFFF0] =	vst v5;
	v4 =	vld [tilespmem:s29+$0x6400]  }
.LBB2_4:
0xa9: {  	p1 =	sne.s32 s30, $0x18000;
	[tilespmem:s23+$0xFFFFFFA0] =	vst v2;
	v2 =	vld [tilespmem:s22+$0x6600];
	s31 =	smov.u32 s21;
	s21 =	smov.u32 s23  }
0xaa: {  	s23 =	smov.u32 s26;
	v5 =	vld [tilespmem:s24+$0x6530];
	[tilespmem:s17+$0xA0] =	vst v0  }
0xab: {  	[tilespmem:s26+$0xFFFFFF50] =	vst v3;
	v0 =	vld [tilespmem:s18+$0x6730]  }
0xac: {  	s26 =	sadd.s32 $0x200, s26;
	v3 =	vld [tilespmem:s25+$0x64A0];
	[tilespmem:s19+$0x50] =	vst v1  }
0xad: {  	[tilespmem:s26+$0xFFFFFF00] =	vst v4;
	v1 =	vld [tilespmem:s20+$0x66A0]  }
0xae: {  	v4 =	vld [tilespmem:s29+$0x6410];
	[tilespmem:s31+$0x0] =	vst v2  }
0xaf: {  	[tilespmem:s21+$0xFFFFFFB0] =	vst v5;
	v2 =	vld [tilespmem:s22+$0x6610]  }
0xb0: {  	v5 =	vld [tilespmem:s24+$0x6580];
	[tilespmem:s17+$0xB0] =	vst v0  }
0xb1: {  	[tilespmem:s23+$0xFFFFFF60] =	vst v3;
	v0 =	vld [tilespmem:s18+$0x6780]  }
0xb2: {  	v3 =	vld [tilespmem:s25+$0x64B0];
	[tilespmem:s19+$0x60] =	vst v1  }
0xb3: {  	[tilespmem:s26+$0xFFFFFF10] =	vst v4;
	v1 =	vld [tilespmem:s20+$0x66B0]  }
0xb4: {  	v4 =	vld [tilespmem:s29+$0x6420];
	[tilespmem:s31+$0x10] =	vst v2  }
0xb5: {  	[tilespmem:s21+$0xFFFFFFC0] =	vst v5;
	v2 =	vld [tilespmem:s22+$0x6620]  }
0xb6: {  	v5 =	vld [tilespmem:s24+$0x6590];
	[tilespmem:s17+$0xC0] =	vst v0  }
0xb7: {  	[tilespmem:s23+$0xFFFFFF70] =	vst v3;
	v0 =	vld [tilespmem:s18+$0x6790]  }
0xb8: {  	v3 =	vld [tilespmem:s25+$0x6500];
	[tilespmem:s19+$0x70] =	vst v1  }
0xb9: {  	[tilespmem:s26+$0xFFFFFF20] =	vst v4;
	v1 =	vld [tilespmem:s20+$0x6700]  }
0xba: {  	v4 =	vld [tilespmem:s29+$0x6430];
	[tilespmem:s31+$0x20] =	vst v2  }
0xbb: {  	[tilespmem:s21+$0xFFFFFFD0] =	vst v5;
	v2 =	vld [tilespmem:s22+$0x6630]  }
0xbc: {  	v5 =	vld [tilespmem:s24+$0x65A0];
	[tilespmem:s17+$0xD0] =	vst v0  }
0xbd: {  	[tilespmem:s23+$0xFFFFFF80] =	vst v3;
	v0 =	vld [tilespmem:s18+$0x67A0]  }
0xbe: {  	v3 =	vld [tilespmem:s25+$0x6510];
	[tilespmem:s19+$0x80] =	vst v1  }
0xbf: {  	[tilespmem:s26+$0xFFFFFF30] =	vst v4;
	v1 =	vld [tilespmem:s20+$0x6710]  }
0xc0: {  	v4 =	vld [tilespmem:s29+$0x6480];
	[tilespmem:s31+$0x30] =	vst v2  }
0xc1: {  	[tilespmem:s21+$0xFFFFFFE0] =	vst v5;
	v5 =	vld [tilespmem:s22+$0x6680]  }
0xc2: {  	v6 =	vld [tilespmem:s24+$0x65B0];
	[tilespmem:s17+$0xE0] =	vst v0  }
0xc3: {  	[tilespmem:s23+$0xFFFFFF90] =	vst v3;
	v7 =	vld [tilespmem:s18+$0x67B0];
	s18 =	smov.u32 s20;
	s20 =	smov.u32 s22;
	s22 =	smov.u32 s24  }
.Ltmp5:
0xc4: {  	s24 =	smov.u32 s25;
	v2 =	vld [tilespmem:s25+$0x6520];
	[tilespmem:s19+$0x90] =	vst v1;
	s25 =	smov.u32 s29;
	(pc) =	sbr.rel @p1 .LBB2_4-.Ltmp5, $4  }
0xc5: {  	[tilespmem:s26+$0xFFFFFF40] =	vst v4;
	v0 =	vld [tilespmem:s18+$0x6720]  }
0xc6: {  	v3 =	vld [tilespmem:s25+$0x6490];
	[tilespmem:s31+$0x40] =	vst v5  }
0xc7: {  	s29 =	sshra.s32 s30, $0x2;
	[tilespmem:s21+$0xFFFFFFF0] =	vst v6;
	v1 =	vld [tilespmem:s20+$0x6690]  }
0xc8: {  	s30 =	sadd.s32 $0x1000, s30;
	v4 =	vld [tilespmem:s29+$0x6400];
	[tilespmem:s17+$0xF0] =	vst v7;
	s17 =	smov.u32 s19;
	s19 =	smov.u32 s31  }
0xc9: {  	_ =	sdelay $0x2  }
0xca: {  	s30 =	sadd.s32 $0x200, s26  }
0xcb: {  	[tilespmem:s30+$0xFFFFFF00] =	vst v4  }
0xcc: {  	v4 =	vld [tilespmem:s29+$0x6410];
	_ =	sdelay $0x4  }
0xcd: {  	[tilespmem:s30+$0xFFFFFF10] =	vst v4  }
0xce: {  	v4 =	vld [tilespmem:s29+$0x6420];
	_ =	sdelay $0x4  }
0xcf: {  	[tilespmem:s30+$0xFFFFFF20] =	vst v4  }
0xd0: {  	v4 =	vld [tilespmem:s29+$0x6430];
	_ =	sdelay $0x4  }
0xd1: {  	[tilespmem:s30+$0xFFFFFF30] =	vst v4  }
0xd2: {  	v4 =	vld [tilespmem:s29+$0x6480];
	_ =	sdelay $0x4  }
0xd3: {  	[tilespmem:s30+$0xFFFFFF40] =	vst v4  }
0xd4: {  	v4 =	vld [tilespmem:s29+$0x6490];
	_ =	sdelay $0x2  }
0xd5: {  	[tilespmem:s26+$0xFFFFFF50] =	vst v3  }
0xd6: {  	v3 =	vld [tilespmem:s25+$0x64A0]  }
0xd7: {  	[tilespmem:s30+$0xFFFFFF50] =	vst v4  }
0xd8: {  	v4 =	vld [tilespmem:s29+$0x64A0];
	_ =	sdelay $0x2  }
0xd9: {  	[tilespmem:s26+$0xFFFFFF60] =	vst v3  }
0xda: {  	v3 =	vld [tilespmem:s25+$0x64B0]  }
0xdb: {  	[tilespmem:s30+$0xFFFFFF60] =	vst v4  }
0xdc: {  	v4 =	vld [tilespmem:s29+$0x64B0];
	_ =	sdelay $0x2  }
0xdd: {  	[tilespmem:s26+$0xFFFFFF70] =	vst v3  }
0xde: {  	v3 =	vld [tilespmem:s25+$0x6500]  }
0xdf: {  	[tilespmem:s30+$0xFFFFFF70] =	vst v4  }
0xe0: {  	v4 =	vld [tilespmem:s29+$0x6500];
	_ =	sdelay $0x2  }
0xe1: {  	[tilespmem:s26+$0xFFFFFF80] =	vst v3  }
0xe2: {  	v3 =	vld [tilespmem:s25+$0x6510]  }
0xe3: {  	[tilespmem:s30+$0xFFFFFF80] =	vst v4  }
0xe4: {  	v4 =	vld [tilespmem:s29+$0x6510];
	_ =	sdelay $0x2  }
0xe5: {  	[tilespmem:s26+$0xFFFFFF90] =	vst v3  }
0xe6: {  	v3 =	vld [tilespmem:s25+$0x6520]  }
0xe7: {  	[tilespmem:s30+$0xFFFFFF90] =	vst v4  }
0xe8: {  	v4 =	vld [tilespmem:s29+$0x6520];
	_ =	sdelay $0x1  }
0xe9: {  	[tilespmem:s23+$0xFFFFFFA0] =	vst v2  }
0xea: {  	v2 =	vld [tilespmem:s24+$0x6530];
	[tilespmem:s26+$0xFFFFFFA0] =	vst v3  }
0xeb: {  	v3 =	vld [tilespmem:s25+$0x6530]  }
0xec: {  	[tilespmem:s30+$0xFFFFFFA0] =	vst v4  }
0xed: {  	v4 =	vld [tilespmem:s29+$0x6530];
	_ =	sdelay $0x1  }
0xee: {  	[tilespmem:s23+$0xFFFFFFB0] =	vst v2  }
0xef: {  	v2 =	vld [tilespmem:s24+$0x6580];
	[tilespmem:s26+$0xFFFFFFB0] =	vst v3  }
0xf0: {  	v3 =	vld [tilespmem:s25+$0x6580]  }
0xf1: {  	[tilespmem:s30+$0xFFFFFFB0] =	vst v4  }
0xf2: {  	v4 =	vld [tilespmem:s29+$0x6580];
	_ =	sdelay $0x1  }
0xf3: {  	[tilespmem:s23+$0xFFFFFFC0] =	vst v2  }
0xf4: {  	v2 =	vld [tilespmem:s24+$0x6590];
	[tilespmem:s26+$0xFFFFFFC0] =	vst v3  }
0xf5: {  	v3 =	vld [tilespmem:s25+$0x6590]  }
0xf6: {  	[tilespmem:s30+$0xFFFFFFC0] =	vst v4  }
0xf7: {  	v4 =	vld [tilespmem:s29+$0x6590];
	_ =	sdelay $0x1  }
0xf8: {  	[tilespmem:s23+$0xFFFFFFD0] =	vst v2  }
0xf9: {  	v2 =	vld [tilespmem:s24+$0x65A0];
	[tilespmem:s26+$0xFFFFFFD0] =	vst v3  }
0xfa: {  	v3 =	vld [tilespmem:s25+$0x65A0]  }
0xfb: {  	[tilespmem:s30+$0xFFFFFFD0] =	vst v4  }
0xfc: {  	v4 =	vld [tilespmem:s29+$0x65A0];
	_ =	sdelay $0x1  }
0xfd: {  	[tilespmem:s23+$0xFFFFFFE0] =	vst v2  }
0xfe: {  	v2 =	vld [tilespmem:s24+$0x65B0];
	[tilespmem:s26+$0xFFFFFFE0] =	vst v3  }
0xff: {  	v3 =	vld [tilespmem:s25+$0x65B0]  }
0x100: {  	[tilespmem:s30+$0xFFFFFFE0] =	vst v4  }
0x101: {  	v4 =	vld [tilespmem:s29+$0x65B0];
	_ =	sdelay $0x1  }
0x102: {  	v5 =	vld [tilespmem:s22+$0x6600];
	[tilespmem:s23+$0xFFFFFFF0] =	vst v2  }
0x103: {  	v2 =	vld [tilespmem:s24+$0x6600];
	[tilespmem:s26+$0xFFFFFFF0] =	vst v3  }
0x104: {  	v3 =	vld [tilespmem:s25+$0x6600]  }
0x105: {  	[tilespmem:s30+$0xFFFFFFF0] =	vst v4  }
0x106: {  	v4 =	vld [tilespmem:s29+$0x6600]  }
0x107: {  	[tilespmem:s21+$0x0] =	vst v5  }
0x108: {  	v5 =	vld [tilespmem:s22+$0x6610];
	[tilespmem:s23+$0x0] =	vst v2  }
0x109: {  	v2 =	vld [tilespmem:s24+$0x6610];
	[tilespmem:s26+$0x0] =	vst v3  }
0x10a: {  	v3 =	vld [tilespmem:s25+$0x6610]  }
0x10b: {  	[tilespmem:s30+$0x0] =	vst v4  }
0x10c: {  	v4 =	vld [tilespmem:s29+$0x6610]  }
0x10d: {  	[tilespmem:s21+$0x10] =	vst v5  }
0x10e: {  	v5 =	vld [tilespmem:s22+$0x6620];
	[tilespmem:s23+$0x10] =	vst v2  }
0x10f: {  	v2 =	vld [tilespmem:s24+$0x6620];
	[tilespmem:s26+$0x10] =	vst v3  }
0x110: {  	v3 =	vld [tilespmem:s25+$0x6620]  }
0x111: {  	[tilespmem:s30+$0x10] =	vst v4  }
0x112: {  	v4 =	vld [tilespmem:s29+$0x6620]  }
0x113: {  	[tilespmem:s21+$0x20] =	vst v5  }
0x114: {  	v5 =	vld [tilespmem:s22+$0x6630];
	[tilespmem:s23+$0x20] =	vst v2  }
0x115: {  	v2 =	vld [tilespmem:s24+$0x6630];
	[tilespmem:s26+$0x20] =	vst v3  }
0x116: {  	v3 =	vld [tilespmem:s25+$0x6630]  }
0x117: {  	[tilespmem:s30+$0x20] =	vst v4  }
0x118: {  	v4 =	vld [tilespmem:s29+$0x6630]  }
0x119: {  	[tilespmem:s21+$0x30] =	vst v5  }
0x11a: {  	v5 =	vld [tilespmem:s22+$0x6680];
	[tilespmem:s23+$0x30] =	vst v2  }
0x11b: {  	v2 =	vld [tilespmem:s24+$0x6680];
	[tilespmem:s26+$0x30] =	vst v3  }
0x11c: {  	v3 =	vld [tilespmem:s25+$0x6680]  }
0x11d: {  	[tilespmem:s30+$0x30] =	vst v4  }
0x11e: {  	v4 =	vld [tilespmem:s29+$0x6680]  }
0x11f: {  	[tilespmem:s21+$0x40] =	vst v5  }
0x120: {  	v5 =	vld [tilespmem:s22+$0x6690];
	[tilespmem:s23+$0x40] =	vst v2  }
0x121: {  	v2 =	vld [tilespmem:s24+$0x6690];
	[tilespmem:s26+$0x40] =	vst v3  }
0x122: {  	v3 =	vld [tilespmem:s25+$0x6690]  }
0x123: {  	[tilespmem:s30+$0x40] =	vst v4  }
0x124: {  	[tilespmem:s19+$0x50] =	vst v1;
	v4 =	vld [tilespmem:s29+$0x6690]  }
0x125: {  	v1 =	vld [tilespmem:s20+$0x66A0];
	[tilespmem:s21+$0x50] =	vst v5  }
0x126: {  	v5 =	vld [tilespmem:s22+$0x66A0];
	[tilespmem:s23+$0x50] =	vst v2  }
0x127: {  	v2 =	vld [tilespmem:s24+$0x66A0];
	[tilespmem:s26+$0x50] =	vst v3  }
0x128: {  	v3 =	vld [tilespmem:s25+$0x66A0]  }
0x129: {  	[tilespmem:s30+$0x50] =	vst v4  }
0x12a: {  	[tilespmem:s19+$0x60] =	vst v1;
	v4 =	vld [tilespmem:s29+$0x66A0]  }
0x12b: {  	v1 =	vld [tilespmem:s20+$0x66B0];
	[tilespmem:s21+$0x60] =	vst v5  }
0x12c: {  	v5 =	vld [tilespmem:s22+$0x66B0];
	[tilespmem:s23+$0x60] =	vst v2  }
0x12d: {  	v2 =	vld [tilespmem:s24+$0x66B0];
	[tilespmem:s26+$0x60] =	vst v3  }
0x12e: {  	v3 =	vld [tilespmem:s25+$0x66B0]  }
0x12f: {  	[tilespmem:s30+$0x60] =	vst v4  }
0x130: {  	[tilespmem:s19+$0x70] =	vst v1;
	v4 =	vld [tilespmem:s29+$0x66B0]  }
0x131: {  	v1 =	vld [tilespmem:s20+$0x6700];
	[tilespmem:s21+$0x70] =	vst v5  }
0x132: {  	v5 =	vld [tilespmem:s22+$0x6700];
	[tilespmem:s23+$0x70] =	vst v2  }
0x133: {  	v2 =	vld [tilespmem:s24+$0x6700];
	[tilespmem:s26+$0x70] =	vst v3  }
0x134: {  	v3 =	vld [tilespmem:s25+$0x6700]  }
0x135: {  	[tilespmem:s30+$0x70] =	vst v4  }
0x136: {  	[tilespmem:s19+$0x80] =	vst v1;
	v4 =	vld [tilespmem:s29+$0x6700]  }
0x137: {  	v1 =	vld [tilespmem:s20+$0x6710];
	[tilespmem:s21+$0x80] =	vst v5  }
0x138: {  	v5 =	vld [tilespmem:s22+$0x6710];
	[tilespmem:s23+$0x80] =	vst v2  }
0x139: {  	v2 =	vld [tilespmem:s24+$0x6710];
	[tilespmem:s26+$0x80] =	vst v3  }
0x13a: {  	v3 =	vld [tilespmem:s25+$0x6710]  }
0x13b: {  	[tilespmem:s30+$0x80] =	vst v4  }
0x13c: {  	[tilespmem:s19+$0x90] =	vst v1;
	v4 =	vld [tilespmem:s29+$0x6710]  }
0x13d: {  	v1 =	vld [tilespmem:s20+$0x6720];
	[tilespmem:s21+$0x90] =	vst v5  }
0x13e: {  	v5 =	vld [tilespmem:s22+$0x6720];
	[tilespmem:s23+$0x90] =	vst v2  }
0x13f: {  	v2 =	vld [tilespmem:s24+$0x6720];
	[tilespmem:s26+$0x90] =	vst v3  }
0x140: {  	v3 =	vld [tilespmem:s25+$0x6720]  }
0x141: {  	[tilespmem:s30+$0x90] =	vst v4  }
0x142: {  	[tilespmem:s19+$0xA0] =	vst v1;
	v62 =	vld [tilespmem:s29+$0x6720]  }
0x143: {  	v1 =	vld [tilespmem:s20+$0x6730];
	[tilespmem:s21+$0xA0] =	vst v5  }
0x144: {  	v5 =	vld [tilespmem:s22+$0x6730];
	[tilespmem:s23+$0xA0] =	vst v2  }
0x145: {  	v2 =	vld [tilespmem:s24+$0x6730];
	[tilespmem:s26+$0xA0] =	vst v3  }
0x146: {  	[tilespmem:s17+$0xA0] =	vst v0;
	v3 =	vld [tilespmem:s25+$0x6730]  }
0x147: {  	v63 =	vld [tilespmem:s18+$0x6730];
	[tilespmem:s30+$0xA0] =	vst v62  }
0x148: {  	[tilespmem:s19+$0xB0] =	vst v1;
	v0 =	vld [tilespmem:s29+$0x6730]  }
0x149: {  	v1 =	vld [tilespmem:s20+$0x6780];
	[tilespmem:s21+$0xB0] =	vst v5  }
0x14a: {  	v5 =	vld [tilespmem:s22+$0x6780];
	[tilespmem:s23+$0xB0] =	vst v2  }
0x14b: {  	v2 =	vld [tilespmem:s24+$0x6780];
	[tilespmem:s26+$0xB0] =	vst v3  }
0x14c: {  	[tilespmem:s17+$0xB0] =	vst v63;
	v3 =	vld [tilespmem:s25+$0x6780]  }
0x14d: {  	v4 =	vld [tilespmem:s18+$0x6780];
	[tilespmem:s30+$0xB0] =	vst v0  }
0x14e: {  	[tilespmem:s19+$0xC0] =	vst v1;
	v0 =	vld [tilespmem:s29+$0x6780]  }
0x14f: {  	v1 =	vld [tilespmem:s20+$0x6790];
	[tilespmem:s21+$0xC0] =	vst v5  }
0x150: {  	v5 =	vld [tilespmem:s22+$0x6790];
	[tilespmem:s23+$0xC0] =	vst v2  }
0x151: {  	v2 =	vld [tilespmem:s24+$0x6790];
	[tilespmem:s26+$0xC0] =	vst v3  }
0x152: {  	v3 =	vld [tilespmem:s25+$0x6790];
	[tilespmem:s17+$0xC0] =	vst v4  }
0x153: {  	v4 =	vld [tilespmem:s18+$0x6790];
	[tilespmem:s30+$0xC0] =	vst v0  }
0x154: {  	[tilespmem:s19+$0xD0] =	vst v1;
	v0 =	vld [tilespmem:s29+$0x6790]  }
0x155: {  	v1 =	vld [tilespmem:s20+$0x67A0];
	[tilespmem:s21+$0xD0] =	vst v5  }
0x156: {  	v5 =	vld [tilespmem:s22+$0x67A0];
	[tilespmem:s23+$0xD0] =	vst v2  }
0x157: {  	v2 =	vld [tilespmem:s24+$0x67A0];
	[tilespmem:s26+$0xD0] =	vst v3  }
0x158: {  	v3 =	vld [tilespmem:s25+$0x67A0];
	[tilespmem:s17+$0xD0] =	vst v4  }
0x159: {  	v4 =	vld [tilespmem:s18+$0x67A0];
	[tilespmem:s30+$0xD0] =	vst v0  }
0x15a: {  	[tilespmem:s19+$0xE0] =	vst v1;
	v0 =	vld [tilespmem:s29+$0x67A0]  }
0x15b: {  	v1 =	vld [tilespmem:s20+$0x67B0];
	[tilespmem:s21+$0xE0] =	vst v5  }
0x15c: {  	v5 =	vld [tilespmem:s22+$0x67B0];
	[tilespmem:s23+$0xE0] =	vst v2  }
0x15d: {  	v2 =	vld [tilespmem:s24+$0x67B0];
	[tilespmem:s26+$0xE0] =	vst v3  }
0x15e: {  	v3 =	vld [tilespmem:s25+$0x67B0];
	[tilespmem:s17+$0xE0] =	vst v4  }
0x15f: {  	v4 =	vld [tilespmem:s18+$0x67B0];
	[tilespmem:s30+$0xE0] =	vst v0  }
0x160: {  	[tilespmem:s19+$0xF0] =	vst v1;
	v0 =	vld [tilespmem:s29+$0x67B0]  }
0x161: {  	[tilespmem:s21+$0xF0] =	vst v5  }
0x162: {  	[tilespmem:s23+$0xF0] =	vst v2  }
0x163: {  	s31 =	smul.u32 $0x640, s28;
	[tilespmem:s26+$0xF0] =	vst v3  }
0x164: {  	[tilespmem:s17+$0xF0] =	vst v4  }
0x165: {  	s17 =	sadd.s32 s4, s31;
	[tilespmem:s30+$0xF0] =	vst v0  }
0x166: {  	[hbm4b:s17+s1] =	stream.linear.scatter [tilespmem:s9], [sflag:$0x4], $0x3200, $0x38;
	[tilespmem:$0x12C00] =	vst v63  }
.LBB2_6:
0x167: {  	s16 =	sor.u32 $0x1, s16  }
0x168: {  	p1 =	sge.u32 s16, s6  }
0x169: {  	s16 =	sshll.u32 @!p1 s16, $0x5  }
.Ltmp6:
0x16a: {  	s16 =	sor.u32 @!p1 s5, s16;
	(pc) =	sbr.rel @p0 .LBB2_10-.Ltmp6, $3  }
0x16b: {  	s16 =	smul.u32 @!p1 $0xC80, s16;
	_ =	sdelay $0x1  }
0x16c: {  	s17 =	simm.s32 @!p1 $0x0;
	s18 =	simm.s32 @!p1 $0x6400;
	s16 =	sadd.s32 @!p1 s3, s16  }
0x16d: {  	[tilespmem:s18], [sflag:$0x2] =	stream.linear.gather @!p1 [hbm4b:s16+s17], $0x6400, $0x38;
	[tilespmem:$0x12C00] =	vst v63  }
0x16e: {  	_ =	swait.ge [sflag:s10], $0x6400  }
0x16f: {  	p0 =	seq.s32 s15, $0x0;
	[sflag:s10] =	ssyncset.done $0x0  }
0x170: {  	s16 =	simm.s32 @!p0 $0x3;
	[sflag:s10] =	ssyncadd.s32 $0xFFFF9C00  }
0x171: {  	_ =	swait.ge @!p0 [sflag:s16], $0x3200  }
0x172: {  	[sflag:s16] =	ssyncset.done @!p0 $0x0  }
0x173: {  	s17 =	simm.s32 $0x0;
	[sflag:s16] =	ssyncadd.s32 @!p0 $0xFFFFCE00  }
0x174: {  	v0 =	vld [tilespmem:s17+$0x0];
	_ =	sdelay $0x3  }
0x175: {  	s16 =	simm.s32 $0xC900  }
0x176: {  	[tilespmem:s16+$0xFFFFFF00] =	vst v0  }
0x177: {  	v0 =	vld [tilespmem:s17+$0x10];
	_ =	sdelay $0x4  }
0x178: {  	[tilespmem:s16+$0xFFFFFF10] =	vst v0  }
0x179: {  	v0 =	vld [tilespmem:s17+$0x20];
	_ =	sdelay $0x4  }
0x17a: {  	[tilespmem:s16+$0xFFFFFF20] =	vst v0  }
0x17b: {  	v0 =	vld [tilespmem:s17+$0x30];
	_ =	sdelay $0x4  }
0x17c: {  	[tilespmem:s16+$0xFFFFFF30] =	vst v0  }
0x17d: {  	v0 =	vld [tilespmem:s17+$0x80];
	_ =	sdelay $0x4  }
0x17e: {  	[tilespmem:s16+$0xFFFFFF40] =	vst v0  }
0x17f: {  	v0 =	vld [tilespmem:s17+$0x90]  }
0x180: {  	s19 =	simm.s32 $0x400  }
0x181: {  	v1 =	vld [tilespmem:s19+$0x0];
	_ =	sdelay $0x2  }
0x182: {  	[tilespmem:s16+$0xFFFFFF50] =	vst v0  }
0x183: {  	s18 =	simm.s32 $0xCB00;
	v0 =	vld [tilespmem:s17+$0xA0]  }
0x184: {  	[tilespmem:s18+$0xFFFFFF00] =	vst v1  }
0x185: {  	v1 =	vld [tilespmem:s19+$0x10];
	_ =	sdelay $0x2  }
0x186: {  	[tilespmem:s16+$0xFFFFFF60] =	vst v0  }
0x187: {  	v0 =	vld [tilespmem:s17+$0xB0]  }
0x188: {  	[tilespmem:s18+$0xFFFFFF10] =	vst v1  }
0x189: {  	v1 =	vld [tilespmem:s19+$0x20];
	_ =	sdelay $0x2  }
0x18a: {  	[tilespmem:s16+$0xFFFFFF70] =	vst v0  }
0x18b: {  	v0 =	vld [tilespmem:s17+$0x100]  }
0x18c: {  	[tilespmem:s18+$0xFFFFFF20] =	vst v1  }
0x18d: {  	v1 =	vld [tilespmem:s19+$0x30];
	_ =	sdelay $0x2  }
0x18e: {  	[tilespmem:s16+$0xFFFFFF80] =	vst v0  }
0x18f: {  	v0 =	vld [tilespmem:s17+$0x110]  }
0x190: {  	[tilespmem:s18+$0xFFFFFF30] =	vst v1  }
0x191: {  	v1 =	vld [tilespmem:s19+$0x80];
	_ =	sdelay $0x2  }
0x192: {  	[tilespmem:s16+$0xFFFFFF90] =	vst v0  }
0x193: {  	v0 =	vld [tilespmem:s17+$0x120]  }
0x194: {  	[tilespmem:s18+$0xFFFFFF40] =	vst v1  }
0x195: {  	v1 =	vld [tilespmem:s19+$0x90]  }
0x196: {  	s21 =	simm.s32 $0x800  }
0x197: {  	v2 =	vld [tilespmem:s21+$0x0]  }
0x198: {  	[tilespmem:s16+$0xFFFFFFA0] =	vst v0  }
0x199: {  	v0 =	vld [tilespmem:s17+$0x130]  }
0x19a: {  	[tilespmem:s18+$0xFFFFFF50] =	vst v1  }
0x19b: {  	s20 =	simm.s32 $0xCD00;
	v1 =	vld [tilespmem:s19+$0xA0]  }
0x19c: {  	[tilespmem:s20+$0xFFFFFF00] =	vst v2  }
0x19d: {  	v2 =	vld [tilespmem:s21+$0x10]  }
0x19e: {  	[tilespmem:s16+$0xFFFFFFB0] =	vst v0  }
0x19f: {  	v0 =	vld [tilespmem:s17+$0x180]  }
0x1a0: {  	[tilespmem:s18+$0xFFFFFF60] =	vst v1  }
0x1a1: {  	v1 =	vld [tilespmem:s19+$0xB0]  }
0x1a2: {  	[tilespmem:s20+$0xFFFFFF10] =	vst v2  }
0x1a3: {  	v2 =	vld [tilespmem:s21+$0x20]  }
0x1a4: {  	[tilespmem:s16+$0xFFFFFFC0] =	vst v0  }
0x1a5: {  	v0 =	vld [tilespmem:s17+$0x190]  }
0x1a6: {  	[tilespmem:s18+$0xFFFFFF70] =	vst v1  }
0x1a7: {  	v1 =	vld [tilespmem:s19+$0x100]  }
0x1a8: {  	[tilespmem:s20+$0xFFFFFF20] =	vst v2  }
0x1a9: {  	v2 =	vld [tilespmem:s21+$0x30]  }
0x1aa: {  	[tilespmem:s16+$0xFFFFFFD0] =	vst v0  }
0x1ab: {  	v0 =	vld [tilespmem:s17+$0x1A0]  }
0x1ac: {  	[tilespmem:s18+$0xFFFFFF80] =	vst v1  }
0x1ad: {  	v1 =	vld [tilespmem:s19+$0x110]  }
0x1ae: {  	[tilespmem:s20+$0xFFFFFF30] =	vst v2  }
0x1af: {  	v2 =	vld [tilespmem:s21+$0x80]  }
0x1b0: {  	[tilespmem:s16+$0xFFFFFFE0] =	vst v0  }
0x1b1: {  	v0 =	vld [tilespmem:s17+$0x1B0]  }
0x1b2: {  	[tilespmem:s18+$0xFFFFFF90] =	vst v1  }
0x1b3: {  	v1 =	vld [tilespmem:s19+$0x120]  }
0x1b4: {  	[tilespmem:s20+$0xFFFFFF40] =	vst v2  }
0x1b5: {  	s23 =	simm.s32 $0xC00;
	v2 =	vld [tilespmem:s21+$0x90]  }
0x1b6: {  	[tilespmem:s16+$0xFFFFFFF0] =	vst v0;
	v0 =	vld [tilespmem:s23+$0x0]  }
0x1b7: {  	v3 =	vld [tilespmem:s17+$0x200]  }
0x1b8: {  	[tilespmem:s18+$0xFFFFFFA0] =	vst v1  }
0x1b9: {  	v1 =	vld [tilespmem:s19+$0x130]  }
0x1ba: {  	s22 =	simm.s32 $0xCF00;
	[tilespmem:s20+$0xFFFFFF50] =	vst v2  }
0x1bb: {  	v2 =	vld [tilespmem:s21+$0xA0];
	[tilespmem:s22+$0xFFFFFF00] =	vst v0  }
0x1bc: {  	v0 =	vld [tilespmem:s23+$0x10];
	[tilespmem:s16+$0x0] =	vst v3  }
0x1bd: {  	v3 =	vld [tilespmem:s17+$0x210]  }
0x1be: {  	[tilespmem:s18+$0xFFFFFFB0] =	vst v1  }
0x1bf: {  	v1 =	vld [tilespmem:s19+$0x180]  }
0x1c0: {  	[tilespmem:s20+$0xFFFFFF60] =	vst v2  }
0x1c1: {  	v2 =	vld [tilespmem:s21+$0xB0];
	[tilespmem:s22+$0xFFFFFF10] =	vst v0  }
0x1c2: {  	v0 =	vld [tilespmem:s23+$0x20];
	[tilespmem:s16+$0x10] =	vst v3  }
0x1c3: {  	v3 =	vld [tilespmem:s17+$0x220]  }
0x1c4: {  	[tilespmem:s18+$0xFFFFFFC0] =	vst v1  }
0x1c5: {  	v1 =	vld [tilespmem:s19+$0x190]  }
0x1c6: {  	[tilespmem:s20+$0xFFFFFF70] =	vst v2  }
0x1c7: {  	v2 =	vld [tilespmem:s21+$0x100];
	[tilespmem:s22+$0xFFFFFF20] =	vst v0  }
0x1c8: {  	v0 =	vld [tilespmem:s23+$0x30];
	[tilespmem:s16+$0x20] =	vst v3  }
0x1c9: {  	v3 =	vld [tilespmem:s17+$0x230]  }
0x1ca: {  	[tilespmem:s18+$0xFFFFFFD0] =	vst v1  }
0x1cb: {  	v1 =	vld [tilespmem:s19+$0x1A0]  }
0x1cc: {  	[tilespmem:s20+$0xFFFFFF80] =	vst v2  }
0x1cd: {  	v2 =	vld [tilespmem:s21+$0x110];
	[tilespmem:s22+$0xFFFFFF30] =	vst v0  }
0x1ce: {  	v0 =	vld [tilespmem:s23+$0x80];
	[tilespmem:s16+$0x30] =	vst v3  }
0x1cf: {  	v3 =	vld [tilespmem:s17+$0x280]  }
0x1d0: {  	[tilespmem:s18+$0xFFFFFFE0] =	vst v1  }
0x1d1: {  	v1 =	vld [tilespmem:s19+$0x1B0]  }
0x1d2: {  	[tilespmem:s20+$0xFFFFFF90] =	vst v2  }
0x1d3: {  	v2 =	vld [tilespmem:s21+$0x120];
	[tilespmem:s22+$0xFFFFFF40] =	vst v0  }
0x1d4: {  	v0 =	vld [tilespmem:s23+$0x90];
	[tilespmem:s16+$0x40] =	vst v3  }
0x1d5: {  	s24 =	simm.s32 $0x1000;
	v3 =	vld [tilespmem:s17+$0x290]  }
0x1d6: {  	[tilespmem:s18+$0xFFFFFFF0] =	vst v1;
	v1 =	vld [tilespmem:s24+$0x0]  }
0x1d7: {  	v4 =	vld [tilespmem:s19+$0x200]  }
0x1d8: {  	[tilespmem:s20+$0xFFFFFFA0] =	vst v2  }
0x1d9: {  	v2 =	vld [tilespmem:s21+$0x130];
	[tilespmem:s22+$0xFFFFFF50] =	vst v0  }
0x1da: {  	s25 =	simm.s32 $0xD100;
	v0 =	vld [tilespmem:s23+$0xA0];
	[tilespmem:s16+$0x50] =	vst v3  }
0x1db: {  	[tilespmem:s25+$0xFFFFFF00] =	vst v1;
	v1 =	vld [tilespmem:s17+$0x2A0]  }
0x1dc: {  	[tilespmem:s18+$0x0] =	vst v4;
	v3 =	vld [tilespmem:s24+$0x10]  }
0x1dd: {  	v4 =	vld [tilespmem:s19+$0x210]  }
0x1de: {  	[tilespmem:s20+$0xFFFFFFB0] =	vst v2  }
0x1df: {  	v2 =	vld [tilespmem:s21+$0x180];
	[tilespmem:s22+$0xFFFFFF60] =	vst v0  }
0x1e0: {  	v0 =	vld [tilespmem:s23+$0xB0];
	[tilespmem:s16+$0x60] =	vst v1  }
0x1e1: {  	[tilespmem:s25+$0xFFFFFF10] =	vst v3;
	v1 =	vld [tilespmem:s17+$0x2B0]  }
0x1e2: {  	[tilespmem:s18+$0x10] =	vst v4;
	v3 =	vld [tilespmem:s24+$0x20]  }
0x1e3: {  	v4 =	vld [tilespmem:s19+$0x220]  }
0x1e4: {  	[tilespmem:s20+$0xFFFFFFC0] =	vst v2  }
0x1e5: {  	v2 =	vld [tilespmem:s21+$0x190];
	[tilespmem:s22+$0xFFFFFF70] =	vst v0  }
0x1e6: {  	v0 =	vld [tilespmem:s23+$0x100];
	[tilespmem:s16+$0x70] =	vst v1  }
0x1e7: {  	[tilespmem:s25+$0xFFFFFF20] =	vst v3;
	v1 =	vld [tilespmem:s17+$0x300]  }
0x1e8: {  	[tilespmem:s18+$0x20] =	vst v4;
	v3 =	vld [tilespmem:s24+$0x30]  }
0x1e9: {  	v4 =	vld [tilespmem:s19+$0x230]  }
0x1ea: {  	[tilespmem:s20+$0xFFFFFFD0] =	vst v2  }
0x1eb: {  	v2 =	vld [tilespmem:s21+$0x1A0];
	[tilespmem:s22+$0xFFFFFF80] =	vst v0  }
0x1ec: {  	v0 =	vld [tilespmem:s23+$0x110];
	[tilespmem:s16+$0x80] =	vst v1  }
0x1ed: {  	[tilespmem:s25+$0xFFFFFF30] =	vst v3;
	v1 =	vld [tilespmem:s17+$0x310]  }
0x1ee: {  	[tilespmem:s18+$0x30] =	vst v4;
	v3 =	vld [tilespmem:s24+$0x80]  }
0x1ef: {  	v4 =	vld [tilespmem:s19+$0x280]  }
0x1f0: {  	[tilespmem:s20+$0xFFFFFFE0] =	vst v2  }
0x1f1: {  	v5 =	vld [tilespmem:s21+$0x1B0];
	[tilespmem:s22+$0xFFFFFF90] =	vst v0  }
0x1f2: {  	v2 =	vld [tilespmem:s23+$0x120];
	[tilespmem:s16+$0x90] =	vst v1  }
0x1f3: {  	[tilespmem:s25+$0xFFFFFF40] =	vst v3;
	v0 =	vld [tilespmem:s17+$0x320]  }
0x1f4: {  	[tilespmem:s18+$0x40] =	vst v4;
	v3 =	vld [tilespmem:s24+$0x90]  }
0x1f5: {  	s26 =	sshll.u32 s15, $0x6;
	s28 =	simm.s32 $0x1400;
	v1 =	vld [tilespmem:s19+$0x290]  }
0x1f6: {  	s29 =	simm.s32 $0x6000;
	s26 =	sor.u32 s5, s26;
	[tilespmem:s20+$0xFFFFFFF0] =	vst v5;
	v4 =	vld [tilespmem:s28+$0x0]  }
.LBB2_8:
0x1f7: {  	p0 =	sne.s32 s29, $0x18000;
	[tilespmem:s22+$0xFFFFFFA0] =	vst v2;
	v2 =	vld [tilespmem:s21+$0x200];
	s30 =	smov.u32 s20;
	s20 =	smov.u32 s22  }
0x1f8: {  	s22 =	smov.u32 s25;
	v5 =	vld [tilespmem:s23+$0x130];
	[tilespmem:s16+$0xA0] =	vst v0  }
0x1f9: {  	[tilespmem:s25+$0xFFFFFF50] =	vst v3;
	v0 =	vld [tilespmem:s17+$0x330]  }
0x1fa: {  	s25 =	sadd.s32 $0x200, s25;
	v3 =	vld [tilespmem:s24+$0xA0];
	[tilespmem:s18+$0x50] =	vst v1  }
0x1fb: {  	[tilespmem:s25+$0xFFFFFF00] =	vst v4;
	v1 =	vld [tilespmem:s19+$0x2A0]  }
0x1fc: {  	v4 =	vld [tilespmem:s28+$0x10];
	[tilespmem:s30+$0x0] =	vst v2  }
0x1fd: {  	[tilespmem:s20+$0xFFFFFFB0] =	vst v5;
	v2 =	vld [tilespmem:s21+$0x210]  }
0x1fe: {  	v5 =	vld [tilespmem:s23+$0x180];
	[tilespmem:s16+$0xB0] =	vst v0  }
0x1ff: {  	[tilespmem:s22+$0xFFFFFF60] =	vst v3;
	v0 =	vld [tilespmem:s17+$0x380]  }
0x200: {  	v3 =	vld [tilespmem:s24+$0xB0];
	[tilespmem:s18+$0x60] =	vst v1  }
0x201: {  	[tilespmem:s25+$0xFFFFFF10] =	vst v4;
	v1 =	vld [tilespmem:s19+$0x2B0]  }
0x202: {  	v4 =	vld [tilespmem:s28+$0x20];
	[tilespmem:s30+$0x10] =	vst v2  }
0x203: {  	[tilespmem:s20+$0xFFFFFFC0] =	vst v5;
	v2 =	vld [tilespmem:s21+$0x220]  }
0x204: {  	v5 =	vld [tilespmem:s23+$0x190];
	[tilespmem:s16+$0xC0] =	vst v0  }
0x205: {  	[tilespmem:s22+$0xFFFFFF70] =	vst v3;
	v0 =	vld [tilespmem:s17+$0x390]  }
0x206: {  	v3 =	vld [tilespmem:s24+$0x100];
	[tilespmem:s18+$0x70] =	vst v1  }
0x207: {  	[tilespmem:s25+$0xFFFFFF20] =	vst v4;
	v1 =	vld [tilespmem:s19+$0x300]  }
0x208: {  	v4 =	vld [tilespmem:s28+$0x30];
	[tilespmem:s30+$0x20] =	vst v2  }
0x209: {  	[tilespmem:s20+$0xFFFFFFD0] =	vst v5;
	v2 =	vld [tilespmem:s21+$0x230]  }
0x20a: {  	v5 =	vld [tilespmem:s23+$0x1A0];
	[tilespmem:s16+$0xD0] =	vst v0  }
0x20b: {  	[tilespmem:s22+$0xFFFFFF80] =	vst v3;
	v0 =	vld [tilespmem:s17+$0x3A0]  }
0x20c: {  	v3 =	vld [tilespmem:s24+$0x110];
	[tilespmem:s18+$0x80] =	vst v1  }
0x20d: {  	[tilespmem:s25+$0xFFFFFF30] =	vst v4;
	v1 =	vld [tilespmem:s19+$0x310]  }
0x20e: {  	v4 =	vld [tilespmem:s28+$0x80];
	[tilespmem:s30+$0x30] =	vst v2  }
0x20f: {  	[tilespmem:s20+$0xFFFFFFE0] =	vst v5;
	v5 =	vld [tilespmem:s21+$0x280]  }
0x210: {  	v6 =	vld [tilespmem:s23+$0x1B0];
	[tilespmem:s16+$0xE0] =	vst v0  }
0x211: {  	[tilespmem:s22+$0xFFFFFF90] =	vst v3;
	v7 =	vld [tilespmem:s17+$0x3B0];
	s17 =	smov.u32 s19;
	s19 =	smov.u32 s21;
	s21 =	smov.u32 s23  }
.Ltmp7:
0x212: {  	s23 =	smov.u32 s24;
	v2 =	vld [tilespmem:s24+$0x120];
	[tilespmem:s18+$0x90] =	vst v1;
	s24 =	smov.u32 s28;
	(pc) =	sbr.rel @p0 .LBB2_8-.Ltmp7, $4  }
0x213: {  	[tilespmem:s25+$0xFFFFFF40] =	vst v4;
	v0 =	vld [tilespmem:s17+$0x320]  }
0x214: {  	v3 =	vld [tilespmem:s24+$0x90];
	[tilespmem:s30+$0x40] =	vst v5  }
0x215: {  	s28 =	sshra.s32 s29, $0x2;
	[tilespmem:s20+$0xFFFFFFF0] =	vst v6;
	v1 =	vld [tilespmem:s19+$0x290]  }
0x216: {  	s29 =	sadd.s32 $0x1000, s29;
	v4 =	vld [tilespmem:s28+$0x0];
	[tilespmem:s16+$0xF0] =	vst v7;
	s16 =	smov.u32 s18;
	s18 =	smov.u32 s30  }
0x217: {  	_ =	sdelay $0x2  }
0x218: {  	s29 =	sadd.s32 $0x200, s25  }
0x219: {  	[tilespmem:s29+$0xFFFFFF00] =	vst v4  }
0x21a: {  	v4 =	vld [tilespmem:s28+$0x10];
	_ =	sdelay $0x4  }
0x21b: {  	[tilespmem:s29+$0xFFFFFF10] =	vst v4  }
0x21c: {  	v4 =	vld [tilespmem:s28+$0x20];
	_ =	sdelay $0x4  }
0x21d: {  	[tilespmem:s29+$0xFFFFFF20] =	vst v4  }
0x21e: {  	v4 =	vld [tilespmem:s28+$0x30];
	_ =	sdelay $0x4  }
0x21f: {  	[tilespmem:s29+$0xFFFFFF30] =	vst v4  }
0x220: {  	v4 =	vld [tilespmem:s28+$0x80];
	_ =	sdelay $0x4  }
0x221: {  	[tilespmem:s29+$0xFFFFFF40] =	vst v4  }
0x222: {  	v4 =	vld [tilespmem:s28+$0x90];
	_ =	sdelay $0x2  }
0x223: {  	[tilespmem:s25+$0xFFFFFF50] =	vst v3  }
0x224: {  	v3 =	vld [tilespmem:s24+$0xA0]  }
0x225: {  	[tilespmem:s29+$0xFFFFFF50] =	vst v4  }
0x226: {  	v4 =	vld [tilespmem:s28+$0xA0];
	_ =	sdelay $0x2  }
0x227: {  	[tilespmem:s25+$0xFFFFFF60] =	vst v3  }
0x228: {  	v3 =	vld [tilespmem:s24+$0xB0]  }
0x229: {  	[tilespmem:s29+$0xFFFFFF60] =	vst v4  }
0x22a: {  	v4 =	vld [tilespmem:s28+$0xB0];
	_ =	sdelay $0x2  }
0x22b: {  	[tilespmem:s25+$0xFFFFFF70] =	vst v3  }
0x22c: {  	v3 =	vld [tilespmem:s24+$0x100]  }
0x22d: {  	[tilespmem:s29+$0xFFFFFF70] =	vst v4  }
0x22e: {  	v4 =	vld [tilespmem:s28+$0x100];
	_ =	sdelay $0x2  }
0x22f: {  	[tilespmem:s25+$0xFFFFFF80] =	vst v3  }
0x230: {  	v3 =	vld [tilespmem:s24+$0x110]  }
0x231: {  	[tilespmem:s29+$0xFFFFFF80] =	vst v4  }
0x232: {  	v4 =	vld [tilespmem:s28+$0x110];
	_ =	sdelay $0x2  }
0x233: {  	[tilespmem:s25+$0xFFFFFF90] =	vst v3  }
0x234: {  	v3 =	vld [tilespmem:s24+$0x120]  }
0x235: {  	[tilespmem:s29+$0xFFFFFF90] =	vst v4  }
0x236: {  	v4 =	vld [tilespmem:s28+$0x120];
	_ =	sdelay $0x1  }
0x237: {  	[tilespmem:s22+$0xFFFFFFA0] =	vst v2  }
0x238: {  	v2 =	vld [tilespmem:s23+$0x130];
	[tilespmem:s25+$0xFFFFFFA0] =	vst v3  }
0x239: {  	v3 =	vld [tilespmem:s24+$0x130]  }
0x23a: {  	[tilespmem:s29+$0xFFFFFFA0] =	vst v4  }
0x23b: {  	v4 =	vld [tilespmem:s28+$0x130];
	_ =	sdelay $0x1  }
0x23c: {  	[tilespmem:s22+$0xFFFFFFB0] =	vst v2  }
0x23d: {  	v2 =	vld [tilespmem:s23+$0x180];
	[tilespmem:s25+$0xFFFFFFB0] =	vst v3  }
0x23e: {  	v3 =	vld [tilespmem:s24+$0x180]  }
0x23f: {  	[tilespmem:s29+$0xFFFFFFB0] =	vst v4  }
0x240: {  	v4 =	vld [tilespmem:s28+$0x180];
	_ =	sdelay $0x1  }
0x241: {  	[tilespmem:s22+$0xFFFFFFC0] =	vst v2  }
0x242: {  	v2 =	vld [tilespmem:s23+$0x190];
	[tilespmem:s25+$0xFFFFFFC0] =	vst v3  }
0x243: {  	v3 =	vld [tilespmem:s24+$0x190]  }
0x244: {  	[tilespmem:s29+$0xFFFFFFC0] =	vst v4  }
0x245: {  	v4 =	vld [tilespmem:s28+$0x190];
	_ =	sdelay $0x1  }
0x246: {  	[tilespmem:s22+$0xFFFFFFD0] =	vst v2  }
0x247: {  	v2 =	vld [tilespmem:s23+$0x1A0];
	[tilespmem:s25+$0xFFFFFFD0] =	vst v3  }
0x248: {  	v3 =	vld [tilespmem:s24+$0x1A0]  }
0x249: {  	[tilespmem:s29+$0xFFFFFFD0] =	vst v4  }
0x24a: {  	v4 =	vld [tilespmem:s28+$0x1A0];
	_ =	sdelay $0x1  }
0x24b: {  	[tilespmem:s22+$0xFFFFFFE0] =	vst v2  }
0x24c: {  	v2 =	vld [tilespmem:s23+$0x1B0];
	[tilespmem:s25+$0xFFFFFFE0] =	vst v3  }
0x24d: {  	v3 =	vld [tilespmem:s24+$0x1B0]  }
0x24e: {  	[tilespmem:s29+$0xFFFFFFE0] =	vst v4  }
0x24f: {  	v4 =	vld [tilespmem:s28+$0x1B0];
	_ =	sdelay $0x1  }
0x250: {  	v5 =	vld [tilespmem:s21+$0x200];
	[tilespmem:s22+$0xFFFFFFF0] =	vst v2  }
0x251: {  	v2 =	vld [tilespmem:s23+$0x200];
	[tilespmem:s25+$0xFFFFFFF0] =	vst v3  }
0x252: {  	v3 =	vld [tilespmem:s24+$0x200]  }
0x253: {  	[tilespmem:s29+$0xFFFFFFF0] =	vst v4  }
0x254: {  	v4 =	vld [tilespmem:s28+$0x200]  }
0x255: {  	[tilespmem:s20+$0x0] =	vst v5  }
0x256: {  	v5 =	vld [tilespmem:s21+$0x210];
	[tilespmem:s22+$0x0] =	vst v2  }
0x257: {  	v2 =	vld [tilespmem:s23+$0x210];
	[tilespmem:s25+$0x0] =	vst v3  }
0x258: {  	v3 =	vld [tilespmem:s24+$0x210]  }
0x259: {  	[tilespmem:s29+$0x0] =	vst v4  }
0x25a: {  	v4 =	vld [tilespmem:s28+$0x210]  }
0x25b: {  	[tilespmem:s20+$0x10] =	vst v5  }
0x25c: {  	v5 =	vld [tilespmem:s21+$0x220];
	[tilespmem:s22+$0x10] =	vst v2  }
0x25d: {  	v2 =	vld [tilespmem:s23+$0x220];
	[tilespmem:s25+$0x10] =	vst v3  }
0x25e: {  	v3 =	vld [tilespmem:s24+$0x220]  }
0x25f: {  	[tilespmem:s29+$0x10] =	vst v4  }
0x260: {  	v4 =	vld [tilespmem:s28+$0x220]  }
0x261: {  	[tilespmem:s20+$0x20] =	vst v5  }
0x262: {  	v5 =	vld [tilespmem:s21+$0x230];
	[tilespmem:s22+$0x20] =	vst v2  }
0x263: {  	v2 =	vld [tilespmem:s23+$0x230];
	[tilespmem:s25+$0x20] =	vst v3  }
0x264: {  	v3 =	vld [tilespmem:s24+$0x230]  }
0x265: {  	[tilespmem:s29+$0x20] =	vst v4  }
0x266: {  	v4 =	vld [tilespmem:s28+$0x230]  }
0x267: {  	[tilespmem:s20+$0x30] =	vst v5  }
0x268: {  	v5 =	vld [tilespmem:s21+$0x280];
	[tilespmem:s22+$0x30] =	vst v2  }
0x269: {  	v2 =	vld [tilespmem:s23+$0x280];
	[tilespmem:s25+$0x30] =	vst v3  }
0x26a: {  	v3 =	vld [tilespmem:s24+$0x280]  }
0x26b: {  	[tilespmem:s29+$0x30] =	vst v4  }
0x26c: {  	v4 =	vld [tilespmem:s28+$0x280]  }
0x26d: {  	[tilespmem:s20+$0x40] =	vst v5  }
0x26e: {  	v5 =	vld [tilespmem:s21+$0x290];
	[tilespmem:s22+$0x40] =	vst v2  }
0x26f: {  	v2 =	vld [tilespmem:s23+$0x290];
	[tilespmem:s25+$0x40] =	vst v3  }
0x270: {  	v3 =	vld [tilespmem:s24+$0x290]  }
0x271: {  	[tilespmem:s29+$0x40] =	vst v4  }
0x272: {  	[tilespmem:s18+$0x50] =	vst v1;
	v4 =	vld [tilespmem:s28+$0x290]  }
0x273: {  	v1 =	vld [tilespmem:s19+$0x2A0];
	[tilespmem:s20+$0x50] =	vst v5  }
0x274: {  	v5 =	vld [tilespmem:s21+$0x2A0];
	[tilespmem:s22+$0x50] =	vst v2  }
0x275: {  	v2 =	vld [tilespmem:s23+$0x2A0];
	[tilespmem:s25+$0x50] =	vst v3  }
0x276: {  	v3 =	vld [tilespmem:s24+$0x2A0]  }
0x277: {  	[tilespmem:s29+$0x50] =	vst v4  }
0x278: {  	[tilespmem:s18+$0x60] =	vst v1;
	v4 =	vld [tilespmem:s28+$0x2A0]  }
0x279: {  	v1 =	vld [tilespmem:s19+$0x2B0];
	[tilespmem:s20+$0x60] =	vst v5  }
0x27a: {  	v5 =	vld [tilespmem:s21+$0x2B0];
	[tilespmem:s22+$0x60] =	vst v2  }
0x27b: {  	v2 =	vld [tilespmem:s23+$0x2B0];
	[tilespmem:s25+$0x60] =	vst v3  }
0x27c: {  	v3 =	vld [tilespmem:s24+$0x2B0]  }
0x27d: {  	[tilespmem:s29+$0x60] =	vst v4  }
0x27e: {  	[tilespmem:s18+$0x70] =	vst v1;
	v4 =	vld [tilespmem:s28+$0x2B0]  }
0x27f: {  	v1 =	vld [tilespmem:s19+$0x300];
	[tilespmem:s20+$0x70] =	vst v5  }
0x280: {  	v5 =	vld [tilespmem:s21+$0x300];
	[tilespmem:s22+$0x70] =	vst v2  }
0x281: {  	v2 =	vld [tilespmem:s23+$0x300];
	[tilespmem:s25+$0x70] =	vst v3  }
0x282: {  	v3 =	vld [tilespmem:s24+$0x300]  }
0x283: {  	[tilespmem:s29+$0x70] =	vst v4  }
0x284: {  	[tilespmem:s18+$0x80] =	vst v1;
	v4 =	vld [tilespmem:s28+$0x300]  }
0x285: {  	v1 =	vld [tilespmem:s19+$0x310];
	[tilespmem:s20+$0x80] =	vst v5  }
0x286: {  	v5 =	vld [tilespmem:s21+$0x310];
	[tilespmem:s22+$0x80] =	vst v2  }
0x287: {  	v2 =	vld [tilespmem:s23+$0x310];
	[tilespmem:s25+$0x80] =	vst v3  }
0x288: {  	v3 =	vld [tilespmem:s24+$0x310]  }
0x289: {  	[tilespmem:s29+$0x80] =	vst v4  }
0x28a: {  	[tilespmem:s18+$0x90] =	vst v1;
	v4 =	vld [tilespmem:s28+$0x310]  }
0x28b: {  	v1 =	vld [tilespmem:s19+$0x320];
	[tilespmem:s20+$0x90] =	vst v5  }
0x28c: {  	v5 =	vld [tilespmem:s21+$0x320];
	[tilespmem:s22+$0x90] =	vst v2  }
0x28d: {  	v2 =	vld [tilespmem:s23+$0x320];
	[tilespmem:s25+$0x90] =	vst v3  }
0x28e: {  	v3 =	vld [tilespmem:s24+$0x320]  }
0x28f: {  	[tilespmem:s29+$0x90] =	vst v4  }
0x290: {  	[tilespmem:s18+$0xA0] =	vst v1;
	v62 =	vld [tilespmem:s28+$0x320]  }
0x291: {  	v1 =	vld [tilespmem:s19+$0x330];
	[tilespmem:s20+$0xA0] =	vst v5  }
0x292: {  	v5 =	vld [tilespmem:s21+$0x330];
	[tilespmem:s22+$0xA0] =	vst v2  }
0x293: {  	v2 =	vld [tilespmem:s23+$0x330];
	[tilespmem:s25+$0xA0] =	vst v3  }
0x294: {  	[tilespmem:s16+$0xA0] =	vst v0;
	v3 =	vld [tilespmem:s24+$0x330]  }
0x295: {  	v63 =	vld [tilespmem:s17+$0x330];
	[tilespmem:s29+$0xA0] =	vst v62  }
0x296: {  	[tilespmem:s18+$0xB0] =	vst v1;
	v0 =	vld [tilespmem:s28+$0x330]  }
0x297: {  	v1 =	vld [tilespmem:s19+$0x380];
	[tilespmem:s20+$0xB0] =	vst v5  }
0x298: {  	v5 =	vld [tilespmem:s21+$0x380];
	[tilespmem:s22+$0xB0] =	vst v2  }
0x299: {  	v2 =	vld [tilespmem:s23+$0x380];
	[tilespmem:s25+$0xB0] =	vst v3  }
0x29a: {  	[tilespmem:s16+$0xB0] =	vst v63;
	v3 =	vld [tilespmem:s24+$0x380]  }
0x29b: {  	v4 =	vld [tilespmem:s17+$0x380];
	[tilespmem:s29+$0xB0] =	vst v0  }
0x29c: {  	[tilespmem:s18+$0xC0] =	vst v1;
	v0 =	vld [tilespmem:s28+$0x380]  }
0x29d: {  	v1 =	vld [tilespmem:s19+$0x390];
	[tilespmem:s20+$0xC0] =	vst v5  }
0x29e: {  	v5 =	vld [tilespmem:s21+$0x390];
	[tilespmem:s22+$0xC0] =	vst v2  }
0x29f: {  	v2 =	vld [tilespmem:s23+$0x390];
	[tilespmem:s25+$0xC0] =	vst v3  }
0x2a0: {  	v3 =	vld [tilespmem:s24+$0x390];
	[tilespmem:s16+$0xC0] =	vst v4  }
0x2a1: {  	v4 =	vld [tilespmem:s17+$0x390];
	[tilespmem:s29+$0xC0] =	vst v0  }
0x2a2: {  	[tilespmem:s18+$0xD0] =	vst v1;
	v0 =	vld [tilespmem:s28+$0x390]  }
0x2a3: {  	v1 =	vld [tilespmem:s19+$0x3A0];
	[tilespmem:s20+$0xD0] =	vst v5  }
0x2a4: {  	v5 =	vld [tilespmem:s21+$0x3A0];
	[tilespmem:s22+$0xD0] =	vst v2  }
0x2a5: {  	v2 =	vld [tilespmem:s23+$0x3A0];
	[tilespmem:s25+$0xD0] =	vst v3  }
0x2a6: {  	v3 =	vld [tilespmem:s24+$0x3A0];
	[tilespmem:s16+$0xD0] =	vst v4  }
0x2a7: {  	v4 =	vld [tilespmem:s17+$0x3A0];
	[tilespmem:s29+$0xD0] =	vst v0  }
0x2a8: {  	[tilespmem:s18+$0xE0] =	vst v1;
	v0 =	vld [tilespmem:s28+$0x3A0]  }
0x2a9: {  	v1 =	vld [tilespmem:s19+$0x3B0];
	[tilespmem:s20+$0xE0] =	vst v5  }
0x2aa: {  	v5 =	vld [tilespmem:s21+$0x3B0];
	[tilespmem:s22+$0xE0] =	vst v2  }
0x2ab: {  	v2 =	vld [tilespmem:s23+$0x3B0];
	[tilespmem:s25+$0xE0] =	vst v3  }
0x2ac: {  	v3 =	vld [tilespmem:s24+$0x3B0];
	[tilespmem:s16+$0xE0] =	vst v4  }
0x2ad: {  	v4 =	vld [tilespmem:s17+$0x3B0];
	[tilespmem:s29+$0xE0] =	vst v0  }
0x2ae: {  	[tilespmem:s18+$0xF0] =	vst v1;
	v0 =	vld [tilespmem:s28+$0x3B0]  }
0x2af: {  	[tilespmem:s20+$0xF0] =	vst v5  }
.Ltmp8:
0x2b0: {  	[tilespmem:s22+$0xF0] =	vst v2;
	(pc) =	sbr.rel .LBB2_10-.Ltmp8, $4  }
0x2b1: {  	s31 =	smul.u32 $0x640, s26;
	[tilespmem:s25+$0xF0] =	vst v3  }
0x2b2: {  	[tilespmem:s16+$0xF0] =	vst v4  }
0x2b3: {  	s16 =	sadd.s32 s4, s31;
	[tilespmem:s29+$0xF0] =	vst v0  }
0x2b4: {  	[hbm4b:s16+s1] =	stream.linear.scatter [tilespmem:s11], [sflag:$0x3], $0x3200, $0x38;
	[tilespmem:$0x12C00] =	vst v63  }
.LBB2_12:
0x2b5: {  	_ =	sfence.sel $0x180000  }
0x2b6: {  	[bflag:$0x0] =	sbarrier.arrive $0xFFFF  }
0x2b7: {  	p0 =	sne.s32 s2, $0x0;
	_ =	strace $0x9000004A  }
0x2b8: {  	s0 =	sadd.s32 @!p0 $0x100000, s0;
	[bflag:$0x2] =	sbarrier.arrive $0xFFFF  }
0x2b9: {  	[sflag:s0] =	ssyncadd.tile.s32 @!p0 $0x1;
	_ =	shalt  }
.Lfunc_end2:
_tile_overlayer_lowered:
.L_overlay_start_2:
0x2ba: {  	(tag) =	ssettag $0x2  }
0x2bb: {  	s0 =	rddreg [dreg:$0x0];
	s2 =	stileid.u32  }
0x2bc: {  	s1 =	rddreg [dreg:$0x1];
	p0 =	sne.s32 s2, $0x0  }
0x2bd: {  	s3 =	rddreg [dreg:$0x2];
	[bflag:$0x3] =	sbarrier.arrive $0xFFFF;
	s2 =	simm.s32 @!p0 $0x1C05  }
0x2be: {  	[timem:s3], [sflag:s2] =	dma.local @!p0 [hbm:s0], s1  }
0x2bf: {  	s0 =	simm.s32 @!p0 $0x5  }
0x2c0: {  	_ =	swait.ge @!p0 [sflag:s0], s1  }
0x2c1: {  	s1 =	ssub.s32 @!p0 $0x0, s1;
	[sflag:s0] =	ssyncset.done @!p0 $0x0  }
0x2c2: {  	[sflag:s0] =	ssyncadd.s32 @!p0 s1  }
0x2c3: {  	[bflag:$0x3] =	sbarrier.arrive $0xFFFF  }
0x2c4: {  	_ =	shalt  }

// kernel: kernel.7.cloned.1.call-start
scs
__scs_entry_jumppad:
0x0: {  	(pc) =	sbr.rel $0x88, $3  }
0x1: {  	(tag) =	ssettag $0x0;
	lr =	simm.s32 $0x1  }
0x2: {  	[smem:$0x3F9F] =	sst lr;
	_ =	strace $0xD0000000  }
0x3: {  	_ = 	snop  }
0x4: {  	_ = 	snop  }
0x5: {  	_ = 	snop  }
0x6: {  	_ = 	snop  }
0x7: {  	_ = 	snop  }
__scs_overlays_trampoline_lowered:
0x8: {  	[smem:$0x3FAE] =	sst s0  }
0x9: {  	[smem:$0x3FAF] =	sst s1  }
0xa: {  	[smem:$0x3FB0] =	sst s2  }
0xb: {  	[smem:$0x3FB1] =	sst s3  }
0xc: {  	[smem:$0x3FB2] =	sst s4  }
0xd: {  	[smem:$0x3FB3] =	sst s5  }
0xe: {  	[smem:$0x3FB4] =	sst s6  }
0xf: {  	[smem:$0x3FB5] =	sst s7  }
0x10: {  	[smem:$0x3FB6] =	sst s8  }
0x11: {  	[smem:$0x3FB7] =	sst s9;
	s0 =	simm.s32 @!p0 $0x0  }
0x12: {  	s1 =	sld [smem:$0x3F9D];
	s0 =	simm.s32 @p0 $0x1  }
0x13: {  	[smem:$0x3FB8] =	sst s0;
	s0 =	simm.s32 @!p1 $0x0  }
0x14: {  	s2 =	sld [smem:$0x3F9C];
	s0 =	simm.s32 @p1 $0x1  }
0x15: {  	[smem:$0x3FB9] =	sst s0;
	s0 =	simm.s32 @!p2 $0x0  }
0x16: {  	s3 =	sld [smem:$0x3FDB];
	s0 =	simm.s32 @p2 $0x1  }
0x17: {  	s4 =	simm.s32 $0x1BF5;
	[smem:$0x3FBB] =	sst s0  }
0x18: {  	s0 =	sld [smem:$0x3F9E];
	_ =	swait.ge [sflag:s4], $0x0  }
0x19: {  	s7 =	sld [smem:$0x3F9F]  }
0x1a: {  	s8 =	sadd.s32 $0xFFFFE003, lr  }
0x1b: {  	s9 =	sadd.s32 $0xFFFFFEF7, lr;
	s5 =	simm.s32 $0xFFFFFFFF;
	p2 =	slt.u32 s8, $0xFFFFF086  }
0x1c: {  	p1 =	slt.u32 s9, $0xF7A;
	s5 =	simm.s32 @!p2 $0x0  }
0x1d: {  	s5 =	simm.s32 @p1 $0x1;
	p0 =	seq.s32 s7, s2  }
0x1e: {  	s7 =	smul.u32 @!p0 $0xF7A, s2;
	p2 =	seq.s32 @!p0 s5, $0x0  }
0x1f: {  	s9 =	smul.u32 $0xF7A, s1;
	s8 =	simm.s32 @!p0 $0x1BF5;
	p2 =	por !p2, p0  }
0x20: {  	[sflag:s8] =	ssyncset.s32 @!p0 $0xFFFFF086;
	s6 =	sadd.s32 @!p0 s3, s7;
	s7 =	simm.s32 @!p0 $0x108  }
0x21: {  	s3 =	sadd.s32 s3, s9;
	s6 =	sadd.s32 @!p0 $0x88, s6;
	s7 =	simm.s32 @p2 $0x1082  }
0x22: {  	[simem:s7], [sflag:s8] =	dma.local @!p0 [hbm:s6], $0xF7A  }
0x23: {  	s9 =	sor.u32 $0xD0000000, s2;
	s6 =	simm.s32 $0x108;
	_ =	swait.ge @!p0 [sflag:s8], $0x0  }
0x24: {  	s3 =	sadd.s32 $0x88, s3;
	s6 =	simm.s32 @!p1 $0x1082;
	[sflag:s4] =	ssyncset.s32 $0xFFFFF086  }
0x25: {  	[simem:s6], [sflag:s4] =	dma.local [hbm:s3], $0xF7A  }
0x26: {  	[smem:$0x3F9F] =	sst s1;
	(tag) =	ssettag s2;
	_ =	strace s9  }
0x27: {  	s1 =	sld [smem:$0x3FAF]  }
0x28: {  	s2 =	sld [smem:$0x3FB0]  }
0x29: {  	s4 =	sld [smem:$0x3FB2]  }
0x2a: {  	p0 =	seq.s32 s5, $0x0;
	s5 =	sld [smem:$0x3FB3]  }
0x2b: {  	s6 =	sld [smem:$0x3FB4]  }
0x2c: {  	s7 =	sld [smem:$0x3FB5]  }
0x2d: {  	s3 =	simm.s32 $0x108;
	s8 =	sld [smem:$0x3FB6]  }
0x2e: {  	s3 =	simm.s32 @!p0 $0x1082;
	s9 =	sld [smem:$0x3FB7]  }
0x2f: {  	lr =	sadd.s32 s0, s3;
	s0 =	sld [smem:$0x3FAE]  }
0x30: {  	s3 =	sld [smem:$0x3FB1]  }
0x31: {  	[smem:$0x3FBA] =	sst s10  }
0x32: {  	s10 =	sld [smem:$0x3FB8];
	_ =	sdelay $0x3  }
0x33: {  	p0 =	seq.s32 s10, $0x1;
	s10 =	sld [smem:$0x3FBA];
	_ =	sdelay $0x3  }
0x34: {  	[smem:$0x3FBA] =	sst s10  }
0x35: {  	s10 =	sld [smem:$0x3FB9];
	_ =	sdelay $0x3  }
0x36: {  	p1 =	seq.s32 s10, $0x1;
	s10 =	sld [smem:$0x3FBA];
	_ =	sdelay $0x3  }
0x37: {  	[smem:$0x3FBA] =	sst s10  }
0x38: {  	s10 =	sld [smem:$0x3FBB]  }
0x39: {  	_ = 	snop;
	(pc) =	sbr.ind lr, $3  }
0x3a: {  	_ = 	snop  }
0x3b: {  	_ = 	snop  }
0x3c: {  	p2 =	seq.s32 s10, $0x1;
	s10 =	sld [smem:$0x3FBA]  }
0x3d: {  	_ =	shalt  }
0x3e: {  	_ =	shalt  }
0x3f: {  	_ =	shalt  }
0x40: {  	_ =	shalt  }
0x41: {  	_ =	shalt  }
0x42: {  	_ =	shalt  }
0x43: {  	_ =	shalt  }
0x44: {  	_ =	shalt  }
0x45: {  	_ =	shalt  }
0x46: {  	_ =	shalt  }
0x47: {  	_ =	shalt  }
0x48: {  	_ =	shalt  }
0x49: {  	_ =	shalt  }
0x4a: {  	_ =	shalt  }
0x4b: {  	_ =	shalt  }
0x4c: {  	_ =	shalt  }
0x4d: {  	_ =	shalt  }
0x4e: {  	_ =	shalt  }
0x4f: {  	_ =	shalt  }
0x50: {  	_ =	shalt  }
0x51: {  	_ =	shalt  }
0x52: {  	_ =	shalt  }
0x53: {  	_ =	shalt  }
0x54: {  	_ =	shalt  }
0x55: {  	_ =	shalt  }
0x56: {  	_ =	shalt  }
0x57: {  	_ =	shalt  }
0x58: {  	_ =	shalt  }
0x59: {  	_ =	shalt  }
0x5a: {  	_ =	shalt  }
0x5b: {  	_ =	shalt  }
0x5c: {  	_ =	shalt  }
0x5d: {  	_ =	shalt  }
0x5e: {  	_ =	shalt  }
0x5f: {  	_ =	shalt  }
0x60: {  	_ =	shalt  }
0x61: {  	_ =	shalt  }
0x62: {  	_ =	shalt  }
0x63: {  	_ =	shalt  }
0x64: {  	_ =	shalt  }
0x65: {  	_ =	shalt  }
0x66: {  	_ =	shalt  }
0x67: {  	_ =	shalt  }
0x68: {  	_ =	shalt  }
0x69: {  	_ =	shalt  }
0x6a: {  	_ =	shalt  }
0x6b: {  	_ =	shalt  }
0x6c: {  	_ =	shalt  }
0x6d: {  	_ =	shalt  }
0x6e: {  	_ =	shalt  }
0x6f: {  	_ =	shalt  }
0x70: {  	_ =	shalt  }
0x71: {  	_ =	shalt  }
0x72: {  	_ =	shalt  }
0x73: {  	_ =	shalt  }
0x74: {  	_ =	shalt  }
0x75: {  	_ =	shalt  }
0x76: {  	_ =	shalt  }
0x77: {  	_ =	shalt  }
0x78: {  	_ =	shalt  }
0x79: {  	_ =	shalt  }
0x7a: {  	_ =	shalt  }
0x7b: {  	_ =	shalt  }
0x7c: {  	_ =	shalt  }
0x7d: {  	_ =	shalt  }
0x7e: {  	_ =	shalt  }
0x7f: {  	_ =	shalt  }
0x80: {  	_ =	shalt  }
0x81: {  	_ =	shalt  }
0x82: {  	_ =	shalt  }
0x83: {  	_ =	shalt  }
0x84: {  	_ =	shalt  }
0x85: {  	_ =	shalt  }
0x86: {  	_ =	shalt  }
0x87: {  	_ =	shalt  }
.Lfunc_end0:
.L_simem_size_0:
called_computation.3_lowered:
.L_overlay_start_0:
0x88: {  	s2 =	sld [smem:$0x3FD9]  }
0x89: {  	s3 =	sld [smem:$0x3FFE];
	_ =	sdelay $0x1  }
0x8a: {  	s1 =	srdreg.scid  }
0x8b: {  	s0 =	sand.u32 $0x1, s1  }
0x8c: {  	s17 =	sshll.u32 s0, $0xA;
	s2 =	sadd.s32 s3, s2  }
0x8d: {  	s2 =	sadd.s32 s2, s17  }
0x8e: {  	[smem:$0x3FC6] =	sst s2  }
0x8f: {  	_ = 	snop  }
0x90: {  	s2 =	sld [smem:$0x3FD0];
	(tm) =	ssettm $0x1  }
0x91: {  	s18 =	sld [smem:$0x3FFB];
	_ =	sdelay $0x3  }
0x92: {  	_ =	strace s18  }
0x93: {  	s3 =	sld [smem:$0x3FFC];
	_ =	sdelay $0x3  }
0x94: {  	_ =	strace s3  }
0x95: {  	s3 =	sld [smem:$0x3FFD];
	_ =	sdelay $0x3  }
0x96: {  	_ =	strace s3  }
0x97: {  	_ =	strace $0x8FFFFFFF  }
0x98: {  	s19 =	sld [smem:$0x3FDB];
	_ =	sdelay $0x1  }
0x99: {  	s4 =	simm.s32 $_scs_section_size  }
0x9a: {  	s5 =	simm.s32 $_size__tile_overlayer_lowered;
	s6 =	simm.s32 $_tile_overlayer_lowered  }
0x9b: {  	s22 =	simm.s32 $0x1BFF;
	s21 =	sshll.u32 s6, $0x1;
	s3 =	sadd.s32 s4, s19  }
0x9c: {  	s7 =	simm.s32 $0x0;
	s20 =	sshll.u32 s5, $0x1;
	s5 =	sadd.s32 s21, s3  }
0x9d: {  	[timem:s7], [sflag:s22] =	dma.local [hbm:s5], s20  }
0x9e: {  	_ =	swait.ge [sflag:s22], s20  }
0x9f: {  	s4 =	ssub.s32 $0x0, s20;
	[sflag:s22] =	ssyncset.done $0x0  }
0xa0: {  	[sflag:s22] =	ssyncadd.s32 s4;
	_ =	sdelay $0x1  }
0xa1: {  	s23 =	simm.s32 $0x1B8B  }
0xa2: {  	_ =	swait.ge [sflag:s23], $0x1  }
0xa3: {  	[sflag:s23] =	ssyncset.done $0x0  }
0xa4: {  	s25 =	simm.s32 $0x1B8E;
	s24 =	sld [smem:$0x3FFE];
	[sflag:s23] =	ssyncadd.s32 $0xFFFFFFFF  }
0xa5: {  	s26 =	simm.s32 $execute0_lowered;
	[smem:$0x3FD2] =	sst s25  }
0xa6: {  	s5 =	sshll.u32 s26, $0x1;
	_ =	strace $0x8000004C;
	[dreg:$0x1] =	wrdreg $0xFFFFFFFF  }
0xa7: {  	s28 =	simm.s32 $_size_execute0_lowered;
	s3 =	sadd.s32 s3, s5;
	[dreg:$0x0] =	wrdreg $0x0  }
0xa8: {  	s5 =	sshll.u32 s28, $0x1;
	[dreg:$0x2] =	wrdreg s3  }
0xa9: {  	[dreg:$0x3] =	wrdreg s5  }
0xaa: {  	[dreg:$0x4] =	wrdreg $0xC0  }
0xab: {  	_ =	task [dreg:s7], $0x5FFFF  }
0xac: {  	[dreg:$0x1] =	wrdreg $0xFFFFFFFF  }
0xad: {  	[dreg:$0x0] =	wrdreg $0x60  }
0xae: {  	[dreg:$0x2] =	wrdreg s2  }
0xaf: {  	[dreg:$0x3] =	wrdreg s24  }
0xb0: {  	[dreg:$0x4] =	wrdreg $0x9  }
0xb1: {  	_ =	task.clear_ibuf [dreg:s7], $0x5FFFF;
	_ =	strace $0x9000004C  }
0xb2: {  	s29 =	simm.s32 $0x9;
	_ =	strace $0x8000004E  }
0xb3: {  	_ =	swait.ge [sflag:s29], $0x1  }
0xb4: {  	[sflag:s29] =	ssyncadd.s32 $0xFFFFFFFF  }
0xb5: {  	_ =	strace $0x9000004E  }
0xb6: {  	_ =	sfence  }
0xb7: {  	s30 =	sld [smem:$0x0];
	_ =	sdelay $0x2  }
0xb8: {  	s31 =	sshll.u32 s1, $0xD;
	s1 =	sshrl.u32 s1, $0x2  }
0xb9: {  	s3 =	sand.u32 $0x4000, s31;
	s1 =	sadd.s32 s1, s30  }
0xba: {  	s0 =	sor.u32 s3, s0;
	s1 =	sshll.u32 s1, $0x11  }
0xbb: {  	s0 =	sor.u32 s1, s0  }
0xbc: {  	s0 =	sadd.s32 $0x8F2B, s0  }
0xbd: {  	[sflag:s0] =	ssyncadd.remote.s32 $0x1  }
0xbe: {  	_ =	sfence.sel $0xFFFF  }
0xbf: {  	[dreg:$0x0] =	wrdreg $0xFFFFFFFF;
	(pc) =	sbr.abs _section_cstart, $3  }
0xc0: {  	[dreg:$0x1] =	wrdreg $0xFFFFFFFF  }
0xc1: {  	_ =	task.clear_ibuf [dreg:s7], $0x2FFFF;
	_ =	strace $0x9FFFFFFF  }
0xc2: {  	(tm) =	ssettm $0x7FFFFFFF  }
0xc3: {  	_ =	shalt  }
tec
execute0_lowered:
.L_overlay_start_1:
0x0: {  	(tag) =	ssettag $0x1  }
0x1: {  	s0 =	rddreg [dreg:$0x0];
	s1 =	srdreg.scid  }
0x2: {  	s3 =	stileid.u32;
	s2 =	rddreg [dreg:$0x1]  }
0x3: {  	s4 =	simm.s32 $0x0;
	s9 =	simm.s32 $0x5;
	s10 =	simm.s32 $0x100  }
0x4: {  	s11 =	simm.s32 $0x6400;
	s12 =	simm.s32 $0xA400;
	s13 =	simm.s32 $0x1  }
0x5: {  	s14 =	simm.s32 $0x40;
	s15 =	simm.s32 $0x80;
	s16 =	simm.s32 $0xE400  }
0x6: {  	s17 =	simm.s32 $0x2;
	s1 =	sand.u32 $0x1, s1;
	s3 =	sshll.u32 s3, $0x1  }
0x7: {  	s18 =	simm.s32 $0x4;
	s19 =	simm.s32 $0x12400;
	s5 =	sor.u32 s1, s3  }
0x8: {  	s20 =	simm.s32 $0x3;
	s21 =	simm.s32 $0x0;
	s6 =	smul.u32 $0xC80, s5  }
.Ltmp0:
0x9: {  	[smem:$0x7FF] =	sst s4;
	s1 =	ssub.s32 $0x2, s1;
	(pc) =	sbr.rel .LBB2_1-.Ltmp0, $4  }
0xa: {  	s4 =	sadd.s32 $0x1200, s2;
	s7 =	sshrl.u32 s1, $0x1;
	s8 =	smul.u32 $0x64000, s5  }
0xb: {  	_ =	strace $0x8000004D;
	s3 =	sadd.s32 $0xF43600, s2;
	s1 =	ssub.s32 s1, s7  }
0xc: {  	s0 =	sadd.s32 s0, s6;
	s6 =	smul.u32 $0x320000, s5;
	s31 =	sadd.s32 s8, s4  }
0xd: {  	s7 =	smax.u32 s1, $0x1;
	[dreg:$0x3] =	wrdreg s0;
	s8 =	sadd.s32 $0x1000, s31  }
.LBB2_12:
0xe: {  	s21 =	sadd.s32 $0x1, s21  }
0xf: {  	_ =	swait.ge [sflag:s20], $0x4000;
	p0 =	sne.s32 s21, s7  }
.Ltmp1:
0x10: {  	[sflag:s20] =	ssyncset.done $0x0;
	(pc) =	sbr.rel @!p0 .LBB2_13-.Ltmp1, $4  }
0x11: {  	[sflag:s20] =	ssyncadd.s32 $0xFFFFC000  }
0x12: {  	_ =	swait.ge [sflag:s18], $0x4000  }
0x13: {  	[sflag:s18] =	ssyncset.done $0x0  }
0x14: {  	[sflag:s18] =	ssyncadd.s32 $0xFFFFC000  }
.LBB2_1:
0x15: {  	s0 =	simm.s32 $0x0;
	s1 =	rddreg [dreg:$0x3]  }
0x16: {  	[tilespmem:s0], [sflag:$0x5] =	stream.linear.gather [hbm4b:s1+s0], $0x6400, $0x38;
	[tilespmem:$0x16400] =	vst v63  }
0x17: {  	_ =	swait.ge [sflag:s9], $0x6400  }
0x18: {  	[sflag:s9] =	ssyncset.done $0x0  }
0x19: {  	[sflag:s9] =	ssyncadd.s32 $0xFFFF9C00  }
0x1a: {  	[tilespmem:s11], [sflag:$0x1] =	stream.indirect.gather [hbm4b:s3+s10], $0x40, s0, s10, $0xb8;
	[tilespmem:$0x16400] =	vst v63  }
0x1b: {  	s22 =	simm.s32 $0x0  }
0x1c: {  	[tilespmem:s12], [sflag:$0x2] =	stream.indirect.gather [hbm4b:s3+s10], $0x40, s10, s10, $0xb8;
	[tilespmem:$0x16400] =	vst v63  }
.LBB2_2:
0x1d: {  	_ =	swait.ge [sflag:s13], $0x4000  }
0x1e: {  	p0 =	seq.s32 s22, $0x0;
	[sflag:s13] =	ssyncset.done $0x0  }
0x1f: {  	s0 =	simm.s32 @!p0 $0x3;
	[sflag:s13] =	ssyncadd.s32 $0xFFFFC000  }
0x20: {  	_ =	swait.ge @!p0 [sflag:s0], $0x4000  }
0x21: {  	[sflag:s0] =	ssyncset.done @!p0 $0x0  }
0x22: {  	s31 =	simm.s32 $0x6600;
	[sflag:s0] =	ssyncadd.s32 @!p0 $0xFFFFC000  }
0x23: {  	v0 =	vld [tilespmem:s31+$0x0];
	_ =	sdelay $0x3  }
0x24: {  	v1 =	vld [tilespmem:s31+$0xFFFFFE00]  }
0x25: {  	v0 =	vmul.f32 $8.000000000e+00, v0  }
0x26: {  	s24 =	simm.s32 $0xE600  }
0x27: {  	[tilespmem:s24+$0x0] =	vst v0  }
0x28: {  	v0 =	vld [tilespmem:s31+$0x10]  }
0x29: {  	v1 =	vmul.f32 $8.000000000e+00, v1;
	_ =	sdelay $0x1  }
0x2a: {  	[tilespmem:s24+$0xFFFFFE00] =	vst v1  }
0x2b: {  	v1 =	vld [tilespmem:s31+$0xFFFFFE10]  }
0x2c: {  	v0 =	vmul.f32 $8.000000000e+00, v0;
	_ =	sdelay $0x1  }
0x2d: {  	[tilespmem:s24+$0x10] =	vst v0  }
0x2e: {  	v0 =	vld [tilespmem:s31+$0x20]  }
0x2f: {  	v1 =	vmul.f32 $8.000000000e+00, v1;
	_ =	sdelay $0x1  }
0x30: {  	[tilespmem:s24+$0xFFFFFE10] =	vst v1  }
0x31: {  	v1 =	vld [tilespmem:s31+$0xFFFFFE20]  }
0x32: {  	v0 =	vmul.f32 $8.000000000e+00, v0;
	_ =	sdelay $0x1  }
0x33: {  	[tilespmem:s24+$0x20] =	vst v0  }
0x34: {  	v0 =	vld [tilespmem:s31+$0x30]  }
0x35: {  	v1 =	vmul.f32 $8.000000000e+00, v1;
	_ =	sdelay $0x1  }
0x36: {  	[tilespmem:s24+$0xFFFFFE20] =	vst v1  }
0x37: {  	v1 =	vld [tilespmem:s31+$0xFFFFFE30]  }
0x38: {  	v0 =	vmul.f32 $8.000000000e+00, v0;
	_ =	sdelay $0x1  }
0x39: {  	[tilespmem:s24+$0x30] =	vst v0  }
0x3a: {  	v0 =	vld [tilespmem:s31+$0x40]  }
0x3b: {  	v1 =	vmul.f32 $8.000000000e+00, v1;
	_ =	sdelay $0x1  }
0x3c: {  	[tilespmem:s24+$0xFFFFFE30] =	vst v1  }
0x3d: {  	v1 =	vld [tilespmem:s31+$0xFFFFFE40]  }
0x3e: {  	v0 =	vmul.f32 $8.000000000e+00, v0;
	_ =	sdelay $0x1  }
0x3f: {  	[tilespmem:s24+$0x40] =	vst v0  }
0x40: {  	v0 =	vld [tilespmem:s31+$0x50]  }
0x41: {  	v1 =	vmul.f32 $8.000000000e+00, v1;
	_ =	sdelay $0x1  }
0x42: {  	[tilespmem:s24+$0xFFFFFE40] =	vst v1  }
0x43: {  	v1 =	vld [tilespmem:s31+$0xFFFFFE50]  }
0x44: {  	v0 =	vmul.f32 $8.000000000e+00, v0;
	_ =	sdelay $0x1  }
0x45: {  	[tilespmem:s24+$0x50] =	vst v0  }
0x46: {  	v0 =	vld [tilespmem:s31+$0x60]  }
0x47: {  	v1 =	vmul.f32 $8.000000000e+00, v1;
	_ =	sdelay $0x1  }
0x48: {  	[tilespmem:s24+$0xFFFFFE50] =	vst v1  }
0x49: {  	v1 =	vld [tilespmem:s31+$0xFFFFFE60]  }
0x4a: {  	v0 =	vmul.f32 $8.000000000e+00, v0;
	_ =	sdelay $0x1  }
0x4b: {  	[tilespmem:s24+$0x60] =	vst v0  }
0x4c: {  	v0 =	vld [tilespmem:s31+$0x70]  }
0x4d: {  	v1 =	vmul.f32 $8.000000000e+00, v1;
	_ =	sdelay $0x1  }
0x4e: {  	[tilespmem:s24+$0xFFFFFE60] =	vst v1  }
0x4f: {  	v1 =	vld [tilespmem:s31+$0xFFFFFE70]  }
0x50: {  	v0 =	vmul.f32 $8.000000000e+00, v0  }
0x51: {  	s26 =	simm.s32 $0x6A00  }
0x52: {  	[tilespmem:s24+$0x70] =	vst v0;
	v0 =	vld [tilespmem:s26+$0x0]  }
0x53: {  	v2 =	vld [tilespmem:s31+$0x80]  }
0x54: {  	v1 =	vmul.f32 $8.000000000e+00, v1;
	_ =	sdelay $0x1  }
0x55: {  	[tilespmem:s24+$0xFFFFFE70] =	vst v1;
	v1 =	vld [tilespmem:s26+$0xFFFFFE00]  }
0x56: {  	v3 =	vld [tilespmem:s31+$0xFFFFFE80];
	v0 =	vmul.f32 $8.000000000e+00, v0  }
0x57: {  	s25 =	simm.s32 $0xEA00;
	v2 =	vmul.f32 $8.000000000e+00, v2  }
0x58: {  	[tilespmem:s25+$0x0] =	vst v0  }
0x59: {  	v0 =	vld [tilespmem:s26+$0x10];
	[tilespmem:s24+$0x80] =	vst v2  }
0x5a: {  	v1 =	vmul.f32 $8.000000000e+00, v1;
	v2 =	vld [tilespmem:s31+$0x90]  }
0x5b: {  	v3 =	vmul.f32 $8.000000000e+00, v3  }
0x5c: {  	[tilespmem:s25+$0xFFFFFE00] =	vst v1  }
0x5d: {  	v1 =	vld [tilespmem:s26+$0xFFFFFE10];
	[tilespmem:s24+$0xFFFFFE80] =	vst v3  }
0x5e: {  	v3 =	vld [tilespmem:s31+$0xFFFFFE90];
	v0 =	vmul.f32 $8.000000000e+00, v0  }
0x5f: {  	v2 =	vmul.f32 $8.000000000e+00, v2  }
0x60: {  	[tilespmem:s25+$0x10] =	vst v0  }
0x61: {  	v0 =	vld [tilespmem:s26+$0x20];
	[tilespmem:s24+$0x90] =	vst v2  }
0x62: {  	v1 =	vmul.f32 $8.000000000e+00, v1;
	v2 =	vld [tilespmem:s31+$0xA0]  }
0x63: {  	v3 =	vmul.f32 $8.000000000e+00, v3  }
0x64: {  	[tilespmem:s25+$0xFFFFFE10] =	vst v1  }
0x65: {  	v1 =	vld [tilespmem:s26+$0xFFFFFE20];
	[tilespmem:s24+$0xFFFFFE90] =	vst v3  }
0x66: {  	v3 =	vld [tilespmem:s31+$0xFFFFFEA0];
	v0 =	vmul.f32 $8.000000000e+00, v0  }
0x67: {  	v2 =	vmul.f32 $8.000000000e+00, v2  }
0x68: {  	[tilespmem:s25+$0x20] =	vst v0  }
0x69: {  	v0 =	vld [tilespmem:s26+$0x30];
	[tilespmem:s24+$0xA0] =	vst v2  }
0x6a: {  	v1 =	vmul.f32 $8.000000000e+00, v1;
	v2 =	vld [tilespmem:s31+$0xB0]  }
0x6b: {  	v3 =	vmul.f32 $8.000000000e+00, v3  }
0x6c: {  	[tilespmem:s25+$0xFFFFFE20] =	vst v1  }
0x6d: {  	v1 =	vld [tilespmem:s26+$0xFFFFFE30];
	[tilespmem:s24+$0xFFFFFEA0] =	vst v3  }
0x6e: {  	v3 =	vld [tilespmem:s31+$0xFFFFFEB0];
	v0 =	vmul.f32 $8.000000000e+00, v0  }
0x6f: {  	v2 =	vmul.f32 $8.000000000e+00, v2  }
0x70: {  	[tilespmem:s25+$0x30] =	vst v0  }
0x71: {  	v0 =	vld [tilespmem:s26+$0x40];
	[tilespmem:s24+$0xB0] =	vst v2  }
0x72: {  	v1 =	vmul.f32 $8.000000000e+00, v1;
	v2 =	vld [tilespmem:s31+$0xC0]  }
0x73: {  	v3 =	vmul.f32 $8.000000000e+00, v3  }
0x74: {  	[tilespmem:s25+$0xFFFFFE30] =	vst v1  }
0x75: {  	v1 =	vld [tilespmem:s26+$0xFFFFFE40];
	[tilespmem:s24+$0xFFFFFEB0] =	vst v3  }
0x76: {  	v3 =	vld [tilespmem:s31+$0xFFFFFEC0];
	v0 =	vmul.f32 $8.000000000e+00, v0  }
0x77: {  	v2 =	vmul.f32 $8.000000000e+00, v2  }
0x78: {  	[tilespmem:s25+$0x40] =	vst v0  }
0x79: {  	v0 =	vld [tilespmem:s26+$0x50];
	[tilespmem:s24+$0xC0] =	vst v2  }
0x7a: {  	v1 =	vmul.f32 $8.000000000e+00, v1;
	v2 =	vld [tilespmem:s31+$0xD0]  }
0x7b: {  	v3 =	vmul.f32 $8.000000000e+00, v3  }
0x7c: {  	[tilespmem:s25+$0xFFFFFE40] =	vst v1  }
0x7d: {  	v1 =	vld [tilespmem:s26+$0xFFFFFE50];
	[tilespmem:s24+$0xFFFFFEC0] =	vst v3  }
0x7e: {  	v3 =	vld [tilespmem:s31+$0xFFFFFED0];
	v0 =	vmul.f32 $8.000000000e+00, v0  }
0x7f: {  	v2 =	vmul.f32 $8.000000000e+00, v2  }
0x80: {  	[tilespmem:s25+$0x50] =	vst v0  }
0x81: {  	v0 =	vld [tilespmem:s26+$0x60];
	[tilespmem:s24+$0xD0] =	vst v2  }
0x82: {  	v1 =	vmul.f32 $8.000000000e+00, v1;
	v2 =	vld [tilespmem:s31+$0xE0]  }
0x83: {  	v3 =	vmul.f32 $8.000000000e+00, v3  }
0x84: {  	[tilespmem:s25+$0xFFFFFE50] =	vst v1  }
0x85: {  	v1 =	vld [tilespmem:s26+$0xFFFFFE60];
	[tilespmem:s24+$0xFFFFFED0] =	vst v3  }
0x86: {  	v3 =	vld [tilespmem:s31+$0xFFFFFEE0];
	v0 =	vmul.f32 $8.000000000e+00, v0  }
0x87: {  	v2 =	vmul.f32 $8.000000000e+00, v2  }
0x88: {  	[tilespmem:s25+$0x60] =	vst v0  }
0x89: {  	v0 =	vld [tilespmem:s26+$0x70];
	[tilespmem:s24+$0xE0] =	vst v2  }
0x8a: {  	v1 =	vmul.f32 $8.000000000e+00, v1;
	v2 =	vld [tilespmem:s31+$0xF0]  }
0x8b: {  	v3 =	vmul.f32 $8.000000000e+00, v3  }
0x8c: {  	[tilespmem:s25+$0xFFFFFE60] =	vst v1  }
0x8d: {  	v1 =	vld [tilespmem:s26+$0xFFFFFE70];
	[tilespmem:s24+$0xFFFFFEE0] =	vst v3  }
0x8e: {  	v3 =	vld [tilespmem:s31+$0xFFFFFEF0];
	v0 =	vmul.f32 $8.000000000e+00, v0  }
0x8f: {  	s28 =	simm.s32 $0x6E00;
	v2 =	vmul.f32 $8.000000000e+00, v2  }
0x90: {  	[tilespmem:s25+$0x70] =	vst v0;
	v0 =	vld [tilespmem:s28+$0x0]  }
0x91: {  	[tilespmem:s24+$0xF0] =	vst v2;
	v2 =	vld [tilespmem:s26+$0x80]  }
0x92: {  	v1 =	vmul.f32 $8.000000000e+00, v1;
	v4 =	vld [tilespmem:s31+$0x100]  }
0x93: {  	v3 =	vmul.f32 $8.000000000e+00, v3  }
0x94: {  	[tilespmem:s25+$0xFFFFFE70] =	vst v1;
	v1 =	vld [tilespmem:s28+$0xFFFFFE00]  }
0x95: {  	[tilespmem:s24+$0xFFFFFEF0] =	vst v3;
	v3 =	vld [tilespmem:s26+$0xFFFFFE80];
	v0 =	vmul.f32 $8.000000000e+00, v0  }
0x96: {  	s29 =	simm.s32 $0xEE00;
	v5 =	vld [tilespmem:s31+$0xFFFFFF00];
	v2 =	vmul.f32 $8.000000000e+00, v2  }
0x97: {  	[tilespmem:s29+$0x0] =	vst v0;
	v0 =	vmul.f32 $8.000000000e+00, v4  }
0x98: {  	v4 =	vld [tilespmem:s28+$0x10];
	[tilespmem:s25+$0x80] =	vst v2  }
0x99: {  	v1 =	vmul.f32 $8.000000000e+00, v1;
	v2 =	vld [tilespmem:s26+$0x90];
	[tilespmem:s24+$0x100] =	vst v0  }
0x9a: {  	v0 =	vmul.f32 $8.000000000e+00, v3;
	v3 =	vld [tilespmem:s31+$0x110]  }
0x9b: {  	[tilespmem:s29+$0xFFFFFE00] =	vst v1;
	v1 =	vmul.f32 $8.000000000e+00, v5  }
0x9c: {  	v5 =	vld [tilespmem:s28+$0xFFFFFE10];
	[tilespmem:s25+$0xFFFFFE80] =	vst v0  }
0x9d: {  	[tilespmem:s24+$0xFFFFFF00] =	vst v1;
	v0 =	vmul.f32 $8.000000000e+00, v4;
	v4 =	vld [tilespmem:s26+$0xFFFFFE90]  }
0x9e: {  	v1 =	vmul.f32 $8.000000000e+00, v2;
	v2 =	vld [tilespmem:s31+$0xFFFFFF10]  }
0x9f: {  	[tilespmem:s29+$0x10] =	vst v0;
	v0 =	vmul.f32 $8.000000000e+00, v3  }
0xa0: {  	v3 =	vld [tilespmem:s28+$0x20];
	[tilespmem:s25+$0x90] =	vst v1  }
0xa1: {  	v1 =	vmul.f32 $8.000000000e+00, v5;
	v5 =	vld [tilespmem:s26+$0xA0];
	[tilespmem:s24+$0x110] =	vst v0  }
0xa2: {  	v0 =	vmul.f32 $8.000000000e+00, v4;
	v4 =	vld [tilespmem:s31+$0x120]  }
0xa3: {  	[tilespmem:s29+$0xFFFFFE10] =	vst v1;
	v1 =	vmul.f32 $8.000000000e+00, v2  }
0xa4: {  	v2 =	vld [tilespmem:s28+$0xFFFFFE20];
	[tilespmem:s25+$0xFFFFFE90] =	vst v0  }
0xa5: {  	v0 =	vmul.f32 $8.000000000e+00, v3;
	v3 =	vld [tilespmem:s26+$0xFFFFFEA0];
	[tilespmem:s24+$0xFFFFFF10] =	vst v1  }
0xa6: {  	v1 =	vmul.f32 $8.000000000e+00, v5;
	v5 =	vld [tilespmem:s31+$0xFFFFFF20]  }
0xa7: {  	[tilespmem:s29+$0x20] =	vst v0;
	v0 =	vmul.f32 $8.000000000e+00, v4  }
0xa8: {  	v4 =	vld [tilespmem:s28+$0x30];
	[tilespmem:s25+$0xA0] =	vst v1  }
0xa9: {  	v1 =	vmul.f32 $8.000000000e+00, v2;
	v2 =	vld [tilespmem:s26+$0xB0];
	[tilespmem:s24+$0x120] =	vst v0  }
0xaa: {  	v0 =	vmul.f32 $8.000000000e+00, v3;
	v3 =	vld [tilespmem:s31+$0x130]  }
0xab: {  	[tilespmem:s29+$0xFFFFFE20] =	vst v1;
	v1 =	vmul.f32 $8.000000000e+00, v5  }
0xac: {  	v5 =	vld [tilespmem:s28+$0xFFFFFE30];
	[tilespmem:s25+$0xFFFFFEA0] =	vst v0  }
0xad: {  	v0 =	vmul.f32 $8.000000000e+00, v4;
	v4 =	vld [tilespmem:s26+$0xFFFFFEB0];
	[tilespmem:s24+$0xFFFFFF20] =	vst v1  }
0xae: {  	v1 =	vmul.f32 $8.000000000e+00, v2;
	v2 =	vld [tilespmem:s31+$0xFFFFFF30]  }
0xaf: {  	[tilespmem:s29+$0x30] =	vst v0;
	v0 =	vmul.f32 $8.000000000e+00, v3  }
0xb0: {  	v3 =	vld [tilespmem:s28+$0x40];
	[tilespmem:s25+$0xB0] =	vst v1  }
0xb1: {  	v1 =	vmul.f32 $8.000000000e+00, v5;
	v5 =	vld [tilespmem:s26+$0xC0];
	[tilespmem:s24+$0x130] =	vst v0  }
0xb2: {  	v0 =	vmul.f32 $8.000000000e+00, v4;
	v4 =	vld [tilespmem:s31+$0x140]  }
0xb3: {  	[tilespmem:s29+$0xFFFFFE30] =	vst v1;
	v1 =	vmul.f32 $8.000000000e+00, v2  }
0xb4: {  	v2 =	vld [tilespmem:s28+$0xFFFFFE40];
	[tilespmem:s25+$0xFFFFFEB0] =	vst v0  }
0xb5: {  	v0 =	vmul.f32 $8.000000000e+00, v3;
	v3 =	vld [tilespmem:s26+$0xFFFFFEC0];
	[tilespmem:s24+$0xFFFFFF30] =	vst v1  }
0xb6: {  	v1 =	vmul.f32 $8.000000000e+00, v5;
	v5 =	vld [tilespmem:s31+$0xFFFFFF40]  }
0xb7: {  	[tilespmem:s29+$0x40] =	vst v0;
	v0 =	vmul.f32 $8.000000000e+00, v4  }
0xb8: {  	v4 =	vld [tilespmem:s28+$0x50];
	[tilespmem:s25+$0xC0] =	vst v1  }
0xb9: {  	v1 =	vmul.f32 $8.000000000e+00, v2;
	v2 =	vld [tilespmem:s26+$0xD0];
	[tilespmem:s24+$0x140] =	vst v0  }
0xba: {  	v0 =	vmul.f32 $8.000000000e+00, v3;
	v3 =	vld [tilespmem:s31+$0x150]  }
0xbb: {  	[tilespmem:s29+$0xFFFFFE40] =	vst v1;
	v1 =	vmul.f32 $8.000000000e+00, v5  }
0xbc: {  	v5 =	vld [tilespmem:s28+$0xFFFFFE50];
	[tilespmem:s25+$0xFFFFFEC0] =	vst v0  }
0xbd: {  	v0 =	vmul.f32 $8.000000000e+00, v4;
	v4 =	vld [tilespmem:s26+$0xFFFFFED0];
	[tilespmem:s24+$0xFFFFFF40] =	vst v1  }
0xbe: {  	v1 =	vmul.f32 $8.000000000e+00, v2;
	v2 =	vld [tilespmem:s31+$0xFFFFFF50]  }
0xbf: {  	[tilespmem:s29+$0x50] =	vst v0;
	v0 =	vmul.f32 $8.000000000e+00, v3  }
0xc0: {  	v3 =	vld [tilespmem:s28+$0x60];
	[tilespmem:s25+$0xD0] =	vst v1  }
0xc1: {  	v1 =	vmul.f32 $8.000000000e+00, v5;
	v5 =	vld [tilespmem:s26+$0xE0];
	[tilespmem:s24+$0x150] =	vst v0  }
0xc2: {  	v0 =	vmul.f32 $8.000000000e+00, v4;
	v4 =	vld [tilespmem:s31+$0x160]  }
0xc3: {  	[tilespmem:s29+$0xFFFFFE50] =	vst v1;
	v1 =	vmul.f32 $8.000000000e+00, v2  }
0xc4: {  	v2 =	vld [tilespmem:s28+$0xFFFFFE60];
	[tilespmem:s25+$0xFFFFFED0] =	vst v0  }
0xc5: {  	v0 =	vmul.f32 $8.000000000e+00, v3;
	v3 =	vld [tilespmem:s26+$0xFFFFFEE0];
	[tilespmem:s24+$0xFFFFFF50] =	vst v1  }
0xc6: {  	v1 =	vmul.f32 $8.000000000e+00, v5;
	v5 =	vld [tilespmem:s31+$0xFFFFFF60]  }
0xc7: {  	[tilespmem:s29+$0x60] =	vst v0;
	v0 =	vmul.f32 $8.000000000e+00, v4  }
0xc8: {  	v4 =	vld [tilespmem:s28+$0x70];
	[tilespmem:s25+$0xE0] =	vst v1  }
0xc9: {  	v1 =	vmul.f32 $8.000000000e+00, v2;
	v2 =	vld [tilespmem:s26+$0xF0];
	[tilespmem:s24+$0x160] =	vst v0  }
0xca: {  	v0 =	vmul.f32 $8.000000000e+00, v3;
	v3 =	vld [tilespmem:s31+$0x170]  }
0xcb: {  	[tilespmem:s29+$0xFFFFFE60] =	vst v1;
	v1 =	vmul.f32 $8.000000000e+00, v5  }
0xcc: {  	v5 =	vld [tilespmem:s28+$0xFFFFFE70];
	[tilespmem:s25+$0xFFFFFEE0] =	vst v0  }
0xcd: {  	v0 =	vmul.f32 $8.000000000e+00, v4;
	v4 =	vld [tilespmem:s26+$0xFFFFFEF0];
	[tilespmem:s24+$0xFFFFFF60] =	vst v1  }
0xce: {  	s30 =	simm.s32 $0x7200;
	v1 =	vmul.f32 $8.000000000e+00, v2;
	v2 =	vld [tilespmem:s31+$0xFFFFFF70]  }
0xcf: {  	[tilespmem:s29+$0x70] =	vst v0;
	v0 =	vmul.f32 $8.000000000e+00, v3;
	v3 =	vld [tilespmem:s30+$0x0]  }
0xd0: {  	[tilespmem:s25+$0xF0] =	vst v1;
	v1 =	vld [tilespmem:s28+$0x80]  }
0xd1: {  	v5 =	vmul.f32 $8.000000000e+00, v5;
	[tilespmem:s24+$0x170] =	vst v0;
	v0 =	vld [tilespmem:s26+$0x100]  }
0xd2: {  	v4 =	vmul.f32 $8.000000000e+00, v4;
	v6 =	vld [tilespmem:s31+$0x180]  }
0xd3: {  	[tilespmem:s29+$0xFFFFFE70] =	vst v5;
	v5 =	vld [tilespmem:s30+$0xFFFFFE00];
	v2 =	vmul.f32 $8.000000000e+00, v2  }
0xd4: {  	[tilespmem:s25+$0xFFFFFEF0] =	vst v4;
	v3 =	vmul.f32 $8.000000000e+00, v3;
	v4 =	vld [tilespmem:s28+$0xFFFFFE80]  }
0xd5: {  	s1 =	simm.s32 $0xF200;
	[tilespmem:s24+$0xFFFFFF70] =	vst v2;
	v1 =	vmul.f32 $8.000000000e+00, v1;
	v2 =	vld [tilespmem:s26+$0xFFFFFF00]  }
0xd6: {  	[tilespmem:s1+$0x0] =	vst v3;
	v0 =	vmul.f32 $8.000000000e+00, v0;
	v3 =	vld [tilespmem:s31+$0xFFFFFF80]  }
0xd7: {  	v7 =	vld [tilespmem:s30+$0x10];
	[tilespmem:s29+$0x80] =	vst v1;
	v1 =	vmul.f32 $8.000000000e+00, v6  }
0xd8: {  	v5 =	vmul.f32 $8.000000000e+00, v5;
	v6 =	vld [tilespmem:s28+$0x90];
	[tilespmem:s25+$0x100] =	vst v0  }
0xd9: {  	v0 =	vmul.f32 $8.000000000e+00, v4;
	v4 =	vld [tilespmem:s26+$0x110];
	[tilespmem:s24+$0x180] =	vst v1  }
0xda: {  	[tilespmem:s1+$0xFFFFFE00] =	vst v5;
	v1 =	vmul.f32 $8.000000000e+00, v2;
	v2 =	vld [tilespmem:s31+$0x190]  }
0xdb: {  	v5 =	vld [tilespmem:s30+$0xFFFFFE10];
	[tilespmem:s29+$0xFFFFFE80] =	vst v0;
	v0 =	vmul.f32 $8.000000000e+00, v3  }
0xdc: {  	v3 =	vmul.f32 $8.000000000e+00, v7;
	v7 =	vld [tilespmem:s28+$0xFFFFFE90];
	[tilespmem:s25+$0xFFFFFF00] =	vst v1  }
0xdd: {  	v1 =	vmul.f32 $8.000000000e+00, v6;
	v6 =	vld [tilespmem:s26+$0xFFFFFF10];
	[tilespmem:s24+$0xFFFFFF80] =	vst v0  }
0xde: {  	[tilespmem:s1+$0x10] =	vst v3;
	v0 =	vmul.f32 $8.000000000e+00, v4;
	v3 =	vld [tilespmem:s31+$0xFFFFFF90]  }
0xdf: {  	v4 =	vld [tilespmem:s30+$0x20];
	[tilespmem:s29+$0x90] =	vst v1;
	v1 =	vmul.f32 $8.000000000e+00, v2  }
0xe0: {  	v2 =	vmul.f32 $8.000000000e+00, v5;
	v5 =	vld [tilespmem:s28+$0xA0];
	[tilespmem:s25+$0x110] =	vst v0  }
0xe1: {  	v0 =	vmul.f32 $8.000000000e+00, v7;
	v7 =	vld [tilespmem:s26+$0x120];
	[tilespmem:s24+$0x190] =	vst v1  }
0xe2: {  	[tilespmem:s1+$0xFFFFFE10] =	vst v2;
	v1 =	vmul.f32 $8.000000000e+00, v6;
	v2 =	vld [tilespmem:s31+$0x1A0]  }
0xe3: {  	v6 =	vld [tilespmem:s30+$0xFFFFFE20];
	[tilespmem:s29+$0xFFFFFE90] =	vst v0;
	v0 =	vmul.f32 $8.000000000e+00, v3  }
0xe4: {  	v3 =	vmul.f32 $8.000000000e+00, v4;
	v4 =	vld [tilespmem:s28+$0xFFFFFEA0];
	[tilespmem:s25+$0xFFFFFF10] =	vst v1  }
0xe5: {  	v1 =	vmul.f32 $8.000000000e+00, v5;
	v5 =	vld [tilespmem:s26+$0xFFFFFF20];
	[tilespmem:s24+$0xFFFFFF90] =	vst v0  }
0xe6: {  	[tilespmem:s1+$0x20] =	vst v3;
	v0 =	vmul.f32 $8.000000000e+00, v7;
	v3 =	vld [tilespmem:s31+$0xFFFFFFA0]  }
0xe7: {  	v7 =	vld [tilespmem:s30+$0x30];
	[tilespmem:s29+$0xA0] =	vst v1;
	v1 =	vmul.f32 $8.000000000e+00, v2  }
0xe8: {  	v2 =	vmul.f32 $8.000000000e+00, v6;
	v6 =	vld [tilespmem:s28+$0xB0];
	[tilespmem:s25+$0x120] =	vst v0  }
0xe9: {  	v0 =	vmul.f32 $8.000000000e+00, v4;
	v4 =	vld [tilespmem:s26+$0x130];
	[tilespmem:s24+$0x1A0] =	vst v1  }
0xea: {  	[tilespmem:s1+$0xFFFFFE20] =	vst v2;
	v1 =	vmul.f32 $8.000000000e+00, v5;
	v2 =	vld [tilespmem:s31+$0x1B0]  }
0xeb: {  	v5 =	vld [tilespmem:s30+$0xFFFFFE30];
	[tilespmem:s29+$0xFFFFFEA0] =	vst v0;
	v0 =	vmul.f32 $8.000000000e+00, v3  }
0xec: {  	v3 =	vmul.f32 $8.000000000e+00, v7;
	v7 =	vld [tilespmem:s28+$0xFFFFFEB0];
	[tilespmem:s25+$0xFFFFFF20] =	vst v1  }
0xed: {  	v1 =	vmul.f32 $8.000000000e+00, v6;
	v6 =	vld [tilespmem:s26+$0xFFFFFF30];
	[tilespmem:s24+$0xFFFFFFA0] =	vst v0  }
0xee: {  	[tilespmem:s1+$0x30] =	vst v3;
	v0 =	vmul.f32 $8.000000000e+00, v4;
	v3 =	vld [tilespmem:s31+$0xFFFFFFB0]  }
0xef: {  	v4 =	vld [tilespmem:s30+$0x40];
	[tilespmem:s29+$0xB0] =	vst v1;
	v1 =	vmul.f32 $8.000000000e+00, v2  }
0xf0: {  	v2 =	vmul.f32 $8.000000000e+00, v5;
	v5 =	vld [tilespmem:s28+$0xC0];
	[tilespmem:s25+$0x130] =	vst v0  }
0xf1: {  	v0 =	vmul.f32 $8.000000000e+00, v7;
	v7 =	vld [tilespmem:s26+$0x140];
	[tilespmem:s24+$0x1B0] =	vst v1  }
0xf2: {  	[tilespmem:s1+$0xFFFFFE30] =	vst v2;
	v1 =	vmul.f32 $8.000000000e+00, v6;
	v2 =	vld [tilespmem:s31+$0x1C0]  }
0xf3: {  	v6 =	vld [tilespmem:s30+$0xFFFFFE40];
	[tilespmem:s29+$0xFFFFFEB0] =	vst v0;
	v0 =	vmul.f32 $8.000000000e+00, v3  }
0xf4: {  	v3 =	vmul.f32 $8.000000000e+00, v4;
	v4 =	vld [tilespmem:s28+$0xFFFFFEC0];
	[tilespmem:s25+$0xFFFFFF30] =	vst v1  }
0xf5: {  	v1 =	vmul.f32 $8.000000000e+00, v5;
	v5 =	vld [tilespmem:s26+$0xFFFFFF40];
	[tilespmem:s24+$0xFFFFFFB0] =	vst v0  }
0xf6: {  	[tilespmem:s1+$0x40] =	vst v3;
	v0 =	vmul.f32 $8.000000000e+00, v7;
	v3 =	vld [tilespmem:s31+$0xFFFFFFC0]  }
0xf7: {  	v7 =	vld [tilespmem:s30+$0x50];
	[tilespmem:s29+$0xC0] =	vst v1;
	v1 =	vmul.f32 $8.000000000e+00, v2  }
0xf8: {  	v2 =	vmul.f32 $8.000000000e+00, v6;
	v6 =	vld [tilespmem:s28+$0xD0];
	[tilespmem:s25+$0x140] =	vst v0  }
0xf9: {  	v0 =	vmul.f32 $8.000000000e+00, v4;
	v4 =	vld [tilespmem:s26+$0x150];
	[tilespmem:s24+$0x1C0] =	vst v1  }
0xfa: {  	[tilespmem:s1+$0xFFFFFE40] =	vst v2;
	v1 =	vmul.f32 $8.000000000e+00, v5;
	v2 =	vld [tilespmem:s31+$0x1D0]  }
0xfb: {  	v5 =	vld [tilespmem:s30+$0xFFFFFE50];
	[tilespmem:s29+$0xFFFFFEC0] =	vst v0;
	v0 =	vmul.f32 $8.000000000e+00, v3  }
0xfc: {  	v3 =	vmul.f32 $8.000000000e+00, v7;
	v7 =	vld [tilespmem:s28+$0xFFFFFED0];
	[tilespmem:s25+$0xFFFFFF40] =	vst v1  }
0xfd: {  	v1 =	vmul.f32 $8.000000000e+00, v6;
	v6 =	vld [tilespmem:s26+$0xFFFFFF50];
	[tilespmem:s24+$0xFFFFFFC0] =	vst v0  }
0xfe: {  	[tilespmem:s1+$0x50] =	vst v3;
	v0 =	vmul.f32 $8.000000000e+00, v4;
	v3 =	vld [tilespmem:s31+$0xFFFFFFD0]  }
0xff: {  	v4 =	vld [tilespmem:s30+$0x60];
	[tilespmem:s29+$0xD0] =	vst v1;
	v1 =	vmul.f32 $8.000000000e+00, v2  }
0x100: {  	v2 =	vmul.f32 $8.000000000e+00, v5;
	v5 =	vld [tilespmem:s28+$0xE0];
	[tilespmem:s25+$0x150] =	vst v0  }
0x101: {  	v0 =	vmul.f32 $8.000000000e+00, v7;
	v7 =	vld [tilespmem:s26+$0x160];
	[tilespmem:s24+$0x1D0] =	vst v1  }
0x102: {  	[tilespmem:s1+$0xFFFFFE50] =	vst v2;
	v1 =	vmul.f32 $8.000000000e+00, v6;
	v2 =	vld [tilespmem:s31+$0x1E0]  }
0x103: {  	v6 =	vld [tilespmem:s30+$0xFFFFFE60];
	[tilespmem:s29+$0xFFFFFED0] =	vst v0;
	v0 =	vmul.f32 $8.000000000e+00, v3  }
0x104: {  	v3 =	vmul.f32 $8.000000000e+00, v4;
	v4 =	vld [tilespmem:s28+$0xFFFFFEE0];
	[tilespmem:s25+$0xFFFFFF50] =	vst v1  }
0x105: {  	v1 =	vmul.f32 $8.000000000e+00, v5;
	v5 =	vld [tilespmem:s26+$0xFFFFFF60];
	[tilespmem:s24+$0xFFFFFFD0] =	vst v0  }
0x106: {  	[tilespmem:s1+$0x60] =	vst v3;
	v0 =	vmul.f32 $8.000000000e+00, v7;
	v3 =	vld [tilespmem:s31+$0xFFFFFFE0]  }
0x107: {  	v7 =	vld [tilespmem:s30+$0x70];
	[tilespmem:s29+$0xE0] =	vst v1;
	v1 =	vmul.f32 $8.000000000e+00, v2  }
0x108: {  	v2 =	vmul.f32 $8.000000000e+00, v6;
	v8 =	vld [tilespmem:s28+$0xF0];
	[tilespmem:s25+$0x160] =	vst v0  }
0x109: {  	v4 =	vmul.f32 $8.000000000e+00, v4;
	v9 =	vld [tilespmem:s26+$0x170];
	[tilespmem:s24+$0x1E0] =	vst v1  }
0x10a: {  	[tilespmem:s1+$0xFFFFFE60] =	vst v2;
	v1 =	vmul.f32 $8.000000000e+00, v5;
	v0 =	vld [tilespmem:s31+$0x1F0]  }
0x10b: {  	v6 =	vld [tilespmem:s30+$0xFFFFFE70];
	[tilespmem:s29+$0xFFFFFEE0] =	vst v4;
	v3 =	vmul.f32 $8.000000000e+00, v3  }
0x10c: {  	v7 =	vmul.f32 $8.000000000e+00, v7;
	v4 =	vld [tilespmem:s28+$0xFFFFFEF0];
	[tilespmem:s25+$0xFFFFFF60] =	vst v1  }
0x10d: {  	s23 =	sshll.u32 s22, $0xB;
	v2 =	vld [tilespmem:s26+$0xFFFFFF70];
	[tilespmem:s24+$0xFFFFFFE0] =	vst v3;
	v5 =	vmul.f32 $8.000000000e+00, v8  }
0x10e: {  	s2 =	simm.s32 $0x7600;
	s0 =	simm.s32 $0x30;
	[tilespmem:s1+$0x70] =	vst v7;
	v3 =	vmul.f32 $8.000000000e+00, v9;
	v1 =	vld [tilespmem:s31+$0xFFFFFFF0];
	s31 =	simm.s32 $0xF200  }
.LBB2_3:
0x10f: {  	v7 =	vld [tilespmem:s2+$0x0];
	[tilespmem:s29+$0xF0] =	vst v5;
	v0 =	vmul.f32 $8.000000000e+00, v0;
	s5 =	smov.u32 s30;
	s30 =	smov.u32 s2  }
0x110: {  	v5 =	vmul.f32 $8.000000000e+00, v6;
	v6 =	vld [tilespmem:s5+$0x80];
	[tilespmem:s25+$0x170] =	vst v3  }
0x111: {  	v3 =	vmul.f32 $8.000000000e+00, v4;
	v4 =	vld [tilespmem:s28+$0x100];
	[tilespmem:s24+$0x1F0] =	vst v0  }
0x112: {  	s0 =	sadd.s32 $0x10, s0;
	[tilespmem:s1+$0xFFFFFE70] =	vst v5;
	v0 =	vmul.f32 $8.000000000e+00, v2;
	v2 =	vld [tilespmem:s26+$0x180]  }
0x113: {  	p1 =	slt.u32 s0, $0xF0;
	v5 =	vld [tilespmem:s2+$0xFFFFFE00];
	[tilespmem:s29+$0xFFFFFEF0] =	vst v3;
	v1 =	vmul.f32 $8.000000000e+00, v1  }
0x114: {  	v3 =	vmul.f32 $8.000000000e+00, v7;
	v7 =	vld [tilespmem:s5+$0xFFFFFE80];
	[tilespmem:s25+$0xFFFFFF70] =	vst v0  }
0x115: {  	s1 =	sadd.s32 $0x400, s1;
	v0 =	vmul.f32 $8.000000000e+00, v6;
	v6 =	vld [tilespmem:s28+$0xFFFFFF00];
	[tilespmem:s24+$0xFFFFFFF0] =	vst v1;
	s24 =	smov.u32 s25;
	s25 =	smov.u32 s29  }
0x116: {  	s29 =	smov.u32 s31;
	s31 =	smov.u32 s1;
	[tilespmem:s1+$0x0] =	vst v3;
	v1 =	vmul.f32 $8.000000000e+00, v4;
	v3 =	vld [tilespmem:s26+$0xFFFFFF80]  }
0x117: {  	v4 =	vld [tilespmem:s2+$0x10];
	[tilespmem:s29+$0x80] =	vst v0;
	v0 =	vmul.f32 $8.000000000e+00, v2  }
0x118: {  	v2 =	vmul.f32 $8.000000000e+00, v5;
	v5 =	vld [tilespmem:s5+$0x90];
	[tilespmem:s25+$0x100] =	vst v1  }
0x119: {  	v1 =	vmul.f32 $8.000000000e+00, v7;
	v7 =	vld [tilespmem:s28+$0x110];
	[tilespmem:s24+$0x180] =	vst v0  }
0x11a: {  	[tilespmem:s1+$0xFFFFFE00] =	vst v2;
	v0 =	vmul.f32 $8.000000000e+00, v6;
	v2 =	vld [tilespmem:s26+$0x190]  }
0x11b: {  	v6 =	vld [tilespmem:s2+$0xFFFFFE10];
	[tilespmem:s29+$0xFFFFFE80] =	vst v1;
	v1 =	vmul.f32 $8.000000000e+00, v3  }
0x11c: {  	v3 =	vmul.f32 $8.000000000e+00, v4;
	v4 =	vld [tilespmem:s5+$0xFFFFFE90];
	[tilespmem:s25+$0xFFFFFF00] =	vst v0  }
0x11d: {  	v0 =	vmul.f32 $8.000000000e+00, v5;
	v5 =	vld [tilespmem:s28+$0xFFFFFF10];
	[tilespmem:s24+$0xFFFFFF80] =	vst v1  }
0x11e: {  	[tilespmem:s1+$0x10] =	vst v3;
	v1 =	vmul.f32 $8.000000000e+00, v7;
	v3 =	vld [tilespmem:s26+$0xFFFFFF90]  }
0x11f: {  	v7 =	vld [tilespmem:s2+$0x20];
	[tilespmem:s29+$0x90] =	vst v0;
	v0 =	vmul.f32 $8.000000000e+00, v2  }
0x120: {  	v2 =	vmul.f32 $8.000000000e+00, v6;
	v6 =	vld [tilespmem:s5+$0xA0];
	[tilespmem:s25+$0x110] =	vst v1  }
0x121: {  	v1 =	vmul.f32 $8.000000000e+00, v4;
	v4 =	vld [tilespmem:s28+$0x120];
	[tilespmem:s24+$0x190] =	vst v0  }
0x122: {  	[tilespmem:s1+$0xFFFFFE10] =	vst v2;
	v0 =	vmul.f32 $8.000000000e+00, v5;
	v2 =	vld [tilespmem:s26+$0x1A0]  }
0x123: {  	v5 =	vld [tilespmem:s2+$0xFFFFFE20];
	[tilespmem:s29+$0xFFFFFE90] =	vst v1;
	v1 =	vmul.f32 $8.000000000e+00, v3  }
0x124: {  	v3 =	vmul.f32 $8.000000000e+00, v7;
	v7 =	vld [tilespmem:s5+$0xFFFFFEA0];
	[tilespmem:s25+$0xFFFFFF10] =	vst v0  }
0x125: {  	v0 =	vmul.f32 $8.000000000e+00, v6;
	v6 =	vld [tilespmem:s28+$0xFFFFFF20];
	[tilespmem:s24+$0xFFFFFF90] =	vst v1  }
0x126: {  	[tilespmem:s1+$0x20] =	vst v3;
	v1 =	vmul.f32 $8.000000000e+00, v4;
	v3 =	vld [tilespmem:s26+$0xFFFFFFA0]  }
0x127: {  	v4 =	vld [tilespmem:s2+$0x30];
	[tilespmem:s29+$0xA0] =	vst v0;
	v0 =	vmul.f32 $8.000000000e+00, v2  }
0x128: {  	v2 =	vmul.f32 $8.000000000e+00, v5;
	v5 =	vld [tilespmem:s5+$0xB0];
	[tilespmem:s25+$0x120] =	vst v1  }
0x129: {  	v1 =	vmul.f32 $8.000000000e+00, v7;
	v7 =	vld [tilespmem:s28+$0x130];
	[tilespmem:s24+$0x1A0] =	vst v0  }
0x12a: {  	[tilespmem:s1+$0xFFFFFE20] =	vst v2;
	v0 =	vmul.f32 $8.000000000e+00, v6;
	v2 =	vld [tilespmem:s26+$0x1B0]  }
0x12b: {  	v6 =	vld [tilespmem:s2+$0xFFFFFE30];
	[tilespmem:s29+$0xFFFFFEA0] =	vst v1;
	v1 =	vmul.f32 $8.000000000e+00, v3  }
0x12c: {  	v3 =	vmul.f32 $8.000000000e+00, v4;
	v4 =	vld [tilespmem:s5+$0xFFFFFEB0];
	[tilespmem:s25+$0xFFFFFF20] =	vst v0  }
0x12d: {  	v0 =	vmul.f32 $8.000000000e+00, v5;
	v5 =	vld [tilespmem:s28+$0xFFFFFF30];
	[tilespmem:s24+$0xFFFFFFA0] =	vst v1  }
0x12e: {  	[tilespmem:s1+$0x30] =	vst v3;
	v1 =	vmul.f32 $8.000000000e+00, v7;
	v3 =	vld [tilespmem:s26+$0xFFFFFFB0]  }
0x12f: {  	v7 =	vld [tilespmem:s2+$0x40];
	[tilespmem:s29+$0xB0] =	vst v0;
	v0 =	vmul.f32 $8.000000000e+00, v2  }
0x130: {  	v2 =	vmul.f32 $8.000000000e+00, v6;
	v6 =	vld [tilespmem:s5+$0xC0];
	[tilespmem:s25+$0x130] =	vst v1  }
0x131: {  	v1 =	vmul.f32 $8.000000000e+00, v4;
	v4 =	vld [tilespmem:s28+$0x140];
	[tilespmem:s24+$0x1B0] =	vst v0  }
0x132: {  	[tilespmem:s1+$0xFFFFFE30] =	vst v2;
	v0 =	vmul.f32 $8.000000000e+00, v5;
	v2 =	vld [tilespmem:s26+$0x1C0]  }
0x133: {  	v5 =	vld [tilespmem:s2+$0xFFFFFE40];
	[tilespmem:s29+$0xFFFFFEB0] =	vst v1;
	v1 =	vmul.f32 $8.000000000e+00, v3  }
0x134: {  	v3 =	vmul.f32 $8.000000000e+00, v7;
	v7 =	vld [tilespmem:s5+$0xFFFFFEC0];
	[tilespmem:s25+$0xFFFFFF30] =	vst v0  }
0x135: {  	v0 =	vmul.f32 $8.000000000e+00, v6;
	v6 =	vld [tilespmem:s28+$0xFFFFFF40];
	[tilespmem:s24+$0xFFFFFFB0] =	vst v1  }
0x136: {  	[tilespmem:s1+$0x40] =	vst v3;
	v1 =	vmul.f32 $8.000000000e+00, v4;
	v3 =	vld [tilespmem:s26+$0xFFFFFFC0]  }
0x137: {  	v4 =	vld [tilespmem:s2+$0x50];
	[tilespmem:s29+$0xC0] =	vst v0;
	v0 =	vmul.f32 $8.000000000e+00, v2  }
0x138: {  	v2 =	vmul.f32 $8.000000000e+00, v5;
	v5 =	vld [tilespmem:s5+$0xD0];
	[tilespmem:s25+$0x140] =	vst v1  }
0x139: {  	v1 =	vmul.f32 $8.000000000e+00, v7;
	v7 =	vld [tilespmem:s28+$0x150];
	[tilespmem:s24+$0x1C0] =	vst v0  }
0x13a: {  	[tilespmem:s1+$0xFFFFFE40] =	vst v2;
	v0 =	vmul.f32 $8.000000000e+00, v6;
	v2 =	vld [tilespmem:s26+$0x1D0]  }
0x13b: {  	v6 =	vld [tilespmem:s2+$0xFFFFFE50];
	[tilespmem:s29+$0xFFFFFEC0] =	vst v1;
	v1 =	vmul.f32 $8.000000000e+00, v3  }
0x13c: {  	v3 =	vmul.f32 $8.000000000e+00, v4;
	v4 =	vld [tilespmem:s5+$0xFFFFFED0];
	[tilespmem:s25+$0xFFFFFF40] =	vst v0  }
0x13d: {  	v0 =	vmul.f32 $8.000000000e+00, v5;
	v5 =	vld [tilespmem:s28+$0xFFFFFF50];
	[tilespmem:s24+$0xFFFFFFC0] =	vst v1  }
0x13e: {  	[tilespmem:s1+$0x50] =	vst v3;
	v1 =	vmul.f32 $8.000000000e+00, v7;
	v3 =	vld [tilespmem:s26+$0xFFFFFFD0]  }
0x13f: {  	v7 =	vld [tilespmem:s2+$0x60];
	[tilespmem:s29+$0xD0] =	vst v0;
	v0 =	vmul.f32 $8.000000000e+00, v2  }
0x140: {  	v2 =	vmul.f32 $8.000000000e+00, v6;
	v6 =	vld [tilespmem:s5+$0xE0];
	[tilespmem:s25+$0x150] =	vst v1  }
0x141: {  	v1 =	vmul.f32 $8.000000000e+00, v4;
	v4 =	vld [tilespmem:s28+$0x160];
	[tilespmem:s24+$0x1D0] =	vst v0  }
0x142: {  	[tilespmem:s1+$0xFFFFFE50] =	vst v2;
	v0 =	vmul.f32 $8.000000000e+00, v5;
	v2 =	vld [tilespmem:s26+$0x1E0]  }
0x143: {  	v5 =	vld [tilespmem:s2+$0xFFFFFE60];
	[tilespmem:s29+$0xFFFFFED0] =	vst v1;
	v1 =	vmul.f32 $8.000000000e+00, v3  }
0x144: {  	v3 =	vmul.f32 $8.000000000e+00, v7;
	v7 =	vld [tilespmem:s5+$0xFFFFFEE0];
	[tilespmem:s25+$0xFFFFFF50] =	vst v0  }
0x145: {  	v0 =	vmul.f32 $8.000000000e+00, v6;
	v6 =	vld [tilespmem:s28+$0xFFFFFF60];
	[tilespmem:s24+$0xFFFFFFD0] =	vst v1  }
0x146: {  	[tilespmem:s1+$0x60] =	vst v3;
	v1 =	vmul.f32 $8.000000000e+00, v4;
	v3 =	vld [tilespmem:s26+$0xFFFFFFE0]  }
0x147: {  	v4 =	vld [tilespmem:s2+$0x70];
	[tilespmem:s29+$0xE0] =	vst v0;
	v0 =	vmul.f32 $8.000000000e+00, v2  }
0x148: {  	v2 =	vmul.f32 $8.000000000e+00, v5;
	v5 =	vld [tilespmem:s5+$0xF0];
	[tilespmem:s25+$0x160] =	vst v1  }
0x149: {  	v1 =	vmul.f32 $8.000000000e+00, v7;
	v7 =	vld [tilespmem:s28+$0x170];
	[tilespmem:s24+$0x1E0] =	vst v0  }
.Ltmp2:
0x14a: {  	[tilespmem:s1+$0xFFFFFE60] =	vst v2;
	v2 =	vmul.f32 $8.000000000e+00, v6;
	v0 =	vld [tilespmem:s26+$0x1F0];
	(pc) =	sbr.rel @p1 .LBB2_3-.Ltmp2, $4  }
0x14b: {  	v6 =	vld [tilespmem:s2+$0xFFFFFE70];
	[tilespmem:s29+$0xFFFFFEE0] =	vst v1;
	v1 =	vmul.f32 $8.000000000e+00, v3  }
0x14c: {  	v3 =	vmul.f32 $8.000000000e+00, v4;
	v4 =	vld [tilespmem:s5+$0xFFFFFEF0];
	[tilespmem:s25+$0xFFFFFF60] =	vst v2  }
0x14d: {  	v5 =	vmul.f32 $8.000000000e+00, v5;
	v2 =	vld [tilespmem:s28+$0xFFFFFF70];
	[tilespmem:s24+$0xFFFFFFE0] =	vst v1  }
0x14e: {  	s2 =	sadd.s32 $0x400, s2;
	[tilespmem:s1+$0x70] =	vst v3;
	v3 =	vmul.f32 $8.000000000e+00, v7;
	v1 =	vld [tilespmem:s26+$0xFFFFFFF0];
	s26 =	smov.u32 s28;
	s28 =	smov.u32 s5  }
0x14f: {  	_ = 	snop  }
0x150: {  	v6 =	vmul.f32 $8.000000000e+00, v6;
	_ =	sdelay $0x1  }
0x151: {  	v7 =	vld [tilespmem:s30+$0x80];
	[tilespmem:s1+$0xFFFFFE70] =	vst v6  }
0x152: {  	v6 =	vld [tilespmem:s30+$0xFFFFFE80];
	_ =	sdelay $0x3  }
0x153: {  	v7 =	vmul.f32 $8.000000000e+00, v7  }
0x154: {  	v6 =	vmul.f32 $8.000000000e+00, v6  }
0x155: {  	[tilespmem:s31+$0x80] =	vst v7  }
0x156: {  	v7 =	vld [tilespmem:s30+$0x90];
	[tilespmem:s31+$0xFFFFFE80] =	vst v6  }
0x157: {  	v6 =	vld [tilespmem:s30+$0xFFFFFE90];
	_ =	sdelay $0x3  }
0x158: {  	v7 =	vmul.f32 $8.000000000e+00, v7  }
0x159: {  	v6 =	vmul.f32 $8.000000000e+00, v6  }
0x15a: {  	[tilespmem:s31+$0x90] =	vst v7  }
0x15b: {  	v7 =	vld [tilespmem:s30+$0xA0];
	[tilespmem:s31+$0xFFFFFE90] =	vst v6  }
0x15c: {  	v6 =	vld [tilespmem:s30+$0xFFFFFEA0];
	_ =	sdelay $0x3  }
0x15d: {  	v7 =	vmul.f32 $8.000000000e+00, v7  }
0x15e: {  	v6 =	vmul.f32 $8.000000000e+00, v6  }
0x15f: {  	[tilespmem:s31+$0xA0] =	vst v7  }
0x160: {  	v7 =	vld [tilespmem:s30+$0xB0];
	[tilespmem:s31+$0xFFFFFEA0] =	vst v6  }
0x161: {  	v6 =	vld [tilespmem:s30+$0xFFFFFEB0];
	_ =	sdelay $0x3  }
0x162: {  	v7 =	vmul.f32 $8.000000000e+00, v7  }
0x163: {  	v6 =	vmul.f32 $8.000000000e+00, v6  }
0x164: {  	[tilespmem:s31+$0xB0] =	vst v7  }
0x165: {  	v7 =	vld [tilespmem:s30+$0xC0];
	[tilespmem:s31+$0xFFFFFEB0] =	vst v6  }
0x166: {  	v6 =	vld [tilespmem:s30+$0xFFFFFEC0];
	_ =	sdelay $0x3  }
0x167: {  	v7 =	vmul.f32 $8.000000000e+00, v7  }
0x168: {  	v6 =	vmul.f32 $8.000000000e+00, v6  }
0x169: {  	[tilespmem:s31+$0xC0] =	vst v7  }
0x16a: {  	v7 =	vld [tilespmem:s30+$0xD0];
	[tilespmem:s31+$0xFFFFFEC0] =	vst v6  }
0x16b: {  	v6 =	vld [tilespmem:s30+$0xFFFFFED0];
	_ =	sdelay $0x3  }
0x16c: {  	v7 =	vmul.f32 $8.000000000e+00, v7  }
0x16d: {  	v6 =	vmul.f32 $8.000000000e+00, v6  }
0x16e: {  	[tilespmem:s31+$0xD0] =	vst v7  }
0x16f: {  	v7 =	vld [tilespmem:s30+$0xE0];
	[tilespmem:s31+$0xFFFFFED0] =	vst v6  }
0x170: {  	v6 =	vld [tilespmem:s30+$0xFFFFFEE0];
	_ =	sdelay $0x3  }
0x171: {  	v7 =	vmul.f32 $8.000000000e+00, v7  }
0x172: {  	v6 =	vmul.f32 $8.000000000e+00, v6  }
0x173: {  	[tilespmem:s31+$0xE0] =	vst v7  }
0x174: {  	v7 =	vld [tilespmem:s30+$0xF0];
	[tilespmem:s31+$0xFFFFFEE0] =	vst v6  }
0x175: {  	v6 =	vld [tilespmem:s30+$0xFFFFFEF0];
	_ =	sdelay $0x2  }
0x176: {  	v4 =	vmul.f32 $8.000000000e+00, v4  }
0x177: {  	[tilespmem:s29+$0xF0] =	vst v5;
	v29 =	vmul.f32 $8.000000000e+00, v7  }
0x178: {  	v30 =	vld [tilespmem:s28+$0x100];
	[tilespmem:s29+$0xFFFFFEF0] =	vst v4;
	v31 =	vmul.f32 $8.000000000e+00, v6  }
0x179: {  	v32 =	vld [tilespmem:s28+$0xFFFFFF00];
	[tilespmem:s31+$0xF0] =	vst v29  }
0x17a: {  	v5 =	vld [tilespmem:s30+$0x100];
	[tilespmem:s31+$0xFFFFFEF0] =	vst v31  }
0x17b: {  	v4 =	vld [tilespmem:s30+$0xFFFFFF00];
	_ =	sdelay $0x1  }
0x17c: {  	v7 =	vmul.f32 $8.000000000e+00, v30  }
0x17d: {  	v6 =	vmul.f32 $8.000000000e+00, v32  }
0x17e: {  	[tilespmem:s29+$0x100] =	vst v7;
	v5 =	vmul.f32 $8.000000000e+00, v5  }
0x17f: {  	v7 =	vld [tilespmem:s28+$0x110];
	[tilespmem:s29+$0xFFFFFF00] =	vst v6;
	v4 =	vmul.f32 $8.000000000e+00, v4  }
0x180: {  	v6 =	vld [tilespmem:s28+$0xFFFFFF10];
	[tilespmem:s31+$0x100] =	vst v5  }
0x181: {  	v5 =	vld [tilespmem:s30+$0x110];
	[tilespmem:s31+$0xFFFFFF00] =	vst v4  }
0x182: {  	v4 =	vld [tilespmem:s30+$0xFFFFFF10];
	_ =	sdelay $0x1  }
0x183: {  	v7 =	vmul.f32 $8.000000000e+00, v7  }
0x184: {  	v6 =	vmul.f32 $8.000000000e+00, v6  }
0x185: {  	[tilespmem:s29+$0x110] =	vst v7;
	v5 =	vmul.f32 $8.000000000e+00, v5  }
0x186: {  	v7 =	vld [tilespmem:s28+$0x120];
	[tilespmem:s29+$0xFFFFFF10] =	vst v6;
	v4 =	vmul.f32 $8.000000000e+00, v4  }
0x187: {  	v6 =	vld [tilespmem:s28+$0xFFFFFF20];
	[tilespmem:s31+$0x110] =	vst v5  }
0x188: {  	v5 =	vld [tilespmem:s30+$0x120];
	[tilespmem:s31+$0xFFFFFF10] =	vst v4  }
0x189: {  	v4 =	vld [tilespmem:s30+$0xFFFFFF20];
	_ =	sdelay $0x1  }
0x18a: {  	v7 =	vmul.f32 $8.000000000e+00, v7  }
0x18b: {  	v6 =	vmul.f32 $8.000000000e+00, v6  }
0x18c: {  	[tilespmem:s29+$0x120] =	vst v7;
	v5 =	vmul.f32 $8.000000000e+00, v5  }
0x18d: {  	v7 =	vld [tilespmem:s28+$0x130];
	[tilespmem:s29+$0xFFFFFF20] =	vst v6;
	v4 =	vmul.f32 $8.000000000e+00, v4  }
0x18e: {  	v6 =	vld [tilespmem:s28+$0xFFFFFF30];
	[tilespmem:s31+$0x120] =	vst v5  }
0x18f: {  	v5 =	vld [tilespmem:s30+$0x130];
	[tilespmem:s31+$0xFFFFFF20] =	vst v4  }
0x190: {  	v4 =	vld [tilespmem:s30+$0xFFFFFF30];
	_ =	sdelay $0x1  }
0x191: {  	v7 =	vmul.f32 $8.000000000e+00, v7  }
0x192: {  	v6 =	vmul.f32 $8.000000000e+00, v6  }
0x193: {  	[tilespmem:s29+$0x130] =	vst v7;
	v5 =	vmul.f32 $8.000000000e+00, v5  }
0x194: {  	v7 =	vld [tilespmem:s28+$0x140];
	[tilespmem:s29+$0xFFFFFF30] =	vst v6;
	v4 =	vmul.f32 $8.000000000e+00, v4  }
0x195: {  	v6 =	vld [tilespmem:s28+$0xFFFFFF40];
	[tilespmem:s31+$0x130] =	vst v5  }
0x196: {  	v5 =	vld [tilespmem:s30+$0x140];
	[tilespmem:s31+$0xFFFFFF30] =	vst v4  }
0x197: {  	v4 =	vld [tilespmem:s30+$0xFFFFFF40];
	_ =	sdelay $0x1  }
0x198: {  	v7 =	vmul.f32 $8.000000000e+00, v7  }
0x199: {  	v6 =	vmul.f32 $8.000000000e+00, v6  }
0x19a: {  	[tilespmem:s29+$0x140] =	vst v7;
	v5 =	vmul.f32 $8.000000000e+00, v5  }
0x19b: {  	v7 =	vld [tilespmem:s28+$0x150];
	[tilespmem:s29+$0xFFFFFF40] =	vst v6;
	v4 =	vmul.f32 $8.000000000e+00, v4  }
0x19c: {  	v6 =	vld [tilespmem:s28+$0xFFFFFF50];
	[tilespmem:s31+$0x140] =	vst v5  }
0x19d: {  	v5 =	vld [tilespmem:s30+$0x150];
	[tilespmem:s31+$0xFFFFFF40] =	vst v4  }
0x19e: {  	v4 =	vld [tilespmem:s30+$0xFFFFFF50];
	_ =	sdelay $0x1  }
0x19f: {  	v7 =	vmul.f32 $8.000000000e+00, v7  }
0x1a0: {  	v6 =	vmul.f32 $8.000000000e+00, v6  }
0x1a1: {  	[tilespmem:s29+$0x150] =	vst v7;
	v5 =	vmul.f32 $8.000000000e+00, v5  }
0x1a2: {  	v7 =	vld [tilespmem:s28+$0x160];
	[tilespmem:s29+$0xFFFFFF50] =	vst v6;
	v4 =	vmul.f32 $8.000000000e+00, v4  }
0x1a3: {  	v6 =	vld [tilespmem:s28+$0xFFFFFF60];
	[tilespmem:s31+$0x150] =	vst v5  }
0x1a4: {  	v5 =	vld [tilespmem:s30+$0x160];
	[tilespmem:s31+$0xFFFFFF50] =	vst v4  }
0x1a5: {  	v4 =	vld [tilespmem:s30+$0xFFFFFF60];
	_ =	sdelay $0x1  }
0x1a6: {  	v7 =	vmul.f32 $8.000000000e+00, v7  }
0x1a7: {  	v6 =	vmul.f32 $8.000000000e+00, v6  }
0x1a8: {  	[tilespmem:s29+$0x160] =	vst v7;
	v5 =	vmul.f32 $8.000000000e+00, v5  }
0x1a9: {  	v7 =	vld [tilespmem:s28+$0x170];
	[tilespmem:s29+$0xFFFFFF60] =	vst v6;
	v4 =	vmul.f32 $8.000000000e+00, v4  }
0x1aa: {  	v6 =	vld [tilespmem:s28+$0xFFFFFF70];
	[tilespmem:s31+$0x160] =	vst v5  }
0x1ab: {  	v5 =	vld [tilespmem:s30+$0x170];
	[tilespmem:s31+$0xFFFFFF60] =	vst v4  }
0x1ac: {  	v4 =	vld [tilespmem:s30+$0xFFFFFF70]  }
0x1ad: {  	v2 =	vmul.f32 $8.000000000e+00, v2  }
0x1ae: {  	[tilespmem:s25+$0x170] =	vst v3;
	v33 =	vmul.f32 $8.000000000e+00, v7  }
0x1af: {  	v34 =	vld [tilespmem:s26+$0x180];
	[tilespmem:s25+$0xFFFFFF70] =	vst v2;
	v35 =	vmul.f32 $8.000000000e+00, v6  }
0x1b0: {  	v36 =	vld [tilespmem:s26+$0xFFFFFF80];
	[tilespmem:s29+$0x170] =	vst v33;
	v37 =	vmul.f32 $8.000000000e+00, v5  }
0x1b1: {  	v38 =	vld [tilespmem:s28+$0x180];
	[tilespmem:s29+$0xFFFFFF70] =	vst v35;
	v39 =	vmul.f32 $8.000000000e+00, v4  }
0x1b2: {  	v40 =	vld [tilespmem:s28+$0xFFFFFF80];
	[tilespmem:s31+$0x170] =	vst v37  }
0x1b3: {  	v3 =	vld [tilespmem:s30+$0x180];
	[tilespmem:s31+$0xFFFFFF70] =	vst v39  }
0x1b4: {  	v41 =	vmul.f32 $8.000000000e+00, v34;
	v42 =	vld [tilespmem:s30+$0xFFFFFF80]  }
0x1b5: {  	v6 =	vmul.f32 $8.000000000e+00, v36  }
0x1b6: {  	[tilespmem:s25+$0x180] =	vst v41;
	v43 =	vmul.f32 $8.000000000e+00, v38  }
0x1b7: {  	v44 =	vld [tilespmem:s26+$0x190];
	[tilespmem:s25+$0xFFFFFF80] =	vst v6;
	v4 =	vmul.f32 $8.000000000e+00, v40  }
0x1b8: {  	v6 =	vld [tilespmem:s26+$0xFFFFFF90];
	[tilespmem:s29+$0x180] =	vst v43;
	v45 =	vmul.f32 $8.000000000e+00, v3  }
0x1b9: {  	v46 =	vld [tilespmem:s28+$0x190];
	[tilespmem:s29+$0xFFFFFF80] =	vst v4;
	v47 =	vmul.f32 $8.000000000e+00, v42  }
0x1ba: {  	v48 =	vld [tilespmem:s28+$0xFFFFFF90];
	[tilespmem:s31+$0x180] =	vst v45  }
0x1bb: {  	v2 =	vld [tilespmem:s30+$0x190];
	[tilespmem:s31+$0xFFFFFF80] =	vst v47  }
0x1bc: {  	v49 =	vmul.f32 $8.000000000e+00, v44;
	v50 =	vld [tilespmem:s30+$0xFFFFFF90]  }
0x1bd: {  	v6 =	vmul.f32 $8.000000000e+00, v6  }
0x1be: {  	[tilespmem:s25+$0x190] =	vst v49;
	v3 =	vmul.f32 $8.000000000e+00, v46  }
0x1bf: {  	v4 =	vld [tilespmem:s26+$0x1A0];
	[tilespmem:s25+$0xFFFFFF90] =	vst v6;
	v51 =	vmul.f32 $8.000000000e+00, v48  }
0x1c0: {  	v52 =	vld [tilespmem:s26+$0xFFFFFFA0];
	[tilespmem:s29+$0x190] =	vst v3;
	v2 =	vmul.f32 $8.000000000e+00, v2  }
0x1c1: {  	v3 =	vld [tilespmem:s28+$0x1A0];
	[tilespmem:s29+$0xFFFFFF90] =	vst v51;
	v5 =	vmul.f32 $8.000000000e+00, v50  }
0x1c2: {  	v6 =	vld [tilespmem:s28+$0xFFFFFFA0];
	[tilespmem:s31+$0x190] =	vst v2  }
0x1c3: {  	v2 =	vld [tilespmem:s30+$0x1A0];
	[tilespmem:s31+$0xFFFFFF90] =	vst v5  }
0x1c4: {  	v4 =	vmul.f32 $8.000000000e+00, v4;
	v5 =	vld [tilespmem:s30+$0xFFFFFFA0]  }
0x1c5: {  	v7 =	vmul.f32 $8.000000000e+00, v52  }
0x1c6: {  	[tilespmem:s25+$0x1A0] =	vst v4;
	v3 =	vmul.f32 $8.000000000e+00, v3  }
0x1c7: {  	v4 =	vld [tilespmem:s26+$0x1B0];
	[tilespmem:s25+$0xFFFFFFA0] =	vst v7;
	v6 =	vmul.f32 $8.000000000e+00, v6  }
0x1c8: {  	v7 =	vld [tilespmem:s26+$0xFFFFFFB0];
	[tilespmem:s29+$0x1A0] =	vst v3;
	v2 =	vmul.f32 $8.000000000e+00, v2  }
0x1c9: {  	v3 =	vld [tilespmem:s28+$0x1B0];
	[tilespmem:s29+$0xFFFFFFA0] =	vst v6;
	v5 =	vmul.f32 $8.000000000e+00, v5  }
0x1ca: {  	v6 =	vld [tilespmem:s28+$0xFFFFFFB0];
	[tilespmem:s31+$0x1A0] =	vst v2  }
0x1cb: {  	v2 =	vld [tilespmem:s30+$0x1B0];
	[tilespmem:s31+$0xFFFFFFA0] =	vst v5  }
0x1cc: {  	v4 =	vmul.f32 $8.000000000e+00, v4;
	v5 =	vld [tilespmem:s30+$0xFFFFFFB0]  }
0x1cd: {  	v7 =	vmul.f32 $8.000000000e+00, v7  }
0x1ce: {  	[tilespmem:s25+$0x1B0] =	vst v4;
	v3 =	vmul.f32 $8.000000000e+00, v3  }
0x1cf: {  	v4 =	vld [tilespmem:s26+$0x1C0];
	[tilespmem:s25+$0xFFFFFFB0] =	vst v7;
	v6 =	vmul.f32 $8.000000000e+00, v6  }
0x1d0: {  	v7 =	vld [tilespmem:s26+$0xFFFFFFC0];
	[tilespmem:s29+$0x1B0] =	vst v3;
	v2 =	vmul.f32 $8.000000000e+00, v2  }
0x1d1: {  	v3 =	vld [tilespmem:s28+$0x1C0];
	[tilespmem:s29+$0xFFFFFFB0] =	vst v6;
	v5 =	vmul.f32 $8.000000000e+00, v5  }
0x1d2: {  	v6 =	vld [tilespmem:s28+$0xFFFFFFC0];
	[tilespmem:s31+$0x1B0] =	vst v2  }
0x1d3: {  	v2 =	vld [tilespmem:s30+$0x1C0];
	[tilespmem:s31+$0xFFFFFFB0] =	vst v5  }
0x1d4: {  	v4 =	vmul.f32 $8.000000000e+00, v4;
	v5 =	vld [tilespmem:s30+$0xFFFFFFC0]  }
0x1d5: {  	v7 =	vmul.f32 $8.000000000e+00, v7  }
0x1d6: {  	[tilespmem:s25+$0x1C0] =	vst v4;
	v3 =	vmul.f32 $8.000000000e+00, v3  }
0x1d7: {  	v4 =	vld [tilespmem:s26+$0x1D0];
	[tilespmem:s25+$0xFFFFFFC0] =	vst v7;
	v6 =	vmul.f32 $8.000000000e+00, v6  }
0x1d8: {  	v7 =	vld [tilespmem:s26+$0xFFFFFFD0];
	[tilespmem:s29+$0x1C0] =	vst v3;
	v2 =	vmul.f32 $8.000000000e+00, v2  }
0x1d9: {  	v3 =	vld [tilespmem:s28+$0x1D0];
	[tilespmem:s29+$0xFFFFFFC0] =	vst v6;
	v5 =	vmul.f32 $8.000000000e+00, v5  }
0x1da: {  	v6 =	vld [tilespmem:s28+$0xFFFFFFD0];
	[tilespmem:s31+$0x1C0] =	vst v2  }
0x1db: {  	v2 =	vld [tilespmem:s30+$0x1D0];
	[tilespmem:s31+$0xFFFFFFC0] =	vst v5  }
0x1dc: {  	v4 =	vmul.f32 $8.000000000e+00, v4;
	v5 =	vld [tilespmem:s30+$0xFFFFFFD0]  }
0x1dd: {  	v7 =	vmul.f32 $8.000000000e+00, v7  }
0x1de: {  	[tilespmem:s25+$0x1D0] =	vst v4;
	v3 =	vmul.f32 $8.000000000e+00, v3  }
0x1df: {  	v4 =	vld [tilespmem:s26+$0x1E0];
	[tilespmem:s25+$0xFFFFFFD0] =	vst v7;
	v6 =	vmul.f32 $8.000000000e+00, v6  }
0x1e0: {  	v7 =	vld [tilespmem:s26+$0xFFFFFFE0];
	[tilespmem:s29+$0x1D0] =	vst v3;
	v2 =	vmul.f32 $8.000000000e+00, v2  }
0x1e1: {  	v3 =	vld [tilespmem:s28+$0x1E0];
	[tilespmem:s29+$0xFFFFFFD0] =	vst v6;
	v5 =	vmul.f32 $8.000000000e+00, v5  }
0x1e2: {  	v6 =	vld [tilespmem:s28+$0xFFFFFFE0];
	[tilespmem:s31+$0x1D0] =	vst v2  }
0x1e3: {  	v2 =	vld [tilespmem:s30+$0x1E0];
	[tilespmem:s31+$0xFFFFFFD0] =	vst v5  }
0x1e4: {  	v4 =	vmul.f32 $8.000000000e+00, v4;
	v5 =	vld [tilespmem:s30+$0xFFFFFFE0]  }
0x1e5: {  	v7 =	vmul.f32 $8.000000000e+00, v7  }
0x1e6: {  	[tilespmem:s25+$0x1E0] =	vst v4;
	v3 =	vmul.f32 $8.000000000e+00, v3  }
0x1e7: {  	[tilespmem:s25+$0xFFFFFFE0] =	vst v7;
	v4 =	vld [tilespmem:s26+$0x1F0];
	v6 =	vmul.f32 $8.000000000e+00, v6  }
0x1e8: {  	v53 =	vld [tilespmem:s26+$0xFFFFFFF0];
	[tilespmem:s29+$0x1E0] =	vst v3;
	v2 =	vmul.f32 $8.000000000e+00, v2  }
0x1e9: {  	v54 =	vld [tilespmem:s28+$0x1F0];
	[tilespmem:s29+$0xFFFFFFE0] =	vst v6;
	v5 =	vmul.f32 $8.000000000e+00, v5  }
0x1ea: {  	v0 =	vmul.f32 $8.000000000e+00, v0;
	v55 =	vld [tilespmem:s28+$0xFFFFFFF0];
	[tilespmem:s31+$0x1E0] =	vst v2  }
0x1eb: {  	v1 =	vmul.f32 $8.000000000e+00, v1;
	v56 =	vld [tilespmem:s30+$0x1F0];
	[tilespmem:s31+$0xFFFFFFE0] =	vst v5  }
0x1ec: {  	[tilespmem:s24+$0x1F0] =	vst v0;
	v57 =	vmul.f32 $8.000000000e+00, v4;
	v58 =	vld [tilespmem:s30+$0xFFFFFFF0]  }
0x1ed: {  	[tilespmem:s24+$0xFFFFFFF0] =	vst v1;
	v59 =	vmul.f32 $8.000000000e+00, v53  }
0x1ee: {  	[tilespmem:s25+$0x1F0] =	vst v57;
	v60 =	vmul.f32 $8.000000000e+00, v54  }
0x1ef: {  	p1 =	sne.s32 s22, $0x31;
	[tilespmem:s25+$0xFFFFFFF0] =	vst v59;
	v61 =	vmul.f32 $8.000000000e+00, v55  }
.Ltmp3:
0x1f0: {  	s0 =	sshll.u32 s22, $0x10;
	[tilespmem:s29+$0x1F0] =	vst v60;
	v62 =	vmul.f32 $8.000000000e+00, v56;
	(pc) =	sbr.rel @p1 .LBB2_6-.Ltmp3, $4  }
0x1f1: {  	s0 =	sadd.s32 s6, s0;
	[tilespmem:s29+$0xFFFFFFF0] =	vst v61;
	v63 =	vmul.f32 $8.000000000e+00, v58  }
0x1f2: {  	s0 =	sshrl.u32 s0, $0x3;
	[tilespmem:s31+$0x1F0] =	vst v62  }
0x1f3: {  	s0 =	sadd.s32 s4, s0;
	[tilespmem:s31+$0xFFFFFFF0] =	vst v63  }
0x1f4: {  	[hbm4b:s0+s14] =	stream.strided.scatter [tilespmem:s16], [sflag:$0x3], $0x4000, s15, s14, $0x38;
	[tilespmem:$0x16400] =	vst v63  }
.Ltmp4:
0x1f5: {  	(pc) =	sbr.rel .LBB2_7-.Ltmp4, $4  }
0x1f6: {  	_ = 	snop  }
0x1f7: {  	_ =	swait.ge [sflag:s17], $0x4000  }
0x1f8: {  	[sflag:s17] =	ssyncset.done $0x0  }
0x1f9: {  	[sflag:s17] =	ssyncadd.s32 $0xFFFFC000  }
.LBB2_6:
0x1fa: {  	s0 =	sshrl.u32 s23, $0x2  }
.Ltmp5:
0x1fb: {  	s0 =	sadd.s32 $0x200, s0;
	(pc) =	sbr.rel @p0 .LBB2_8-.Ltmp5, $4  }
0x1fc: {  	[tilespmem:s11], [sflag:$0x1] =	stream.indirect.gather [hbm4b:s3+s10], $0x40, s0, s10, $0xb8;
	[tilespmem:$0x16400] =	vst v63  }
0x1fd: {  	_ =	swait.ge [sflag:s17], $0x4000  }
0x1fe: {  	[sflag:s17] =	ssyncset.done $0x0  }
0x1ff: {  	[sflag:s17] =	ssyncadd.s32 $0xFFFFC000  }
.LBB2_7:
0x200: {  	_ =	swait.ge [sflag:s18], $0x4000  }
0x201: {  	[sflag:s18] =	ssyncset.done $0x0  }
0x202: {  	[sflag:s18] =	ssyncadd.s32 $0xFFFFC000  }
.LBB2_8:
0x203: {  	s31 =	simm.s32 $0xA600  }
0x204: {  	v0 =	vld [tilespmem:s31+$0x0];
	_ =	sdelay $0x3  }
0x205: {  	v1 =	vld [tilespmem:s31+$0xFFFFFE00]  }
0x206: {  	v0 =	vmul.f32 $8.000000000e+00, v0  }
0x207: {  	s24 =	simm.s32 $0x12600  }
0x208: {  	[tilespmem:s24+$0x0] =	vst v0  }
0x209: {  	v0 =	vld [tilespmem:s31+$0x10]  }
0x20a: {  	v1 =	vmul.f32 $8.000000000e+00, v1;
	_ =	sdelay $0x1  }
0x20b: {  	[tilespmem:s24+$0xFFFFFE00] =	vst v1  }
0x20c: {  	v1 =	vld [tilespmem:s31+$0xFFFFFE10]  }
0x20d: {  	v0 =	vmul.f32 $8.000000000e+00, v0;
	_ =	sdelay $0x1  }
0x20e: {  	[tilespmem:s24+$0x10] =	vst v0  }
0x20f: {  	v0 =	vld [tilespmem:s31+$0x20]  }
0x210: {  	v1 =	vmul.f32 $8.000000000e+00, v1;
	_ =	sdelay $0x1  }
0x211: {  	[tilespmem:s24+$0xFFFFFE10] =	vst v1  }
0x212: {  	v1 =	vld [tilespmem:s31+$0xFFFFFE20]  }
0x213: {  	v0 =	vmul.f32 $8.000000000e+00, v0;
	_ =	sdelay $0x1  }
0x214: {  	[tilespmem:s24+$0x20] =	vst v0  }
0x215: {  	v0 =	vld [tilespmem:s31+$0x30]  }
0x216: {  	v1 =	vmul.f32 $8.000000000e+00, v1;
	_ =	sdelay $0x1  }
0x217: {  	[tilespmem:s24+$0xFFFFFE20] =	vst v1  }
0x218: {  	v1 =	vld [tilespmem:s31+$0xFFFFFE30]  }
0x219: {  	v0 =	vmul.f32 $8.000000000e+00, v0;
	_ =	sdelay $0x1  }
0x21a: {  	[tilespmem:s24+$0x30] =	vst v0  }
0x21b: {  	v0 =	vld [tilespmem:s31+$0x40]  }
0x21c: {  	v1 =	vmul.f32 $8.000000000e+00, v1;
	_ =	sdelay $0x1  }
0x21d: {  	[tilespmem:s24+$0xFFFFFE30] =	vst v1  }
0x21e: {  	v1 =	vld [tilespmem:s31+$0xFFFFFE40]  }
0x21f: {  	v0 =	vmul.f32 $8.000000000e+00, v0;
	_ =	sdelay $0x1  }
0x220: {  	[tilespmem:s24+$0x40] =	vst v0  }
0x221: {  	v0 =	vld [tilespmem:s31+$0x50]  }
0x222: {  	v1 =	vmul.f32 $8.000000000e+00, v1;
	_ =	sdelay $0x1  }
0x223: {  	[tilespmem:s24+$0xFFFFFE40] =	vst v1  }
0x224: {  	v1 =	vld [tilespmem:s31+$0xFFFFFE50]  }
0x225: {  	v0 =	vmul.f32 $8.000000000e+00, v0;
	_ =	sdelay $0x1  }
0x226: {  	[tilespmem:s24+$0x50] =	vst v0  }
0x227: {  	v0 =	vld [tilespmem:s31+$0x60]  }
0x228: {  	v1 =	vmul.f32 $8.000000000e+00, v1;
	_ =	sdelay $0x1  }
0x229: {  	[tilespmem:s24+$0xFFFFFE50] =	vst v1  }
0x22a: {  	v1 =	vld [tilespmem:s31+$0xFFFFFE60]  }
0x22b: {  	v0 =	vmul.f32 $8.000000000e+00, v0;
	_ =	sdelay $0x1  }
0x22c: {  	[tilespmem:s24+$0x60] =	vst v0  }
0x22d: {  	v0 =	vld [tilespmem:s31+$0x70]  }
0x22e: {  	v1 =	vmul.f32 $8.000000000e+00, v1;
	_ =	sdelay $0x1  }
0x22f: {  	[tilespmem:s24+$0xFFFFFE60] =	vst v1  }
0x230: {  	v1 =	vld [tilespmem:s31+$0xFFFFFE70]  }
0x231: {  	v0 =	vmul.f32 $8.000000000e+00, v0  }
0x232: {  	s26 =	simm.s32 $0xAA00  }
0x233: {  	[tilespmem:s24+$0x70] =	vst v0;
	v0 =	vld [tilespmem:s26+$0x0]  }
0x234: {  	v2 =	vld [tilespmem:s31+$0x80]  }
0x235: {  	v1 =	vmul.f32 $8.000000000e+00, v1;
	_ =	sdelay $0x1  }
0x236: {  	[tilespmem:s24+$0xFFFFFE70] =	vst v1;
	v1 =	vld [tilespmem:s26+$0xFFFFFE00]  }
0x237: {  	v3 =	vld [tilespmem:s31+$0xFFFFFE80];
	v0 =	vmul.f32 $8.000000000e+00, v0  }
0x238: {  	s25 =	simm.s32 $0x12A00;
	v2 =	vmul.f32 $8.000000000e+00, v2  }
0x239: {  	[tilespmem:s25+$0x0] =	vst v0  }
0x23a: {  	v0 =	vld [tilespmem:s26+$0x10];
	[tilespmem:s24+$0x80] =	vst v2  }
0x23b: {  	v1 =	vmul.f32 $8.000000000e+00, v1;
	v2 =	vld [tilespmem:s31+$0x90]  }
0x23c: {  	v3 =	vmul.f32 $8.000000000e+00, v3  }
0x23d: {  	[tilespmem:s25+$0xFFFFFE00] =	vst v1  }
0x23e: {  	v1 =	vld [tilespmem:s26+$0xFFFFFE10];
	[tilespmem:s24+$0xFFFFFE80] =	vst v3  }
0x23f: {  	v3 =	vld [tilespmem:s31+$0xFFFFFE90];
	v0 =	vmul.f32 $8.000000000e+00, v0  }
0x240: {  	v2 =	vmul.f32 $8.000000000e+00, v2  }
0x241: {  	[tilespmem:s25+$0x10] =	vst v0  }
0x242: {  	v0 =	vld [tilespmem:s26+$0x20];
	[tilespmem:s24+$0x90] =	vst v2  }
0x243: {  	v1 =	vmul.f32 $8.000000000e+00, v1;
	v2 =	vld [tilespmem:s31+$0xA0]  }
0x244: {  	v3 =	vmul.f32 $8.000000000e+00, v3  }
0x245: {  	[tilespmem:s25+$0xFFFFFE10] =	vst v1  }
0x246: {  	v1 =	vld [tilespmem:s26+$0xFFFFFE20];
	[tilespmem:s24+$0xFFFFFE90] =	vst v3  }
0x247: {  	v3 =	vld [tilespmem:s31+$0xFFFFFEA0];
	v0 =	vmul.f32 $8.000000000e+00, v0  }
0x248: {  	v2 =	vmul.f32 $8.000000000e+00, v2  }
0x249: {  	[tilespmem:s25+$0x20] =	vst v0  }
0x24a: {  	v0 =	vld [tilespmem:s26+$0x30];
	[tilespmem:s24+$0xA0] =	vst v2  }
0x24b: {  	v1 =	vmul.f32 $8.000000000e+00, v1;
	v2 =	vld [tilespmem:s31+$0xB0]  }
0x24c: {  	v3 =	vmul.f32 $8.000000000e+00, v3  }
0x24d: {  	[tilespmem:s25+$0xFFFFFE20] =	vst v1  }
0x24e: {  	v1 =	vld [tilespmem:s26+$0xFFFFFE30];
	[tilespmem:s24+$0xFFFFFEA0] =	vst v3  }
0x24f: {  	v3 =	vld [tilespmem:s31+$0xFFFFFEB0];
	v0 =	vmul.f32 $8.000000000e+00, v0  }
0x250: {  	v2 =	vmul.f32 $8.000000000e+00, v2  }
0x251: {  	[tilespmem:s25+$0x30] =	vst v0  }
0x252: {  	v0 =	vld [tilespmem:s26+$0x40];
	[tilespmem:s24+$0xB0] =	vst v2  }
0x253: {  	v1 =	vmul.f32 $8.000000000e+00, v1;
	v2 =	vld [tilespmem:s31+$0xC0]  }
0x254: {  	v3 =	vmul.f32 $8.000000000e+00, v3  }
0x255: {  	[tilespmem:s25+$0xFFFFFE30] =	vst v1  }
0x256: {  	v1 =	vld [tilespmem:s26+$0xFFFFFE40];
	[tilespmem:s24+$0xFFFFFEB0] =	vst v3  }
0x257: {  	v3 =	vld [tilespmem:s31+$0xFFFFFEC0];
	v0 =	vmul.f32 $8.000000000e+00, v0  }
0x258: {  	v2 =	vmul.f32 $8.000000000e+00, v2  }
0x259: {  	[tilespmem:s25+$0x40] =	vst v0  }
0x25a: {  	v0 =	vld [tilespmem:s26+$0x50];
	[tilespmem:s24+$0xC0] =	vst v2  }
0x25b: {  	v1 =	vmul.f32 $8.000000000e+00, v1;
	v2 =	vld [tilespmem:s31+$0xD0]  }
0x25c: {  	v3 =	vmul.f32 $8.000000000e+00, v3  }
0x25d: {  	[tilespmem:s25+$0xFFFFFE40] =	vst v1  }
0x25e: {  	v1 =	vld [tilespmem:s26+$0xFFFFFE50];
	[tilespmem:s24+$0xFFFFFEC0] =	vst v3  }
0x25f: {  	v3 =	vld [tilespmem:s31+$0xFFFFFED0];
	v0 =	vmul.f32 $8.000000000e+00, v0  }
0x260: {  	v2 =	vmul.f32 $8.000000000e+00, v2  }
0x261: {  	[tilespmem:s25+$0x50] =	vst v0  }
0x262: {  	v0 =	vld [tilespmem:s26+$0x60];
	[tilespmem:s24+$0xD0] =	vst v2  }
0x263: {  	v1 =	vmul.f32 $8.000000000e+00, v1;
	v2 =	vld [tilespmem:s31+$0xE0]  }
0x264: {  	v3 =	vmul.f32 $8.000000000e+00, v3  }
0x265: {  	[tilespmem:s25+$0xFFFFFE50] =	vst v1  }
0x266: {  	v1 =	vld [tilespmem:s26+$0xFFFFFE60];
	[tilespmem:s24+$0xFFFFFED0] =	vst v3  }
0x267: {  	v3 =	vld [tilespmem:s31+$0xFFFFFEE0];
	v0 =	vmul.f32 $8.000000000e+00, v0  }
0x268: {  	v2 =	vmul.f32 $8.000000000e+00, v2  }
0x269: {  	[tilespmem:s25+$0x60] =	vst v0  }
0x26a: {  	v0 =	vld [tilespmem:s26+$0x70];
	[tilespmem:s24+$0xE0] =	vst v2  }
0x26b: {  	v1 =	vmul.f32 $8.000000000e+00, v1;
	v2 =	vld [tilespmem:s31+$0xF0]  }
0x26c: {  	v3 =	vmul.f32 $8.000000000e+00, v3  }
0x26d: {  	[tilespmem:s25+$0xFFFFFE60] =	vst v1  }
0x26e: {  	v1 =	vld [tilespmem:s26+$0xFFFFFE70];
	[tilespmem:s24+$0xFFFFFEE0] =	vst v3  }
0x26f: {  	v3 =	vld [tilespmem:s31+$0xFFFFFEF0];
	v0 =	vmul.f32 $8.000000000e+00, v0  }
0x270: {  	s28 =	simm.s32 $0xAE00;
	v2 =	vmul.f32 $8.000000000e+00, v2  }
0x271: {  	[tilespmem:s25+$0x70] =	vst v0;
	v0 =	vld [tilespmem:s28+$0x0]  }
0x272: {  	[tilespmem:s24+$0xF0] =	vst v2;
	v2 =	vld [tilespmem:s26+$0x80]  }
0x273: {  	v1 =	vmul.f32 $8.000000000e+00, v1;
	v4 =	vld [tilespmem:s31+$0x100]  }
0x274: {  	v3 =	vmul.f32 $8.000000000e+00, v3  }
0x275: {  	[tilespmem:s25+$0xFFFFFE70] =	vst v1;
	v1 =	vld [tilespmem:s28+$0xFFFFFE00]  }
0x276: {  	[tilespmem:s24+$0xFFFFFEF0] =	vst v3;
	v3 =	vld [tilespmem:s26+$0xFFFFFE80];
	v0 =	vmul.f32 $8.000000000e+00, v0  }
0x277: {  	s29 =	simm.s32 $0x12E00;
	v5 =	vld [tilespmem:s31+$0xFFFFFF00];
	v2 =	vmul.f32 $8.000000000e+00, v2  }
0x278: {  	[tilespmem:s29+$0x0] =	vst v0;
	v0 =	vmul.f32 $8.000000000e+00, v4  }
0x279: {  	v4 =	vld [tilespmem:s28+$0x10];
	[tilespmem:s25+$0x80] =	vst v2  }
0x27a: {  	v1 =	vmul.f32 $8.000000000e+00, v1;
	v2 =	vld [tilespmem:s26+$0x90];
	[tilespmem:s24+$0x100] =	vst v0  }
0x27b: {  	v0 =	vmul.f32 $8.000000000e+00, v3;
	v3 =	vld [tilespmem:s31+$0x110]  }
0x27c: {  	[tilespmem:s29+$0xFFFFFE00] =	vst v1;
	v1 =	vmul.f32 $8.000000000e+00, v5  }
0x27d: {  	v5 =	vld [tilespmem:s28+$0xFFFFFE10];
	[tilespmem:s25+$0xFFFFFE80] =	vst v0  }
0x27e: {  	[tilespmem:s24+$0xFFFFFF00] =	vst v1;
	v0 =	vmul.f32 $8.000000000e+00, v4;
	v4 =	vld [tilespmem:s26+$0xFFFFFE90]  }
0x27f: {  	v1 =	vmul.f32 $8.000000000e+00, v2;
	v2 =	vld [tilespmem:s31+$0xFFFFFF10]  }
0x280: {  	[tilespmem:s29+$0x10] =	vst v0;
	v0 =	vmul.f32 $8.000000000e+00, v3  }
0x281: {  	v3 =	vld [tilespmem:s28+$0x20];
	[tilespmem:s25+$0x90] =	vst v1  }
0x282: {  	v1 =	vmul.f32 $8.000000000e+00, v5;
	v5 =	vld [tilespmem:s26+$0xA0];
	[tilespmem:s24+$0x110] =	vst v0  }
0x283: {  	v0 =	vmul.f32 $8.000000000e+00, v4;
	v4 =	vld [tilespmem:s31+$0x120]  }
0x284: {  	[tilespmem:s29+$0xFFFFFE10] =	vst v1;
	v1 =	vmul.f32 $8.000000000e+00, v2  }
0x285: {  	v2 =	vld [tilespmem:s28+$0xFFFFFE20];
	[tilespmem:s25+$0xFFFFFE90] =	vst v0  }
0x286: {  	v0 =	vmul.f32 $8.000000000e+00, v3;
	v3 =	vld [tilespmem:s26+$0xFFFFFEA0];
	[tilespmem:s24+$0xFFFFFF10] =	vst v1  }
0x287: {  	v1 =	vmul.f32 $8.000000000e+00, v5;
	v5 =	vld [tilespmem:s31+$0xFFFFFF20]  }
0x288: {  	[tilespmem:s29+$0x20] =	vst v0;
	v0 =	vmul.f32 $8.000000000e+00, v4  }
0x289: {  	v4 =	vld [tilespmem:s28+$0x30];
	[tilespmem:s25+$0xA0] =	vst v1  }
0x28a: {  	v1 =	vmul.f32 $8.000000000e+00, v2;
	v2 =	vld [tilespmem:s26+$0xB0];
	[tilespmem:s24+$0x120] =	vst v0  }
0x28b: {  	v0 =	vmul.f32 $8.000000000e+00, v3;
	v3 =	vld [tilespmem:s31+$0x130]  }
0x28c: {  	[tilespmem:s29+$0xFFFFFE20] =	vst v1;
	v1 =	vmul.f32 $8.000000000e+00, v5  }
0x28d: {  	v5 =	vld [tilespmem:s28+$0xFFFFFE30];
	[tilespmem:s25+$0xFFFFFEA0] =	vst v0  }
0x28e: {  	v0 =	vmul.f32 $8.000000000e+00, v4;
	v4 =	vld [tilespmem:s26+$0xFFFFFEB0];
	[tilespmem:s24+$0xFFFFFF20] =	vst v1  }
0x28f: {  	v1 =	vmul.f32 $8.000000000e+00, v2;
	v2 =	vld [tilespmem:s31+$0xFFFFFF30]  }
0x290: {  	[tilespmem:s29+$0x30] =	vst v0;
	v0 =	vmul.f32 $8.000000000e+00, v3  }
0x291: {  	v3 =	vld [tilespmem:s28+$0x40];
	[tilespmem:s25+$0xB0] =	vst v1  }
0x292: {  	v1 =	vmul.f32 $8.000000000e+00, v5;
	v5 =	vld [tilespmem:s26+$0xC0];
	[tilespmem:s24+$0x130] =	vst v0  }
0x293: {  	v0 =	vmul.f32 $8.000000000e+00, v4;
	v4 =	vld [tilespmem:s31+$0x140]  }
0x294: {  	[tilespmem:s29+$0xFFFFFE30] =	vst v1;
	v1 =	vmul.f32 $8.000000000e+00, v2  }
0x295: {  	v2 =	vld [tilespmem:s28+$0xFFFFFE40];
	[tilespmem:s25+$0xFFFFFEB0] =	vst v0  }
0x296: {  	v0 =	vmul.f32 $8.000000000e+00, v3;
	v3 =	vld [tilespmem:s26+$0xFFFFFEC0];
	[tilespmem:s24+$0xFFFFFF30] =	vst v1  }
0x297: {  	v1 =	vmul.f32 $8.000000000e+00, v5;
	v5 =	vld [tilespmem:s31+$0xFFFFFF40]  }
0x298: {  	[tilespmem:s29+$0x40] =	vst v0;
	v0 =	vmul.f32 $8.000000000e+00, v4  }
0x299: {  	v4 =	vld [tilespmem:s28+$0x50];
	[tilespmem:s25+$0xC0] =	vst v1  }
0x29a: {  	v1 =	vmul.f32 $8.000000000e+00, v2;
	v2 =	vld [tilespmem:s26+$0xD0];
	[tilespmem:s24+$0x140] =	vst v0  }
0x29b: {  	v0 =	vmul.f32 $8.000000000e+00, v3;
	v3 =	vld [tilespmem:s31+$0x150]  }
0x29c: {  	[tilespmem:s29+$0xFFFFFE40] =	vst v1;
	v1 =	vmul.f32 $8.000000000e+00, v5  }
0x29d: {  	v5 =	vld [tilespmem:s28+$0xFFFFFE50];
	[tilespmem:s25+$0xFFFFFEC0] =	vst v0  }
0x29e: {  	v0 =	vmul.f32 $8.000000000e+00, v4;
	v4 =	vld [tilespmem:s26+$0xFFFFFED0];
	[tilespmem:s24+$0xFFFFFF40] =	vst v1  }
0x29f: {  	v1 =	vmul.f32 $8.000000000e+00, v2;
	v2 =	vld [tilespmem:s31+$0xFFFFFF50]  }
0x2a0: {  	[tilespmem:s29+$0x50] =	vst v0;
	v0 =	vmul.f32 $8.000000000e+00, v3  }
0x2a1: {  	v3 =	vld [tilespmem:s28+$0x60];
	[tilespmem:s25+$0xD0] =	vst v1  }
0x2a2: {  	v1 =	vmul.f32 $8.000000000e+00, v5;
	v5 =	vld [tilespmem:s26+$0xE0];
	[tilespmem:s24+$0x150] =	vst v0  }
0x2a3: {  	v0 =	vmul.f32 $8.000000000e+00, v4;
	v4 =	vld [tilespmem:s31+$0x160]  }
0x2a4: {  	[tilespmem:s29+$0xFFFFFE50] =	vst v1;
	v1 =	vmul.f32 $8.000000000e+00, v2  }
0x2a5: {  	v2 =	vld [tilespmem:s28+$0xFFFFFE60];
	[tilespmem:s25+$0xFFFFFED0] =	vst v0  }
0x2a6: {  	v0 =	vmul.f32 $8.000000000e+00, v3;
	v3 =	vld [tilespmem:s26+$0xFFFFFEE0];
	[tilespmem:s24+$0xFFFFFF50] =	vst v1  }
0x2a7: {  	v1 =	vmul.f32 $8.000000000e+00, v5;
	v5 =	vld [tilespmem:s31+$0xFFFFFF60]  }
0x2a8: {  	[tilespmem:s29+$0x60] =	vst v0;
	v0 =	vmul.f32 $8.000000000e+00, v4  }
0x2a9: {  	v4 =	vld [tilespmem:s28+$0x70];
	[tilespmem:s25+$0xE0] =	vst v1  }
0x2aa: {  	v1 =	vmul.f32 $8.000000000e+00, v2;
	v2 =	vld [tilespmem:s26+$0xF0];
	[tilespmem:s24+$0x160] =	vst v0  }
0x2ab: {  	v0 =	vmul.f32 $8.000000000e+00, v3;
	v3 =	vld [tilespmem:s31+$0x170]  }
0x2ac: {  	[tilespmem:s29+$0xFFFFFE60] =	vst v1;
	v1 =	vmul.f32 $8.000000000e+00, v5  }
0x2ad: {  	v5 =	vld [tilespmem:s28+$0xFFFFFE70];
	[tilespmem:s25+$0xFFFFFEE0] =	vst v0  }
0x2ae: {  	v0 =	vmul.f32 $8.000000000e+00, v4;
	v4 =	vld [tilespmem:s26+$0xFFFFFEF0];
	[tilespmem:s24+$0xFFFFFF60] =	vst v1  }
0x2af: {  	s30 =	simm.s32 $0xB200;
	v1 =	vmul.f32 $8.000000000e+00, v2;
	v2 =	vld [tilespmem:s31+$0xFFFFFF70]  }
0x2b0: {  	[tilespmem:s29+$0x70] =	vst v0;
	v0 =	vmul.f32 $8.000000000e+00, v3;
	v3 =	vld [tilespmem:s30+$0x0]  }
0x2b1: {  	[tilespmem:s25+$0xF0] =	vst v1;
	v1 =	vld [tilespmem:s28+$0x80]  }
0x2b2: {  	v5 =	vmul.f32 $8.000000000e+00, v5;
	[tilespmem:s24+$0x170] =	vst v0;
	v0 =	vld [tilespmem:s26+$0x100]  }
0x2b3: {  	v4 =	vmul.f32 $8.000000000e+00, v4;
	v6 =	vld [tilespmem:s31+$0x180]  }
0x2b4: {  	[tilespmem:s29+$0xFFFFFE70] =	vst v5;
	v5 =	vld [tilespmem:s30+$0xFFFFFE00];
	v2 =	vmul.f32 $8.000000000e+00, v2  }
0x2b5: {  	[tilespmem:s25+$0xFFFFFEF0] =	vst v4;
	v3 =	vmul.f32 $8.000000000e+00, v3;
	v4 =	vld [tilespmem:s28+$0xFFFFFE80]  }
0x2b6: {  	s1 =	simm.s32 $0x13200;
	[tilespmem:s24+$0xFFFFFF70] =	vst v2;
	v1 =	vmul.f32 $8.000000000e+00, v1;
	v2 =	vld [tilespmem:s26+$0xFFFFFF00]  }
0x2b7: {  	[tilespmem:s1+$0x0] =	vst v3;
	v0 =	vmul.f32 $8.000000000e+00, v0;
	v3 =	vld [tilespmem:s31+$0xFFFFFF80]  }
0x2b8: {  	v7 =	vld [tilespmem:s30+$0x10];
	[tilespmem:s29+$0x80] =	vst v1;
	v1 =	vmul.f32 $8.000000000e+00, v6  }
0x2b9: {  	v5 =	vmul.f32 $8.000000000e+00, v5;
	v6 =	vld [tilespmem:s28+$0x90];
	[tilespmem:s25+$0x100] =	vst v0  }
0x2ba: {  	v0 =	vmul.f32 $8.000000000e+00, v4;
	v4 =	vld [tilespmem:s26+$0x110];
	[tilespmem:s24+$0x180] =	vst v1  }
0x2bb: {  	[tilespmem:s1+$0xFFFFFE00] =	vst v5;
	v1 =	vmul.f32 $8.000000000e+00, v2;
	v2 =	vld [tilespmem:s31+$0x190]  }
0x2bc: {  	v5 =	vld [tilespmem:s30+$0xFFFFFE10];
	[tilespmem:s29+$0xFFFFFE80] =	vst v0;
	v0 =	vmul.f32 $8.000000000e+00, v3  }
0x2bd: {  	v3 =	vmul.f32 $8.000000000e+00, v7;
	v7 =	vld [tilespmem:s28+$0xFFFFFE90];
	[tilespmem:s25+$0xFFFFFF00] =	vst v1  }
0x2be: {  	v1 =	vmul.f32 $8.000000000e+00, v6;
	v6 =	vld [tilespmem:s26+$0xFFFFFF10];
	[tilespmem:s24+$0xFFFFFF80] =	vst v0  }
0x2bf: {  	[tilespmem:s1+$0x10] =	vst v3;
	v0 =	vmul.f32 $8.000000000e+00, v4;
	v3 =	vld [tilespmem:s31+$0xFFFFFF90]  }
0x2c0: {  	v4 =	vld [tilespmem:s30+$0x20];
	[tilespmem:s29+$0x90] =	vst v1;
	v1 =	vmul.f32 $8.000000000e+00, v2  }
0x2c1: {  	v2 =	vmul.f32 $8.000000000e+00, v5;
	v5 =	vld [tilespmem:s28+$0xA0];
	[tilespmem:s25+$0x110] =	vst v0  }
0x2c2: {  	v0 =	vmul.f32 $8.000000000e+00, v7;
	v7 =	vld [tilespmem:s26+$0x120];
	[tilespmem:s24+$0x190] =	vst v1  }
0x2c3: {  	[tilespmem:s1+$0xFFFFFE10] =	vst v2;
	v1 =	vmul.f32 $8.000000000e+00, v6;
	v2 =	vld [tilespmem:s31+$0x1A0]  }
0x2c4: {  	v6 =	vld [tilespmem:s30+$0xFFFFFE20];
	[tilespmem:s29+$0xFFFFFE90] =	vst v0;
	v0 =	vmul.f32 $8.000000000e+00, v3  }
0x2c5: {  	v3 =	vmul.f32 $8.000000000e+00, v4;
	v4 =	vld [tilespmem:s28+$0xFFFFFEA0];
	[tilespmem:s25+$0xFFFFFF10] =	vst v1  }
0x2c6: {  	v1 =	vmul.f32 $8.000000000e+00, v5;
	v5 =	vld [tilespmem:s26+$0xFFFFFF20];
	[tilespmem:s24+$0xFFFFFF90] =	vst v0  }
0x2c7: {  	[tilespmem:s1+$0x20] =	vst v3;
	v0 =	vmul.f32 $8.000000000e+00, v7;
	v3 =	vld [tilespmem:s31+$0xFFFFFFA0]  }
0x2c8: {  	v7 =	vld [tilespmem:s30+$0x30];
	[tilespmem:s29+$0xA0] =	vst v1;
	v1 =	vmul.f32 $8.000000000e+00, v2  }
0x2c9: {  	v2 =	vmul.f32 $8.000000000e+00, v6;
	v6 =	vld [tilespmem:s28+$0xB0];
	[tilespmem:s25+$0x120] =	vst v0  }
0x2ca: {  	v0 =	vmul.f32 $8.000000000e+00, v4;
	v4 =	vld [tilespmem:s26+$0x130];
	[tilespmem:s24+$0x1A0] =	vst v1  }
0x2cb: {  	[tilespmem:s1+$0xFFFFFE20] =	vst v2;
	v1 =	vmul.f32 $8.000000000e+00, v5;
	v2 =	vld [tilespmem:s31+$0x1B0]  }
0x2cc: {  	v5 =	vld [tilespmem:s30+$0xFFFFFE30];
	[tilespmem:s29+$0xFFFFFEA0] =	vst v0;
	v0 =	vmul.f32 $8.000000000e+00, v3  }
0x2cd: {  	v3 =	vmul.f32 $8.000000000e+00, v7;
	v7 =	vld [tilespmem:s28+$0xFFFFFEB0];
	[tilespmem:s25+$0xFFFFFF20] =	vst v1  }
0x2ce: {  	v1 =	vmul.f32 $8.000000000e+00, v6;
	v6 =	vld [tilespmem:s26+$0xFFFFFF30];
	[tilespmem:s24+$0xFFFFFFA0] =	vst v0  }
0x2cf: {  	[tilespmem:s1+$0x30] =	vst v3;
	v0 =	vmul.f32 $8.000000000e+00, v4;
	v3 =	vld [tilespmem:s31+$0xFFFFFFB0]  }
0x2d0: {  	v4 =	vld [tilespmem:s30+$0x40];
	[tilespmem:s29+$0xB0] =	vst v1;
	v1 =	vmul.f32 $8.000000000e+00, v2  }
0x2d1: {  	v2 =	vmul.f32 $8.000000000e+00, v5;
	v5 =	vld [tilespmem:s28+$0xC0];
	[tilespmem:s25+$0x130] =	vst v0  }
0x2d2: {  	v0 =	vmul.f32 $8.000000000e+00, v7;
	v7 =	vld [tilespmem:s26+$0x140];
	[tilespmem:s24+$0x1B0] =	vst v1  }
0x2d3: {  	[tilespmem:s1+$0xFFFFFE30] =	vst v2;
	v1 =	vmul.f32 $8.000000000e+00, v6;
	v2 =	vld [tilespmem:s31+$0x1C0]  }
0x2d4: {  	v6 =	vld [tilespmem:s30+$0xFFFFFE40];
	[tilespmem:s29+$0xFFFFFEB0] =	vst v0;
	v0 =	vmul.f32 $8.000000000e+00, v3  }
0x2d5: {  	v3 =	vmul.f32 $8.000000000e+00, v4;
	v4 =	vld [tilespmem:s28+$0xFFFFFEC0];
	[tilespmem:s25+$0xFFFFFF30] =	vst v1  }
0x2d6: {  	v1 =	vmul.f32 $8.000000000e+00, v5;
	v5 =	vld [tilespmem:s26+$0xFFFFFF40];
	[tilespmem:s24+$0xFFFFFFB0] =	vst v0  }
0x2d7: {  	[tilespmem:s1+$0x40] =	vst v3;
	v0 =	vmul.f32 $8.000000000e+00, v7;
	v3 =	vld [tilespmem:s31+$0xFFFFFFC0]  }
0x2d8: {  	v7 =	vld [tilespmem:s30+$0x50];
	[tilespmem:s29+$0xC0] =	vst v1;
	v1 =	vmul.f32 $8.000000000e+00, v2  }
0x2d9: {  	v2 =	vmul.f32 $8.000000000e+00, v6;
	v6 =	vld [tilespmem:s28+$0xD0];
	[tilespmem:s25+$0x140] =	vst v0  }
0x2da: {  	v0 =	vmul.f32 $8.000000000e+00, v4;
	v4 =	vld [tilespmem:s26+$0x150];
	[tilespmem:s24+$0x1C0] =	vst v1  }
0x2db: {  	[tilespmem:s1+$0xFFFFFE40] =	vst v2;
	v1 =	vmul.f32 $8.000000000e+00, v5;
	v2 =	vld [tilespmem:s31+$0x1D0]  }
0x2dc: {  	v5 =	vld [tilespmem:s30+$0xFFFFFE50];
	[tilespmem:s29+$0xFFFFFEC0] =	vst v0;
	v0 =	vmul.f32 $8.000000000e+00, v3  }
0x2dd: {  	v3 =	vmul.f32 $8.000000000e+00, v7;
	v7 =	vld [tilespmem:s28+$0xFFFFFED0];
	[tilespmem:s25+$0xFFFFFF40] =	vst v1  }
0x2de: {  	v1 =	vmul.f32 $8.000000000e+00, v6;
	v6 =	vld [tilespmem:s26+$0xFFFFFF50];
	[tilespmem:s24+$0xFFFFFFC0] =	vst v0  }
0x2df: {  	[tilespmem:s1+$0x50] =	vst v3;
	v0 =	vmul.f32 $8.000000000e+00, v4;
	v3 =	vld [tilespmem:s31+$0xFFFFFFD0]  }
0x2e0: {  	v4 =	vld [tilespmem:s30+$0x60];
	[tilespmem:s29+$0xD0] =	vst v1;
	v1 =	vmul.f32 $8.000000000e+00, v2  }
0x2e1: {  	v2 =	vmul.f32 $8.000000000e+00, v5;
	v5 =	vld [tilespmem:s28+$0xE0];
	[tilespmem:s25+$0x150] =	vst v0  }
0x2e2: {  	v0 =	vmul.f32 $8.000000000e+00, v7;
	v7 =	vld [tilespmem:s26+$0x160];
	[tilespmem:s24+$0x1D0] =	vst v1  }
0x2e3: {  	[tilespmem:s1+$0xFFFFFE50] =	vst v2;
	v1 =	vmul.f32 $8.000000000e+00, v6;
	v2 =	vld [tilespmem:s31+$0x1E0]  }
0x2e4: {  	v6 =	vld [tilespmem:s30+$0xFFFFFE60];
	[tilespmem:s29+$0xFFFFFED0] =	vst v0;
	v0 =	vmul.f32 $8.000000000e+00, v3  }
0x2e5: {  	v3 =	vmul.f32 $8.000000000e+00, v4;
	v4 =	vld [tilespmem:s28+$0xFFFFFEE0];
	[tilespmem:s25+$0xFFFFFF50] =	vst v1  }
0x2e6: {  	v1 =	vmul.f32 $8.000000000e+00, v5;
	v5 =	vld [tilespmem:s26+$0xFFFFFF60];
	[tilespmem:s24+$0xFFFFFFD0] =	vst v0  }
0x2e7: {  	[tilespmem:s1+$0x60] =	vst v3;
	v0 =	vmul.f32 $8.000000000e+00, v7;
	v3 =	vld [tilespmem:s31+$0xFFFFFFE0]  }
0x2e8: {  	v7 =	vld [tilespmem:s30+$0x70];
	[tilespmem:s29+$0xE0] =	vst v1;
	v1 =	vmul.f32 $8.000000000e+00, v2  }
0x2e9: {  	v2 =	vmul.f32 $8.000000000e+00, v6;
	v8 =	vld [tilespmem:s28+$0xF0];
	[tilespmem:s25+$0x160] =	vst v0  }
0x2ea: {  	v4 =	vmul.f32 $8.000000000e+00, v4;
	v9 =	vld [tilespmem:s26+$0x170];
	[tilespmem:s24+$0x1E0] =	vst v1  }
0x2eb: {  	[tilespmem:s1+$0xFFFFFE60] =	vst v2;
	v1 =	vmul.f32 $8.000000000e+00, v5;
	v0 =	vld [tilespmem:s31+$0x1F0]  }
0x2ec: {  	v6 =	vld [tilespmem:s30+$0xFFFFFE70];
	[tilespmem:s29+$0xFFFFFEE0] =	vst v4;
	v3 =	vmul.f32 $8.000000000e+00, v3  }
0x2ed: {  	v7 =	vmul.f32 $8.000000000e+00, v7;
	v4 =	vld [tilespmem:s28+$0xFFFFFEF0];
	[tilespmem:s25+$0xFFFFFF60] =	vst v1  }
0x2ee: {  	v2 =	vld [tilespmem:s26+$0xFFFFFF70];
	[tilespmem:s24+$0xFFFFFFE0] =	vst v3;
	v5 =	vmul.f32 $8.000000000e+00, v8  }
0x2ef: {  	s0 =	simm.s32 $0x30;
	s2 =	simm.s32 $0xB600;
	[tilespmem:s1+$0x70] =	vst v7;
	v3 =	vmul.f32 $8.000000000e+00, v9;
	v1 =	vld [tilespmem:s31+$0xFFFFFFF0];
	s31 =	simm.s32 $0x13200  }
.LBB2_9:
0x2f0: {  	v7 =	vld [tilespmem:s2+$0x0];
	[tilespmem:s29+$0xF0] =	vst v5;
	v0 =	vmul.f32 $8.000000000e+00, v0;
	s5 =	smov.u32 s30;
	s30 =	smov.u32 s2  }
0x2f1: {  	v5 =	vmul.f32 $8.000000000e+00, v6;
	v6 =	vld [tilespmem:s5+$0x80];
	[tilespmem:s25+$0x170] =	vst v3  }
0x2f2: {  	v3 =	vmul.f32 $8.000000000e+00, v4;
	v4 =	vld [tilespmem:s28+$0x100];
	[tilespmem:s24+$0x1F0] =	vst v0  }
0x2f3: {  	s0 =	sadd.s32 $0x10, s0;
	[tilespmem:s1+$0xFFFFFE70] =	vst v5;
	v0 =	vmul.f32 $8.000000000e+00, v2;
	v2 =	vld [tilespmem:s26+$0x180]  }
0x2f4: {  	p0 =	slt.u32 s0, $0xF0;
	v5 =	vld [tilespmem:s2+$0xFFFFFE00];
	[tilespmem:s29+$0xFFFFFEF0] =	vst v3;
	v1 =	vmul.f32 $8.000000000e+00, v1  }
0x2f5: {  	v3 =	vmul.f32 $8.000000000e+00, v7;
	v7 =	vld [tilespmem:s5+$0xFFFFFE80];
	[tilespmem:s25+$0xFFFFFF70] =	vst v0  }
0x2f6: {  	s1 =	sadd.s32 $0x400, s1;
	v0 =	vmul.f32 $8.000000000e+00, v6;
	v6 =	vld [tilespmem:s28+$0xFFFFFF00];
	[tilespmem:s24+$0xFFFFFFF0] =	vst v1;
	s24 =	smov.u32 s25;
	s25 =	smov.u32 s29  }
0x2f7: {  	s29 =	smov.u32 s31;
	s31 =	smov.u32 s1;
	[tilespmem:s1+$0x0] =	vst v3;
	v1 =	vmul.f32 $8.000000000e+00, v4;
	v3 =	vld [tilespmem:s26+$0xFFFFFF80]  }
0x2f8: {  	v4 =	vld [tilespmem:s2+$0x10];
	[tilespmem:s29+$0x80] =	vst v0;
	v0 =	vmul.f32 $8.000000000e+00, v2  }
0x2f9: {  	v2 =	vmul.f32 $8.000000000e+00, v5;
	v5 =	vld [tilespmem:s5+$0x90];
	[tilespmem:s25+$0x100] =	vst v1  }
0x2fa: {  	v1 =	vmul.f32 $8.000000000e+00, v7;
	v7 =	vld [tilespmem:s28+$0x110];
	[tilespmem:s24+$0x180] =	vst v0  }
0x2fb: {  	[tilespmem:s1+$0xFFFFFE00] =	vst v2;
	v0 =	vmul.f32 $8.000000000e+00, v6;
	v2 =	vld [tilespmem:s26+$0x190]  }
0x2fc: {  	v6 =	vld [tilespmem:s2+$0xFFFFFE10];
	[tilespmem:s29+$0xFFFFFE80] =	vst v1;
	v1 =	vmul.f32 $8.000000000e+00, v3  }
0x2fd: {  	v3 =	vmul.f32 $8.000000000e+00, v4;
	v4 =	vld [tilespmem:s5+$0xFFFFFE90];
	[tilespmem:s25+$0xFFFFFF00] =	vst v0  }
0x2fe: {  	v0 =	vmul.f32 $8.000000000e+00, v5;
	v5 =	vld [tilespmem:s28+$0xFFFFFF10];
	[tilespmem:s24+$0xFFFFFF80] =	vst v1  }
0x2ff: {  	[tilespmem:s1+$0x10] =	vst v3;
	v1 =	vmul.f32 $8.000000000e+00, v7;
	v3 =	vld [tilespmem:s26+$0xFFFFFF90]  }
0x300: {  	v7 =	vld [tilespmem:s2+$0x20];
	[tilespmem:s29+$0x90] =	vst v0;
	v0 =	vmul.f32 $8.000000000e+00, v2  }
0x301: {  	v2 =	vmul.f32 $8.000000000e+00, v6;
	v6 =	vld [tilespmem:s5+$0xA0];
	[tilespmem:s25+$0x110] =	vst v1  }
0x302: {  	v1 =	vmul.f32 $8.000000000e+00, v4;
	v4 =	vld [tilespmem:s28+$0x120];
	[tilespmem:s24+$0x190] =	vst v0  }
0x303: {  	[tilespmem:s1+$0xFFFFFE10] =	vst v2;
	v0 =	vmul.f32 $8.000000000e+00, v5;
	v2 =	vld [tilespmem:s26+$0x1A0]  }
0x304: {  	v5 =	vld [tilespmem:s2+$0xFFFFFE20];
	[tilespmem:s29+$0xFFFFFE90] =	vst v1;
	v1 =	vmul.f32 $8.000000000e+00, v3  }
0x305: {  	v3 =	vmul.f32 $8.000000000e+00, v7;
	v7 =	vld [tilespmem:s5+$0xFFFFFEA0];
	[tilespmem:s25+$0xFFFFFF10] =	vst v0  }
0x306: {  	v0 =	vmul.f32 $8.000000000e+00, v6;
	v6 =	vld [tilespmem:s28+$0xFFFFFF20];
	[tilespmem:s24+$0xFFFFFF90] =	vst v1  }
0x307: {  	[tilespmem:s1+$0x20] =	vst v3;
	v1 =	vmul.f32 $8.000000000e+00, v4;
	v3 =	vld [tilespmem:s26+$0xFFFFFFA0]  }
0x308: {  	v4 =	vld [tilespmem:s2+$0x30];
	[tilespmem:s29+$0xA0] =	vst v0;
	v0 =	vmul.f32 $8.000000000e+00, v2  }
0x309: {  	v2 =	vmul.f32 $8.000000000e+00, v5;
	v5 =	vld [tilespmem:s5+$0xB0];
	[tilespmem:s25+$0x120] =	vst v1  }
0x30a: {  	v1 =	vmul.f32 $8.000000000e+00, v7;
	v7 =	vld [tilespmem:s28+$0x130];
	[tilespmem:s24+$0x1A0] =	vst v0  }
0x30b: {  	[tilespmem:s1+$0xFFFFFE20] =	vst v2;
	v0 =	vmul.f32 $8.000000000e+00, v6;
	v2 =	vld [tilespmem:s26+$0x1B0]  }
0x30c: {  	v6 =	vld [tilespmem:s2+$0xFFFFFE30];
	[tilespmem:s29+$0xFFFFFEA0] =	vst v1;
	v1 =	vmul.f32 $8.000000000e+00, v3  }
0x30d: {  	v3 =	vmul.f32 $8.000000000e+00, v4;
	v4 =	vld [tilespmem:s5+$0xFFFFFEB0];
	[tilespmem:s25+$0xFFFFFF20] =	vst v0  }
0x30e: {  	v0 =	vmul.f32 $8.000000000e+00, v5;
	v5 =	vld [tilespmem:s28+$0xFFFFFF30];
	[tilespmem:s24+$0xFFFFFFA0] =	vst v1  }
0x30f: {  	[tilespmem:s1+$0x30] =	vst v3;
	v1 =	vmul.f32 $8.000000000e+00, v7;
	v3 =	vld [tilespmem:s26+$0xFFFFFFB0]  }
0x310: {  	v7 =	vld [tilespmem:s2+$0x40];
	[tilespmem:s29+$0xB0] =	vst v0;
	v0 =	vmul.f32 $8.000000000e+00, v2  }
0x311: {  	v2 =	vmul.f32 $8.000000000e+00, v6;
	v6 =	vld [tilespmem:s5+$0xC0];
	[tilespmem:s25+$0x130] =	vst v1  }
0x312: {  	v1 =	vmul.f32 $8.000000000e+00, v4;
	v4 =	vld [tilespmem:s28+$0x140];
	[tilespmem:s24+$0x1B0] =	vst v0  }
0x313: {  	[tilespmem:s1+$0xFFFFFE30] =	vst v2;
	v0 =	vmul.f32 $8.000000000e+00, v5;
	v2 =	vld [tilespmem:s26+$0x1C0]  }
0x314: {  	v5 =	vld [tilespmem:s2+$0xFFFFFE40];
	[tilespmem:s29+$0xFFFFFEB0] =	vst v1;
	v1 =	vmul.f32 $8.000000000e+00, v3  }
0x315: {  	v3 =	vmul.f32 $8.000000000e+00, v7;
	v7 =	vld [tilespmem:s5+$0xFFFFFEC0];
	[tilespmem:s25+$0xFFFFFF30] =	vst v0  }
0x316: {  	v0 =	vmul.f32 $8.000000000e+00, v6;
	v6 =	vld [tilespmem:s28+$0xFFFFFF40];
	[tilespmem:s24+$0xFFFFFFB0] =	vst v1  }
0x317: {  	[tilespmem:s1+$0x40] =	vst v3;
	v1 =	vmul.f32 $8.000000000e+00, v4;
	v3 =	vld [tilespmem:s26+$0xFFFFFFC0]  }
0x318: {  	v4 =	vld [tilespmem:s2+$0x50];
	[tilespmem:s29+$0xC0] =	vst v0;
	v0 =	vmul.f32 $8.000000000e+00, v2  }
0x319: {  	v2 =	vmul.f32 $8.000000000e+00, v5;
	v5 =	vld [tilespmem:s5+$0xD0];
	[tilespmem:s25+$0x140] =	vst v1  }
0x31a: {  	v1 =	vmul.f32 $8.000000000e+00, v7;
	v7 =	vld [tilespmem:s28+$0x150];
	[tilespmem:s24+$0x1C0] =	vst v0  }
0x31b: {  	[tilespmem:s1+$0xFFFFFE40] =	vst v2;
	v0 =	vmul.f32 $8.000000000e+00, v6;
	v2 =	vld [tilespmem:s26+$0x1D0]  }
0x31c: {  	v6 =	vld [tilespmem:s2+$0xFFFFFE50];
	[tilespmem:s29+$0xFFFFFEC0] =	vst v1;
	v1 =	vmul.f32 $8.000000000e+00, v3  }
0x31d: {  	v3 =	vmul.f32 $8.000000000e+00, v4;
	v4 =	vld [tilespmem:s5+$0xFFFFFED0];
	[tilespmem:s25+$0xFFFFFF40] =	vst v0  }
0x31e: {  	v0 =	vmul.f32 $8.000000000e+00, v5;
	v5 =	vld [tilespmem:s28+$0xFFFFFF50];
	[tilespmem:s24+$0xFFFFFFC0] =	vst v1  }
0x31f: {  	[tilespmem:s1+$0x50] =	vst v3;
	v1 =	vmul.f32 $8.000000000e+00, v7;
	v3 =	vld [tilespmem:s26+$0xFFFFFFD0]  }
0x320: {  	v7 =	vld [tilespmem:s2+$0x60];
	[tilespmem:s29+$0xD0] =	vst v0;
	v0 =	vmul.f32 $8.000000000e+00, v2  }
0x321: {  	v2 =	vmul.f32 $8.000000000e+00, v6;
	v6 =	vld [tilespmem:s5+$0xE0];
	[tilespmem:s25+$0x150] =	vst v1  }
0x322: {  	v1 =	vmul.f32 $8.000000000e+00, v4;
	v4 =	vld [tilespmem:s28+$0x160];
	[tilespmem:s24+$0x1D0] =	vst v0  }
0x323: {  	[tilespmem:s1+$0xFFFFFE50] =	vst v2;
	v0 =	vmul.f32 $8.000000000e+00, v5;
	v2 =	vld [tilespmem:s26+$0x1E0]  }
0x324: {  	v5 =	vld [tilespmem:s2+$0xFFFFFE60];
	[tilespmem:s29+$0xFFFFFED0] =	vst v1;
	v1 =	vmul.f32 $8.000000000e+00, v3  }
0x325: {  	v3 =	vmul.f32 $8.000000000e+00, v7;
	v7 =	vld [tilespmem:s5+$0xFFFFFEE0];
	[tilespmem:s25+$0xFFFFFF50] =	vst v0  }
0x326: {  	v0 =	vmul.f32 $8.000000000e+00, v6;
	v6 =	vld [tilespmem:s28+$0xFFFFFF60];
	[tilespmem:s24+$0xFFFFFFD0] =	vst v1  }
0x327: {  	[tilespmem:s1+$0x60] =	vst v3;
	v1 =	vmul.f32 $8.000000000e+00, v4;
	v3 =	vld [tilespmem:s26+$0xFFFFFFE0]  }
0x328: {  	v4 =	vld [tilespmem:s2+$0x70];
	[tilespmem:s29+$0xE0] =	vst v0;
	v0 =	vmul.f32 $8.000000000e+00, v2  }
0x329: {  	v2 =	vmul.f32 $8.000000000e+00, v5;
	v5 =	vld [tilespmem:s5+$0xF0];
	[tilespmem:s25+$0x160] =	vst v1  }
0x32a: {  	v1 =	vmul.f32 $8.000000000e+00, v7;
	v7 =	vld [tilespmem:s28+$0x170];
	[tilespmem:s24+$0x1E0] =	vst v0  }
.Ltmp6:
0x32b: {  	[tilespmem:s1+$0xFFFFFE60] =	vst v2;
	v2 =	vmul.f32 $8.000000000e+00, v6;
	v0 =	vld [tilespmem:s26+$0x1F0];
	(pc) =	sbr.rel @p0 .LBB2_9-.Ltmp6, $4  }
0x32c: {  	v6 =	vld [tilespmem:s2+$0xFFFFFE70];
	[tilespmem:s29+$0xFFFFFEE0] =	vst v1;
	v1 =	vmul.f32 $8.000000000e+00, v3  }
0x32d: {  	v3 =	vmul.f32 $8.000000000e+00, v4;
	v4 =	vld [tilespmem:s5+$0xFFFFFEF0];
	[tilespmem:s25+$0xFFFFFF60] =	vst v2  }
0x32e: {  	v5 =	vmul.f32 $8.000000000e+00, v5;
	v2 =	vld [tilespmem:s28+$0xFFFFFF70];
	[tilespmem:s24+$0xFFFFFFE0] =	vst v1  }
0x32f: {  	s2 =	sadd.s32 $0x400, s2;
	[tilespmem:s1+$0x70] =	vst v3;
	v3 =	vmul.f32 $8.000000000e+00, v7;
	v1 =	vld [tilespmem:s26+$0xFFFFFFF0];
	s26 =	smov.u32 s28;
	s28 =	smov.u32 s5  }
0x330: {  	_ = 	snop  }
0x331: {  	v6 =	vmul.f32 $8.000000000e+00, v6;
	_ =	sdelay $0x1  }
0x332: {  	v7 =	vld [tilespmem:s30+$0x80];
	[tilespmem:s1+$0xFFFFFE70] =	vst v6  }
0x333: {  	v6 =	vld [tilespmem:s30+$0xFFFFFE80];
	_ =	sdelay $0x3  }
0x334: {  	v7 =	vmul.f32 $8.000000000e+00, v7  }
0x335: {  	v6 =	vmul.f32 $8.000000000e+00, v6  }
0x336: {  	[tilespmem:s31+$0x80] =	vst v7  }
0x337: {  	v7 =	vld [tilespmem:s30+$0x90];
	[tilespmem:s31+$0xFFFFFE80] =	vst v6  }
0x338: {  	v6 =	vld [tilespmem:s30+$0xFFFFFE90];
	_ =	sdelay $0x3  }
0x339: {  	v7 =	vmul.f32 $8.000000000e+00, v7  }
0x33a: {  	v6 =	vmul.f32 $8.000000000e+00, v6  }
0x33b: {  	[tilespmem:s31+$0x90] =	vst v7  }
0x33c: {  	v7 =	vld [tilespmem:s30+$0xA0];
	[tilespmem:s31+$0xFFFFFE90] =	vst v6  }
0x33d: {  	v6 =	vld [tilespmem:s30+$0xFFFFFEA0];
	_ =	sdelay $0x3  }
0x33e: {  	v7 =	vmul.f32 $8.000000000e+00, v7  }
0x33f: {  	v6 =	vmul.f32 $8.000000000e+00, v6  }
0x340: {  	[tilespmem:s31+$0xA0] =	vst v7  }
0x341: {  	v7 =	vld [tilespmem:s30+$0xB0];
	[tilespmem:s31+$0xFFFFFEA0] =	vst v6  }
0x342: {  	v6 =	vld [tilespmem:s30+$0xFFFFFEB0];
	_ =	sdelay $0x3  }
0x343: {  	v7 =	vmul.f32 $8.000000000e+00, v7  }
0x344: {  	v6 =	vmul.f32 $8.000000000e+00, v6  }
0x345: {  	[tilespmem:s31+$0xB0] =	vst v7  }
0x346: {  	v7 =	vld [tilespmem:s30+$0xC0];
	[tilespmem:s31+$0xFFFFFEB0] =	vst v6  }
0x347: {  	v6 =	vld [tilespmem:s30+$0xFFFFFEC0];
	_ =	sdelay $0x3  }
0x348: {  	v7 =	vmul.f32 $8.000000000e+00, v7  }
0x349: {  	v6 =	vmul.f32 $8.000000000e+00, v6  }
0x34a: {  	[tilespmem:s31+$0xC0] =	vst v7  }
0x34b: {  	v7 =	vld [tilespmem:s30+$0xD0];
	[tilespmem:s31+$0xFFFFFEC0] =	vst v6  }
0x34c: {  	v6 =	vld [tilespmem:s30+$0xFFFFFED0];
	_ =	sdelay $0x3  }
0x34d: {  	v7 =	vmul.f32 $8.000000000e+00, v7  }
0x34e: {  	v6 =	vmul.f32 $8.000000000e+00, v6  }
0x34f: {  	[tilespmem:s31+$0xD0] =	vst v7  }
0x350: {  	v7 =	vld [tilespmem:s30+$0xE0];
	[tilespmem:s31+$0xFFFFFED0] =	vst v6  }
0x351: {  	v6 =	vld [tilespmem:s30+$0xFFFFFEE0];
	_ =	sdelay $0x3  }
0x352: {  	v7 =	vmul.f32 $8.000000000e+00, v7  }
0x353: {  	v6 =	vmul.f32 $8.000000000e+00, v6  }
0x354: {  	[tilespmem:s31+$0xE0] =	vst v7  }
0x355: {  	v7 =	vld [tilespmem:s30+$0xF0];
	[tilespmem:s31+$0xFFFFFEE0] =	vst v6  }
0x356: {  	v6 =	vld [tilespmem:s30+$0xFFFFFEF0];
	_ =	sdelay $0x2  }
0x357: {  	v4 =	vmul.f32 $8.000000000e+00, v4  }
0x358: {  	[tilespmem:s29+$0xF0] =	vst v5;
	v29 =	vmul.f32 $8.000000000e+00, v7  }
0x359: {  	v30 =	vld [tilespmem:s28+$0x100];
	[tilespmem:s29+$0xFFFFFEF0] =	vst v4;
	v31 =	vmul.f32 $8.000000000e+00, v6  }
0x35a: {  	v32 =	vld [tilespmem:s28+$0xFFFFFF00];
	[tilespmem:s31+$0xF0] =	vst v29  }
0x35b: {  	v5 =	vld [tilespmem:s30+$0x100];
	[tilespmem:s31+$0xFFFFFEF0] =	vst v31  }
0x35c: {  	v4 =	vld [tilespmem:s30+$0xFFFFFF00];
	_ =	sdelay $0x1  }
0x35d: {  	v7 =	vmul.f32 $8.000000000e+00, v30  }
0x35e: {  	v6 =	vmul.f32 $8.000000000e+00, v32  }
0x35f: {  	[tilespmem:s29+$0x100] =	vst v7;
	v5 =	vmul.f32 $8.000000000e+00, v5  }
0x360: {  	v7 =	vld [tilespmem:s28+$0x110];
	[tilespmem:s29+$0xFFFFFF00] =	vst v6;
	v4 =	vmul.f32 $8.000000000e+00, v4  }
0x361: {  	v6 =	vld [tilespmem:s28+$0xFFFFFF10];
	[tilespmem:s31+$0x100] =	vst v5  }
0x362: {  	v5 =	vld [tilespmem:s30+$0x110];
	[tilespmem:s31+$0xFFFFFF00] =	vst v4  }
0x363: {  	v4 =	vld [tilespmem:s30+$0xFFFFFF10];
	_ =	sdelay $0x1  }
0x364: {  	v7 =	vmul.f32 $8.000000000e+00, v7  }
0x365: {  	v6 =	vmul.f32 $8.000000000e+00, v6  }
0x366: {  	[tilespmem:s29+$0x110] =	vst v7;
	v5 =	vmul.f32 $8.000000000e+00, v5  }
0x367: {  	v7 =	vld [tilespmem:s28+$0x120];
	[tilespmem:s29+$0xFFFFFF10] =	vst v6;
	v4 =	vmul.f32 $8.000000000e+00, v4  }
0x368: {  	v6 =	vld [tilespmem:s28+$0xFFFFFF20];
	[tilespmem:s31+$0x110] =	vst v5  }
0x369: {  	v5 =	vld [tilespmem:s30+$0x120];
	[tilespmem:s31+$0xFFFFFF10] =	vst v4  }
0x36a: {  	v4 =	vld [tilespmem:s30+$0xFFFFFF20];
	_ =	sdelay $0x1  }
0x36b: {  	v7 =	vmul.f32 $8.000000000e+00, v7  }
0x36c: {  	v6 =	vmul.f32 $8.000000000e+00, v6  }
0x36d: {  	[tilespmem:s29+$0x120] =	vst v7;
	v5 =	vmul.f32 $8.000000000e+00, v5  }
0x36e: {  	v7 =	vld [tilespmem:s28+$0x130];
	[tilespmem:s29+$0xFFFFFF20] =	vst v6;
	v4 =	vmul.f32 $8.000000000e+00, v4  }
0x36f: {  	v6 =	vld [tilespmem:s28+$0xFFFFFF30];
	[tilespmem:s31+$0x120] =	vst v5  }
0x370: {  	v5 =	vld [tilespmem:s30+$0x130];
	[tilespmem:s31+$0xFFFFFF20] =	vst v4  }
0x371: {  	v4 =	vld [tilespmem:s30+$0xFFFFFF30];
	_ =	sdelay $0x1  }
0x372: {  	v7 =	vmul.f32 $8.000000000e+00, v7  }
0x373: {  	v6 =	vmul.f32 $8.000000000e+00, v6  }
0x374: {  	[tilespmem:s29+$0x130] =	vst v7;
	v5 =	vmul.f32 $8.000000000e+00, v5  }
0x375: {  	v7 =	vld [tilespmem:s28+$0x140];
	[tilespmem:s29+$0xFFFFFF30] =	vst v6;
	v4 =	vmul.f32 $8.000000000e+00, v4  }
0x376: {  	v6 =	vld [tilespmem:s28+$0xFFFFFF40];
	[tilespmem:s31+$0x130] =	vst v5  }
0x377: {  	v5 =	vld [tilespmem:s30+$0x140];
	[tilespmem:s31+$0xFFFFFF30] =	vst v4  }
0x378: {  	v4 =	vld [tilespmem:s30+$0xFFFFFF40];
	_ =	sdelay $0x1  }
0x379: {  	v7 =	vmul.f32 $8.000000000e+00, v7  }
0x37a: {  	v6 =	vmul.f32 $8.000000000e+00, v6  }
0x37b: {  	[tilespmem:s29+$0x140] =	vst v7;
	v5 =	vmul.f32 $8.000000000e+00, v5  }
0x37c: {  	v7 =	vld [tilespmem:s28+$0x150];
	[tilespmem:s29+$0xFFFFFF40] =	vst v6;
	v4 =	vmul.f32 $8.000000000e+00, v4  }
0x37d: {  	v6 =	vld [tilespmem:s28+$0xFFFFFF50];
	[tilespmem:s31+$0x140] =	vst v5  }
0x37e: {  	v5 =	vld [tilespmem:s30+$0x150];
	[tilespmem:s31+$0xFFFFFF40] =	vst v4  }
0x37f: {  	v4 =	vld [tilespmem:s30+$0xFFFFFF50];
	_ =	sdelay $0x1  }
0x380: {  	v7 =	vmul.f32 $8.000000000e+00, v7  }
0x381: {  	v6 =	vmul.f32 $8.000000000e+00, v6  }
0x382: {  	[tilespmem:s29+$0x150] =	vst v7;
	v5 =	vmul.f32 $8.000000000e+00, v5  }
0x383: {  	v7 =	vld [tilespmem:s28+$0x160];
	[tilespmem:s29+$0xFFFFFF50] =	vst v6;
	v4 =	vmul.f32 $8.000000000e+00, v4  }
0x384: {  	v6 =	vld [tilespmem:s28+$0xFFFFFF60];
	[tilespmem:s31+$0x150] =	vst v5  }
0x385: {  	v5 =	vld [tilespmem:s30+$0x160];
	[tilespmem:s31+$0xFFFFFF50] =	vst v4  }
0x386: {  	v4 =	vld [tilespmem:s30+$0xFFFFFF60];
	_ =	sdelay $0x1  }
0x387: {  	v7 =	vmul.f32 $8.000000000e+00, v7  }
0x388: {  	v6 =	vmul.f32 $8.000000000e+00, v6  }
0x389: {  	[tilespmem:s29+$0x160] =	vst v7;
	v5 =	vmul.f32 $8.000000000e+00, v5  }
0x38a: {  	v7 =	vld [tilespmem:s28+$0x170];
	[tilespmem:s29+$0xFFFFFF60] =	vst v6;
	v4 =	vmul.f32 $8.000000000e+00, v4  }
0x38b: {  	v6 =	vld [tilespmem:s28+$0xFFFFFF70];
	[tilespmem:s31+$0x160] =	vst v5  }
0x38c: {  	v5 =	vld [tilespmem:s30+$0x170];
	[tilespmem:s31+$0xFFFFFF60] =	vst v4  }
0x38d: {  	v4 =	vld [tilespmem:s30+$0xFFFFFF70]  }
0x38e: {  	v2 =	vmul.f32 $8.000000000e+00, v2  }
0x38f: {  	[tilespmem:s25+$0x170] =	vst v3;
	v33 =	vmul.f32 $8.000000000e+00, v7  }
0x390: {  	v34 =	vld [tilespmem:s26+$0x180];
	[tilespmem:s25+$0xFFFFFF70] =	vst v2;
	v35 =	vmul.f32 $8.000000000e+00, v6  }
0x391: {  	v36 =	vld [tilespmem:s26+$0xFFFFFF80];
	[tilespmem:s29+$0x170] =	vst v33;
	v37 =	vmul.f32 $8.000000000e+00, v5  }
0x392: {  	v38 =	vld [tilespmem:s28+$0x180];
	[tilespmem:s29+$0xFFFFFF70] =	vst v35;
	v39 =	vmul.f32 $8.000000000e+00, v4  }
0x393: {  	v40 =	vld [tilespmem:s28+$0xFFFFFF80];
	[tilespmem:s31+$0x170] =	vst v37  }
0x394: {  	v3 =	vld [tilespmem:s30+$0x180];
	[tilespmem:s31+$0xFFFFFF70] =	vst v39  }
0x395: {  	v41 =	vmul.f32 $8.000000000e+00, v34;
	v42 =	vld [tilespmem:s30+$0xFFFFFF80]  }
0x396: {  	v6 =	vmul.f32 $8.000000000e+00, v36  }
0x397: {  	[tilespmem:s25+$0x180] =	vst v41;
	v43 =	vmul.f32 $8.000000000e+00, v38  }
0x398: {  	v44 =	vld [tilespmem:s26+$0x190];
	[tilespmem:s25+$0xFFFFFF80] =	vst v6;
	v4 =	vmul.f32 $8.000000000e+00, v40  }
0x399: {  	v6 =	vld [tilespmem:s26+$0xFFFFFF90];
	[tilespmem:s29+$0x180] =	vst v43;
	v45 =	vmul.f32 $8.000000000e+00, v3  }
0x39a: {  	v46 =	vld [tilespmem:s28+$0x190];
	[tilespmem:s29+$0xFFFFFF80] =	vst v4;
	v47 =	vmul.f32 $8.000000000e+00, v42  }
0x39b: {  	v48 =	vld [tilespmem:s28+$0xFFFFFF90];
	[tilespmem:s31+$0x180] =	vst v45  }
0x39c: {  	v2 =	vld [tilespmem:s30+$0x190];
	[tilespmem:s31+$0xFFFFFF80] =	vst v47  }
0x39d: {  	v49 =	vmul.f32 $8.000000000e+00, v44;
	v50 =	vld [tilespmem:s30+$0xFFFFFF90]  }
0x39e: {  	v6 =	vmul.f32 $8.000000000e+00, v6  }
0x39f: {  	[tilespmem:s25+$0x190] =	vst v49;
	v3 =	vmul.f32 $8.000000000e+00, v46  }
0x3a0: {  	v4 =	vld [tilespmem:s26+$0x1A0];
	[tilespmem:s25+$0xFFFFFF90] =	vst v6;
	v51 =	vmul.f32 $8.000000000e+00, v48  }
0x3a1: {  	v52 =	vld [tilespmem:s26+$0xFFFFFFA0];
	[tilespmem:s29+$0x190] =	vst v3;
	v2 =	vmul.f32 $8.000000000e+00, v2  }
0x3a2: {  	v3 =	vld [tilespmem:s28+$0x1A0];
	[tilespmem:s29+$0xFFFFFF90] =	vst v51;
	v5 =	vmul.f32 $8.000000000e+00, v50  }
0x3a3: {  	v6 =	vld [tilespmem:s28+$0xFFFFFFA0];
	[tilespmem:s31+$0x190] =	vst v2  }
0x3a4: {  	v2 =	vld [tilespmem:s30+$0x1A0];
	[tilespmem:s31+$0xFFFFFF90] =	vst v5  }
0x3a5: {  	v4 =	vmul.f32 $8.000000000e+00, v4;
	v5 =	vld [tilespmem:s30+$0xFFFFFFA0]  }
0x3a6: {  	v7 =	vmul.f32 $8.000000000e+00, v52  }
0x3a7: {  	[tilespmem:s25+$0x1A0] =	vst v4;
	v3 =	vmul.f32 $8.000000000e+00, v3  }
0x3a8: {  	v4 =	vld [tilespmem:s26+$0x1B0];
	[tilespmem:s25+$0xFFFFFFA0] =	vst v7;
	v6 =	vmul.f32 $8.000000000e+00, v6  }
0x3a9: {  	v7 =	vld [tilespmem:s26+$0xFFFFFFB0];
	[tilespmem:s29+$0x1A0] =	vst v3;
	v2 =	vmul.f32 $8.000000000e+00, v2  }
0x3aa: {  	v3 =	vld [tilespmem:s28+$0x1B0];
	[tilespmem:s29+$0xFFFFFFA0] =	vst v6;
	v5 =	vmul.f32 $8.000000000e+00, v5  }
0x3ab: {  	v6 =	vld [tilespmem:s28+$0xFFFFFFB0];
	[tilespmem:s31+$0x1A0] =	vst v2  }
0x3ac: {  	v2 =	vld [tilespmem:s30+$0x1B0];
	[tilespmem:s31+$0xFFFFFFA0] =	vst v5  }
0x3ad: {  	v4 =	vmul.f32 $8.000000000e+00, v4;
	v5 =	vld [tilespmem:s30+$0xFFFFFFB0]  }
0x3ae: {  	v7 =	vmul.f32 $8.000000000e+00, v7  }
0x3af: {  	[tilespmem:s25+$0x1B0] =	vst v4;
	v3 =	vmul.f32 $8.000000000e+00, v3  }
0x3b0: {  	v4 =	vld [tilespmem:s26+$0x1C0];
	[tilespmem:s25+$0xFFFFFFB0] =	vst v7;
	v6 =	vmul.f32 $8.000000000e+00, v6  }
0x3b1: {  	v7 =	vld [tilespmem:s26+$0xFFFFFFC0];
	[tilespmem:s29+$0x1B0] =	vst v3;
	v2 =	vmul.f32 $8.000000000e+00, v2  }
0x3b2: {  	v3 =	vld [tilespmem:s28+$0x1C0];
	[tilespmem:s29+$0xFFFFFFB0] =	vst v6;
	v5 =	vmul.f32 $8.000000000e+00, v5  }
0x3b3: {  	v6 =	vld [tilespmem:s28+$0xFFFFFFC0];
	[tilespmem:s31+$0x1B0] =	vst v2  }
0x3b4: {  	v2 =	vld [tilespmem:s30+$0x1C0];
	[tilespmem:s31+$0xFFFFFFB0] =	vst v5  }
0x3b5: {  	v4 =	vmul.f32 $8.000000000e+00, v4;
	v5 =	vld [tilespmem:s30+$0xFFFFFFC0]  }
0x3b6: {  	v7 =	vmul.f32 $8.000000000e+00, v7  }
0x3b7: {  	[tilespmem:s25+$0x1C0] =	vst v4;
	v3 =	vmul.f32 $8.000000000e+00, v3  }
0x3b8: {  	v4 =	vld [tilespmem:s26+$0x1D0];
	[tilespmem:s25+$0xFFFFFFC0] =	vst v7;
	v6 =	vmul.f32 $8.000000000e+00, v6  }
0x3b9: {  	v7 =	vld [tilespmem:s26+$0xFFFFFFD0];
	[tilespmem:s29+$0x1C0] =	vst v3;
	v2 =	vmul.f32 $8.000000000e+00, v2  }
0x3ba: {  	v3 =	vld [tilespmem:s28+$0x1D0];
	[tilespmem:s29+$0xFFFFFFC0] =	vst v6;
	v5 =	vmul.f32 $8.000000000e+00, v5  }
0x3bb: {  	v6 =	vld [tilespmem:s28+$0xFFFFFFD0];
	[tilespmem:s31+$0x1C0] =	vst v2  }
0x3bc: {  	v2 =	vld [tilespmem:s30+$0x1D0];
	[tilespmem:s31+$0xFFFFFFC0] =	vst v5  }
0x3bd: {  	v4 =	vmul.f32 $8.000000000e+00, v4;
	v5 =	vld [tilespmem:s30+$0xFFFFFFD0]  }
0x3be: {  	v7 =	vmul.f32 $8.000000000e+00, v7  }
0x3bf: {  	[tilespmem:s25+$0x1D0] =	vst v4;
	v3 =	vmul.f32 $8.000000000e+00, v3  }
0x3c0: {  	v4 =	vld [tilespmem:s26+$0x1E0];
	[tilespmem:s25+$0xFFFFFFD0] =	vst v7;
	v6 =	vmul.f32 $8.000000000e+00, v6  }
0x3c1: {  	v7 =	vld [tilespmem:s26+$0xFFFFFFE0];
	[tilespmem:s29+$0x1D0] =	vst v3;
	v2 =	vmul.f32 $8.000000000e+00, v2  }
0x3c2: {  	v3 =	vld [tilespmem:s28+$0x1E0];
	[tilespmem:s29+$0xFFFFFFD0] =	vst v6;
	v5 =	vmul.f32 $8.000000000e+00, v5  }
0x3c3: {  	v6 =	vld [tilespmem:s28+$0xFFFFFFE0];
	[tilespmem:s31+$0x1D0] =	vst v2  }
0x3c4: {  	v2 =	vld [tilespmem:s30+$0x1E0];
	[tilespmem:s31+$0xFFFFFFD0] =	vst v5  }
0x3c5: {  	v4 =	vmul.f32 $8.000000000e+00, v4;
	v5 =	vld [tilespmem:s30+$0xFFFFFFE0]  }
0x3c6: {  	v7 =	vmul.f32 $8.000000000e+00, v7  }
0x3c7: {  	[tilespmem:s25+$0x1E0] =	vst v4;
	v3 =	vmul.f32 $8.000000000e+00, v3  }
0x3c8: {  	[tilespmem:s25+$0xFFFFFFE0] =	vst v7;
	v4 =	vld [tilespmem:s26+$0x1F0];
	v6 =	vmul.f32 $8.000000000e+00, v6  }
0x3c9: {  	v53 =	vld [tilespmem:s26+$0xFFFFFFF0];
	[tilespmem:s29+$0x1E0] =	vst v3;
	v2 =	vmul.f32 $8.000000000e+00, v2  }
0x3ca: {  	v54 =	vld [tilespmem:s28+$0x1F0];
	[tilespmem:s29+$0xFFFFFFE0] =	vst v6;
	v5 =	vmul.f32 $8.000000000e+00, v5  }
0x3cb: {  	v0 =	vmul.f32 $8.000000000e+00, v0;
	v55 =	vld [tilespmem:s28+$0xFFFFFFF0];
	[tilespmem:s31+$0x1E0] =	vst v2  }
0x3cc: {  	v1 =	vmul.f32 $8.000000000e+00, v1;
	v56 =	vld [tilespmem:s30+$0x1F0];
	[tilespmem:s31+$0xFFFFFFE0] =	vst v5  }
0x3cd: {  	[tilespmem:s24+$0x1F0] =	vst v0;
	v57 =	vmul.f32 $8.000000000e+00, v4;
	v58 =	vld [tilespmem:s30+$0xFFFFFFF0]  }
0x3ce: {  	[tilespmem:s24+$0xFFFFFFF0] =	vst v1;
	v59 =	vmul.f32 $8.000000000e+00, v53  }
0x3cf: {  	[tilespmem:s25+$0x1F0] =	vst v57;
	v60 =	vmul.f32 $8.000000000e+00, v54  }
0x3d0: {  	p0 =	seq.s32 s22, $0x31;
	[tilespmem:s25+$0xFFFFFFF0] =	vst v59;
	v61 =	vmul.f32 $8.000000000e+00, v55  }
.Ltmp7:
0x3d1: {  	[tilespmem:s29+$0x1F0] =	vst v60;
	v62 =	vmul.f32 $8.000000000e+00, v56;
	(pc) =	sbr.rel @p0 .LBB2_12-.Ltmp7, $4  }
0x3d2: {  	[tilespmem:s29+$0xFFFFFFF0] =	vst v61;
	v63 =	vmul.f32 $8.000000000e+00, v58  }
0x3d3: {  	s0 =	sshll.u32 s22, $0xD;
	[tilespmem:s31+$0x1F0] =	vst v62  }
0x3d4: {  	s0 =	sadd.s32 s8, s0;
	[tilespmem:s31+$0xFFFFFFF0] =	vst v63  }
0x3d5: {  	[hbm4b:s0+s14] =	stream.strided.scatter [tilespmem:s19], [sflag:$0x4], $0x4000, s15, s14, $0x38;
	[tilespmem:$0x16400] =	vst v63  }
.Ltmp8:
0x3d6: {  	(pc) =	sbr.rel .LBB2_2-.Ltmp8, $4  }
0x3d7: {  	_ = 	snop  }
0x3d8: {  	s0 =	sshrl.u32 s23, $0x2  }
0x3d9: {  	s22 =	sadd.s32 $0x1, s22;
	s0 =	sadd.s32 $0x300, s0  }
0x3da: {  	[tilespmem:s12], [sflag:$0x2] =	stream.indirect.gather [hbm4b:s3+s10], $0x40, s0, s10, $0xb8;
	[tilespmem:$0x16400] =	vst v63  }
.LBB2_13:
0x3db: {  	_ =	sfence.sel $0x180000  }
0x3dc: {  	[bflag:$0x0] =	sbarrier.arrive $0xFFFF  }
0x3dd: {  	_ =	strace $0x9000004D  }
0x3de: {  	s0 =	stileid.u32;
	[bflag:$0x2] =	sbarrier.arrive $0xFFFF  }
0x3df: {  	p0 =	sne.s32 s0, $0x0;
	s0 =	rddreg [dreg:$0x2]  }
0x3e0: {  	s0 =	sadd.s32 @!p0 $0x100000, s0  }
0x3e1: {  	[sflag:s0] =	ssyncadd.tile.s32 @!p0 $0x1;
	_ =	shalt  }
.Lfunc_end2:
_tile_overlayer_lowered:
.L_overlay_start_2:
0x3e2: {  	(tag) =	ssettag $0x2  }
0x3e3: {  	s0 =	rddreg [dreg:$0x0];
	s2 =	stileid.u32  }
0x3e4: {  	s1 =	rddreg [dreg:$0x1];
	p0 =	sne.s32 s2, $0x0  }
0x3e5: {  	s3 =	rddreg [dreg:$0x2];
	[bflag:$0x3] =	sbarrier.arrive $0xFFFF;
	s2 =	simm.s32 @!p0 $0x1C05  }
0x3e6: {  	[timem:s3], [sflag:s2] =	dma.local @!p0 [hbm:s0], s1  }
0x3e7: {  	s0 =	simm.s32 @!p0 $0x5  }
0x3e8: {  	_ =	swait.ge @!p0 [sflag:s0], s1  }
0x3e9: {  	s1 =	ssub.s32 @!p0 $0x0, s1;
	[sflag:s0] =	ssyncset.done @!p0 $0x0  }
0x3ea: {  	[sflag:s0] =	ssyncadd.s32 @!p0 s1  }
0x3eb: {  	[bflag:$0x3] =	sbarrier.arrive $0xFFFF  }
0x3ec: {  	_ =	shalt  }

// kernel: sparse-core-data-format-call.1.cloned.1.call-start
scs
called_computation.1_lowered:
.L_overlay_start_0:
0x0: {  	s2 =	sld [smem:$0x3FD9]  }
0x1: {  	s3 =	sld [smem:$0x3FFE];
	_ =	sdelay $0x1  }
0x2: {  	s1 =	srdreg.scid  }
0x3: {  	s0 =	sand.u32 $0x1, s1  }
0x4: {  	s18 =	sshll.u32 s0, $0xA;
	s2 =	sadd.s32 s3, s2  }
0x5: {  	s2 =	sadd.s32 s2, s18  }
0x6: {  	[smem:$0x3FC6] =	sst s2  }
0x7: {  	_ = 	snop  }
0x8: {  	s2 =	sld [smem:$0x3FC8];
	(tm) =	ssettm $0x1  }
0x9: {  	s19 =	sld [smem:$0x3FFB];
	_ =	sdelay $0x3  }
0xa: {  	_ =	strace s19  }
0xb: {  	s3 =	sld [smem:$0x3FFC];
	_ =	sdelay $0x3  }
0xc: {  	_ =	strace s3  }
0xd: {  	s3 =	sld [smem:$0x3FFD];
	_ =	sdelay $0x3  }
0xe: {  	_ =	strace s3  }
0xf: {  	_ =	strace $0x8FFFFFFF  }
0x10: {  	s20 =	sld [smem:$0x3FDB];
	_ =	sdelay $0x1  }
0x11: {  	s4 =	simm.s32 $_scs_section_size  }
0x12: {  	s5 =	simm.s32 $_size__tile_overlayer_lowered;
	s6 =	simm.s32 $_tile_overlayer_lowered  }
0x13: {  	s23 =	simm.s32 $0x1BFF;
	s22 =	sshll.u32 s6, $0x1;
	s3 =	sadd.s32 s4, s20  }
0x14: {  	s7 =	simm.s32 $0x0;
	s21 =	sshll.u32 s5, $0x1;
	s5 =	sadd.s32 s22, s3  }
0x15: {  	[timem:s7], [sflag:s23] =	dma.local [hbm:s5], s21  }
0x16: {  	_ =	swait.ge [sflag:s23], s21  }
0x17: {  	s4 =	ssub.s32 $0x0, s21;
	[sflag:s23] =	ssyncset.done $0x0  }
0x18: {  	[sflag:s23] =	ssyncadd.s32 s4;
	_ =	sdelay $0x1  }
0x19: {  	s24 =	simm.s32 $0x1B8B  }
0x1a: {  	_ =	swait.ge [sflag:s24], $0x1  }
0x1b: {  	[sflag:s24] =	ssyncset.done $0x0  }
0x1c: {  	s26 =	simm.s32 $0x1B8E;
	s25 =	sld [smem:$0x3FFE];
	[sflag:s24] =	ssyncadd.s32 $0xFFFFFFFF  }
0x1d: {  	s27 =	simm.s32 $execute0_lowered;
	[smem:$0x3FD2] =	sst s26  }
0x1e: {  	s5 =	sshll.u32 s27, $0x1;
	_ =	strace $0x80000046;
	[dreg:$0x1] =	wrdreg $0xFFFFFFFF  }
0x1f: {  	s28 =	simm.s32 $_size_execute0_lowered;
	s3 =	sadd.s32 s3, s5;
	[dreg:$0x0] =	wrdreg $0x0  }
0x20: {  	s5 =	sshll.u32 s28, $0x1;
	[dreg:$0x2] =	wrdreg s3  }
0x21: {  	[dreg:$0x3] =	wrdreg s5  }
0x22: {  	[dreg:$0x4] =	wrdreg $0xC0  }
0x23: {  	_ =	task [dreg:s7], $0x5FFFF  }
0x24: {  	[dreg:$0x1] =	wrdreg $0xFFFFFFFF  }
0x25: {  	[dreg:$0x0] =	wrdreg $0x60  }
0x26: {  	[dreg:$0x2] =	wrdreg s2  }
0x27: {  	[dreg:$0x3] =	wrdreg s25  }
0x28: {  	[dreg:$0x4] =	wrdreg $0x9  }
0x29: {  	_ =	task.clear_ibuf [dreg:s7], $0x5FFFF;
	_ =	strace $0x90000046  }
0x2a: {  	s29 =	simm.s32 $0x9;
	_ =	strace $0x80000048  }
0x2b: {  	_ =	swait.ge [sflag:s29], $0x1  }
0x2c: {  	[sflag:s29] =	ssyncadd.s32 $0xFFFFFFFF  }
0x2d: {  	_ =	strace $0x90000048  }
0x2e: {  	_ =	sfence  }
0x2f: {  	s30 =	sld [smem:$0x0];
	_ =	sdelay $0x2  }
0x30: {  	s31 =	sshll.u32 s1, $0xD;
	s1 =	sshrl.u32 s1, $0x2  }
0x31: {  	s3 =	sand.u32 $0x4000, s31;
	s1 =	sadd.s32 s1, s30  }
0x32: {  	s0 =	sor.u32 s3, s0;
	s1 =	sshll.u32 s1, $0x11  }
0x33: {  	s0 =	sor.u32 s1, s0  }
0x34: {  	s0 =	sadd.s32 $0x8F2B, s0  }
0x35: {  	[sflag:s0] =	ssyncadd.remote.s32 $0x1  }
0x36: {  	_ =	sfence.sel $0xFFFF  }
0x37: {  	[dreg:$0x0] =	wrdreg $0xFFFFFFFF;
	(pc) =	sbr.abs _section_cstart, $3  }
0x38: {  	[dreg:$0x1] =	wrdreg $0xFFFFFFFF  }
0x39: {  	_ =	task.clear_ibuf [dreg:s7], $0x2FFFF;
	_ =	strace $0x9FFFFFFF  }
0x3a: {  	(tm) =	ssettm $0x7FFFFFFF  }
0x3b: {  	_ =	shalt  }
tec
execute0_lowered:
.L_overlay_start_1:
0x0: {  	(tag) =	ssettag $0x1  }
0x1: {  	s0 =	srdreg.scid;
	s2 =	rddreg [dreg:$0x0]  }
0x2: {  	s5 =	rddreg [dreg:$0x1];
	s1 =	stileid.u32  }
0x3: {  	s4 =	simm.s32 $0x1;
	s6 =	simm.s32 $0x2;
	s15 =	simm.s32 $0x0  }
0x4: {  	p0 =	por $0x0, $0x0;
	s8 =	simm.s32 $0x80;
	s0 =	sshll.u32 s0, $0x4  }
0x5: {  	s14 =	simm.s32 $0x0;
	s9 =	simm.s32 $0x0;
	s3 =	sand.u32 $0x10, s0  }
.Ltmp0:
0x6: {  	s10 =	simm.s32 $0x0;
	s3 =	sor.u32 s1, s3;
	(pc) =	sbr.rel .LBB1_1-.Ltmp0, $4  }
0x7: {  	s0 =	rddreg [dreg:$0x2];
	_ =	strace $0x80000047;
	s3 =	sshll.u32 s3, $0x7  }
0x8: {  	s12 =	simm.s32 $0x0;
	[sflag:s4] =	ssyncpa.u1 $0x0;
	s7 =	ssub.s32 $0xF4200, s3  }
0x9: {  	s13 =	simm.s32 $0x0;
	[sflag:s6] =	ssyncpa.u1 $0x0;
	s6 =	sshrl.u32 s7, $0xC  }
0xa: {  	s5 =	sadd.s32 $0x1200, s5;
	s11 =	smov.u32 s3;
	s7 =	sadd.s32 $0x2, s6  }
.LBB1_5:
0xb: {  	p1 =	slt.u32 s13, $0x2  }
0xc: {  	s17 =	smov.u32 s15;
	p2 =	sgt.s32 @!p1 s15, $0xF41C0;
	s16 =	sshra.s32 @!p1 s15, $0x1F  }
0xd: {  	p3 =	sgt.s32 @!p1 s14, $0x40;
	s18 =	sshra.s32 @!p1 s14, $0x1F;
	p2 =	por !p2, p1  }
0xe: {  	s15 =	sand.u32 @!p1 s16, s15;
	p3 =	por !p3, p1;
	s16 =	smov.u32 s14  }
0xf: {  	s14 =	sand.u32 @!p1 s18, s14;
	s17 =	simm.s32 @p2 $0xF41C0;
	s16 =	simm.s32 @p3 $0x40  }
0x10: {  	s15 =	ssub.s32 @!p1 s17, s15;
	s14 =	ssub.s32 @!p1 s16, s14  }
0x11: {  	s18 =	smov.u32 s12;
	s16 =	sadd.s32 @!p1 $0xFFF0BE40, s15;
	s17 =	sadd.s32 @!p1 $0xFFFFFFC0, s14  }
0x12: {  	s15 =	ssub.s32 @!p1 $0xF4240, s15;
	p2 =	sgt.s32 @!p1 s16, $0x7F;
	p3 =	sgt.s32 @!p1 s17, $0x3F  }
0x13: {  	s14 =	ssub.s32 @!p1 $0x80, s14;
	p2 =	por !p2, p1;
	p3 =	por !p3, p1  }
0x14: {  	s16 =	sadd.s32 $0x1000, s11;
	s15 =	simm.s32 @!p2 $0x0;
	s14 =	simm.s32 @!p3 $0x0  }
0x15: {  	p2 =	sgt.s32 s16, $0xF423F;
	s14 =	smul.u32 @!p1 s14, s15;
	s15 =	sadd.s32 $0x40, s12  }
0x16: {  	s18 =	smov.u32 @p2 s15  }
0x17: {  	s16 =	smov.u32 @p2 s3;
	p2 =	sgt.s32 s18, $0x3F  }
0x18: {  	s18 =	simm.s32 @p2 $0x0;
	p2 =	sne.s32 s13, s7  }
.Ltmp1:
0x19: {  	p0 =	por !p0, !p0;
	s17 =	simm.s32 @!p1 $0x2;
	(pc) =	sbr.rel @!p2 .LBB1_6-.Ltmp1, $4  }
0x1a: {  	s15 =	smov.u32 s9;
	s9 =	smov.u32 s11;
	s14 =	sand.u32 @!p1 $0x3FFFFFFF, s14  }
0x1b: {  	s11 =	smov.u32 s16;
	_ =	swait.ge @!p1 [sflag:s17], s14;
	s19 =	ssub.s32 @!p1 $0x0, s14  }
0x1c: {  	s14 =	smov.u32 s10;
	s13 =	sadd.s32 $0x1, s13;
	[sflag:s17] =	ssyncset.done @!p1 $0x0  }
0x1d: {  	s10 =	smov.u32 s12;
	s12 =	smov.u32 s18;
	[sflag:s17] =	ssyncadd.s32 @!p1 s19  }
.LBB1_1:
0x1e: {  	p1 =	sgt.u32 s13, s6  }
0x1f: {  	s16 =	sshrl.u32 @!p1 s12, $0x3  }
0x20: {  	s17 =	sshll.u32 @!p1 s11, $0x3;
	s16 =	smul.u32 @!p1 $0x7A1400, s16  }
0x21: {  	s18 =	sshll.u32 @!p1 s12, $0x7;
	s17 =	sand.u32 @!p1 $0xFFFFFC00, s17  }
0x22: {  	s16 =	sadd.s32 @!p1 s16, s17;
	s17 =	sand.u32 @!p1 $0x380, s18  }
0x23: {  	s18 =	sand.u32 @!p1 $0x7F, s11;
	s16 =	sor.u32 @!p1 s17, s16  }
0x24: {  	s17 =	sor.u32 @!p1 s18, s16  }
0x25: {  	s18 =	smulhi.u32 @!p1 $0x218D6287, s17;
	_ =	sdelay $0x1  }
0x26: {  	s16 =	smulhi.u32 @!p1 $0x218D6287, s16;
	s18 =	sshrl.u32 @!p1 s18, $0x11  }
0x27: {  	s18 =	smul.u32 @!p1 $0xF4280, s18  }
0x28: {  	s19 =	sxor.u32 @!p1 $0xFFFFFFFF, s13;
	s16 =	sshrl.u32 @!p1 s16, $0x11  }
0x29: {  	s19 =	sshll.u32 @!p1 s19, $0xD;
	s16 =	sand.u32 @!p1 $0x3F, s16;
	s17 =	ssub.s32 @!p1 s17, s18  }
0x2a: {  	s16 =	smul.u32 @!p1 $0x1E850, s16;
	s18 =	sshrl.u32 @!p1 s17, $0x3;
	s17 =	sand.u32 @!p1 $0x7, s17  }
0x2b: {  	s19 =	sand.u32 @!p1 $0x2000, s19;
	s18 =	sadd.s32 @!p1 s2, s18;
	s17 =	sshll.u32 @!p1 s17, $0x12  }
0x2c: {  	s16 =	sadd.s32 @!p1 s16, s18;
	s17 =	sor.u32 @!p1 $0x400, s17;
	s18 =	simm.s32 @!p1 $0x7A1400  }
0x2d: {  	[tilespmem:s19], [sflag:$0x1] =	stream.strided.gather @!p1 [hbm4b:s16+s17], $0x2000, s18, s17, $0x38;
	[tilespmem:$0x8100] =	vst v63  }
0x2e: {  	p1 =	seq.s32 s13, $0x0  }
0x2f: {  	p2 =	sge.u32 @!p1 s13, s7  }
0x30: {  	p1 =	por p1, p2  }
.Ltmp2:
0x31: {  	_ = 	snop;
	(pc) =	sbr.rel @p1 .LBB1_5-.Ltmp2, $1  }
0x32: {  	_ =	sdelay $0x3  }
0x33: {  	s16 =	simm.s32 $0x1  }
0x34: {  	_ =	swait.ge [sflag:s4], $0x2000;
	s16 =	simm.s32 @!p0 $0x0  }
0x35: {  	[sflag:s4] =	ssyncset.done $0x0;
	s17 =	sshll.u32 s16, $0xD  }
0x36: {  	[sflag:s4] =	ssyncadd.s32 $0xFFFFE000;
	s17 =	sor.u32 $0x40, s17  }
0x37: {  	s16 =	smul.u32 $0x8200, s16;
	v0 =	vld [tilespmem:s17+$0x30]  }
0x38: {  	v1 =	vld [tilespmem:s17+$0xFFFFFFD0]  }
0x39: {  	s16 =	sshrl.u32 s16, $0x2;
	v5 =	vld [tilespmem:s17+$0xFFFFFFE0]  }
0x3a: {  	v6 =	vld [tilespmem:s17+$0xFFFFFFF0];
	s19 =	sor.u32 $0x4000, s16  }
0x3b: {  	s31 =	sand.u32 $0x1, s13;
	v4 =	vld [tilespmem:s17+$0x0];
	s18 =	sadd.s32 $0x0, s19  }
0x3c: {  	v3 =	vld [tilespmem:s17+$0x10];
	s16 =	smul.u32 $0x8200, s31;
	[tilespmem:s18+$0x1C70 ss:$0x41] =	vst.msk $0xffff, v0  }
0x3d: {  	v2 =	vld [tilespmem:s17+$0x20];
	[tilespmem:s18+$0x410 ss:$0x41] =	vst.msk $0xffff, v1  }
0x3e: {  	s16 =	sshrl.u32 s16, $0x2;
	v1 =	vld [tilespmem:s17+$0xFFFFFFC0];
	[tilespmem:s18+$0x820 ss:$0x41] =	vst.msk $0xffff, v5;
	s17 =	sadd.s32 $0x80, s17  }
0x3f: {  	s20 =	simm.s32 $0x4;
	s21 =	simm.s32 $0x8;
	s16 =	sor.u32 $0x4000, s16;
	[tilespmem:s18+$0xC30 ss:$0x41] =	vst.msk $0xffff, v6;
	v0 =	vld [tilespmem:s17+$0x30]  }
.LBB1_3:
0x40: {  	p1 =	sne.s32 s21, $0xFC;
	v5 =	vld [tilespmem:s17+$0xFFFFFFD0];
	[tilespmem:s18+$0x1040 ss:$0x41] =	vst.msk $0xffff, v4  }
0x41: {  	v6 =	vld [tilespmem:s17+$0xFFFFFFE0];
	[tilespmem:s18+$0x1450 ss:$0x41] =	vst.msk $0xffff, v3  }
0x42: {  	s22 =	sshra.s32 s20, $0x2;
	s20 =	smov.u32 s21;
	v7 =	vld [tilespmem:s17+$0xFFFFFFF0];
	[tilespmem:s18+$0x1860 ss:$0x41] =	vst.msk $0xffff, v2  }
.Ltmp3:
0x43: {  	v4 =	vld [tilespmem:s17+$0x0];
	[tilespmem:s18+$0x0 ss:$0x41] =	vst.msk $0xffff, v1;
	s18 =	sadd.s32 s22, s19;
	(pc) =	sbr.rel @p1 .LBB1_3-.Ltmp3, $4  }
0x44: {  	v3 =	vld [tilespmem:s17+$0x10];
	[tilespmem:s18+$0x1C70 ss:$0x41] =	vst.msk $0xffff, v0  }
0x45: {  	[tilespmem:s18+$0x410 ss:$0x41] =	vst.msk $0xffff, v5;
	v2 =	vld [tilespmem:s17+$0x20]  }
0x46: {  	v1 =	vld [tilespmem:s17+$0xFFFFFFC0];
	[tilespmem:s18+$0x820 ss:$0x41] =	vst.msk $0xffff, v6;
	s17 =	sadd.s32 $0x80, s17  }
0x47: {  	s21 =	sadd.s32 $0x4, s21;
	v0 =	vld [tilespmem:s17+$0x30];
	[tilespmem:s18+$0xC30 ss:$0x41] =	vst.msk $0xffff, v7  }
0x48: {  	s21 =	sshll.u32 s9, $0x7;
	s22 =	sshll.u32 s10, $0x3;
	s20 =	sshra.s32 s20, $0x2  }
0x49: {  	p1 =	sgt.s32 s9, $0xF41C0;
	s30 =	sshra.s32 s9, $0x1F;
	s25 =	sshra.s32 s10, $0x1F  }
0x4a: {  	v5 =	vld [tilespmem:s17+$0xFFFFFFD0];
	s28 =	sshrl.u32 s10, $0x3;
	s23 =	sand.u32 $0xFFFFFC00, s21;
	s22 =	sand.u32 $0xFFFFFC00, s22  }
0x4b: {  	[tilespmem:s18+$0x1040 ss:$0x41] =	vst.msk $0xffff, v4;
	v58 =	vld [tilespmem:s17+$0xFFFFFFE0];
	s21 =	sand.u32 $0x380, s21;
	s19 =	sadd.s32 s20, s19;
	s22 =	sadd.s32 s22, s23  }
0x4c: {  	v59 =	vld [tilespmem:s17+$0xFFFFFFF0];
	[tilespmem:s18+$0x1450 ss:$0x41] =	vst.msk $0xffff, v3;
	s29 =	sor.u32 s21, s22;
	s21 =	smov.u32 s9;
	s22 =	sand.u32 s30, s9  }
0x4d: {  	v60 =	vld [tilespmem:s17+$0x0];
	[tilespmem:s18+$0x1860 ss:$0x41] =	vst.msk $0xffff, v2;
	s30 =	sand.u32 $0x7, s10;
	s20 =	sshrl.u32 s29, $0x7;
	s21 =	simm.s32 @!p1 $0xF41C0  }
0x4e: {  	v61 =	vld [tilespmem:s17+$0x10];
	[tilespmem:s18+$0x0 ss:$0x41] =	vst.msk $0xffff, v1;
	p1 =	sgt.s32 s10, $0x40;
	s24 =	ssub.s32 s21, s22;
	s21 =	smov.u32 s10  }
0x4f: {  	v62 =	vld [tilespmem:s17+$0x20];
	[tilespmem:s19+$0x1C70 ss:$0x41] =	vst.msk $0xffff, v0;
	s31 =	smulhi.u32 $0x218DEF5, s20;
	s22 =	sand.u32 s25, s10;
	s21 =	simm.s32 @!p1 $0x40  }
0x50: {  	v63 =	vld [tilespmem:s17+$0xFFFFFFC0];
	[tilespmem:s19+$0x410 ss:$0x41] =	vst.msk $0xffff, v5;
	s26 =	sadd.s32 $0xFFF0BE40, s24;
	s17 =	ssub.s32 $0xF4240, s24;
	s21 =	ssub.s32 s21, s22  }
0x51: {  	[tilespmem:s19+$0x820 ss:$0x41] =	vst.msk $0xffff, v58;
	s23 =	sshrl.u32 s31, $0xD;
	p1 =	sgt.s32 s26, $0x7F;
	s27 =	sadd.s32 $0xFFFFFFC0, s21  }
0x52: {  	[tilespmem:s19+$0xC30 ss:$0x41] =	vst.msk $0xffff, v59;
	s23 =	smul.u32 $0xF4240, s23;
	s18 =	ssub.s32 $0x80, s21;
	p2 =	sgt.s32 s27, $0x3F  }
.Ltmp4:
0x53: {  	[tilespmem:s19+$0x1040 ss:$0x41] =	vst.msk $0xffff, v60;
	s17 =	simm.s32 @p1 $0x0;
	s18 =	simm.s32 @p2 $0x0;
	(pc) =	sbr.rel .LBB1_5-.Ltmp4, $4  }
0x54: {  	s29 =	sand.u32 $0xF, s28;
	[tilespmem:s19+$0x1450 ss:$0x41] =	vst.msk $0xffff, v61;
	s20 =	ssub.s32 s20, s23;
	s17 =	smul.u32 s18, s17  }
0x55: {  	[tilespmem:s19+$0x1860 ss:$0x41] =	vst.msk $0xffff, v62;
	s21 =	sshll.u32 s30, $0x12;
	s20 =	sshll.u32 s20, $0x4;
	s18 =	sadd.s32 s5, s29  }
0x56: {  	[tilespmem:s19+$0x0 ss:$0x41] =	vst.msk $0xffff, v63;
	s31 =	sor.u32 $0x40, s21;
	s18 =	sadd.s32 s20, s18;
	s17 =	sand.u32 $0x3FFFFFFF, s17  }
0x57: {  	[hbm4b:s18+s31] =	stream.strided.scatter [tilespmem:s16], [sflag:$0x2], s17, s8, s31, $0x18;
	[tilespmem:$0x8100] =	vst v63  }
.LBB1_6:
0x58: {  	_ =	sfence.sel $0x180000  }
0x59: {  	s2 =	simm.s32 $0x1;
	[bflag:$0x0] =	sbarrier.arrive $0xFFFF  }
0x5a: {  	s31 =	simm.s32 $0x2;
	[sflag:s2] =	ssyncpa.u1 $0x1  }
0x5b: {  	[sflag:s31] =	ssyncpa.u1 $0x1  }
0x5c: {  	p0 =	sne.s32 s1, $0x0;
	_ =	strace $0x90000047  }
0x5d: {  	s0 =	sadd.s32 @!p0 $0x100000, s0;
	[bflag:$0x2] =	sbarrier.arrive $0xFFFF  }
0x5e: {  	[sflag:s0] =	ssyncadd.tile.s32 @!p0 $0x1;
	_ =	shalt  }
.Lfunc_end1:
_tile_overlayer_lowered:
.L_overlay_start_2:
0x5f: {  	(tag) =	ssettag $0x2  }
0x60: {  	s0 =	rddreg [dreg:$0x0];
	s2 =	stileid.u32  }
0x61: {  	s1 =	rddreg [dreg:$0x1];
	p0 =	sne.s32 s2, $0x0  }
0x62: {  	s3 =	rddreg [dreg:$0x2];
	[bflag:$0x3] =	sbarrier.arrive $0xFFFF;
	s2 =	simm.s32 @!p0 $0x1C01  }
0x63: {  	[timem:s3], [sflag:s2] =	dma.local @!p0 [hbm:s0], s1  }
0x64: {  	s0 =	simm.s32 @!p0 $0x1  }
0x65: {  	_ =	swait.ge @!p0 [sflag:s0], s1  }
0x66: {  	s1 =	ssub.s32 @!p0 $0x0, s1;
	[sflag:s0] =	ssyncset.done @!p0 $0x0  }
0x67: {  	[sflag:s0] =	ssyncadd.s32 @!p0 s1  }
0x68: {  	[bflag:$0x3] =	sbarrier.arrive $0xFFFF  }
0x69: {  	_ =	shalt  }

// kernel: sparse-core-data-format-call.cloned.1.call-start
scs
called_computation_lowered:
.L_overlay_start_0:
0x0: {  	s2 =	sld [smem:$0x3FD9]  }
0x1: {  	s3 =	sld [smem:$0x3FFE];
	_ =	sdelay $0x1  }
0x2: {  	s1 =	srdreg.scid  }
0x3: {  	s0 =	sand.u32 $0x1, s1  }
0x4: {  	s18 =	sshll.u32 s0, $0xA;
	s2 =	sadd.s32 s3, s2  }
0x5: {  	s2 =	sadd.s32 s2, s18  }
0x6: {  	[smem:$0x3FC6] =	sst s2  }
0x7: {  	_ = 	snop  }
0x8: {  	s2 =	sld [smem:$0x3FD0];
	(tm) =	ssettm $0x1  }
0x9: {  	s19 =	sld [smem:$0x3FFB];
	_ =	sdelay $0x3  }
0xa: {  	_ =	strace s19  }
0xb: {  	s3 =	sld [smem:$0x3FFC];
	_ =	sdelay $0x3  }
0xc: {  	_ =	strace s3  }
0xd: {  	s3 =	sld [smem:$0x3FFD];
	_ =	sdelay $0x3  }
0xe: {  	_ =	strace s3  }
0xf: {  	_ =	strace $0x8FFFFFFF  }
0x10: {  	s20 =	sld [smem:$0x3FDB];
	_ =	sdelay $0x1  }
0x11: {  	s4 =	simm.s32 $_scs_section_size  }
0x12: {  	s5 =	simm.s32 $_size__tile_overlayer_lowered;
	s6 =	simm.s32 $_tile_overlayer_lowered  }
0x13: {  	s23 =	simm.s32 $0x1BFF;
	s22 =	sshll.u32 s6, $0x1;
	s3 =	sadd.s32 s4, s20  }
0x14: {  	s7 =	simm.s32 $0x0;
	s21 =	sshll.u32 s5, $0x1;
	s5 =	sadd.s32 s22, s3  }
0x15: {  	[timem:s7], [sflag:s23] =	dma.local [hbm:s5], s21  }
0x16: {  	_ =	swait.ge [sflag:s23], s21  }
0x17: {  	s4 =	ssub.s32 $0x0, s21;
	[sflag:s23] =	ssyncset.done $0x0  }
0x18: {  	[sflag:s23] =	ssyncadd.s32 s4;
	_ =	sdelay $0x1  }
0x19: {  	s24 =	simm.s32 $0x1B8B  }
0x1a: {  	_ =	swait.ge [sflag:s24], $0x1  }
0x1b: {  	[sflag:s24] =	ssyncset.done $0x0  }
0x1c: {  	s26 =	simm.s32 $0x1B8E;
	s25 =	sld [smem:$0x3FFE];
	[sflag:s24] =	ssyncadd.s32 $0xFFFFFFFF  }
0x1d: {  	s27 =	simm.s32 $execute0_lowered;
	[smem:$0x3FD2] =	sst s26  }
0x1e: {  	s5 =	sshll.u32 s27, $0x1;
	_ =	strace $0x8000004F;
	[dreg:$0x1] =	wrdreg $0xFFFFFFFF  }
0x1f: {  	s28 =	simm.s32 $_size_execute0_lowered;
	s3 =	sadd.s32 s3, s5;
	[dreg:$0x0] =	wrdreg $0x0  }
0x20: {  	s5 =	sshll.u32 s28, $0x1;
	[dreg:$0x2] =	wrdreg s3  }
0x21: {  	[dreg:$0x3] =	wrdreg s5  }
0x22: {  	[dreg:$0x4] =	wrdreg $0xC0  }
0x23: {  	_ =	task [dreg:s7], $0x5FFFF  }
0x24: {  	[dreg:$0x1] =	wrdreg $0xFFFFFFFF  }
0x25: {  	[dreg:$0x0] =	wrdreg $0x60  }
0x26: {  	[dreg:$0x2] =	wrdreg s25  }
0x27: {  	[dreg:$0x3] =	wrdreg s2  }
0x28: {  	[dreg:$0x4] =	wrdreg $0x9  }
0x29: {  	_ =	task.clear_ibuf [dreg:s7], $0x5FFFF;
	_ =	strace $0x9000004F  }
0x2a: {  	s29 =	simm.s32 $0x9;
	_ =	strace $0x80000051  }
0x2b: {  	_ =	swait.ge [sflag:s29], $0x1  }
0x2c: {  	[sflag:s29] =	ssyncadd.s32 $0xFFFFFFFF  }
0x2d: {  	_ =	strace $0x90000051  }
0x2e: {  	_ =	sfence  }
0x2f: {  	s30 =	sld [smem:$0x0];
	_ =	sdelay $0x2  }
0x30: {  	s31 =	sshll.u32 s1, $0xD;
	s1 =	sshrl.u32 s1, $0x2  }
0x31: {  	s3 =	sand.u32 $0x4000, s31;
	s1 =	sadd.s32 s1, s30  }
0x32: {  	s0 =	sor.u32 s3, s0;
	s1 =	sshll.u32 s1, $0x11  }
0x33: {  	s0 =	sor.u32 s1, s0  }
0x34: {  	s0 =	sadd.s32 $0x8F2B, s0  }
0x35: {  	[sflag:s0] =	ssyncadd.remote.s32 $0x1  }
0x36: {  	_ =	sfence.sel $0xFFFF  }
0x37: {  	[dreg:$0x0] =	wrdreg $0xFFFFFFFF;
	(pc) =	sbr.abs _section_cstart, $3  }
0x38: {  	[dreg:$0x1] =	wrdreg $0xFFFFFFFF  }
0x39: {  	_ =	task.clear_ibuf [dreg:s7], $0x2FFFF;
	_ =	strace $0x9FFFFFFF  }
0x3a: {  	(tm) =	ssettm $0x7FFFFFFF  }
0x3b: {  	_ =	shalt  }
tec
execute0_lowered:
.L_overlay_start_1:
0x0: {  	(tag) =	ssettag $0x1  }
0x1: {  	s0 =	srdreg.scid  }
0x2: {  	s1 =	sshll.u32 s0, $0x4  }
0x3: {  	s0 =	stileid.u32;
	s1 =	sand.u32 $0x10, s1  }
0x4: {  	s1 =	sor.u32 s0, s1  }
0x5: {  	s6 =	rddreg [dreg:$0x0];
	s4 =	simm.s32 $0x1;
	s2 =	sshll.u32 s1, $0x7  }
0x6: {  	s7 =	simm.s32 $0x2;
	s12 =	simm.s32 $0x0;
	s1 =	ssub.s32 $0x1000, s2  }
0x7: {  	s8 =	simm.s32 $0x8000;
	s13 =	simm.s32 $0x0;
	s3 =	sand.u32 $0xF80, s1  }
0x8: {  	s9 =	simm.s32 $0x0;
	s5 =	sshrl.u32 s1, $0xC;
	p0 =	sne.s32 s3, $0x0  }
.Ltmp0:
0x9: {  	s1 =	rddreg [dreg:$0x2];
	s4 =	simm.s32 @!p0 $0x0;
	(pc) =	sbr.rel .LBB1_1-.Ltmp0, $4  }
0xa: {  	s11 =	simm.s32 $0x0;
	s3 =	rddreg [dreg:$0x1];
	s5 =	sadd.s32 s4, s5  }
0xb: {  	_ =	strace $0x80000050;
	s4 =	simm.s32 $0x1;
	s5 =	smul.u32 $0xC8, s5  }
0xc: {  	s6 =	sadd.s32 $0x1200, s6;
	s10 =	smov.u32 s2;
	[sflag:s4] =	ssyncpa.u1 $0x0  }
0xd: {  	p0 =	por $0x0, $0x0;
	[sflag:s7] =	ssyncpa.u1 $0x0;
	s7 =	sor.u32 $0x1, s5  }
.LBB1_4:
0xe: {  	s16 =	sshll.u32 s13, $0x3;
	s17 =	sand.u32 $0x78, s13  }
0xf: {  	s30 =	sand.u32 $0x7E00, s13;
	s12 =	sshll.u32 s12, $0xF;
	s16 =	sand.u32 $0xC00, s16  }
0x10: {  	[tilespmem:s15+$0x810 ss:$0x81] =	vst.msk $0xffff, v2;
	s31 =	sand.u32 $0x7, s13;
	s16 =	sor.u32 s17, s16;
	s17 =	sadd.s32 s3, s30  }
0x11: {  	[tilespmem:s15+$0x1020 ss:$0x81] =	vst.msk $0xffff, v0;
	s13 =	sshll.u32 s31, $0x12;
	s12 =	sadd.s32 s12, s17;
	s16 =	sshrl.u32 s16, $0x3  }
0x12: {  	[tilespmem:s15+$0x0 ss:$0x81] =	vst.msk $0xffff, v1;
	s13 =	sor.u32 $0x400, s13;
	s12 =	sadd.s32 s16, s12  }
0x13: {  	[hbm4b:s12+s13] =	stream.strided.scatter [tilespmem:s14], [sflag:$0x2], $0x2000, s8, s13, $0x20;
	[tilespmem:$0x8080] =	vst v63  }
.LBB1_5:
0x14: {  	s14 =	sadd.s32 $0x1, s9  }
0x15: {  	s12 =	sadd.s32 $0x1000, s10;
	s16 =	smov.u32 s10;
	p2 =	sgt.s32 s14, $0xC7  }
0x16: {  	s16 =	smov.u32 @p2 s12  }
0x17: {  	s14 =	simm.s32 @p2 $0x0;
	p2 =	sgt.s32 s16, $0xFFF  }
0x18: {  	s16 =	smov.u32 @p2 s2;
	p2 =	sne.s32 s11, s7  }
.Ltmp1:
0x19: {  	p1 =	slt.u32 s11, $0x2;
	(pc) =	sbr.rel @!p2 .LBB1_6-.Ltmp1, $4  }
0x1a: {  	s15 =	simm.s32 @!p1 $0x2  }
0x1b: {  	s13 =	smov.u32 s10;
	p0 =	por !p0, !p0;
	_ =	swait.ge @!p1 [sflag:s15], $0x2000  }
0x1c: {  	s12 =	smov.u32 s9;
	[sflag:s15] =	ssyncset.done @!p1 $0x0;
	s9 =	smov.u32 s14  }
0x1d: {  	s11 =	sadd.s32 $0x1, s11;
	[sflag:s15] =	ssyncadd.s32 @!p1 $0xFFFFE000;
	s10 =	smov.u32 s16  }
.LBB1_1:
0x1e: {  	p1 =	sge.u32 s11, s5  }
0x1f: {  	s14 =	sand.u32 @!p1 $0x1FFFFFF, s9  }
0x20: {  	s15 =	smulhi.u32 @!p1 $0x147AE15, s14;
	_ =	sdelay $0x1  }
0x21: {  	s15 =	smul.u32 @!p1 $0xC8, s15  }
0x22: {  	s16 =	sxor.u32 @!p1 $0xFFFFFFFF, s11;
	s17 =	smul.u32 @!p1 $0xC80, s10  }
0x23: {  	s31 =	sadd.s32 $0xFFFFFFFF, s11;
	s16 =	sshll.u32 @!p1 s16, $0xD;
	s14 =	ssub.s32 @!p1 s14, s15  }
0x24: {  	s15 =	sand.u32 @!p1 $0x2000, s16;
	s16 =	sadd.s32 @!p1 s6, s17;
	s14 =	sshll.u32 @!p1 s14, $0x4  }
0x25: {  	s17 =	simm.s32 @!p1 $0x6400;
	s14 =	sadd.s32 @!p1 s14, s16;
	s16 =	simm.s32 @!p1 $0x40  }
0x26: {  	[tilespmem:s15], [sflag:$0x1] =	stream.strided.gather @!p1 [hbm4b:s14+s16], $0x2000, s17, s16, $0x38;
	[tilespmem:$0x8080] =	vst v63  }
0x27: {  	p1 =	sge.u32 s31, s5  }
.Ltmp2:
0x28: {  	_ = 	snop;
	(pc) =	sbr.rel @p1 .LBB1_5-.Ltmp2, $1  }
0x29: {  	_ =	sdelay $0x3  }
0x2a: {  	s14 =	simm.s32 $0x1  }
0x2b: {  	_ =	swait.ge [sflag:s4], $0x2000;
	s14 =	simm.s32 @!p0 $0x0  }
0x2c: {  	[sflag:s4] =	ssyncset.done $0x0;
	s15 =	sshll.u32 s14, $0xD  }
0x2d: {  	[sflag:s4] =	ssyncadd.s32 $0xFFFFE000;
	s18 =	sor.u32 $0x20, s15  }
0x2e: {  	s14 =	smul.u32 $0x8100, s14;
	v3 =	vld [tilespmem:s18+$0x10]  }
0x2f: {  	s30 =	sand.u32 $0x1, s11;
	v2 =	vld [tilespmem:s18+$0xFFFFFFF0]  }
0x30: {  	s15 =	smul.u32 $0x8100, s30;
	s14 =	sshrl.u32 s14, $0x2;
	v0 =	vld [tilespmem:s18+$0x0]  }
0x31: {  	v1 =	vld [tilespmem:s18+$0xFFFFFFE0];
	s16 =	sor.u32 $0x4000, s14  }
0x32: {  	s31 =	sshrl.u32 s15, $0x2;
	s15 =	sadd.s32 $0x0, s16  }
0x33: {  	s17 =	simm.s32 $0x4;
	s18 =	sadd.s32 $0x40, s18;
	s14 =	sor.u32 $0x4000, s31;
	[tilespmem:s15+$0x1830 ss:$0x81] =	vst.msk $0xffff, v3  }
.LBB1_3:
0x34: {  	v3 =	vld [tilespmem:s18+$0x10];
	p1 =	sne.s32 s17, $0x1FC;
	[tilespmem:s15+$0x810 ss:$0x81] =	vst.msk $0xffff, v2;
	s19 =	smov.u32 s17;
	s17 =	sadd.s32 $0x4, s17  }
.Ltmp3:
0x35: {  	v2 =	vld [tilespmem:s18+$0xFFFFFFF0];
	[tilespmem:s15+$0x1020 ss:$0x81] =	vst.msk $0xffff, v0;
	(pc) =	sbr.rel @p1 .LBB1_3-.Ltmp3, $4  }
0x36: {  	v0 =	vld [tilespmem:s18+$0x0];
	[tilespmem:s15+$0x0 ss:$0x81] =	vst.msk $0xffff, v1  }
0x37: {  	s15 =	sshra.s32 s19, $0x2;
	v1 =	vld [tilespmem:s18+$0xFFFFFFE0]  }
0x38: {  	s15 =	sadd.s32 s15, s16  }
0x39: {  	s18 =	sadd.s32 $0x40, s18;
	[tilespmem:s15+$0x1830 ss:$0x81] =	vst.msk $0xffff, v3  }
.Ltmp4:
0x3a: {  	_ = 	snop;
	(pc) =	sbr.rel .LBB1_4-.Ltmp4, $1  }
0x3b: {  	_ =	sdelay $0x3  }
.LBB1_6:
0x3c: {  	_ =	sfence.sel $0x180000  }
0x3d: {  	s2 =	simm.s32 $0x1;
	[bflag:$0x0] =	sbarrier.arrive $0xFFFF  }
0x3e: {  	s31 =	simm.s32 $0x2;
	[sflag:s2] =	ssyncpa.u1 $0x1  }
0x3f: {  	[sflag:s31] =	ssyncpa.u1 $0x1  }
0x40: {  	p0 =	sne.s32 s0, $0x0;
	_ =	strace $0x90000050  }
0x41: {  	s0 =	sadd.s32 @!p0 $0x100000, s1;
	[bflag:$0x2] =	sbarrier.arrive $0xFFFF  }
0x42: {  	[sflag:s0] =	ssyncadd.tile.s32 @!p0 $0x1;
	_ =	shalt  }
.Lfunc_end1:
_tile_overlayer_lowered:
.L_overlay_start_2:
0x43: {  	(tag) =	ssettag $0x2  }
0x44: {  	s0 =	rddreg [dreg:$0x0];
	s2 =	stileid.u32  }
0x45: {  	s1 =	rddreg [dreg:$0x1];
	p0 =	sne.s32 s2, $0x0  }
0x46: {  	s3 =	rddreg [dreg:$0x2];
	[bflag:$0x3] =	sbarrier.arrive $0xFFFF;
	s2 =	simm.s32 @!p0 $0x1C01  }
0x47: {  	[timem:s3], [sflag:s2] =	dma.local @!p0 [hbm:s0], s1  }
0x48: {  	s0 =	simm.s32 @!p0 $0x1  }
0x49: {  	_ =	swait.ge @!p0 [sflag:s0], s1  }
0x4a: {  	s1 =	ssub.s32 @!p0 $0x0, s1;
	[sflag:s0] =	ssyncset.done @!p0 $0x0  }
0x4b: {  	[sflag:s0] =	ssyncadd.s32 @!p0 s1  }
0x4c: {  	[bflag:$0x3] =	sbarrier.arrive $0xFFFF  }
0x4d: {  	_ =	shalt  }

</sc_bundles>
